<compile_context>
chip_gen: v7x
topology: tpu7x:2x2x1
jax: 0.10.2.dev20260603
libtpu: 0.0.44.dev20260713+nightly
codegen_flags: <defaults>
</compile_context>

<pallas_src>
import functools

import jax
import jax.numpy as jnp
from jax import lax
from jax.experimental import pallas as pl
from jax.experimental.pallas import tpu as pltpu
from jax.experimental.pallas import tpu_sc as plsc

N_BUS = 10000
E = 160000
C_IN = 128
C_OUT = 32
FC = 256
N_OUT = 2000

N_PAD = 10240
N_TILES = 32
CHUNK = 128
N_CHUNKS = 40
E_PAD = N_TILES * N_CHUNKS * CHUNK
ROWS_PER_TILE = N_PAD // 16



def _nbuf(ch):
    return 8


def _make_edge_agg_body(ch):
    nbuf = _nbuf(ch)
    rounds = N_CHUNKS // nbuf

    def _edge_agg_body(p_hbm, src_hbm, dst_hbm, out_hbm, *scratch):
        src_v, dst_v = scratch[0], scratch[1]
        bufs = scratch[2:2 + nbuf]
        acc_sh = scratch[2 + nbuf]
        sems_g = scratch[3 + nbuf:3 + 2 * nbuf]
        sems_s = scratch[3 + 2 * nbuf:3 + 3 * nbuf]

        core = lax.axis_index("c")
        sid = lax.axis_index("s")
        wid = sid * 2 + core

        def _zrow(i, carry):
            for q in range(ch // 16):
                bufs[0][i, pl.ds(16 * q, 16)] = jnp.zeros((16,), jnp.float32)
            return carry
        lax.fori_loop(0, CHUNK, _zrow, 0)
        base = sid * ROWS_PER_TILE
        for k in range(ROWS_PER_TILE // CHUNK):
            pltpu.sync_copy(bufs[0], acc_sh.at[pl.ds(base + k * CHUNK, CHUNK)])

        pltpu.sync_copy(src_hbm.at[wid], src_v)
        pltpu.sync_copy(dst_hbm.at[wid], dst_v)

        plsc.subcore_barrier()

        def _gather(c, b):
            pltpu.async_copy(p_hbm.at[src_v.at[c]], bufs[b], sems_g[b])

        def _gwait(c, b):
            pltpu.make_async_copy(p_hbm.at[src_v.at[c]], bufs[b],
                                  sems_g[b]).wait()

        def _scatter(c, b):
            pltpu.async_copy(bufs[b], acc_sh.at[dst_v.at[c]], sems_s[b],
                             add=True)

        def _swait(c, b):
            pltpu.make_async_copy(bufs[b], acc_sh.at[dst_v.at[c]],
                                  sems_s[b]).wait()

        for b in range(nbuf):
            _gather(b, b)

        def _round(i, carry):
            c0 = i * nbuf
            for b in range(nbuf):
                _gwait(c0 + b, b)
                _scatter(c0 + b, b)

            @pl.when(i < rounds - 1)
            def _refill():
                for b in range(nbuf):
                    _swait(c0 + b, b)
                    _gather(c0 + nbuf + b, b)
            return carry
        lax.fori_loop(0, rounds, _round, 0)

        for b in range(nbuf):
            _swait(N_CHUNKS - nbuf + b, b)

        plsc.subcore_barrier()

        pltpu.sync_copy(acc_sh.at[pl.ds(base, ROWS_PER_TILE)],
                        out_hbm.at[core, pl.ds(base, ROWS_PER_TILE)])
    return _edge_agg_body


@functools.cache
def _edge_agg_kernel(ch):
    nbuf = _nbuf(ch)
    return pl.kernel(
        _make_edge_agg_body(ch),
        out_type=jax.ShapeDtypeStruct((2, N_PAD, ch), jnp.float32),
        mesh=plsc.VectorSubcoreMesh(core_axis_name="c", subcore_axis_name="s"),
        scratch_types=(
            [pltpu.VMEM((N_CHUNKS, CHUNK), jnp.int32),
             pltpu.VMEM((N_CHUNKS, CHUNK), jnp.int32)]
            + [pltpu.VMEM((CHUNK, ch), jnp.float32) for _ in range(nbuf)]
            + [pltpu.VMEM_SHARED((N_PAD, ch), jnp.float32)]
            + [pltpu.SemaphoreType.DMA for _ in range(2 * nbuf)]
        ),
        compiler_params=pltpu.CompilerParams(use_tc_tiling_on_sc=False),
    )


def _edge_agg(p, srcg, dstg):
    return _edge_agg_kernel(p.shape[-1])(p, srcg, dstg)



CH16 = E_PAD // (16 * CHUNK)
_NBUF1 = 4
_CH1 = 64
_SCH = 2
_NSUP = CH16 // _SCH


def _edge_agg_cs_body(x2_hbm, src_hbm, dst_hbm, out_hbm, *scratch):
    src_v, dst_v = scratch[0], scratch[1]
    bufs = scratch[2:2 + _NBUF1]
    acc_sh = scratch[2 + _NBUF1]
    sems_g = scratch[3 + _NBUF1:3 + 2 * _NBUF1]
    sems_s = scratch[3 + 2 * _NBUF1:3 + 3 * _NBUF1]

    core = lax.axis_index("c")
    sid = lax.axis_index("s")

    def _zrow(i, carry):
        for q in range(_CH1 // 16):
            bufs[0][i, pl.ds(16 * q, 16)] = jnp.zeros((16,), jnp.float32)
        return carry
    lax.fori_loop(0, CHUNK, _zrow, 0)
    base = sid * ROWS_PER_TILE
    for k in range(ROWS_PER_TILE // CHUNK):
        pltpu.sync_copy(bufs[0].at[pl.ds(0, CHUNK)],
                        acc_sh.at[pl.ds(base + k * CHUNK, CHUNK)])

    pltpu.sync_copy(src_hbm.at[sid], src_v)
    pltpu.sync_copy(dst_hbm.at[sid], dst_v)

    def _xform(r, carry):
        for q in range(_SCH * CHUNK // 16):
            s = src_v[r, pl.ds(16 * q, 16)]
            src_v[r, pl.ds(16 * q, 16)] = s * 2 + core
        return carry
    lax.fori_loop(0, _NSUP, _xform, 0)

    plsc.subcore_barrier()

    def _gather(c, b):
        pltpu.async_copy(x2_hbm.at[src_v.at[c]], bufs[b], sems_g[b])

    def _gwait(c, b):
        pltpu.make_async_copy(x2_hbm.at[src_v.at[c]], bufs[b],
                              sems_g[b]).wait()

    def _scatter(c, b):
        pltpu.async_copy(bufs[b], acc_sh.at[dst_v.at[c]], sems_s[b], add=True)

    def _swait(c, b):
        pltpu.make_async_copy(bufs[b], acc_sh.at[dst_v.at[c]],
                              sems_s[b]).wait()

    for b in range(_NBUF1):
        _gather(b, b)

    rounds = _NSUP // _NBUF1

    def _round(i, carry):
        c0 = i * _NBUF1
        for b in range(_NBUF1):
            _gwait(c0 + b, b)
            _scatter(c0 + b, b)

        @pl.when(i < rounds - 1)
        def _refill():
            for b in range(_NBUF1):
                _swait(c0 + b, b)
                _gather(c0 + _NBUF1 + b, b)
        return carry
    lax.fori_loop(0, rounds, _round, 0)

    for b in range(_NBUF1):
        _swait(_NSUP - _NBUF1 + b, b)

    plsc.subcore_barrier()

    pltpu.sync_copy(acc_sh.at[pl.ds(base, ROWS_PER_TILE)],
                    out_hbm.at[core, pl.ds(base, ROWS_PER_TILE)])


@functools.cache
def _edge_agg_cs_kernel():
    return pl.kernel(
        _edge_agg_cs_body,
        out_type=jax.ShapeDtypeStruct((2, N_PAD, _CH1), jnp.float32),
        mesh=plsc.VectorSubcoreMesh(core_axis_name="c", subcore_axis_name="s"),
        scratch_types=(
            [pltpu.VMEM((_NSUP, _SCH * CHUNK), jnp.int32),
             pltpu.VMEM((_NSUP, _SCH * CHUNK), jnp.int32)]
            + [pltpu.VMEM((_SCH * CHUNK, _CH1), jnp.float32)
               for _ in range(_NBUF1)]
            + [pltpu.VMEM_SHARED((N_PAD, _CH1), jnp.float32)]
            + [pltpu.SemaphoreType.DMA for _ in range(2 * _NBUF1)]
        ),
        compiler_params=pltpu.CompilerParams(use_tc_tiling_on_sc=False),
    )


def _edge_agg_cs(x2, srcg2, dstg16):
    return _edge_agg_cs_kernel()(x2, srcg2, dstg16)



def _bf(a):
    return a.astype(jnp.bfloat16)


_PACK = 128 // C_OUT
_NP_PACK = N_PAD // _PACK


def _mid1_body(parts_ref, a0_ref, a1_ref, b_ref, o_ref):
    z2 = (jnp.dot(_bf(parts_ref[0]), _bf(a0_ref[...]),
                  preferred_element_type=jnp.float32)
          + jnp.dot(_bf(parts_ref[1]), _bf(a1_ref[...]),
                    preferred_element_type=jnp.float32)
          + b_ref[...])
    o_ref[...] = jnp.tanh(z2)


def _mid1(parts, w, b):
    eye2 = jnp.eye(2, dtype=jnp.float32)
    a0 = jnp.kron(eye2, w[:_CH1])
    a1 = jnp.kron(eye2, w[_CH1:])
    b2 = jnp.tile(b, 2).reshape(1, 2 * C_OUT)
    return pl.pallas_call(
        _mid1_body,
        grid=(5,),
        in_specs=[
            pl.BlockSpec((2, 1024, 128), lambda i: (0, i, 0)),
            pl.BlockSpec((128, 2 * C_OUT), lambda i: (0, 0)),
            pl.BlockSpec((128, 2 * C_OUT), lambda i: (0, 0)),
            pl.BlockSpec((1, 2 * C_OUT), lambda i: (0, 0)),
        ],
        out_specs=pl.BlockSpec((1024, 2 * C_OUT), lambda i: (i, 0)),
        out_shape=jax.ShapeDtypeStruct((N_PAD // 2, 2 * C_OUT), jnp.float32),
    )(parts, a0, a1, b2)


def _mid_body(parts_ref, w_ref, b_ref, o_ref):
    agg = parts_ref[0] + parts_ref[1]
    z = jnp.dot(_bf(agg), _bf(w_ref[...]),
                preferred_element_type=jnp.float32) + b_ref[...]
    o_ref[...] = jnp.tanh(z)


def _mid(parts, w, b):
    wk = jnp.kron(jnp.eye(_PACK, dtype=jnp.float32), w)
    b4 = jnp.tile(b, _PACK).reshape(1, 128)
    return pl.pallas_call(
        _mid_body,
        grid=(5,),
        in_specs=[
            pl.BlockSpec((2, 512, 128), lambda i: (0, i, 0)),
            pl.BlockSpec((128, 128), lambda i: (0, 0)),
            pl.BlockSpec((1, 128), lambda i: (0, 0)),
        ],
        out_specs=pl.BlockSpec((512, 128), lambda i: (i, 0)),
        out_shape=jax.ShapeDtypeStruct((_NP_PACK, 128), jnp.float32),
    )(parts, wk, b4)


_KBLK = 6400
_KSTEPS = (N_BUS * C_OUT) // _KBLK


def _head_body(v_ref, w1_ref, b1_ref, w2_ref, b2_ref, w3_ref, b3_ref,
               o_ref, acc_ref):
    j = pl.program_id(0)

    @pl.when(j == 0)
    def _():
        acc_ref[...] = jnp.zeros((FC, 128), jnp.float32)

    prod = w1_ref[...] * _bf(v_ref[...]).astype(jnp.float32)
    part = prod[:, 0:128]
    for q in range(1, _KBLK // 128):
        part = part + prod[:, 128 * q:128 * (q + 1)]
    acc_ref[...] += part

    @pl.when(j == _KSTEPS - 1)
    def _():
        h1 = jnp.maximum(jnp.sum(acc_ref[...], axis=1) + b1_ref[...], 0.0)
        p2 = (_bf(w2_ref[...]).astype(jnp.float32)
              * _bf(h1).astype(jnp.float32)[None, :])
        h2 = jnp.maximum(jnp.sum(p2, axis=1) + b2_ref[...], 0.0)
        p3 = (_bf(w3_ref[...]).astype(jnp.float32)
              * _bf(h2).astype(jnp.float32)[None, :])
        o_ref[...] = jnp.sum(p3, axis=1) + b3_ref[...]


def _head(v, fc1W, fc1b, fc2W, fc2b, fc3W, fc3b):
    return pl.pallas_call(
        _head_body,
        grid=(_KSTEPS,),
        in_specs=[
            pl.BlockSpec((1, _KBLK), lambda j: (0, j)),
            pl.BlockSpec((FC, _KBLK), lambda j: (0, j)),
            pl.BlockSpec((FC,), lambda j: (0,)),
            pl.BlockSpec((FC, FC), lambda j: (0, 0)),
            pl.BlockSpec((FC,), lambda j: (0,)),
            pl.BlockSpec((N_OUT, FC), lambda j: (0, 0)),
            pl.BlockSpec((N_OUT,), lambda j: (0,)),
        ],
        out_specs=pl.BlockSpec((N_OUT,), lambda j: (0,)),
        out_shape=jax.ShapeDtypeStruct((N_OUT,), jnp.float32),
        scratch_shapes=[pltpu.VMEM((FC, 128), jnp.float32)],
    )(v, fc1W, fc1b, fc2W, fc2b, fc3W, fc3b)



import numpy as _np

_N_EXTRA = E_PAD - E
_PAD_SRC = _np.asarray((_np.arange(_N_EXTRA) * 131) % N_BUS, dtype=_np.int32)
_PAD_DST = _np.asarray(N_BUS + _np.arange(_N_EXTRA) % (N_PAD - N_BUS),
                       dtype=_np.int32)


def kernel(x, src, dst, W1, b1, W2, b2, W3, b3,
           fc1W, fc1b, fc2W, fc2b, fc3W, fc3b):
    srcf = jnp.concatenate([src, jnp.asarray(_PAD_SRC)])
    dstf = jnp.concatenate([dst, jnp.asarray(_PAD_DST)])
    srcg = srcf.reshape(N_TILES, N_CHUNKS, CHUNK)
    dstg = dstf.reshape(N_TILES, N_CHUNKS, CHUNK)
    srcg16 = srcf.reshape(16, _NSUP, _SCH * CHUNK)
    dstg16 = dstf.reshape(16, _NSUP, _SCH * CHUNK)
    x2 = x.reshape(2 * N_BUS, _CH1)

    parts = _edge_agg_cs(x2, srcg16, dstg16)
    h = _mid1(parts.reshape(2, N_PAD // 2, 128), W1, b1)
    parts = _edge_agg(h.reshape(N_PAD, C_OUT), srcg, dstg)
    h = _mid(parts.reshape(2, _NP_PACK, 128), W2, b2)
    parts = _edge_agg(h.reshape(N_PAD, C_OUT), srcg, dstg)
    h = _mid(parts.reshape(2, _NP_PACK, 128), W3, b3)
    v = h.reshape(1, -1)[:, :N_BUS * C_OUT]
    return _head(v, fc1W, fc1b, fc2W, fc2b, fc3W, fc3b)

# --- scband reference (transcript-rebuilt; emitter-appended) ---
"""Pipeline reference for scband-gcnn-opf-01-9311489098161 (READ-ONLY COPY).

The authoritative reference and input builder live on the scoring server;
editing this copy changes nothing except your own understanding.
"""

import jax, jax.numpy as jnp
import numpy as np

N_BUS = 10000
E = 160000
C_IN = 128
C_OUT = 32
FC = 256
N_GEN = 1000
FLAT = N_BUS * C_OUT


def setup_inputs(seed: int = 0) -> dict:
    key = jax.random.key(seed)
    ks = jax.random.split(key, 20)
    x = jax.random.normal(ks[0], (N_BUS, C_IN), dtype=jnp.float32)
    src = jax.random.randint(ks[1], (E,), 0, N_BUS, dtype=jnp.int32)
    dst = jax.random.randint(ks[2], (E,), 0, N_BUS, dtype=jnp.int32)
    W1 = jax.random.normal(ks[3], (C_IN, C_OUT), dtype=jnp.float32) * (1.0 / np.sqrt(C_IN))
    b1 = jnp.zeros((C_OUT,), dtype=jnp.float32)
    W2 = jax.random.normal(ks[4], (C_OUT, C_OUT), dtype=jnp.float32) * (1.0 / np.sqrt(C_OUT))
    b2 = jnp.zeros((C_OUT,), dtype=jnp.float32)
    W3 = jax.random.normal(ks[5], (C_OUT, C_OUT), dtype=jnp.float32) * (1.0 / np.sqrt(C_OUT))
    b3 = jnp.zeros((C_OUT,), dtype=jnp.float32)
    fc1W = jax.random.normal(ks[6], (FC, FLAT), dtype=jnp.float32) * (1.0 / np.sqrt(FLAT))
    fc1b = jnp.zeros((FC,), dtype=jnp.float32)
    fc2W = jax.random.normal(ks[7], (FC, FC), dtype=jnp.float32) * (1.0 / np.sqrt(FC))
    fc2b = jnp.zeros((FC,), dtype=jnp.float32)
    fc3W = jax.random.normal(ks[8], (N_GEN * 2, FC), dtype=jnp.float32) * (1.0 / np.sqrt(FC))
    fc3b = jnp.zeros((N_GEN * 2,), dtype=jnp.float32)
    return {
        "x": x, "src": src, "dst": dst,
        "W1": W1, "b1": b1, "W2": W2, "b2": b2, "W3": W3, "b3": b3,
        "fc1W": fc1W, "fc1b": fc1b, "fc2W": fc2W, "fc2b": fc2b,
        "fc3W": fc3W, "fc3b": fc3b,
    }


def reference(x, src, dst, W1, b1, W2, b2, W3, b3, fc1W, fc1b, fc2W, fc2b, fc3W, fc3b):
    # GraphConv: neighbor-sum message passing (gather at src, scatter-add at dst), then linear.
    def gc(h, W, b):
        msgs = jnp.take(h, src, axis=0)
        agg = jax.ops.segment_sum(msgs, dst, num_segments=N_BUS)
        return agg @ W + b

    h = jnp.tanh(gc(x, W1, b1))
    h = jnp.tanh(gc(h, W2, b2))
    h = jnp.tanh(gc(h, W3, b3))
    h_flat = h.reshape(-1)
    h1 = jax.nn.relu(fc1W @ h_flat + fc1b)
    h2 = jax.nn.relu(fc2W @ h1 + fc2b)
    out = fc3W @ h2 + fc3b
    return out

if __name__ == "__main__":
    import jax
    _d = setup_inputs()
    print(jax.jit(kernel)(*tuple(_d.values())))

</pallas_src>

<mosaic_0001>
#map = affine_map<(d0, d1) -> (0, 0)>
#map1 = affine_map<(d0, d1) -> (0, 0, 0)>
module attributes {stable_mosaic.version = 14 : i64} {
  func.func @_edge_agg_body(%arg0: i32, %arg1: i32, %arg2: memref<10240x32xf32, #tpu.memory_space<hbm>>, %arg3: memref<32x40x128xi32, #tpu.memory_space<hbm>>, %arg4: memref<32x40x128xi32, #tpu.memory_space<hbm>>, %arg5: memref<2x10240x32xf32, #tpu.memory_space<hbm>>, %arg6: memref<40x128xi32, #tpu.memory_space<vmem>>, %arg7: memref<40x128xi32, #tpu.memory_space<vmem>>, %arg8: memref<128x32xf32, #tpu.memory_space<vmem>>, %arg9: memref<128x32xf32, #tpu.memory_space<vmem>>, %arg10: memref<128x32xf32, #tpu.memory_space<vmem>>, %arg11: memref<128x32xf32, #tpu.memory_space<vmem>>, %arg12: memref<128x32xf32, #tpu.memory_space<vmem>>, %arg13: memref<128x32xf32, #tpu.memory_space<vmem>>, %arg14: memref<128x32xf32, #tpu.memory_space<vmem>>, %arg15: memref<128x32xf32, #tpu.memory_space<vmem>>, %arg16: memref<10240x32xf32, #tpu.memory_space<vmem_shared>>, %arg17: memref<!tpu.dma_semaphore, #tpu.memory_space<semaphore_mem>>, %arg18: memref<!tpu.dma_semaphore, #tpu.memory_space<semaphore_mem>>, %arg19: memref<!tpu.dma_semaphore, #tpu.memory_space<semaphore_mem>>, %arg20: memref<!tpu.dma_semaphore, #tpu.memory_space<semaphore_mem>>, %arg21: memref<!tpu.dma_semaphore, #tpu.memory_space<semaphore_mem>>, %arg22: memref<!tpu.dma_semaphore, #tpu.memory_space<semaphore_mem>>, %arg23: memref<!tpu.dma_semaphore, #tpu.memory_space<semaphore_mem>>, %arg24: memref<!tpu.dma_semaphore, #tpu.memory_space<semaphore_mem>>, %arg25: memref<!tpu.dma_semaphore, #tpu.memory_space<semaphore_mem>>, %arg26: memref<!tpu.dma_semaphore, #tpu.memory_space<semaphore_mem>>, %arg27: memref<!tpu.dma_semaphore, #tpu.memory_space<semaphore_mem>>, %arg28: memref<!tpu.dma_semaphore, #tpu.memory_space<semaphore_mem>>, %arg29: memref<!tpu.dma_semaphore, #tpu.memory_space<semaphore_mem>>, %arg30: memref<!tpu.dma_semaphore, #tpu.memory_space<semaphore_mem>>, %arg31: memref<!tpu.dma_semaphore, #tpu.memory_space<semaphore_mem>>, %arg32: memref<!tpu.dma_semaphore, #tpu.memory_space<semaphore_mem>>) attributes {dimension_semantics = [#tpu.dimension_semantics<core_parallel>, #tpu.dimension_semantics<subcore_parallel>], iteration_bounds = array<i64: 2, 16>, scalar_prefetch = 0 : i64, scratch_operands = 27 : i64, tpu.core_type = #tpu.core_type<sc_vector_subcore>, window_params = [{transform_indices = #map}, {transform_indices = #map1}, {transform_indices = #map1}, {transform_indices = #map1}]} {
    %mul3A = arith.constant 2 : i32
    %mul3A_0 = arith.muli %arg1, %mul3A : i32
    %add3A = arith.addi %mul3A_0, %arg0 : i32
    %scan3A = arith.constant 0 : i32
    %scan3A_1 = arith.constant 0 : i32
    %scan3A_2 = arith.constant 128 : i32
    %scan3A_3 = arith.addi %scan3A_1, %scan3A_2 : i32
    %scan3A_4 = arith.constant 1 : i32
    scf.for %scan3A_135 = %scan3A_1 to %scan3A_3 step %scan3A_4  : i32 {
      %broadcast_in_dim3A = arith.constant 0.000000e+00 : f32
      %broadcast_in_dim3A_136 = vector.broadcast %broadcast_in_dim3A : f32 to vector<16xf32>
      %swap3A = arith.index_cast %scan3A_135 : i32 to index
      %swap3A_137 = arith.constant 0 : index
      %swap3A_138 = tpu.vector_load %arg8[%swap3A, %swap3A_137] {strides = array<i32>} : memref<128x32xf32, #tpu.memory_space<vmem>>, vector<1x16xf32>,
      %swap3A_139 = vector.shape_cast %swap3A_138 : vector<1x16xf32> to vector<16xf32>
      %swap3A_140 = vector.shape_cast %broadcast_in_dim3A_136 : vector<16xf32> to vector<1x16xf32>
      tpu.vector_store %arg8[%swap3A, %swap3A_137], %swap3A_140 {strides = array<i32>} : memref<128x32xf32, #tpu.memory_space<vmem>>, vector<1x16xf32>,
      %broadcast_in_dim3A_141 = arith.constant 0.000000e+00 : f32
      %broadcast_in_dim3A_142 = vector.broadcast %broadcast_in_dim3A_141 : f32 to vector<16xf32>
      %swap3A_143 = arith.index_cast %scan3A_135 : i32 to index
      %swap3A_144 = arith.constant 16 : index
      %swap3A_145 = tpu.vector_load %arg8[%swap3A_143, %swap3A_144] {strides = array<i32>} : memref<128x32xf32, #tpu.memory_space<vmem>>, vector<1x16xf32>,
      %swap3A_146 = vector.shape_cast %swap3A_145 : vector<1x16xf32> to vector<16xf32>
      %swap3A_147 = vector.shape_cast %broadcast_in_dim3A_142 : vector<16xf32> to vector<1x16xf32>
      tpu.vector_store %arg8[%swap3A_143, %swap3A_144], %swap3A_147 {strides = array<i32>} : memref<128x32xf32, #tpu.memory_space<vmem>>, vector<1x16xf32>,
    }
    %scan3A_5 = arith.constant 128 : i32
    %mul3A_6 = arith.constant 640 : i32
    %mul3A_7 = arith.muli %arg1, %mul3A_6 : i32
    %add3A_8 = arith.constant 0 : i32
    %add3A_9 = arith.addi %mul3A_7, %add3A_8 : i32
    "tpu.region"() ({
      %run_scoped3A = tpu.sem_alloc : memref<!tpu.dma_semaphore, #tpu.memory_space<semaphore_mem>>
      %dma_start3A_135 = arith.constant 0 : i32
      %dma_start3A_136 = tpu.memref_slice %arg16[%add3A_9, %dma_start3A_135] : memref<10240x32xf32, #tpu.memory_space<vmem_shared>> -> memref<128x32xf32, #tpu.memory_space<vmem_shared>>
      %dma_start3A_137 = arith.constant 0 : i32
      %dma_start3A_138 = tpu.memref_slice %arg16[%add3A_9, %dma_start3A_137] : memref<10240x32xf32, #tpu.memory_space<vmem_shared>> -> memref<128x32xf32, #tpu.memory_space<vmem_shared>>
      tpu.enqueue_dma source(%arg8 : memref<128x32xf32, #tpu.memory_space<vmem>>) target(%dma_start3A_138 : memref<128x32xf32, #tpu.memory_space<vmem_shared>>) target_semaphore(%run_scoped3A : memref<!tpu.dma_semaphore, #tpu.memory_space<semaphore_mem>>)
      %dma_wait3A_139 = arith.constant 0 : i32
      %dma_wait3A_140 = tpu.memref_slice %arg16[%add3A_9, %dma_wait3A_139] : memref<10240x32xf32, #tpu.memory_space<vmem_shared>> -> memref<128x32xf32, #tpu.memory_space<vmem_shared>>
      %dma_wait3A_141 = arith.constant 0 : i32
      %dma_wait3A_142 = tpu.memref_slice %arg16[%add3A_9, %dma_wait3A_141] : memref<10240x32xf32, #tpu.memory_space<vmem_shared>> -> memref<128x32xf32, #tpu.memory_space<vmem_shared>>
      tpu.wait_dma2 semaphore(%run_scoped3A : memref<!tpu.dma_semaphore, #tpu.memory_space<semaphore_mem>>) src(%arg8 : memref<128x32xf32, #tpu.memory_space<vmem>>) dst(%dma_wait3A_142 : memref<128x32xf32, #tpu.memory_space<vmem_shared>>)
      tpu.yield
    }) : () -> ()
    %add3A_10 = arith.constant 128 : i32
    %add3A_11 = arith.addi %mul3A_7, %add3A_10 : i32
    "tpu.region"() ({
      %run_scoped3A = tpu.sem_alloc : memref<!tpu.dma_semaphore, #tpu.memory_space<semaphore_mem>>
      %dma_start3A_135 = arith.constant 0 : i32
      %dma_start3A_136 = tpu.memref_slice %arg16[%add3A_11, %dma_start3A_135] : memref<10240x32xf32, #tpu.memory_space<vmem_shared>> -> memref<128x32xf32, #tpu.memory_space<vmem_shared>>
      %dma_start3A_137 = arith.constant 0 : i32
      %dma_start3A_138 = tpu.memref_slice %arg16[%add3A_11, %dma_start3A_137] : memref<10240x32xf32, #tpu.memory_space<vmem_shared>> -> memref<128x32xf32, #tpu.memory_space<vmem_shared>>
      tpu.enqueue_dma source(%arg8 : memref<128x32xf32, #tpu.memory_space<vmem>>) target(%dma_start3A_138 : memref<128x32xf32, #tpu.memory_space<vmem_shared>>) target_semaphore(%run_scoped3A : memref<!tpu.dma_semaphore, #tpu.memory_space<semaphore_mem>>)
      %dma_wait3A_139 = arith.constant 0 : i32
      %dma_wait3A_140 = tpu.memref_slice %arg16[%add3A_11, %dma_wait3A_139] : memref<10240x32xf32, #tpu.memory_space<vmem_shared>> -> memref<128x32xf32, #tpu.memory_space<vmem_shared>>
      %dma_wait3A_141 = arith.constant 0 : i32
      %dma_wait3A_142 = tpu.memref_slice %arg16[%add3A_11, %dma_wait3A_141] : memref<10240x32xf32, #tpu.memory_space<vmem_shared>> -> memref<128x32xf32, #tpu.memory_space<vmem_shared>>
      tpu.wait_dma2 semaphore(%run_scoped3A : memref<!tpu.dma_semaphore, #tpu.memory_space<semaphore_mem>>) src(%arg8 : memref<128x32xf32, #tpu.memory_space<vmem>>) dst(%dma_wait3A_142 : memref<128x32xf32, #tpu.memory_space<vmem_shared>>)
      tpu.yield
    }) : () -> ()
    %add3A_12 = arith.constant 256 : i32
    %add3A_13 = arith.addi %mul3A_7, %add3A_12 : i32
    "tpu.region"() ({
      %run_scoped3A = tpu.sem_alloc : memref<!tpu.dma_semaphore, #tpu.memory_space<semaphore_mem>>
      %dma_start3A_135 = arith.constant 0 : i32
      %dma_start3A_136 = tpu.memref_slice %arg16[%add3A_13, %dma_start3A_135] : memref<10240x32xf32, #tpu.memory_space<vmem_shared>> -> memref<128x32xf32, #tpu.memory_space<vmem_shared>>
      %dma_start3A_137 = arith.constant 0 : i32
      %dma_start3A_138 = tpu.memref_slice %arg16[%add3A_13, %dma_start3A_137] : memref<10240x32xf32, #tpu.memory_space<vmem_shared>> -> memref<128x32xf32, #tpu.memory_space<vmem_shared>>
      tpu.enqueue_dma source(%arg8 : memref<128x32xf32, #tpu.memory_space<vmem>>) target(%dma_start3A_138 : memref<128x32xf32, #tpu.memory_space<vmem_shared>>) target_semaphore(%run_scoped3A : memref<!tpu.dma_semaphore, #tpu.memory_space<semaphore_mem>>)
      %dma_wait3A_139 = arith.constant 0 : i32
      %dma_wait3A_140 = tpu.memref_slice %arg16[%add3A_13, %dma_wait3A_139] : memref<10240x32xf32, #tpu.memory_space<vmem_shared>> -> memref<128x32xf32, #tpu.memory_space<vmem_shared>>
      %dma_wait3A_141 = arith.constant 0 : i32
      %dma_wait3A_142 = tpu.memref_slice %arg16[%add3A_13, %dma_wait3A_141] : memref<10240x32xf32, #tpu.memory_space<vmem_shared>> -> memref<128x32xf32, #tpu.memory_space<vmem_shared>>
      tpu.wait_dma2 semaphore(%run_scoped3A : memref<!tpu.dma_semaphore, #tpu.memory_space<semaphore_mem>>) src(%arg8 : memref<128x32xf32, #tpu.memory_space<vmem>>) dst(%dma_wait3A_142 : memref<128x32xf32, #tpu.memory_space<vmem_shared>>)
      tpu.yield
    }) : () -> ()
    %add3A_14 = arith.constant 384 : i32
    %add3A_15 = arith.addi %mul3A_7, %add3A_14 : i32
    "tpu.region"() ({
      %run_scoped3A = tpu.sem_alloc : memref<!tpu.dma_semaphore, #tpu.memory_space<semaphore_mem>>
      %dma_start3A_135 = arith.constant 0 : i32
      %dma_start3A_136 = tpu.memref_slice %arg16[%add3A_15, %dma_start3A_135] : memref<10240x32xf32, #tpu.memory_space<vmem_shared>> -> memref<128x32xf32, #tpu.memory_space<vmem_shared>>
      %dma_start3A_137 = arith.constant 0 : i32
      %dma_start3A_138 = tpu.memref_slice %arg16[%add3A_15, %dma_start3A_137] : memref<10240x32xf32, #tpu.memory_space<vmem_shared>> -> memref<128x32xf32, #tpu.memory_space<vmem_shared>>
      tpu.enqueue_dma source(%arg8 : memref<128x32xf32, #tpu.memory_space<vmem>>) target(%dma_start3A_138 : memref<128x32xf32, #tpu.memory_space<vmem_shared>>) target_semaphore(%run_scoped3A : memref<!tpu.dma_semaphore, #tpu.memory_space<semaphore_mem>>)
      %dma_wait3A_139 = arith.constant 0 : i32
      %dma_wait3A_140 = tpu.memref_slice %arg16[%add3A_15, %dma_wait3A_139] : memref<10240x32xf32, #tpu.memory_space<vmem_shared>> -> memref<128x32xf32, #tpu.memory_space<vmem_shared>>
      %dma_wait3A_141 = arith.constant 0 : i32
      %dma_wait3A_142 = tpu.memref_slice %arg16[%add3A_15, %dma_wait3A_141] : memref<10240x32xf32, #tpu.memory_space<vmem_shared>> -> memref<128x32xf32, #tpu.memory_space<vmem_shared>>
      tpu.wait_dma2 semaphore(%run_scoped3A : memref<!tpu.dma_semaphore, #tpu.memory_space<semaphore_mem>>) src(%arg8 : memref<128x32xf32, #tpu.memory_space<vmem>>) dst(%dma_wait3A_142 : memref<128x32xf32, #tpu.memory_space<vmem_shared>>)
      tpu.yield
    }) : () -> ()
    %add3A_16 = arith.constant 512 : i32
    %add3A_17 = arith.addi %mul3A_7, %add3A_16 : i32
    "tpu.region"() ({
      %run_scoped3A = tpu.sem_alloc : memref<!tpu.dma_semaphore, #tpu.memory_space<semaphore_mem>>
      %dma_start3A_135 = arith.constant 0 : i32
      %dma_start3A_136 = tpu.memref_slice %arg16[%add3A_17, %dma_start3A_135] : memref<10240x32xf32, #tpu.memory_space<vmem_shared>> -> memref<128x32xf32, #tpu.memory_space<vmem_shared>>
      %dma_start3A_137 = arith.constant 0 : i32
      %dma_start3A_138 = tpu.memref_slice %arg16[%add3A_17, %dma_start3A_137] : memref<10240x32xf32, #tpu.memory_space<vmem_shared>> -> memref<128x32xf32, #tpu.memory_space<vmem_shared>>
      tpu.enqueue_dma source(%arg8 : memref<128x32xf32, #tpu.memory_space<vmem>>) target(%dma_start3A_138 : memref<128x32xf32, #tpu.memory_space<vmem_shared>>) target_semaphore(%run_scoped3A : memref<!tpu.dma_semaphore, #tpu.memory_space<semaphore_mem>>)
      %dma_wait3A_139 = arith.constant 0 : i32
      %dma_wait3A_140 = tpu.memref_slice %arg16[%add3A_17, %dma_wait3A_139] : memref<10240x32xf32, #tpu.memory_space<vmem_shared>> -> memref<128x32xf32, #tpu.memory_space<vmem_shared>>
      %dma_wait3A_141 = arith.constant 0 : i32
      %dma_wait3A_142 = tpu.memref_slice %arg16[%add3A_17, %dma_wait3A_141] : memref<10240x32xf32, #tpu.memory_space<vmem_shared>> -> memref<128x32xf32, #tpu.memory_space<vmem_shared>>
      tpu.wait_dma2 semaphore(%run_scoped3A : memref<!tpu.dma_semaphore, #tpu.memory_space<semaphore_mem>>) src(%arg8 : memref<128x32xf32, #tpu.memory_space<vmem>>) dst(%dma_wait3A_142 : memref<128x32xf32, #tpu.memory_space<vmem_shared>>)
      tpu.yield
    }) : () -> ()
    "tpu.region"() ({
      %run_scoped3A = tpu.sem_alloc : memref<!tpu.dma_semaphore, #tpu.memory_space<semaphore_mem>>
      %dma_start3A_135 = arith.constant 0 : i32
      %dma_start3A_136 = arith.constant 0 : i32
      %dma_start3A_137 = tpu.memref_slice %arg3[%add3A, %dma_start3A_135, %dma_start3A_136] : memref<32x40x128xi32, #tpu.memory_space<hbm>> -> memref<1x40x128xi32, #tpu.memory_space<hbm>>
      %dma_start3A_138 = tpu.memref_squeeze %dma_start3A_137 : memref<1x40x128xi32, #tpu.memory_space<hbm>> -> memref<40x128xi32, #tpu.memory_space<hbm>>
      %dma_start3A_139 = arith.constant 0 : i32
      %dma_start3A_140 = arith.constant 0 : i32
      %dma_start3A_141 = tpu.memref_slice %arg3[%add3A, %dma_start3A_139, %dma_start3A_140] : memref<32x40x128xi32, #tpu.memory_space<hbm>> -> memref<1x40x128xi32, #tpu.memory_space<hbm>>
      %dma_start3A_142 = tpu.memref_squeeze %dma_start3A_141 : memref<1x40x128xi32, #tpu.memory_space<hbm>> -> memref<40x128xi32, #tpu.memory_space<hbm>>
      tpu.enqueue_dma source(%dma_start3A_142 : memref<40x128xi32, #tpu.memory_space<hbm>>) target(%arg6 : memref<40x128xi32, #tpu.memory_space<vmem>>) target_semaphore(%run_scoped3A : memref<!tpu.dma_semaphore, #tpu.memory_space<semaphore_mem>>)
      %dma_wait3A_143 = arith.constant 0 : i32
      %dma_wait3A_144 = arith.constant 0 : i32
      %dma_wait3A_145 = tpu.memref_slice %arg3[%add3A, %dma_wait3A_143, %dma_wait3A_144] : memref<32x40x128xi32, #tpu.memory_space<hbm>> -> memref<1x40x128xi32, #tpu.memory_space<hbm>>
      %dma_wait3A_146 = tpu.memref_squeeze %dma_wait3A_145 : memref<1x40x128xi32, #tpu.memory_space<hbm>> -> memref<40x128xi32, #tpu.memory_space<hbm>>
      %dma_wait3A_147 = arith.constant 0 : i32
      %dma_wait3A_148 = arith.constant 0 : i32
      %dma_wait3A_149 = tpu.memref_slice %arg3[%add3A, %dma_wait3A_147, %dma_wait3A_148] : memref<32x40x128xi32, #tpu.memory_space<hbm>> -> memref<1x40x128xi32, #tpu.memory_space<hbm>>
      %dma_wait3A_150 = tpu.memref_squeeze %dma_wait3A_149 : memref<1x40x128xi32, #tpu.memory_space<hbm>> -> memref<40x128xi32, #tpu.memory_space<hbm>>
      tpu.wait_dma2 semaphore(%run_scoped3A : memref<!tpu.dma_semaphore, #tpu.memory_space<semaphore_mem>>) src(%dma_wait3A_150 : memref<40x128xi32, #tpu.memory_space<hbm>>) dst(%arg6 : memref<40x128xi32, #tpu.memory_space<vmem>>)
      tpu.yield
    }) : () -> ()
    "tpu.region"() ({
      %run_scoped3A = tpu.sem_alloc : memref<!tpu.dma_semaphore, #tpu.memory_space<semaphore_mem>>
      %dma_start3A_135 = arith.constant 0 : i32
      %dma_start3A_136 = arith.constant 0 : i32
      %dma_start3A_137 = tpu.memref_slice %arg4[%add3A, %dma_start3A_135, %dma_start3A_136] : memref<32x40x128xi32, #tpu.memory_space<hbm>> -> memref<1x40x128xi32, #tpu.memory_space<hbm>>
      %dma_start3A_138 = tpu.memref_squeeze %dma_start3A_137 : memref<1x40x128xi32, #tpu.memory_space<hbm>> -> memref<40x128xi32, #tpu.memory_space<hbm>>
      %dma_start3A_139 = arith.constant 0 : i32
      %dma_start3A_140 = arith.constant 0 : i32
      %dma_start3A_141 = tpu.memref_slice %arg4[%add3A, %dma_start3A_139, %dma_start3A_140] : memref<32x40x128xi32, #tpu.memory_space<hbm>> -> memref<1x40x128xi32, #tpu.memory_space<hbm>>
      %dma_start3A_142 = tpu.memref_squeeze %dma_start3A_141 : memref<1x40x128xi32, #tpu.memory_space<hbm>> -> memref<40x128xi32, #tpu.memory_space<hbm>>
      tpu.enqueue_dma source(%dma_start3A_142 : memref<40x128xi32, #tpu.memory_space<hbm>>) target(%arg7 : memref<40x128xi32, #tpu.memory_space<vmem>>) target_semaphore(%run_scoped3A : memref<!tpu.dma_semaphore, #tpu.memory_space<semaphore_mem>>)
      %dma_wait3A_143 = arith.constant 0 : i32
      %dma_wait3A_144 = arith.constant 0 : i32
      %dma_wait3A_145 = tpu.memref_slice %arg4[%add3A, %dma_wait3A_143, %dma_wait3A_144] : memref<32x40x128xi32, #tpu.memory_space<hbm>> -> memref<1x40x128xi32, #tpu.memory_space<hbm>>
      %dma_wait3A_146 = tpu.memref_squeeze %dma_wait3A_145 : memref<1x40x128xi32, #tpu.memory_space<hbm>> -> memref<40x128xi32, #tpu.memory_space<hbm>>
      %dma_wait3A_147 = arith.constant 0 : i32
      %dma_wait3A_148 = arith.constant 0 : i32
      %dma_wait3A_149 = tpu.memref_slice %arg4[%add3A, %dma_wait3A_147, %dma_wait3A_148] : memref<32x40x128xi32, #tpu.memory_space<hbm>> -> memref<1x40x128xi32, #tpu.memory_space<hbm>>
      %dma_wait3A_150 = tpu.memref_squeeze %dma_wait3A_149 : memref<1x40x128xi32, #tpu.memory_space<hbm>> -> memref<40x128xi32, #tpu.memory_space<hbm>>
      tpu.wait_dma2 semaphore(%run_scoped3A : memref<!tpu.dma_semaphore, #tpu.memory_space<semaphore_mem>>) src(%dma_wait3A_150 : memref<40x128xi32, #tpu.memory_space<hbm>>) dst(%arg7 : memref<40x128xi32, #tpu.memory_space<vmem>>)
      tpu.yield
    }) : () -> ()
    %barrier3A = arith.constant 0 : index
    tpu.barrier barrier_id(%barrier3A)
    %dma_start3A = arith.constant 0 : i32
    %dma_start3A_18 = arith.constant 0 : i32
    %dma_start3A_19 = tpu.memref_slice %arg6[%dma_start3A, %dma_start3A_18] : memref<40x128xi32, #tpu.memory_space<vmem>> -> memref<1x128xi32, #tpu.memory_space<vmem>>
    %dma_start3A_20 = tpu.memref_squeeze %dma_start3A_19 : memref<1x128xi32, #tpu.memory_space<vmem>> -> memref<128xi32, #tpu.memory_space<vmem>>
    %dma_start3A_21 = arith.constant 0 : i32
    %dma_start3A_22 = arith.constant 0 : i32
    %dma_start3A_23 = tpu.memref_slice %arg2[%dma_start3A_21, %dma_start3A_22] : memref<10240x32xf32, #tpu.memory_space<hbm>> -> memref<10240x32xf32, #tpu.memory_space<hbm>>
    tpu.enqueue_indirect_dma source(%dma_start3A_23 : memref<10240x32xf32, #tpu.memory_space<hbm>>) target(%arg8 : memref<128x32xf32, #tpu.memory_space<vmem>>) offsets(%dma_start3A_20 : memref<128xi32, #tpu.memory_space<vmem>>) semaphore(%arg17 : memref<!tpu.dma_semaphore, #tpu.memory_space<semaphore_mem>>)
    %dma_start3A_24 = arith.constant 1 : i32
    %dma_start3A_25 = arith.constant 0 : i32
    %dma_start3A_26 = tpu.memref_slice %arg6[%dma_start3A_24, %dma_start3A_25] : memref<40x128xi32, #tpu.memory_space<vmem>> -> memref<1x128xi32, #tpu.memory_space<vmem>>
    %dma_start3A_27 = tpu.memref_squeeze %dma_start3A_26 : memref<1x128xi32, #tpu.memory_space<vmem>> -> memref<128xi32, #tpu.memory_space<vmem>>
    %dma_start3A_28 = arith.constant 0 : i32
    %dma_start3A_29 = arith.constant 0 : i32
    %dma_start3A_30 = tpu.memref_slice %arg2[%dma_start3A_28, %dma_start3A_29] : memref<10240x32xf32, #tpu.memory_space<hbm>> -> memref<10240x32xf32, #tpu.memory_space<hbm>>
    tpu.enqueue_indirect_dma source(%dma_start3A_30 : memref<10240x32xf32, #tpu.memory_space<hbm>>) target(%arg9 : memref<128x32xf32, #tpu.memory_space<vmem>>) offsets(%dma_start3A_27 : memref<128xi32, #tpu.memory_space<vmem>>) semaphore(%arg18 : memref<!tpu.dma_semaphore, #tpu.memory_space<semaphore_mem>>)
    %dma_start3A_31 = arith.constant 2 : i32
    %dma_start3A_32 = arith.constant 0 : i32
    %dma_start3A_33 = tpu.memref_slice %arg6[%dma_start3A_31, %dma_start3A_32] : memref<40x128xi32, #tpu.memory_space<vmem>> -> memref<1x128xi32, #tpu.memory_space<vmem>>
    %dma_start3A_34 = tpu.memref_squeeze %dma_start3A_33 : memref<1x128xi32, #tpu.memory_space<vmem>> -> memref<128xi32, #tpu.memory_space<vmem>>
    %dma_start3A_35 = arith.constant 0 : i32
    %dma_start3A_36 = arith.constant 0 : i32
    %dma_start3A_37 = tpu.memref_slice %arg2[%dma_start3A_35, %dma_start3A_36] : memref<10240x32xf32, #tpu.memory_space<hbm>> -> memref<10240x32xf32, #tpu.memory_space<hbm>>
    tpu.enqueue_indirect_dma source(%dma_start3A_37 : memref<10240x32xf32, #tpu.memory_space<hbm>>) target(%arg10 : memref<128x32xf32, #tpu.memory_space<vmem>>) offsets(%dma_start3A_34 : memref<128xi32, #tpu.memory_space<vmem>>) semaphore(%arg19 : memref<!tpu.dma_semaphore, #tpu.memory_space<semaphore_mem>>)
    %dma_start3A_38 = arith.constant 3 : i32
    %dma_start3A_39 = arith.constant 0 : i32
    %dma_start3A_40 = tpu.memref_slice %arg6[%dma_start3A_38, %dma_start3A_39] : memref<40x128xi32, #tpu.memory_space<vmem>> -> memref<1x128xi32, #tpu.memory_space<vmem>>
    %dma_start3A_41 = tpu.memref_squeeze %dma_start3A_40 : memref<1x128xi32, #tpu.memory_space<vmem>> -> memref<128xi32, #tpu.memory_space<vmem>>
    %dma_start3A_42 = arith.constant 0 : i32
    %dma_start3A_43 = arith.constant 0 : i32
    %dma_start3A_44 = tpu.memref_slice %arg2[%dma_start3A_42, %dma_start3A_43] : memref<10240x32xf32, #tpu.memory_space<hbm>> -> memref<10240x32xf32, #tpu.memory_space<hbm>>
    tpu.enqueue_indirect_dma source(%dma_start3A_44 : memref<10240x32xf32, #tpu.memory_space<hbm>>) target(%arg11 : memref<128x32xf32, #tpu.memory_space<vmem>>) offsets(%dma_start3A_41 : memref<128xi32, #tpu.memory_space<vmem>>) semaphore(%arg20 : memref<!tpu.dma_semaphore, #tpu.memory_space<semaphore_mem>>)
    %dma_start3A_45 = arith.constant 4 : i32
    %dma_start3A_46 = arith.constant 0 : i32
    %dma_start3A_47 = tpu.memref_slice %arg6[%dma_start3A_45, %dma_start3A_46] : memref<40x128xi32, #tpu.memory_space<vmem>> -> memref<1x128xi32, #tpu.memory_space<vmem>>
    %dma_start3A_48 = tpu.memref_squeeze %dma_start3A_47 : memref<1x128xi32, #tpu.memory_space<vmem>> -> memref<128xi32, #tpu.memory_space<vmem>>
    %dma_start3A_49 = arith.constant 0 : i32
    %dma_start3A_50 = arith.constant 0 : i32
    %dma_start3A_51 = tpu.memref_slice %arg2[%dma_start3A_49, %dma_start3A_50] : memref<10240x32xf32, #tpu.memory_space<hbm>> -> memref<10240x32xf32, #tpu.memory_space<hbm>>
    tpu.enqueue_indirect_dma source(%dma_start3A_51 : memref<10240x32xf32, #tpu.memory_space<hbm>>) target(%arg12 : memref<128x32xf32, #tpu.memory_space<vmem>>) offsets(%dma_start3A_48 : memref<128xi32, #tpu.memory_space<vmem>>) semaphore(%arg21 : memref<!tpu.dma_semaphore, #tpu.memory_space<semaphore_mem>>)
    %dma_start3A_52 = arith.constant 5 : i32
    %dma_start3A_53 = arith.constant 0 : i32
    %dma_start3A_54 = tpu.memref_slice %arg6[%dma_start3A_52, %dma_start3A_53] : memref<40x128xi32, #tpu.memory_space<vmem>> -> memref<1x128xi32, #tpu.memory_space<vmem>>
    %dma_start3A_55 = tpu.memref_squeeze %dma_start3A_54 : memref<1x128xi32, #tpu.memory_space<vmem>> -> memref<128xi32, #tpu.memory_space<vmem>>
    %dma_start3A_56 = arith.constant 0 : i32
    %dma_start3A_57 = arith.constant 0 : i32
    %dma_start3A_58 = tpu.memref_slice %arg2[%dma_start3A_56, %dma_start3A_57] : memref<10240x32xf32, #tpu.memory_space<hbm>> -> memref<10240x32xf32, #tpu.memory_space<hbm>>
    tpu.enqueue_indirect_dma source(%dma_start3A_58 : memref<10240x32xf32, #tpu.memory_space<hbm>>) target(%arg13 : memref<128x32xf32, #tpu.memory_space<vmem>>) offsets(%dma_start3A_55 : memref<128xi32, #tpu.memory_space<vmem>>) semaphore(%arg22 : memref<!tpu.dma_semaphore, #tpu.memory_space<semaphore_mem>>)
    %dma_start3A_59 = arith.constant 6 : i32
    %dma_start3A_60 = arith.constant 0 : i32
    %dma_start3A_61 = tpu.memref_slice %arg6[%dma_start3A_59, %dma_start3A_60] : memref<40x128xi32, #tpu.memory_space<vmem>> -> memref<1x128xi32, #tpu.memory_space<vmem>>
    %dma_start3A_62 = tpu.memref_squeeze %dma_start3A_61 : memref<1x128xi32, #tpu.memory_space<vmem>> -> memref<128xi32, #tpu.memory_space<vmem>>
    %dma_start3A_63 = arith.constant 0 : i32
    %dma_start3A_64 = arith.constant 0 : i32
    %dma_start3A_65 = tpu.memref_slice %arg2[%dma_start3A_63, %dma_start3A_64] : memref<10240x32xf32, #tpu.memory_space<hbm>> -> memref<10240x32xf32, #tpu.memory_space<hbm>>
    tpu.enqueue_indirect_dma source(%dma_start3A_65 : memref<10240x32xf32, #tpu.memory_space<hbm>>) target(%arg14 : memref<128x32xf32, #tpu.memory_space<vmem>>) offsets(%dma_start3A_62 : memref<128xi32, #tpu.memory_space<vmem>>) semaphore(%arg23 : memref<!tpu.dma_semaphore, #tpu.memory_space<semaphore_mem>>)
    %dma_start3A_66 = arith.constant 7 : i32
    %dma_start3A_67 = arith.constant 0 : i32
    %dma_start3A_68 = tpu.memref_slice %arg6[%dma_start3A_66, %dma_start3A_67] : memref<40x128xi32, #tpu.memory_space<vmem>> -> memref<1x128xi32, #tpu.memory_space<vmem>>
    %dma_start3A_69 = tpu.memref_squeeze %dma_start3A_68 : memref<1x128xi32, #tpu.memory_space<vmem>> -> memref<128xi32, #tpu.memory_space<vmem>>
    %dma_start3A_70 = arith.constant 0 : i32
    %dma_start3A_71 = arith.constant 0 : i32
    %dma_start3A_72 = tpu.memref_slice %arg2[%dma_start3A_70, %dma_start3A_71] : memref<10240x32xf32, #tpu.memory_space<hbm>> -> memref<10240x32xf32, #tpu.memory_space<hbm>>
    tpu.enqueue_indirect_dma source(%dma_start3A_72 : memref<10240x32xf32, #tpu.memory_space<hbm>>) target(%arg15 : memref<128x32xf32, #tpu.memory_space<vmem>>) offsets(%dma_start3A_69 : memref<128xi32, #tpu.memory_space<vmem>>) semaphore(%arg24 : memref<!tpu.dma_semaphore, #tpu.memory_space<semaphore_mem>>)
    %scan3A_73 = arith.constant 0 : i32
    %scan3A_74 = arith.constant 0 : i32
    %scan3A_75 = arith.constant 5 : i32
    %scan3A_76 = arith.addi %scan3A_74, %scan3A_75 : i32
    %scan3A_77 = arith.constant 1 : i32
    scf.for %scan3A_135 = %scan3A_74 to %scan3A_76 step %scan3A_77  : i32 {
      %mul3A_136 = arith.constant 8 : i32
      %mul3A_137 = arith.muli %scan3A_135, %mul3A_136 : i32
      %add3A_138 = arith.constant 0 : i32
      %add3A_139 = arith.addi %mul3A_137, %add3A_138 : i32
      %dma_wait3A_140 = arith.constant 0 : i32
      %dma_wait3A_141 = tpu.memref_slice %arg6[%add3A_139, %dma_wait3A_140] : memref<40x128xi32, #tpu.memory_space<vmem>> -> memref<1x128xi32, #tpu.memory_space<vmem>>
      %dma_wait3A_142 = tpu.memref_squeeze %dma_wait3A_141 : memref<1x128xi32, #tpu.memory_space<vmem>> -> memref<128xi32, #tpu.memory_space<vmem>>
      %dma_wait3A_143 = arith.constant 0 : i32
      %dma_wait3A_144 = arith.constant 0 : i32
      %dma_wait3A_145 = tpu.memref_slice %arg2[%dma_wait3A_143, %dma_wait3A_144] : memref<10240x32xf32, #tpu.memory_space<hbm>> -> memref<10240x32xf32, #tpu.memory_space<hbm>>
      tpu.wait_indirect_dma semaphore(%arg17 : memref<!tpu.dma_semaphore, #tpu.memory_space<semaphore_mem>>) src(%dma_wait3A_145 : memref<10240x32xf32, #tpu.memory_space<hbm>>) dst(%arg8 : memref<128x32xf32, #tpu.memory_space<vmem>>)
      %add3A_146 = arith.constant 0 : i32
      %add3A_147 = arith.addi %mul3A_137, %add3A_146 : i32
      %dma_start3A_148 = arith.constant 0 : i32
      %dma_start3A_149 = tpu.memref_slice %arg7[%add3A_147, %dma_start3A_148] : memref<40x128xi32, #tpu.memory_space<vmem>> -> memref<1x128xi32, #tpu.memory_space<vmem>>
      %dma_start3A_150 = tpu.memref_squeeze %dma_start3A_149 : memref<1x128xi32, #tpu.memory_space<vmem>> -> memref<128xi32, #tpu.memory_space<vmem>>
      %dma_start3A_151 = arith.constant 0 : i32
      %dma_start3A_152 = arith.constant 0 : i32
      %dma_start3A_153 = tpu.memref_slice %arg16[%dma_start3A_151, %dma_start3A_152] : memref<10240x32xf32, #tpu.memory_space<vmem_shared>> -> memref<10240x32xf32, #tpu.memory_space<vmem_shared>>
      tpu.enqueue_indirect_dma source(%arg8 : memref<128x32xf32, #tpu.memory_space<vmem>>) target(%dma_start3A_153 : memref<10240x32xf32, #tpu.memory_space<vmem_shared>>) offsets(%dma_start3A_150 : memref<128xi32, #tpu.memory_space<vmem>>) semaphore(%arg25 : memref<!tpu.dma_semaphore, #tpu.memory_space<semaphore_mem>>) {add = true}
      %add3A_154 = arith.constant 1 : i32
      %add3A_155 = arith.addi %mul3A_137, %add3A_154 : i32
      %dma_wait3A_156 = arith.constant 0 : i32
      %dma_wait3A_157 = tpu.memref_slice %arg6[%add3A_155, %dma_wait3A_156] : memref<40x128xi32, #tpu.memory_space<vmem>> -> memref<1x128xi32, #tpu.memory_space<vmem>>
      %dma_wait3A_158 = tpu.memref_squeeze %dma_wait3A_157 : memref<1x128xi32, #tpu.memory_space<vmem>> -> memref<128xi32, #tpu.memory_space<vmem>>
      %dma_wait3A_159 = arith.constant 0 : i32
      %dma_wait3A_160 = arith.constant 0 : i32
      %dma_wait3A_161 = tpu.memref_slice %arg2[%dma_wait3A_159, %dma_wait3A_160] : memref<10240x32xf32, #tpu.memory_space<hbm>> -> memref<10240x32xf32, #tpu.memory_space<hbm>>
      tpu.wait_indirect_dma semaphore(%arg18 : memref<!tpu.dma_semaphore, #tpu.memory_space<semaphore_mem>>) src(%dma_wait3A_161 : memref<10240x32xf32, #tpu.memory_space<hbm>>) dst(%arg9 : memref<128x32xf32, #tpu.memory_space<vmem>>)
      %add3A_162 = arith.constant 1 : i32
      %add3A_163 = arith.addi %mul3A_137, %add3A_162 : i32
      %dma_start3A_164 = arith.constant 0 : i32
      %dma_start3A_165 = tpu.memref_slice %arg7[%add3A_163, %dma_start3A_164] : memref<40x128xi32, #tpu.memory_space<vmem>> -> memref<1x128xi32, #tpu.memory_space<vmem>>
      %dma_start3A_166 = tpu.memref_squeeze %dma_start3A_165 : memref<1x128xi32, #tpu.memory_space<vmem>> -> memref<128xi32, #tpu.memory_space<vmem>>
      %dma_start3A_167 = arith.constant 0 : i32
      %dma_start3A_168 = arith.constant 0 : i32
      %dma_start3A_169 = tpu.memref_slice %arg16[%dma_start3A_167, %dma_start3A_168] : memref<10240x32xf32, #tpu.memory_space<vmem_shared>> -> memref<10240x32xf32, #tpu.memory_space<vmem_shared>>
      tpu.enqueue_indirect_dma source(%arg9 : memref<128x32xf32, #tpu.memory_space<vmem>>) target(%dma_start3A_169 : memref<10240x32xf32, #tpu.memory_space<vmem_shared>>) offsets(%dma_start3A_166 : memref<128xi32, #tpu.memory_space<vmem>>) semaphore(%arg26 : memref<!tpu.dma_semaphore, #tpu.memory_space<semaphore_mem>>) {add = true}
      %add3A_170 = arith.constant 2 : i32
      %add3A_171 = arith.addi %mul3A_137, %add3A_170 : i32
      %dma_wait3A_172 = arith.constant 0 : i32
      %dma_wait3A_173 = tpu.memref_slice %arg6[%add3A_171, %dma_wait3A_172] : memref<40x128xi32, #tpu.memory_space<vmem>> -> memref<1x128xi32, #tpu.memory_space<vmem>>
      %dma_wait3A_174 = tpu.memref_squeeze %dma_wait3A_173 : memref<1x128xi32, #tpu.memory_space<vmem>> -> memref<128xi32, #tpu.memory_space<vmem>>
      %dma_wait3A_175 = arith.constant 0 : i32
      %dma_wait3A_176 = arith.constant 0 : i32
      %dma_wait3A_177 = tpu.memref_slice %arg2[%dma_wait3A_175, %dma_wait3A_176] : memref<10240x32xf32, #tpu.memory_space<hbm>> -> memref<10240x32xf32, #tpu.memory_space<hbm>>
      tpu.wait_indirect_dma semaphore(%arg19 : memref<!tpu.dma_semaphore, #tpu.memory_space<semaphore_mem>>) src(%dma_wait3A_177 : memref<10240x32xf32, #tpu.memory_space<hbm>>) dst(%arg10 : memref<128x32xf32, #tpu.memory_space<vmem>>)
      %add3A_178 = arith.constant 2 : i32
      %add3A_179 = arith.addi %mul3A_137, %add3A_178 : i32
      %dma_start3A_180 = arith.constant 0 : i32
      %dma_start3A_181 = tpu.memref_slice %arg7[%add3A_179, %dma_start3A_180] : memref<40x128xi32, #tpu.memory_space<vmem>> -> memref<1x128xi32, #tpu.memory_space<vmem>>
      %dma_start3A_182 = tpu.memref_squeeze %dma_start3A_181 : memref<1x128xi32, #tpu.memory_space<vmem>> -> memref<128xi32, #tpu.memory_space<vmem>>
      %dma_start3A_183 = arith.constant 0 : i32
      %dma_start3A_184 = arith.constant 0 : i32
      %dma_start3A_185 = tpu.memref_slice %arg16[%dma_start3A_183, %dma_start3A_184] : memref<10240x32xf32, #tpu.memory_space<vmem_shared>> -> memref<10240x32xf32, #tpu.memory_space<vmem_shared>>
      tpu.enqueue_indirect_dma source(%arg10 : memref<128x32xf32, #tpu.memory_space<vmem>>) target(%dma_start3A_185 : memref<10240x32xf32, #tpu.memory_space<vmem_shared>>) offsets(%dma_start3A_182 : memref<128xi32, #tpu.memory_space<vmem>>) semaphore(%arg27 : memref<!tpu.dma_semaphore, #tpu.memory_space<semaphore_mem>>) {add = true}
      %add3A_186 = arith.constant 3 : i32
      %add3A_187 = arith.addi %mul3A_137, %add3A_186 : i32
      %dma_wait3A_188 = arith.constant 0 : i32
      %dma_wait3A_189 = tpu.memref_slice %arg6[%add3A_187, %dma_wait3A_188] : memref<40x128xi32, #tpu.memory_space<vmem>> -> memref<1x128xi32, #tpu.memory_space<vmem>>
      %dma_wait3A_190 = tpu.memref_squeeze %dma_wait3A_189 : memref<1x128xi32, #tpu.memory_space<vmem>> -> memref<128xi32, #tpu.memory_space<vmem>>
      %dma_wait3A_191 = arith.constant 0 : i32
      %dma_wait3A_192 = arith.constant 0 : i32
      %dma_wait3A_193 = tpu.memref_slice %arg2[%dma_wait3A_191, %dma_wait3A_192] : memref<10240x32xf32, #tpu.memory_space<hbm>> -> memref<10240x32xf32, #tpu.memory_space<hbm>>
      tpu.wait_indirect_dma semaphore(%arg20 : memref<!tpu.dma_semaphore, #tpu.memory_space<semaphore_mem>>) src(%dma_wait3A_193 : memref<10240x32xf32, #tpu.memory_space<hbm>>) dst(%arg11 : memref<128x32xf32, #tpu.memory_space<vmem>>)
      %add3A_194 = arith.constant 3 : i32
      %add3A_195 = arith.addi %mul3A_137, %add3A_194 : i32
      %dma_start3A_196 = arith.constant 0 : i32
      %dma_start3A_197 = tpu.memref_slice %arg7[%add3A_195, %dma_start3A_196] : memref<40x128xi32, #tpu.memory_space<vmem>> -> memref<1x128xi32, #tpu.memory_space<vmem>>
      %dma_start3A_198 = tpu.memref_squeeze %dma_start3A_197 : memref<1x128xi32, #tpu.memory_space<vmem>> -> memref<128xi32, #tpu.memory_space<vmem>>
      %dma_start3A_199 = arith.constant 0 : i32
      %dma_start3A_200 = arith.constant 0 : i32
      %dma_start3A_201 = tpu.memref_slice %arg16[%dma_start3A_199, %dma_start3A_200] : memref<10240x32xf32, #tpu.memory_space<vmem_shared>> -> memref<10240x32xf32, #tpu.memory_space<vmem_shared>>
      tpu.enqueue_indirect_dma source(%arg11 : memref<128x32xf32, #tpu.memory_space<vmem>>) target(%dma_start3A_201 : memref<10240x32xf32, #tpu.memory_space<vmem_shared>>) offsets(%dma_start3A_198 : memref<128xi32, #tpu.memory_space<vmem>>) semaphore(%arg28 : memref<!tpu.dma_semaphore, #tpu.memory_space<semaphore_mem>>) {add = true}
      %add3A_202 = arith.constant 4 : i32
      %add3A_203 = arith.addi %mul3A_137, %add3A_202 : i32
      %dma_wait3A_204 = arith.constant 0 : i32
      %dma_wait3A_205 = tpu.memref_slice %arg6[%add3A_203, %dma_wait3A_204] : memref<40x128xi32, #tpu.memory_space<vmem>> -> memref<1x128xi32, #tpu.memory_space<vmem>>
      %dma_wait3A_206 = tpu.memref_squeeze %dma_wait3A_205 : memref<1x128xi32, #tpu.memory_space<vmem>> -> memref<128xi32, #tpu.memory_space<vmem>>
      %dma_wait3A_207 = arith.constant 0 : i32
      %dma_wait3A_208 = arith.constant 0 : i32
      %dma_wait3A_209 = tpu.memref_slice %arg2[%dma_wait3A_207, %dma_wait3A_208] : memref<10240x32xf32, #tpu.memory_space<hbm>> -> memref<10240x32xf32, #tpu.memory_space<hbm>>
      tpu.wait_indirect_dma semaphore(%arg21 : memref<!tpu.dma_semaphore, #tpu.memory_space<semaphore_mem>>) src(%dma_wait3A_209 : memref<10240x32xf32, #tpu.memory_space<hbm>>) dst(%arg12 : memref<128x32xf32, #tpu.memory_space<vmem>>)
      %add3A_210 = arith.constant 4 : i32
      %add3A_211 = arith.addi %mul3A_137, %add3A_210 : i32
      %dma_start3A_212 = arith.constant 0 : i32
      %dma_start3A_213 = tpu.memref_slice %arg7[%add3A_211, %dma_start3A_212] : memref<40x128xi32, #tpu.memory_space<vmem>> -> memref<1x128xi32, #tpu.memory_space<vmem>>
      %dma_start3A_214 = tpu.memref_squeeze %dma_start3A_213 : memref<1x128xi32, #tpu.memory_space<vmem>> -> memref<128xi32, #tpu.memory_space<vmem>>
      %dma_start3A_215 = arith.constant 0 : i32
      %dma_start3A_216 = arith.constant 0 : i32
      %dma_start3A_217 = tpu.memref_slice %arg16[%dma_start3A_215, %dma_start3A_216] : memref<10240x32xf32, #tpu.memory_space<vmem_shared>> -> memref<10240x32xf32, #tpu.memory_space<vmem_shared>>
      tpu.enqueue_indirect_dma source(%arg12 : memref<128x32xf32, #tpu.memory_space<vmem>>) target(%dma_start3A_217 : memref<10240x32xf32, #tpu.memory_space<vmem_shared>>) offsets(%dma_start3A_214 : memref<128xi32, #tpu.memory_space<vmem>>) semaphore(%arg29 : memref<!tpu.dma_semaphore, #tpu.memory_space<semaphore_mem>>) {add = true}
      %add3A_218 = arith.constant 5 : i32
      %add3A_219 = arith.addi %mul3A_137, %add3A_218 : i32
      %dma_wait3A_220 = arith.constant 0 : i32
      %dma_wait3A_221 = tpu.memref_slice %arg6[%add3A_219, %dma_wait3A_220] : memref<40x128xi32, #tpu.memory_space<vmem>> -> memref<1x128xi32, #tpu.memory_space<vmem>>
      %dma_wait3A_222 = tpu.memref_squeeze %dma_wait3A_221 : memref<1x128xi32, #tpu.memory_space<vmem>> -> memref<128xi32, #tpu.memory_space<vmem>>
      %dma_wait3A_223 = arith.constant 0 : i32
      %dma_wait3A_224 = arith.constant 0 : i32
      %dma_wait3A_225 = tpu.memref_slice %arg2[%dma_wait3A_223, %dma_wait3A_224] : memref<10240x32xf32, #tpu.memory_space<hbm>> -> memref<10240x32xf32, #tpu.memory_space<hbm>>
      tpu.wait_indirect_dma semaphore(%arg22 : memref<!tpu.dma_semaphore, #tpu.memory_space<semaphore_mem>>) src(%dma_wait3A_225 : memref<10240x32xf32, #tpu.memory_space<hbm>>) dst(%arg13 : memref<128x32xf32, #tpu.memory_space<vmem>>)
      %add3A_226 = arith.constant 5 : i32
      %add3A_227 = arith.addi %mul3A_137, %add3A_226 : i32
      %dma_start3A_228 = arith.constant 0 : i32
      %dma_start3A_229 = tpu.memref_slice %arg7[%add3A_227, %dma_start3A_228] : memref<40x128xi32, #tpu.memory_space<vmem>> -> memref<1x128xi32, #tpu.memory_space<vmem>>
      %dma_start3A_230 = tpu.memref_squeeze %dma_start3A_229 : memref<1x128xi32, #tpu.memory_space<vmem>> -> memref<128xi32, #tpu.memory_space<vmem>>
      %dma_start3A_231 = arith.constant 0 : i32
      %dma_start3A_232 = arith.constant 0 : i32
      %dma_start3A_233 = tpu.memref_slice %arg16[%dma_start3A_231, %dma_start3A_232] : memref<10240x32xf32, #tpu.memory_space<vmem_shared>> -> memref<10240x32xf32, #tpu.memory_space<vmem_shared>>
      tpu.enqueue_indirect_dma source(%arg13 : memref<128x32xf32, #tpu.memory_space<vmem>>) target(%dma_start3A_233 : memref<10240x32xf32, #tpu.memory_space<vmem_shared>>) offsets(%dma_start3A_230 : memref<128xi32, #tpu.memory_space<vmem>>) semaphore(%arg30 : memref<!tpu.dma_semaphore, #tpu.memory_space<semaphore_mem>>) {add = true}
      %add3A_234 = arith.constant 6 : i32
      %add3A_235 = arith.addi %mul3A_137, %add3A_234 : i32
      %dma_wait3A_236 = arith.constant 0 : i32
      %dma_wait3A_237 = tpu.memref_slice %arg6[%add3A_235, %dma_wait3A_236] : memref<40x128xi32, #tpu.memory_space<vmem>> -> memref<1x128xi32, #tpu.memory_space<vmem>>
      %dma_wait3A_238 = tpu.memref_squeeze %dma_wait3A_237 : memref<1x128xi32, #tpu.memory_space<vmem>> -> memref<128xi32, #tpu.memory_space<vmem>>
      %dma_wait3A_239 = arith.constant 0 : i32
      %dma_wait3A_240 = arith.constant 0 : i32
      %dma_wait3A_241 = tpu.memref_slice %arg2[%dma_wait3A_239, %dma_wait3A_240] : memref<10240x32xf32, #tpu.memory_space<hbm>> -> memref<10240x32xf32, #tpu.memory_space<hbm>>
      tpu.wait_indirect_dma semaphore(%arg23 : memref<!tpu.dma_semaphore, #tpu.memory_space<semaphore_mem>>) src(%dma_wait3A_241 : memref<10240x32xf32, #tpu.memory_space<hbm>>) dst(%arg14 : memref<128x32xf32, #tpu.memory_space<vmem>>)
      %add3A_242 = arith.constant 6 : i32
      %add3A_243 = arith.addi %mul3A_137, %add3A_242 : i32
      %dma_start3A_244 = arith.constant 0 : i32
      %dma_start3A_245 = tpu.memref_slice %arg7[%add3A_243, %dma_start3A_244] : memref<40x128xi32, #tpu.memory_space<vmem>> -> memref<1x128xi32, #tpu.memory_space<vmem>>
      %dma_start3A_246 = tpu.memref_squeeze %dma_start3A_245 : memref<1x128xi32, #tpu.memory_space<vmem>> -> memref<128xi32, #tpu.memory_space<vmem>>
      %dma_start3A_247 = arith.constant 0 : i32
      %dma_start3A_248 = arith.constant 0 : i32
      %dma_start3A_249 = tpu.memref_slice %arg16[%dma_start3A_247, %dma_start3A_248] : memref<10240x32xf32, #tpu.memory_space<vmem_shared>> -> memref<10240x32xf32, #tpu.memory_space<vmem_shared>>
      tpu.enqueue_indirect_dma source(%arg14 : memref<128x32xf32, #tpu.memory_space<vmem>>) target(%dma_start3A_249 : memref<10240x32xf32, #tpu.memory_space<vmem_shared>>) offsets(%dma_start3A_246 : memref<128xi32, #tpu.memory_space<vmem>>) semaphore(%arg31 : memref<!tpu.dma_semaphore, #tpu.memory_space<semaphore_mem>>) {add = true}
      %add3A_250 = arith.constant 7 : i32
      %add3A_251 = arith.addi %mul3A_137, %add3A_250 : i32
      %dma_wait3A_252 = arith.constant 0 : i32
      %dma_wait3A_253 = tpu.memref_slice %arg6[%add3A_251, %dma_wait3A_252] : memref<40x128xi32, #tpu.memory_space<vmem>> -> memref<1x128xi32, #tpu.memory_space<vmem>>
      %dma_wait3A_254 = tpu.memref_squeeze %dma_wait3A_253 : memref<1x128xi32, #tpu.memory_space<vmem>> -> memref<128xi32, #tpu.memory_space<vmem>>
      %dma_wait3A_255 = arith.constant 0 : i32
      %dma_wait3A_256 = arith.constant 0 : i32
      %dma_wait3A_257 = tpu.memref_slice %arg2[%dma_wait3A_255, %dma_wait3A_256] : memref<10240x32xf32, #tpu.memory_space<hbm>> -> memref<10240x32xf32, #tpu.memory_space<hbm>>
      tpu.wait_indirect_dma semaphore(%arg24 : memref<!tpu.dma_semaphore, #tpu.memory_space<semaphore_mem>>) src(%dma_wait3A_257 : memref<10240x32xf32, #tpu.memory_space<hbm>>) dst(%arg15 : memref<128x32xf32, #tpu.memory_space<vmem>>)
      %add3A_258 = arith.constant 7 : i32
      %add3A_259 = arith.addi %mul3A_137, %add3A_258 : i32
      %dma_start3A_260 = arith.constant 0 : i32
      %dma_start3A_261 = tpu.memref_slice %arg7[%add3A_259, %dma_start3A_260] : memref<40x128xi32, #tpu.memory_space<vmem>> -> memref<1x128xi32, #tpu.memory_space<vmem>>
      %dma_start3A_262 = tpu.memref_squeeze %dma_start3A_261 : memref<1x128xi32, #tpu.memory_space<vmem>> -> memref<128xi32, #tpu.memory_space<vmem>>
      %dma_start3A_263 = arith.constant 0 : i32
      %dma_start3A_264 = arith.constant 0 : i32
      %dma_start3A_265 = tpu.memref_slice %arg16[%dma_start3A_263, %dma_start3A_264] : memref<10240x32xf32, #tpu.memory_space<vmem_shared>> -> memref<10240x32xf32, #tpu.memory_space<vmem_shared>>
      tpu.enqueue_indirect_dma source(%arg15 : memref<128x32xf32, #tpu.memory_space<vmem>>) target(%dma_start3A_265 : memref<10240x32xf32, #tpu.memory_space<vmem_shared>>) offsets(%dma_start3A_262 : memref<128xi32, #tpu.memory_space<vmem>>) semaphore(%arg32 : memref<!tpu.dma_semaphore, #tpu.memory_space<semaphore_mem>>) {add = true}
      %lt3A = arith.constant 4 : i32
      %lt3A_266 = arith.cmpi slt, %scan3A_135, %lt3A : i32
      %convert_element_type3A = arith.extui %lt3A_266 : i1 to i32
      %cond3A = arith.constant 0 : i32
      %cond3A_267 = arith.cmpi ne, %convert_element_type3A, %cond3A : i32
      scf.if %cond3A_267 {
        %add3A_268 = arith.constant 0 : i32
        %add3A_269 = arith.addi %mul3A_137, %add3A_268 : i32
        %dma_wait3A_270 = arith.constant 0 : i32
        %dma_wait3A_271 = tpu.memref_slice %arg7[%add3A_269, %dma_wait3A_270] : memref<40x128xi32, #tpu.memory_space<vmem>> -> memref<1x128xi32, #tpu.memory_space<vmem>>
        %dma_wait3A_272 = tpu.memref_squeeze %dma_wait3A_271 : memref<1x128xi32, #tpu.memory_space<vmem>> -> memref<128xi32, #tpu.memory_space<vmem>>
        %dma_wait3A_273 = arith.constant 0 : i32
        %dma_wait3A_274 = arith.constant 0 : i32
        %dma_wait3A_275 = tpu.memref_slice %arg16[%dma_wait3A_273, %dma_wait3A_274] : memref<10240x32xf32, #tpu.memory_space<vmem_shared>> -> memref<10240x32xf32, #tpu.memory_space<vmem_shared>>
        tpu.wait_indirect_dma semaphore(%arg25 : memref<!tpu.dma_semaphore, #tpu.memory_space<semaphore_mem>>) src(%arg8 : memref<128x32xf32, #tpu.memory_space<vmem>>) dst(%dma_wait3A_275 : memref<10240x32xf32, #tpu.memory_space<vmem_shared>>)
        %add3A_276 = arith.constant 8 : i32
        %add3A_277 = arith.addi %mul3A_137, %add3A_276 : i32
        %add3A_278 = arith.constant 0 : i32
        %add3A_279 = arith.addi %add3A_277, %add3A_278 : i32
        %dma_start3A_280 = arith.constant 0 : i32
        %dma_start3A_281 = tpu.memref_slice %arg6[%add3A_279, %dma_start3A_280] : memref<40x128xi32, #tpu.memory_space<vmem>> -> memref<1x128xi32, #tpu.memory_space<vmem>>
        %dma_start3A_282 = tpu.memref_squeeze %dma_start3A_281 : memref<1x128xi32, #tpu.memory_space<vmem>> -> memref<128xi32, #tpu.memory_space<vmem>>
        %dma_start3A_283 = arith.constant 0 : i32
        %dma_start3A_284 = arith.constant 0 : i32
        %dma_start3A_285 = tpu.memref_slice %arg2[%dma_start3A_283, %dma_start3A_284] : memref<10240x32xf32, #tpu.memory_space<hbm>> -> memref<10240x32xf32, #tpu.memory_space<hbm>>
        tpu.enqueue_indirect_dma source(%dma_start3A_285 : memref<10240x32xf32, #tpu.memory_space<hbm>>) target(%arg8 : memref<128x32xf32, #tpu.memory_space<vmem>>) offsets(%dma_start3A_282 : memref<128xi32, #tpu.memory_space<vmem>>) semaphore(%arg17 : memref<!tpu.dma_semaphore, #tpu.memory_space<semaphore_mem>>)
        %add3A_286 = arith.constant 1 : i32
        %add3A_287 = arith.addi %mul3A_137, %add3A_286 : i32
        %dma_wait3A_288 = arith.constant 0 : i32
        %dma_wait3A_289 = tpu.memref_slice %arg7[%add3A_287, %dma_wait3A_288] : memref<40x128xi32, #tpu.memory_space<vmem>> -> memref<1x128xi32, #tpu.memory_space<vmem>>
        %dma_wait3A_290 = tpu.memref_squeeze %dma_wait3A_289 : memref<1x128xi32, #tpu.memory_space<vmem>> -> memref<128xi32, #tpu.memory_space<vmem>>
        %dma_wait3A_291 = arith.constant 0 : i32
        %dma_wait3A_292 = arith.constant 0 : i32
        %dma_wait3A_293 = tpu.memref_slice %arg16[%dma_wait3A_291, %dma_wait3A_292] : memref<10240x32xf32, #tpu.memory_space<vmem_shared>> -> memref<10240x32xf32, #tpu.memory_space<vmem_shared>>
        tpu.wait_indirect_dma semaphore(%arg26 : memref<!tpu.dma_semaphore, #tpu.memory_space<semaphore_mem>>) src(%arg9 : memref<128x32xf32, #tpu.memory_space<vmem>>) dst(%dma_wait3A_293 : memref<10240x32xf32, #tpu.memory_space<vmem_shared>>)
        %add3A_294 = arith.constant 8 : i32
        %add3A_295 = arith.addi %mul3A_137, %add3A_294 : i32
        %add3A_296 = arith.constant 1 : i32
        %add3A_297 = arith.addi %add3A_295, %add3A_296 : i32
        %dma_start3A_298 = arith.constant 0 : i32
        %dma_start3A_299 = tpu.memref_slice %arg6[%add3A_297, %dma_start3A_298] : memref<40x128xi32, #tpu.memory_space<vmem>> -> memref<1x128xi32, #tpu.memory_space<vmem>>
        %dma_start3A_300 = tpu.memref_squeeze %dma_start3A_299 : memref<1x128xi32, #tpu.memory_space<vmem>> -> memref<128xi32, #tpu.memory_space<vmem>>
        %dma_start3A_301 = arith.constant 0 : i32
        %dma_start3A_302 = arith.constant 0 : i32
        %dma_start3A_303 = tpu.memref_slice %arg2[%dma_start3A_301, %dma_start3A_302] : memref<10240x32xf32, #tpu.memory_space<hbm>> -> memref<10240x32xf32, #tpu.memory_space<hbm>>
        tpu.enqueue_indirect_dma source(%dma_start3A_303 : memref<10240x32xf32, #tpu.memory_space<hbm>>) target(%arg9 : memref<128x32xf32, #tpu.memory_space<vmem>>) offsets(%dma_start3A_300 : memref<128xi32, #tpu.memory_space<vmem>>) semaphore(%arg18 : memref<!tpu.dma_semaphore, #tpu.memory_space<semaphore_mem>>)
        %add3A_304 = arith.constant 2 : i32
        %add3A_305 = arith.addi %mul3A_137, %add3A_304 : i32
        %dma_wait3A_306 = arith.constant 0 : i32
        %dma_wait3A_307 = tpu.memref_slice %arg7[%add3A_305, %dma_wait3A_306] : memref<40x128xi32, #tpu.memory_space<vmem>> -> memref<1x128xi32, #tpu.memory_space<vmem>>
        %dma_wait3A_308 = tpu.memref_squeeze %dma_wait3A_307 : memref<1x128xi32, #tpu.memory_space<vmem>> -> memref<128xi32, #tpu.memory_space<vmem>>
        %dma_wait3A_309 = arith.constant 0 : i32
        %dma_wait3A_310 = arith.constant 0 : i32
        %dma_wait3A_311 = tpu.memref_slice %arg16[%dma_wait3A_309, %dma_wait3A_310] : memref<10240x32xf32, #tpu.memory_space<vmem_shared>> -> memref<10240x32xf32, #tpu.memory_space<vmem_shared>>
        tpu.wait_indirect_dma semaphore(%arg27 : memref<!tpu.dma_semaphore, #tpu.memory_space<semaphore_mem>>) src(%arg10 : memref<128x32xf32, #tpu.memory_space<vmem>>) dst(%dma_wait3A_311 : memref<10240x32xf32, #tpu.memory_space<vmem_shared>>)
        %add3A_312 = arith.constant 8 : i32
        %add3A_313 = arith.addi %mul3A_137, %add3A_312 : i32
        %add3A_314 = arith.constant 2 : i32
        %add3A_315 = arith.addi %add3A_313, %add3A_314 : i32
        %dma_start3A_316 = arith.constant 0 : i32
        %dma_start3A_317 = tpu.memref_slice %arg6[%add3A_315, %dma_start3A_316] : memref<40x128xi32, #tpu.memory_space<vmem>> -> memref<1x128xi32, #tpu.memory_space<vmem>>
        %dma_start3A_318 = tpu.memref_squeeze %dma_start3A_317 : memref<1x128xi32, #tpu.memory_space<vmem>> -> memref<128xi32, #tpu.memory_space<vmem>>
        %dma_start3A_319 = arith.constant 0 : i32
        %dma_start3A_320 = arith.constant 0 : i32
        %dma_start3A_321 = tpu.memref_slice %arg2[%dma_start3A_319, %dma_start3A_320] : memref<10240x32xf32, #tpu.memory_space<hbm>> -> memref<10240x32xf32, #tpu.memory_space<hbm>>
        tpu.enqueue_indirect_dma source(%dma_start3A_321 : memref<10240x32xf32, #tpu.memory_space<hbm>>) target(%arg10 : memref<128x32xf32, #tpu.memory_space<vmem>>) offsets(%dma_start3A_318 : memref<128xi32, #tpu.memory_space<vmem>>) semaphore(%arg19 : memref<!tpu.dma_semaphore, #tpu.memory_space<semaphore_mem>>)
        %add3A_322 = arith.constant 3 : i32
        %add3A_323 = arith.addi %mul3A_137, %add3A_322 : i32
        %dma_wait3A_324 = arith.constant 0 : i32
        %dma_wait3A_325 = tpu.memref_slice %arg7[%add3A_323, %dma_wait3A_324] : memref<40x128xi32, #tpu.memory_space<vmem>> -> memref<1x128xi32, #tpu.memory_space<vmem>>
        %dma_wait3A_326 = tpu.memref_squeeze %dma_wait3A_325 : memref<1x128xi32, #tpu.memory_space<vmem>> -> memref<128xi32, #tpu.memory_space<vmem>>
        %dma_wait3A_327 = arith.constant 0 : i32
        %dma_wait3A_328 = arith.constant 0 : i32
        %dma_wait3A_329 = tpu.memref_slice %arg16[%dma_wait3A_327, %dma_wait3A_328] : memref<10240x32xf32, #tpu.memory_space<vmem_shared>> -> memref<10240x32xf32, #tpu.memory_space<vmem_shared>>
        tpu.wait_indirect_dma semaphore(%arg28 : memref<!tpu.dma_semaphore, #tpu.memory_space<semaphore_mem>>) src(%arg11 : memref<128x32xf32, #tpu.memory_space<vmem>>) dst(%dma_wait3A_329 : memref<10240x32xf32, #tpu.memory_space<vmem_shared>>)
        %add3A_330 = arith.constant 8 : i32
        %add3A_331 = arith.addi %mul3A_137, %add3A_330 : i32
        %add3A_332 = arith.constant 3 : i32
        %add3A_333 = arith.addi %add3A_331, %add3A_332 : i32
        %dma_start3A_334 = arith.constant 0 : i32
        %dma_start3A_335 = tpu.memref_slice %arg6[%add3A_333, %dma_start3A_334] : memref<40x128xi32, #tpu.memory_space<vmem>> -> memref<1x128xi32, #tpu.memory_space<vmem>>
        %dma_start3A_336 = tpu.memref_squeeze %dma_start3A_335 : memref<1x128xi32, #tpu.memory_space<vmem>> -> memref<128xi32, #tpu.memory_space<vmem>>
        %dma_start3A_337 = arith.constant 0 : i32
        %dma_start3A_338 = arith.constant 0 : i32
        %dma_start3A_339 = tpu.memref_slice %arg2[%dma_start3A_337, %dma_start3A_338] : memref<10240x32xf32, #tpu.memory_space<hbm>> -> memref<10240x32xf32, #tpu.memory_space<hbm>>
        tpu.enqueue_indirect_dma source(%dma_start3A_339 : memref<10240x32xf32, #tpu.memory_space<hbm>>) target(%arg11 : memref<128x32xf32, #tpu.memory_space<vmem>>) offsets(%dma_start3A_336 : memref<128xi32, #tpu.memory_space<vmem>>) semaphore(%arg20 : memref<!tpu.dma_semaphore, #tpu.memory_space<semaphore_mem>>)
        %add3A_340 = arith.constant 4 : i32
        %add3A_341 = arith.addi %mul3A_137, %add3A_340 : i32
        %dma_wait3A_342 = arith.constant 0 : i32
        %dma_wait3A_343 = tpu.memref_slice %arg7[%add3A_341, %dma_wait3A_342] : memref<40x128xi32, #tpu.memory_space<vmem>> -> memref<1x128xi32, #tpu.memory_space<vmem>>
        %dma_wait3A_344 = tpu.memref_squeeze %dma_wait3A_343 : memref<1x128xi32, #tpu.memory_space<vmem>> -> memref<128xi32, #tpu.memory_space<vmem>>
        %dma_wait3A_345 = arith.constant 0 : i32
        %dma_wait3A_346 = arith.constant 0 : i32
        %dma_wait3A_347 = tpu.memref_slice %arg16[%dma_wait3A_345, %dma_wait3A_346] : memref<10240x32xf32, #tpu.memory_space<vmem_shared>> -> memref<10240x32xf32, #tpu.memory_space<vmem_shared>>
        tpu.wait_indirect_dma semaphore(%arg29 : memref<!tpu.dma_semaphore, #tpu.memory_space<semaphore_mem>>) src(%arg12 : memref<128x32xf32, #tpu.memory_space<vmem>>) dst(%dma_wait3A_347 : memref<10240x32xf32, #tpu.memory_space<vmem_shared>>)
        %add3A_348 = arith.constant 8 : i32
        %add3A_349 = arith.addi %mul3A_137, %add3A_348 : i32
        %add3A_350 = arith.constant 4 : i32
        %add3A_351 = arith.addi %add3A_349, %add3A_350 : i32
        %dma_start3A_352 = arith.constant 0 : i32
        %dma_start3A_353 = tpu.memref_slice %arg6[%add3A_351, %dma_start3A_352] : memref<40x128xi32, #tpu.memory_space<vmem>> -> memref<1x128xi32, #tpu.memory_space<vmem>>
        %dma_start3A_354 = tpu.memref_squeeze %dma_start3A_353 : memref<1x128xi32, #tpu.memory_space<vmem>> -> memref<128xi32, #tpu.memory_space<vmem>>
        %dma_start3A_355 = arith.constant 0 : i32
        %dma_start3A_356 = arith.constant 0 : i32
        %dma_start3A_357 = tpu.memref_slice %arg2[%dma_start3A_355, %dma_start3A_356] : memref<10240x32xf32, #tpu.memory_space<hbm>> -> memref<10240x32xf32, #tpu.memory_space<hbm>>
        tpu.enqueue_indirect_dma source(%dma_start3A_357 : memref<10240x32xf32, #tpu.memory_space<hbm>>) target(%arg12 : memref<128x32xf32, #tpu.memory_space<vmem>>) offsets(%dma_start3A_354 : memref<128xi32, #tpu.memory_space<vmem>>) semaphore(%arg21 : memref<!tpu.dma_semaphore, #tpu.memory_space<semaphore_mem>>)
        %add3A_358 = arith.constant 5 : i32
        %add3A_359 = arith.addi %mul3A_137, %add3A_358 : i32
        %dma_wait3A_360 = arith.constant 0 : i32
        %dma_wait3A_361 = tpu.memref_slice %arg7[%add3A_359, %dma_wait3A_360] : memref<40x128xi32, #tpu.memory_space<vmem>> -> memref<1x128xi32, #tpu.memory_space<vmem>>
        %dma_wait3A_362 = tpu.memref_squeeze %dma_wait3A_361 : memref<1x128xi32, #tpu.memory_space<vmem>> -> memref<128xi32, #tpu.memory_space<vmem>>
        %dma_wait3A_363 = arith.constant 0 : i32
        %dma_wait3A_364 = arith.constant 0 : i32
        %dma_wait3A_365 = tpu.memref_slice %arg16[%dma_wait3A_363, %dma_wait3A_364] : memref<10240x32xf32, #tpu.memory_space<vmem_shared>> -> memref<10240x32xf32, #tpu.memory_space<vmem_shared>>
        tpu.wait_indirect_dma semaphore(%arg30 : memref<!tpu.dma_semaphore, #tpu.memory_space<semaphore_mem>>) src(%arg13 : memref<128x32xf32, #tpu.memory_space<vmem>>) dst(%dma_wait3A_365 : memref<10240x32xf32, #tpu.memory_space<vmem_shared>>)
        %add3A_366 = arith.constant 8 : i32
        %add3A_367 = arith.addi %mul3A_137, %add3A_366 : i32
        %add3A_368 = arith.constant 5 : i32
        %add3A_369 = arith.addi %add3A_367, %add3A_368 : i32
        %dma_start3A_370 = arith.constant 0 : i32
        %dma_start3A_371 = tpu.memref_slice %arg6[%add3A_369, %dma_start3A_370] : memref<40x128xi32, #tpu.memory_space<vmem>> -> memref<1x128xi32, #tpu.memory_space<vmem>>
        %dma_start3A_372 = tpu.memref_squeeze %dma_start3A_371 : memref<1x128xi32, #tpu.memory_space<vmem>> -> memref<128xi32, #tpu.memory_space<vmem>>
        %dma_start3A_373 = arith.constant 0 : i32
        %dma_start3A_374 = arith.constant 0 : i32
        %dma_start3A_375 = tpu.memref_slice %arg2[%dma_start3A_373, %dma_start3A_374] : memref<10240x32xf32, #tpu.memory_space<hbm>> -> memref<10240x32xf32, #tpu.memory_space<hbm>>
        tpu.enqueue_indirect_dma source(%dma_start3A_375 : memref<10240x32xf32, #tpu.memory_space<hbm>>) target(%arg13 : memref<128x32xf32, #tpu.memory_space<vmem>>) offsets(%dma_start3A_372 : memref<128xi32, #tpu.memory_space<vmem>>) semaphore(%arg22 : memref<!tpu.dma_semaphore, #tpu.memory_space<semaphore_mem>>)
        %add3A_376 = arith.constant 6 : i32
        %add3A_377 = arith.addi %mul3A_137, %add3A_376 : i32
        %dma_wait3A_378 = arith.constant 0 : i32
        %dma_wait3A_379 = tpu.memref_slice %arg7[%add3A_377, %dma_wait3A_378] : memref<40x128xi32, #tpu.memory_space<vmem>> -> memref<1x128xi32, #tpu.memory_space<vmem>>
        %dma_wait3A_380 = tpu.memref_squeeze %dma_wait3A_379 : memref<1x128xi32, #tpu.memory_space<vmem>> -> memref<128xi32, #tpu.memory_space<vmem>>
        %dma_wait3A_381 = arith.constant 0 : i32
        %dma_wait3A_382 = arith.constant 0 : i32
        %dma_wait3A_383 = tpu.memref_slice %arg16[%dma_wait3A_381, %dma_wait3A_382] : memref<10240x32xf32, #tpu.memory_space<vmem_shared>> -> memref<10240x32xf32, #tpu.memory_space<vmem_shared>>
        tpu.wait_indirect_dma semaphore(%arg31 : memref<!tpu.dma_semaphore, #tpu.memory_space<semaphore_mem>>) src(%arg14 : memref<128x32xf32, #tpu.memory_space<vmem>>) dst(%dma_wait3A_383 : memref<10240x32xf32, #tpu.memory_space<vmem_shared>>)
        %add3A_384 = arith.constant 8 : i32
        %add3A_385 = arith.addi %mul3A_137, %add3A_384 : i32
        %add3A_386 = arith.constant 6 : i32
        %add3A_387 = arith.addi %add3A_385, %add3A_386 : i32
        %dma_start3A_388 = arith.constant 0 : i32
        %dma_start3A_389 = tpu.memref_slice %arg6[%add3A_387, %dma_start3A_388] : memref<40x128xi32, #tpu.memory_space<vmem>> -> memref<1x128xi32, #tpu.memory_space<vmem>>
        %dma_start3A_390 = tpu.memref_squeeze %dma_start3A_389 : memref<1x128xi32, #tpu.memory_space<vmem>> -> memref<128xi32, #tpu.memory_space<vmem>>
        %dma_start3A_391 = arith.constant 0 : i32
        %dma_start3A_392 = arith.constant 0 : i32
        %dma_start3A_393 = tpu.memref_slice %arg2[%dma_start3A_391, %dma_start3A_392] : memref<10240x32xf32, #tpu.memory_space<hbm>> -> memref<10240x32xf32, #tpu.memory_space<hbm>>
        tpu.enqueue_indirect_dma source(%dma_start3A_393 : memref<10240x32xf32, #tpu.memory_space<hbm>>) target(%arg14 : memref<128x32xf32, #tpu.memory_space<vmem>>) offsets(%dma_start3A_390 : memref<128xi32, #tpu.memory_space<vmem>>) semaphore(%arg23 : memref<!tpu.dma_semaphore, #tpu.memory_space<semaphore_mem>>)
        %add3A_394 = arith.constant 7 : i32
        %add3A_395 = arith.addi %mul3A_137, %add3A_394 : i32
        %dma_wait3A_396 = arith.constant 0 : i32
        %dma_wait3A_397 = tpu.memref_slice %arg7[%add3A_395, %dma_wait3A_396] : memref<40x128xi32, #tpu.memory_space<vmem>> -> memref<1x128xi32, #tpu.memory_space<vmem>>
        %dma_wait3A_398 = tpu.memref_squeeze %dma_wait3A_397 : memref<1x128xi32, #tpu.memory_space<vmem>> -> memref<128xi32, #tpu.memory_space<vmem>>
        %dma_wait3A_399 = arith.constant 0 : i32
        %dma_wait3A_400 = arith.constant 0 : i32
        %dma_wait3A_401 = tpu.memref_slice %arg16[%dma_wait3A_399, %dma_wait3A_400] : memref<10240x32xf32, #tpu.memory_space<vmem_shared>> -> memref<10240x32xf32, #tpu.memory_space<vmem_shared>>
        tpu.wait_indirect_dma semaphore(%arg32 : memref<!tpu.dma_semaphore, #tpu.memory_space<semaphore_mem>>) src(%arg15 : memref<128x32xf32, #tpu.memory_space<vmem>>) dst(%dma_wait3A_401 : memref<10240x32xf32, #tpu.memory_space<vmem_shared>>)
        %add3A_402 = arith.constant 8 : i32
        %add3A_403 = arith.addi %mul3A_137, %add3A_402 : i32
        %add3A_404 = arith.constant 7 : i32
        %add3A_405 = arith.addi %add3A_403, %add3A_404 : i32
        %dma_start3A_406 = arith.constant 0 : i32
        %dma_start3A_407 = tpu.memref_slice %arg6[%add3A_405, %dma_start3A_406] : memref<40x128xi32, #tpu.memory_space<vmem>> -> memref<1x128xi32, #tpu.memory_space<vmem>>
        %dma_start3A_408 = tpu.memref_squeeze %dma_start3A_407 : memref<1x128xi32, #tpu.memory_space<vmem>> -> memref<128xi32, #tpu.memory_space<vmem>>
        %dma_start3A_409 = arith.constant 0 : i32
        %dma_start3A_410 = arith.constant 0 : i32
        %dma_start3A_411 = tpu.memref_slice %arg2[%dma_start3A_409, %dma_start3A_410] : memref<10240x32xf32, #tpu.memory_space<hbm>> -> memref<10240x32xf32, #tpu.memory_space<hbm>>
        tpu.enqueue_indirect_dma source(%dma_start3A_411 : memref<10240x32xf32, #tpu.memory_space<hbm>>) target(%arg15 : memref<128x32xf32, #tpu.memory_space<vmem>>) offsets(%dma_start3A_408 : memref<128xi32, #tpu.memory_space<vmem>>) semaphore(%arg24 : memref<!tpu.dma_semaphore, #tpu.memory_space<semaphore_mem>>)
      } else {
      }
    }
    %scan3A_78 = arith.constant 5 : i32
    %dma_wait3A = arith.constant 32 : i32
    %dma_wait3A_79 = arith.constant 0 : i32
    %dma_wait3A_80 = tpu.memref_slice %arg7[%dma_wait3A, %dma_wait3A_79] : memref<40x128xi32, #tpu.memory_space<vmem>> -> memref<1x128xi32, #tpu.memory_space<vmem>>
    %dma_wait3A_81 = tpu.memref_squeeze %dma_wait3A_80 : memref<1x128xi32, #tpu.memory_space<vmem>> -> memref<128xi32, #tpu.memory_space<vmem>>
    %dma_wait3A_82 = arith.constant 0 : i32
    %dma_wait3A_83 = arith.constant 0 : i32
    %dma_wait3A_84 = tpu.memref_slice %arg16[%dma_wait3A_82, %dma_wait3A_83] : memref<10240x32xf32, #tpu.memory_space<vmem_shared>> -> memref<10240x32xf32, #tpu.memory_space<vmem_shared>>
    tpu.wait_indirect_dma semaphore(%arg25 : memref<!tpu.dma_semaphore, #tpu.memory_space<semaphore_mem>>) src(%arg8 : memref<128x32xf32, #tpu.memory_space<vmem>>) dst(%dma_wait3A_84 : memref<10240x32xf32, #tpu.memory_space<vmem_shared>>)
    %dma_wait3A_85 = arith.constant 33 : i32
    %dma_wait3A_86 = arith.constant 0 : i32
    %dma_wait3A_87 = tpu.memref_slice %arg7[%dma_wait3A_85, %dma_wait3A_86] : memref<40x128xi32, #tpu.memory_space<vmem>> -> memref<1x128xi32, #tpu.memory_space<vmem>>
    %dma_wait3A_88 = tpu.memref_squeeze %dma_wait3A_87 : memref<1x128xi32, #tpu.memory_space<vmem>> -> memref<128xi32, #tpu.memory_space<vmem>>
    %dma_wait3A_89 = arith.constant 0 : i32
    %dma_wait3A_90 = arith.constant 0 : i32
    %dma_wait3A_91 = tpu.memref_slice %arg16[%dma_wait3A_89, %dma_wait3A_90] : memref<10240x32xf32, #tpu.memory_space<vmem_shared>> -> memref<10240x32xf32, #tpu.memory_space<vmem_shared>>
    tpu.wait_indirect_dma semaphore(%arg26 : memref<!tpu.dma_semaphore, #tpu.memory_space<semaphore_mem>>) src(%arg9 : memref<128x32xf32, #tpu.memory_space<vmem>>) dst(%dma_wait3A_91 : memref<10240x32xf32, #tpu.memory_space<vmem_shared>>)
    %dma_wait3A_92 = arith.constant 34 : i32
    %dma_wait3A_93 = arith.constant 0 : i32
    %dma_wait3A_94 = tpu.memref_slice %arg7[%dma_wait3A_92, %dma_wait3A_93] : memref<40x128xi32, #tpu.memory_space<vmem>> -> memref<1x128xi32, #tpu.memory_space<vmem>>
    %dma_wait3A_95 = tpu.memref_squeeze %dma_wait3A_94 : memref<1x128xi32, #tpu.memory_space<vmem>> -> memref<128xi32, #tpu.memory_space<vmem>>
    %dma_wait3A_96 = arith.constant 0 : i32
    %dma_wait3A_97 = arith.constant 0 : i32
    %dma_wait3A_98 = tpu.memref_slice %arg16[%dma_wait3A_96, %dma_wait3A_97] : memref<10240x32xf32, #tpu.memory_space<vmem_shared>> -> memref<10240x32xf32, #tpu.memory_space<vmem_shared>>
    tpu.wait_indirect_dma semaphore(%arg27 : memref<!tpu.dma_semaphore, #tpu.memory_space<semaphore_mem>>) src(%arg10 : memref<128x32xf32, #tpu.memory_space<vmem>>) dst(%dma_wait3A_98 : memref<10240x32xf32, #tpu.memory_space<vmem_shared>>)
    %dma_wait3A_99 = arith.constant 35 : i32
    %dma_wait3A_100 = arith.constant 0 : i32
    %dma_wait3A_101 = tpu.memref_slice %arg7[%dma_wait3A_99, %dma_wait3A_100] : memref<40x128xi32, #tpu.memory_space<vmem>> -> memref<1x128xi32, #tpu.memory_space<vmem>>
    %dma_wait3A_102 = tpu.memref_squeeze %dma_wait3A_101 : memref<1x128xi32, #tpu.memory_space<vmem>> -> memref<128xi32, #tpu.memory_space<vmem>>
    %dma_wait3A_103 = arith.constant 0 : i32
    %dma_wait3A_104 = arith.constant 0 : i32
    %dma_wait3A_105 = tpu.memref_slice %arg16[%dma_wait3A_103, %dma_wait3A_104] : memref<10240x32xf32, #tpu.memory_space<vmem_shared>> -> memref<10240x32xf32, #tpu.memory_space<vmem_shared>>
    tpu.wait_indirect_dma semaphore(%arg28 : memref<!tpu.dma_semaphore, #tpu.memory_space<semaphore_mem>>) src(%arg11 : memref<128x32xf32, #tpu.memory_space<vmem>>) dst(%dma_wait3A_105 : memref<10240x32xf32, #tpu.memory_space<vmem_shared>>)
    %dma_wait3A_106 = arith.constant 36 : i32
    %dma_wait3A_107 = arith.constant 0 : i32
    %dma_wait3A_108 = tpu.memref_slice %arg7[%dma_wait3A_106, %dma_wait3A_107] : memref<40x128xi32, #tpu.memory_space<vmem>> -> memref<1x128xi32, #tpu.memory_space<vmem>>
    %dma_wait3A_109 = tpu.memref_squeeze %dma_wait3A_108 : memref<1x128xi32, #tpu.memory_space<vmem>> -> memref<128xi32, #tpu.memory_space<vmem>>
    %dma_wait3A_110 = arith.constant 0 : i32
    %dma_wait3A_111 = arith.constant 0 : i32
    %dma_wait3A_112 = tpu.memref_slice %arg16[%dma_wait3A_110, %dma_wait3A_111] : memref<10240x32xf32, #tpu.memory_space<vmem_shared>> -> memref<10240x32xf32, #tpu.memory_space<vmem_shared>>
    tpu.wait_indirect_dma semaphore(%arg29 : memref<!tpu.dma_semaphore, #tpu.memory_space<semaphore_mem>>) src(%arg12 : memref<128x32xf32, #tpu.memory_space<vmem>>) dst(%dma_wait3A_112 : memref<10240x32xf32, #tpu.memory_space<vmem_shared>>)
    %dma_wait3A_113 = arith.constant 37 : i32
    %dma_wait3A_114 = arith.constant 0 : i32
    %dma_wait3A_115 = tpu.memref_slice %arg7[%dma_wait3A_113, %dma_wait3A_114] : memref<40x128xi32, #tpu.memory_space<vmem>> -> memref<1x128xi32, #tpu.memory_space<vmem>>
    %dma_wait3A_116 = tpu.memref_squeeze %dma_wait3A_115 : memref<1x128xi32, #tpu.memory_space<vmem>> -> memref<128xi32, #tpu.memory_space<vmem>>
    %dma_wait3A_117 = arith.constant 0 : i32
    %dma_wait3A_118 = arith.constant 0 : i32
    %dma_wait3A_119 = tpu.memref_slice %arg16[%dma_wait3A_117, %dma_wait3A_118] : memref<10240x32xf32, #tpu.memory_space<vmem_shared>> -> memref<10240x32xf32, #tpu.memory_space<vmem_shared>>
    tpu.wait_indirect_dma semaphore(%arg30 : memref<!tpu.dma_semaphore, #tpu.memory_space<semaphore_mem>>) src(%arg13 : memref<128x32xf32, #tpu.memory_space<vmem>>) dst(%dma_wait3A_119 : memref<10240x32xf32, #tpu.memory_space<vmem_shared>>)
    %dma_wait3A_120 = arith.constant 38 : i32
    %dma_wait3A_121 = arith.constant 0 : i32
    %dma_wait3A_122 = tpu.memref_slice %arg7[%dma_wait3A_120, %dma_wait3A_121] : memref<40x128xi32, #tpu.memory_space<vmem>> -> memref<1x128xi32, #tpu.memory_space<vmem>>
    %dma_wait3A_123 = tpu.memref_squeeze %dma_wait3A_122 : memref<1x128xi32, #tpu.memory_space<vmem>> -> memref<128xi32, #tpu.memory_space<vmem>>
    %dma_wait3A_124 = arith.constant 0 : i32
    %dma_wait3A_125 = arith.constant 0 : i32
    %dma_wait3A_126 = tpu.memref_slice %arg16[%dma_wait3A_124, %dma_wait3A_125] : memref<10240x32xf32, #tpu.memory_space<vmem_shared>> -> memref<10240x32xf32, #tpu.memory_space<vmem_shared>>
    tpu.wait_indirect_dma semaphore(%arg31 : memref<!tpu.dma_semaphore, #tpu.memory_space<semaphore_mem>>) src(%arg14 : memref<128x32xf32, #tpu.memory_space<vmem>>) dst(%dma_wait3A_126 : memref<10240x32xf32, #tpu.memory_space<vmem_shared>>)
    %dma_wait3A_127 = arith.constant 39 : i32
    %dma_wait3A_128 = arith.constant 0 : i32
    %dma_wait3A_129 = tpu.memref_slice %arg7[%dma_wait3A_127, %dma_wait3A_128] : memref<40x128xi32, #tpu.memory_space<vmem>> -> memref<1x128xi32, #tpu.memory_space<vmem>>
    %dma_wait3A_130 = tpu.memref_squeeze %dma_wait3A_129 : memref<1x128xi32, #tpu.memory_space<vmem>> -> memref<128xi32, #tpu.memory_space<vmem>>
    %dma_wait3A_131 = arith.constant 0 : i32
    %dma_wait3A_132 = arith.constant 0 : i32
    %dma_wait3A_133 = tpu.memref_slice %arg16[%dma_wait3A_131, %dma_wait3A_132] : memref<10240x32xf32, #tpu.memory_space<vmem_shared>> -> memref<10240x32xf32, #tpu.memory_space<vmem_shared>>
    tpu.wait_indirect_dma semaphore(%arg32 : memref<!tpu.dma_semaphore, #tpu.memory_space<semaphore_mem>>) src(%arg15 : memref<128x32xf32, #tpu.memory_space<vmem>>) dst(%dma_wait3A_133 : memref<10240x32xf32, #tpu.memory_space<vmem_shared>>)
    %barrier3A_134 = arith.constant 0 : index
    tpu.barrier barrier_id(%barrier3A_134)
    "tpu.region"() ({
      %run_scoped3A = tpu.sem_alloc : memref<!tpu.dma_semaphore, #tpu.memory_space<semaphore_mem>>
      %dma_start3A_135 = arith.constant 0 : i32
      %dma_start3A_136 = tpu.memref_slice %arg5[%arg0, %mul3A_7, %dma_start3A_135] : memref<2x10240x32xf32, #tpu.memory_space<hbm>> -> memref<1x640x32xf32, #tpu.memory_space<hbm>>
      %dma_start3A_137 = tpu.memref_squeeze %dma_start3A_136 : memref<1x640x32xf32, #tpu.memory_space<hbm>> -> memref<640x32xf32, #tpu.memory_space<hbm>>
      %dma_start3A_138 = arith.constant 0 : i32
      %dma_start3A_139 = tpu.memref_slice %arg16[%mul3A_7, %dma_start3A_138] : memref<10240x32xf32, #tpu.memory_space<vmem_shared>> -> memref<640x32xf32, #tpu.memory_space<vmem_shared>>
      tpu.enqueue_dma source(%dma_start3A_139 : memref<640x32xf32, #tpu.memory_space<vmem_shared>>) target(%dma_start3A_137 : memref<640x32xf32, #tpu.memory_space<hbm>>) target_semaphore(%run_scoped3A : memref<!tpu.dma_semaphore, #tpu.memory_space<semaphore_mem>>)
      %dma_wait3A_140 = arith.constant 0 : i32
      %dma_wait3A_141 = tpu.memref_slice %arg5[%arg0, %mul3A_7, %dma_wait3A_140] : memref<2x10240x32xf32, #tpu.memory_space<hbm>> -> memref<1x640x32xf32, #tpu.memory_space<hbm>>
      %dma_wait3A_142 = tpu.memref_squeeze %dma_wait3A_141 : memref<1x640x32xf32, #tpu.memory_space<hbm>> -> memref<640x32xf32, #tpu.memory_space<hbm>>
      %dma_wait3A_143 = arith.constant 0 : i32
      %dma_wait3A_144 = tpu.memref_slice %arg16[%mul3A_7, %dma_wait3A_143] : memref<10240x32xf32, #tpu.memory_space<vmem_shared>> -> memref<640x32xf32, #tpu.memory_space<vmem_shared>>
      tpu.wait_dma2 semaphore(%run_scoped3A : memref<!tpu.dma_semaphore, #tpu.memory_space<semaphore_mem>>) src(%dma_wait3A_144 : memref<640x32xf32, #tpu.memory_space<vmem_shared>>) dst(%dma_wait3A_142 : memref<640x32xf32, #tpu.memory_space<hbm>>)
      tpu.yield
    }) : () -> ()
    return
  }
}

#map = affine_map<(d0, d1) -> (0, 0)>
#map1 = affine_map<(d0, d1) -> (0, 0, 0)>
module attributes {stable_mosaic.version = 14 : i64} {
  func.func @_edge_agg_cs_body(%arg0: i32, %arg1: i32, %arg2: memref<20000x64xf32, #tpu.memory_space<hbm>>, %arg3: memref<16x40x256xi32, #tpu.memory_space<hbm>>, %arg4: memref<16x40x256xi32, #tpu.memory_space<hbm>>, %arg5: memref<2x10240x64xf32, #tpu.memory_space<hbm>>, %arg6: memref<40x256xi32, #tpu.memory_space<vmem>>, %arg7: memref<40x256xi32, #tpu.memory_space<vmem>>, %arg8: memref<256x64xf32, #tpu.memory_space<vmem>>, %arg9: memref<256x64xf32, #tpu.memory_space<vmem>>, %arg10: memref<256x64xf32, #tpu.memory_space<vmem>>, %arg11: memref<256x64xf32, #tpu.memory_space<vmem>>, %arg12: memref<10240x64xf32, #tpu.memory_space<vmem_shared>>, %arg13: memref<!tpu.dma_semaphore, #tpu.memory_space<semaphore_mem>>, %arg14: memref<!tpu.dma_semaphore, #tpu.memory_space<semaphore_mem>>, %arg15: memref<!tpu.dma_semaphore, #tpu.memory_space<semaphore_mem>>, %arg16: memref<!tpu.dma_semaphore, #tpu.memory_space<semaphore_mem>>, %arg17: memref<!tpu.dma_semaphore, #tpu.memory_space<semaphore_mem>>, %arg18: memref<!tpu.dma_semaphore, #tpu.memory_space<semaphore_mem>>, %arg19: memref<!tpu.dma_semaphore, #tpu.memory_space<semaphore_mem>>, %arg20: memref<!tpu.dma_semaphore, #tpu.memory_space<semaphore_mem>>) attributes {dimension_semantics = [#tpu.dimension_semantics<core_parallel>, #tpu.dimension_semantics<subcore_parallel>], iteration_bounds = array<i64: 2, 16>, scalar_prefetch = 0 : i64, scratch_operands = 15 : i64, tpu.core_type = #tpu.core_type<sc_vector_subcore>, window_params = [{transform_indices = #map}, {transform_indices = #map1}, {transform_indices = #map1}, {transform_indices = #map1}]} {
    %scan3A = arith.constant 0 : i32
    %scan3A_0 = arith.constant 0 : i32
    %scan3A_1 = arith.constant 128 : i32
    %scan3A_2 = arith.addi %scan3A_0, %scan3A_1 : i32
    %scan3A_3 = arith.constant 1 : i32
    scf.for %scan3A_82 = %scan3A_0 to %scan3A_2 step %scan3A_3  : i32 {
      %broadcast_in_dim3A = arith.constant 0.000000e+00 : f32
      %broadcast_in_dim3A_83 = vector.broadcast %broadcast_in_dim3A : f32 to vector<16xf32>
      %swap3A = arith.index_cast %scan3A_82 : i32 to index
      %swap3A_84 = arith.constant 0 : index
      %swap3A_85 = tpu.vector_load %arg8[%swap3A, %swap3A_84] {strides = array<i32>} : memref<256x64xf32, #tpu.memory_space<vmem>>, vector<1x16xf32>,
      %swap3A_86 = vector.shape_cast %swap3A_85 : vector<1x16xf32> to vector<16xf32>
      %swap3A_87 = vector.shape_cast %broadcast_in_dim3A_83 : vector<16xf32> to vector<1x16xf32>
      tpu.vector_store %arg8[%swap3A, %swap3A_84], %swap3A_87 {strides = array<i32>} : memref<256x64xf32, #tpu.memory_space<vmem>>, vector<1x16xf32>,
      %broadcast_in_dim3A_88 = arith.constant 0.000000e+00 : f32
      %broadcast_in_dim3A_89 = vector.broadcast %broadcast_in_dim3A_88 : f32 to vector<16xf32>
      %swap3A_90 = arith.index_cast %scan3A_82 : i32 to index
      %swap3A_91 = arith.constant 16 : index
      %swap3A_92 = tpu.vector_load %arg8[%swap3A_90, %swap3A_91] {strides = array<i32>} : memref<256x64xf32, #tpu.memory_space<vmem>>, vector<1x16xf32>,
      %swap3A_93 = vector.shape_cast %swap3A_92 : vector<1x16xf32> to vector<16xf32>
      %swap3A_94 = vector.shape_cast %broadcast_in_dim3A_89 : vector<16xf32> to vector<1x16xf32>
      tpu.vector_store %arg8[%swap3A_90, %swap3A_91], %swap3A_94 {strides = array<i32>} : memref<256x64xf32, #tpu.memory_space<vmem>>, vector<1x16xf32>,
      %broadcast_in_dim3A_95 = arith.constant 0.000000e+00 : f32
      %broadcast_in_dim3A_96 = vector.broadcast %broadcast_in_dim3A_95 : f32 to vector<16xf32>
      %swap3A_97 = arith.index_cast %scan3A_82 : i32 to index
      %swap3A_98 = arith.constant 32 : index
      %swap3A_99 = tpu.vector_load %arg8[%swap3A_97, %swap3A_98] {strides = array<i32>} : memref<256x64xf32, #tpu.memory_space<vmem>>, vector<1x16xf32>,
      %swap3A_100 = vector.shape_cast %swap3A_99 : vector<1x16xf32> to vector<16xf32>
      %swap3A_101 = vector.shape_cast %broadcast_in_dim3A_96 : vector<16xf32> to vector<1x16xf32>
      tpu.vector_store %arg8[%swap3A_97, %swap3A_98], %swap3A_101 {strides = array<i32>} : memref<256x64xf32, #tpu.memory_space<vmem>>, vector<1x16xf32>,
      %broadcast_in_dim3A_102 = arith.constant 0.000000e+00 : f32
      %broadcast_in_dim3A_103 = vector.broadcast %broadcast_in_dim3A_102 : f32 to vector<16xf32>
      %swap3A_104 = arith.index_cast %scan3A_82 : i32 to index
      %swap3A_105 = arith.constant 48 : index
      %swap3A_106 = tpu.vector_load %arg8[%swap3A_104, %swap3A_105] {strides = array<i32>} : memref<256x64xf32, #tpu.memory_space<vmem>>, vector<1x16xf32>,
      %swap3A_107 = vector.shape_cast %swap3A_106 : vector<1x16xf32> to vector<16xf32>
      %swap3A_108 = vector.shape_cast %broadcast_in_dim3A_103 : vector<16xf32> to vector<1x16xf32>
      tpu.vector_store %arg8[%swap3A_104, %swap3A_105], %swap3A_108 {strides = array<i32>} : memref<256x64xf32, #tpu.memory_space<vmem>>, vector<1x16xf32>,
    }
    %scan3A_4 = arith.constant 128 : i32
    %mul3A = arith.constant 640 : i32
    %mul3A_5 = arith.muli %arg1, %mul3A : i32
    %add3A = arith.constant 0 : i32
    %add3A_6 = arith.addi %mul3A_5, %add3A : i32
    "tpu.region"() ({
      %run_scoped3A = tpu.sem_alloc : memref<!tpu.dma_semaphore, #tpu.memory_space<semaphore_mem>>
      %dma_start3A_82 = arith.constant 0 : i32
      %dma_start3A_83 = arith.constant 0 : i32
      %dma_start3A_84 = tpu.memref_slice %arg8[%dma_start3A_82, %dma_start3A_83] : memref<256x64xf32, #tpu.memory_space<vmem>> -> memref<128x64xf32, #tpu.memory_space<vmem>>
      %dma_start3A_85 = arith.constant 0 : i32
      %dma_start3A_86 = tpu.memref_slice %arg12[%add3A_6, %dma_start3A_85] : memref<10240x64xf32, #tpu.memory_space<vmem_shared>> -> memref<128x64xf32, #tpu.memory_space<vmem_shared>>
      %dma_start3A_87 = arith.constant 0 : i32
      %dma_start3A_88 = tpu.memref_slice %arg12[%add3A_6, %dma_start3A_87] : memref<10240x64xf32, #tpu.memory_space<vmem_shared>> -> memref<128x64xf32, #tpu.memory_space<vmem_shared>>
      %dma_start3A_89 = arith.constant 0 : i32
      %dma_start3A_90 = arith.constant 0 : i32
      %dma_start3A_91 = tpu.memref_slice %arg8[%dma_start3A_89, %dma_start3A_90] : memref<256x64xf32, #tpu.memory_space<vmem>> -> memref<128x64xf32, #tpu.memory_space<vmem>>
      tpu.enqueue_dma source(%dma_start3A_91 : memref<128x64xf32, #tpu.memory_space<vmem>>) target(%dma_start3A_88 : memref<128x64xf32, #tpu.memory_space<vmem_shared>>) target_semaphore(%run_scoped3A : memref<!tpu.dma_semaphore, #tpu.memory_space<semaphore_mem>>)
      %dma_wait3A_92 = arith.constant 0 : i32
      %dma_wait3A_93 = arith.constant 0 : i32
      %dma_wait3A_94 = tpu.memref_slice %arg8[%dma_wait3A_92, %dma_wait3A_93] : memref<256x64xf32, #tpu.memory_space<vmem>> -> memref<128x64xf32, #tpu.memory_space<vmem>>
      %dma_wait3A_95 = arith.constant 0 : i32
      %dma_wait3A_96 = tpu.memref_slice %arg12[%add3A_6, %dma_wait3A_95] : memref<10240x64xf32, #tpu.memory_space<vmem_shared>> -> memref<128x64xf32, #tpu.memory_space<vmem_shared>>
      %dma_wait3A_97 = arith.constant 0 : i32
      %dma_wait3A_98 = tpu.memref_slice %arg12[%add3A_6, %dma_wait3A_97] : memref<10240x64xf32, #tpu.memory_space<vmem_shared>> -> memref<128x64xf32, #tpu.memory_space<vmem_shared>>
      %dma_wait3A_99 = arith.constant 0 : i32
      %dma_wait3A_100 = arith.constant 0 : i32
      %dma_wait3A_101 = tpu.memref_slice %arg8[%dma_wait3A_99, %dma_wait3A_100] : memref<256x64xf32, #tpu.memory_space<vmem>> -> memref<128x64xf32, #tpu.memory_space<vmem>>
      tpu.wait_dma2 semaphore(%run_scoped3A : memref<!tpu.dma_semaphore, #tpu.memory_space<semaphore_mem>>) src(%dma_wait3A_101 : memref<128x64xf32, #tpu.memory_space<vmem>>) dst(%dma_wait3A_98 : memref<128x64xf32, #tpu.memory_space<vmem_shared>>)
      tpu.yield
    }) : () -> ()
    %add3A_7 = arith.constant 128 : i32
    %add3A_8 = arith.addi %mul3A_5, %add3A_7 : i32
    "tpu.region"() ({
      %run_scoped3A = tpu.sem_alloc : memref<!tpu.dma_semaphore, #tpu.memory_space<semaphore_mem>>
      %dma_start3A_82 = arith.constant 0 : i32
      %dma_start3A_83 = arith.constant 0 : i32
      %dma_start3A_84 = tpu.memref_slice %arg8[%dma_start3A_82, %dma_start3A_83] : memref<256x64xf32, #tpu.memory_space<vmem>> -> memref<128x64xf32, #tpu.memory_space<vmem>>
      %dma_start3A_85 = arith.constant 0 : i32
      %dma_start3A_86 = tpu.memref_slice %arg12[%add3A_8, %dma_start3A_85] : memref<10240x64xf32, #tpu.memory_space<vmem_shared>> -> memref<128x64xf32, #tpu.memory_space<vmem_shared>>
      %dma_start3A_87 = arith.constant 0 : i32
      %dma_start3A_88 = tpu.memref_slice %arg12[%add3A_8, %dma_start3A_87] : memref<10240x64xf32, #tpu.memory_space<vmem_shared>> -> memref<128x64xf32, #tpu.memory_space<vmem_shared>>
      %dma_start3A_89 = arith.constant 0 : i32
      %dma_start3A_90 = arith.constant 0 : i32
      %dma_start3A_91 = tpu.memref_slice %arg8[%dma_start3A_89, %dma_start3A_90] : memref<256x64xf32, #tpu.memory_space<vmem>> -> memref<128x64xf32, #tpu.memory_space<vmem>>
      tpu.enqueue_dma source(%dma_start3A_91 : memref<128x64xf32, #tpu.memory_space<vmem>>) target(%dma_start3A_88 : memref<128x64xf32, #tpu.memory_space<vmem_shared>>) target_semaphore(%run_scoped3A : memref<!tpu.dma_semaphore, #tpu.memory_space<semaphore_mem>>)
      %dma_wait3A_92 = arith.constant 0 : i32
      %dma_wait3A_93 = arith.constant 0 : i32
      %dma_wait3A_94 = tpu.memref_slice %arg8[%dma_wait3A_92, %dma_wait3A_93] : memref<256x64xf32, #tpu.memory_space<vmem>> -> memref<128x64xf32, #tpu.memory_space<vmem>>
      %dma_wait3A_95 = arith.constant 0 : i32
      %dma_wait3A_96 = tpu.memref_slice %arg12[%add3A_8, %dma_wait3A_95] : memref<10240x64xf32, #tpu.memory_space<vmem_shared>> -> memref<128x64xf32, #tpu.memory_space<vmem_shared>>
      %dma_wait3A_97 = arith.constant 0 : i32
      %dma_wait3A_98 = tpu.memref_slice %arg12[%add3A_8, %dma_wait3A_97] : memref<10240x64xf32, #tpu.memory_space<vmem_shared>> -> memref<128x64xf32, #tpu.memory_space<vmem_shared>>
      %dma_wait3A_99 = arith.constant 0 : i32
      %dma_wait3A_100 = arith.constant 0 : i32
      %dma_wait3A_101 = tpu.memref_slice %arg8[%dma_wait3A_99, %dma_wait3A_100] : memref<256x64xf32, #tpu.memory_space<vmem>> -> memref<128x64xf32, #tpu.memory_space<vmem>>
      tpu.wait_dma2 semaphore(%run_scoped3A : memref<!tpu.dma_semaphore, #tpu.memory_space<semaphore_mem>>) src(%dma_wait3A_101 : memref<128x64xf32, #tpu.memory_space<vmem>>) dst(%dma_wait3A_98 : memref<128x64xf32, #tpu.memory_space<vmem_shared>>)
      tpu.yield
    }) : () -> ()
    %add3A_9 = arith.constant 256 : i32
    %add3A_10 = arith.addi %mul3A_5, %add3A_9 : i32
    "tpu.region"() ({
      %run_scoped3A = tpu.sem_alloc : memref<!tpu.dma_semaphore, #tpu.memory_space<semaphore_mem>>
      %dma_start3A_82 = arith.constant 0 : i32
      %dma_start3A_83 = arith.constant 0 : i32
      %dma_start3A_84 = tpu.memref_slice %arg8[%dma_start3A_82, %dma_start3A_83] : memref<256x64xf32, #tpu.memory_space<vmem>> -> memref<128x64xf32, #tpu.memory_space<vmem>>
      %dma_start3A_85 = arith.constant 0 : i32
      %dma_start3A_86 = tpu.memref_slice %arg12[%add3A_10, %dma_start3A_85] : memref<10240x64xf32, #tpu.memory_space<vmem_shared>> -> memref<128x64xf32, #tpu.memory_space<vmem_shared>>
      %dma_start3A_87 = arith.constant 0 : i32
      %dma_start3A_88 = tpu.memref_slice %arg12[%add3A_10, %dma_start3A_87] : memref<10240x64xf32, #tpu.memory_space<vmem_shared>> -> memref<128x64xf32, #tpu.memory_space<vmem_shared>>
      %dma_start3A_89 = arith.constant 0 : i32
      %dma_start3A_90 = arith.constant 0 : i32
      %dma_start3A_91 = tpu.memref_slice %arg8[%dma_start3A_89, %dma_start3A_90] : memref<256x64xf32, #tpu.memory_space<vmem>> -> memref<128x64xf32, #tpu.memory_space<vmem>>
      tpu.enqueue_dma source(%dma_start3A_91 : memref<128x64xf32, #tpu.memory_space<vmem>>) target(%dma_start3A_88 : memref<128x64xf32, #tpu.memory_space<vmem_shared>>) target_semaphore(%run_scoped3A : memref<!tpu.dma_semaphore, #tpu.memory_space<semaphore_mem>>)
      %dma_wait3A_92 = arith.constant 0 : i32
      %dma_wait3A_93 = arith.constant 0 : i32
      %dma_wait3A_94 = tpu.memref_slice %arg8[%dma_wait3A_92, %dma_wait3A_93] : memref<256x64xf32, #tpu.memory_space<vmem>> -> memref<128x64xf32, #tpu.memory_space<vmem>>
      %dma_wait3A_95 = arith.constant 0 : i32
      %dma_wait3A_96 = tpu.memref_slice %arg12[%add3A_10, %dma_wait3A_95] : memref<10240x64xf32, #tpu.memory_space<vmem_shared>> -> memref<128x64xf32, #tpu.memory_space<vmem_shared>>
      %dma_wait3A_97 = arith.constant 0 : i32
      %dma_wait3A_98 = tpu.memref_slice %arg12[%add3A_10, %dma_wait3A_97] : memref<10240x64xf32, #tpu.memory_space<vmem_shared>> -> memref<128x64xf32, #tpu.memory_space<vmem_shared>>
      %dma_wait3A_99 = arith.constant 0 : i32
      %dma_wait3A_100 = arith.constant 0 : i32
      %dma_wait3A_101 = tpu.memref_slice %arg8[%dma_wait3A_99, %dma_wait3A_100] : memref<256x64xf32, #tpu.memory_space<vmem>> -> memref<128x64xf32, #tpu.memory_space<vmem>>
      tpu.wait_dma2 semaphore(%run_scoped3A : memref<!tpu.dma_semaphore, #tpu.memory_space<semaphore_mem>>) src(%dma_wait3A_101 : memref<128x64xf32, #tpu.memory_space<vmem>>) dst(%dma_wait3A_98 : memref<128x64xf32, #tpu.memory_space<vmem_shared>>)
      tpu.yield
    }) : () -> ()
    %add3A_11 = arith.constant 384 : i32
    %add3A_12 = arith.addi %mul3A_5, %add3A_11 : i32
    "tpu.region"() ({
      %run_scoped3A = tpu.sem_alloc : memref<!tpu.dma_semaphore, #tpu.memory_space<semaphore_mem>>
      %dma_start3A_82 = arith.constant 0 : i32
      %dma_start3A_83 = arith.constant 0 : i32
      %dma_start3A_84 = tpu.memref_slice %arg8[%dma_start3A_82, %dma_start3A_83] : memref<256x64xf32, #tpu.memory_space<vmem>> -> memref<128x64xf32, #tpu.memory_space<vmem>>
      %dma_start3A_85 = arith.constant 0 : i32
      %dma_start3A_86 = tpu.memref_slice %arg12[%add3A_12, %dma_start3A_85] : memref<10240x64xf32, #tpu.memory_space<vmem_shared>> -> memref<128x64xf32, #tpu.memory_space<vmem_shared>>
      %dma_start3A_87 = arith.constant 0 : i32
      %dma_start3A_88 = tpu.memref_slice %arg12[%add3A_12, %dma_start3A_87] : memref<10240x64xf32, #tpu.memory_space<vmem_shared>> -> memref<128x64xf32, #tpu.memory_space<vmem_shared>>
      %dma_start3A_89 = arith.constant 0 : i32
      %dma_start3A_90 = arith.constant 0 : i32
      %dma_start3A_91 = tpu.memref_slice %arg8[%dma_start3A_89, %dma_start3A_90] : memref<256x64xf32, #tpu.memory_space<vmem>> -> memref<128x64xf32, #tpu.memory_space<vmem>>
      tpu.enqueue_dma source(%dma_start3A_91 : memref<128x64xf32, #tpu.memory_space<vmem>>) target(%dma_start3A_88 : memref<128x64xf32, #tpu.memory_space<vmem_shared>>) target_semaphore(%run_scoped3A : memref<!tpu.dma_semaphore, #tpu.memory_space<semaphore_mem>>)
      %dma_wait3A_92 = arith.constant 0 : i32
      %dma_wait3A_93 = arith.constant 0 : i32
      %dma_wait3A_94 = tpu.memref_slice %arg8[%dma_wait3A_92, %dma_wait3A_93] : memref<256x64xf32, #tpu.memory_space<vmem>> -> memref<128x64xf32, #tpu.memory_space<vmem>>
      %dma_wait3A_95 = arith.constant 0 : i32
      %dma_wait3A_96 = tpu.memref_slice %arg12[%add3A_12, %dma_wait3A_95] : memref<10240x64xf32, #tpu.memory_space<vmem_shared>> -> memref<128x64xf32, #tpu.memory_space<vmem_shared>>
      %dma_wait3A_97 = arith.constant 0 : i32
      %dma_wait3A_98 = tpu.memref_slice %arg12[%add3A_12, %dma_wait3A_97] : memref<10240x64xf32, #tpu.memory_space<vmem_shared>> -> memref<128x64xf32, #tpu.memory_space<vmem_shared>>
      %dma_wait3A_99 = arith.constant 0 : i32
      %dma_wait3A_100 = arith.constant 0 : i32
      %dma_wait3A_101 = tpu.memref_slice %arg8[%dma_wait3A_99, %dma_wait3A_100] : memref<256x64xf32, #tpu.memory_space<vmem>> -> memref<128x64xf32, #tpu.memory_space<vmem>>
      tpu.wait_dma2 semaphore(%run_scoped3A : memref<!tpu.dma_semaphore, #tpu.memory_space<semaphore_mem>>) src(%dma_wait3A_101 : memref<128x64xf32, #tpu.memory_space<vmem>>) dst(%dma_wait3A_98 : memref<128x64xf32, #tpu.memory_space<vmem_shared>>)
      tpu.yield
    }) : () -> ()
    %add3A_13 = arith.constant 512 : i32
    %add3A_14 = arith.addi %mul3A_5, %add3A_13 : i32
    "tpu.region"() ({
      %run_scoped3A = tpu.sem_alloc : memref<!tpu.dma_semaphore, #tpu.memory_space<semaphore_mem>>
      %dma_start3A_82 = arith.constant 0 : i32
      %dma_start3A_83 = arith.constant 0 : i32
      %dma_start3A_84 = tpu.memref_slice %arg8[%dma_start3A_82, %dma_start3A_83] : memref<256x64xf32, #tpu.memory_space<vmem>> -> memref<128x64xf32, #tpu.memory_space<vmem>>
      %dma_start3A_85 = arith.constant 0 : i32
      %dma_start3A_86 = tpu.memref_slice %arg12[%add3A_14, %dma_start3A_85] : memref<10240x64xf32, #tpu.memory_space<vmem_shared>> -> memref<128x64xf32, #tpu.memory_space<vmem_shared>>
      %dma_start3A_87 = arith.constant 0 : i32
      %dma_start3A_88 = tpu.memref_slice %arg12[%add3A_14, %dma_start3A_87] : memref<10240x64xf32, #tpu.memory_space<vmem_shared>> -> memref<128x64xf32, #tpu.memory_space<vmem_shared>>
      %dma_start3A_89 = arith.constant 0 : i32
      %dma_start3A_90 = arith.constant 0 : i32
      %dma_start3A_91 = tpu.memref_slice %arg8[%dma_start3A_89, %dma_start3A_90] : memref<256x64xf32, #tpu.memory_space<vmem>> -> memref<128x64xf32, #tpu.memory_space<vmem>>
      tpu.enqueue_dma source(%dma_start3A_91 : memref<128x64xf32, #tpu.memory_space<vmem>>) target(%dma_start3A_88 : memref<128x64xf32, #tpu.memory_space<vmem_shared>>) target_semaphore(%run_scoped3A : memref<!tpu.dma_semaphore, #tpu.memory_space<semaphore_mem>>)
      %dma_wait3A_92 = arith.constant 0 : i32
      %dma_wait3A_93 = arith.constant 0 : i32
      %dma_wait3A_94 = tpu.memref_slice %arg8[%dma_wait3A_92, %dma_wait3A_93] : memref<256x64xf32, #tpu.memory_space<vmem>> -> memref<128x64xf32, #tpu.memory_space<vmem>>
      %dma_wait3A_95 = arith.constant 0 : i32
      %dma_wait3A_96 = tpu.memref_slice %arg12[%add3A_14, %dma_wait3A_95] : memref<10240x64xf32, #tpu.memory_space<vmem_shared>> -> memref<128x64xf32, #tpu.memory_space<vmem_shared>>
      %dma_wait3A_97 = arith.constant 0 : i32
      %dma_wait3A_98 = tpu.memref_slice %arg12[%add3A_14, %dma_wait3A_97] : memref<10240x64xf32, #tpu.memory_space<vmem_shared>> -> memref<128x64xf32, #tpu.memory_space<vmem_shared>>
      %dma_wait3A_99 = arith.constant 0 : i32
      %dma_wait3A_100 = arith.constant 0 : i32
      %dma_wait3A_101 = tpu.memref_slice %arg8[%dma_wait3A_99, %dma_wait3A_100] : memref<256x64xf32, #tpu.memory_space<vmem>> -> memref<128x64xf32, #tpu.memory_space<vmem>>
      tpu.wait_dma2 semaphore(%run_scoped3A : memref<!tpu.dma_semaphore, #tpu.memory_space<semaphore_mem>>) src(%dma_wait3A_101 : memref<128x64xf32, #tpu.memory_space<vmem>>) dst(%dma_wait3A_98 : memref<128x64xf32, #tpu.memory_space<vmem_shared>>)
      tpu.yield
    }) : () -> ()
    "tpu.region"() ({
      %run_scoped3A = tpu.sem_alloc : memref<!tpu.dma_semaphore, #tpu.memory_space<semaphore_mem>>
      %dma_start3A_82 = arith.constant 0 : i32
      %dma_start3A_83 = arith.constant 0 : i32
      %dma_start3A_84 = tpu.memref_slice %arg3[%arg1, %dma_start3A_82, %dma_start3A_83] : memref<16x40x256xi32, #tpu.memory_space<hbm>> -> memref<1x40x256xi32, #tpu.memory_space<hbm>>
      %dma_start3A_85 = tpu.memref_squeeze %dma_start3A_84 : memref<1x40x256xi32, #tpu.memory_space<hbm>> -> memref<40x256xi32, #tpu.memory_space<hbm>>
      %dma_start3A_86 = arith.constant 0 : i32
      %dma_start3A_87 = arith.constant 0 : i32
      %dma_start3A_88 = tpu.memref_slice %arg3[%arg1, %dma_start3A_86, %dma_start3A_87] : memref<16x40x256xi32, #tpu.memory_space<hbm>> -> memref<1x40x256xi32, #tpu.memory_space<hbm>>
      %dma_start3A_89 = tpu.memref_squeeze %dma_start3A_88 : memref<1x40x256xi32, #tpu.memory_space<hbm>> -> memref<40x256xi32, #tpu.memory_space<hbm>>
      tpu.enqueue_dma source(%dma_start3A_89 : memref<40x256xi32, #tpu.memory_space<hbm>>) target(%arg6 : memref<40x256xi32, #tpu.memory_space<vmem>>) target_semaphore(%run_scoped3A : memref<!tpu.dma_semaphore, #tpu.memory_space<semaphore_mem>>)
      %dma_wait3A_90 = arith.constant 0 : i32
      %dma_wait3A_91 = arith.constant 0 : i32
      %dma_wait3A_92 = tpu.memref_slice %arg3[%arg1, %dma_wait3A_90, %dma_wait3A_91] : memref<16x40x256xi32, #tpu.memory_space<hbm>> -> memref<1x40x256xi32, #tpu.memory_space<hbm>>
      %dma_wait3A_93 = tpu.memref_squeeze %dma_wait3A_92 : memref<1x40x256xi32, #tpu.memory_space<hbm>> -> memref<40x256xi32, #tpu.memory_space<hbm>>
      %dma_wait3A_94 = arith.constant 0 : i32
      %dma_wait3A_95 = arith.constant 0 : i32
      %dma_wait3A_96 = tpu.memref_slice %arg3[%arg1, %dma_wait3A_94, %dma_wait3A_95] : memref<16x40x256xi32, #tpu.memory_space<hbm>> -> memref<1x40x256xi32, #tpu.memory_space<hbm>>
      %dma_wait3A_97 = tpu.memref_squeeze %dma_wait3A_96 : memref<1x40x256xi32, #tpu.memory_space<hbm>> -> memref<40x256xi32, #tpu.memory_space<hbm>>
      tpu.wait_dma2 semaphore(%run_scoped3A : memref<!tpu.dma_semaphore, #tpu.memory_space<semaphore_mem>>) src(%dma_wait3A_97 : memref<40x256xi32, #tpu.memory_space<hbm>>) dst(%arg6 : memref<40x256xi32, #tpu.memory_space<vmem>>)
      tpu.yield
    }) : () -> ()
    "tpu.region"() ({
      %run_scoped3A = tpu.sem_alloc : memref<!tpu.dma_semaphore, #tpu.memory_space<semaphore_mem>>
      %dma_start3A_82 = arith.constant 0 : i32
      %dma_start3A_83 = arith.constant 0 : i32
      %dma_start3A_84 = tpu.memref_slice %arg4[%arg1, %dma_start3A_82, %dma_start3A_83] : memref<16x40x256xi32, #tpu.memory_space<hbm>> -> memref<1x40x256xi32, #tpu.memory_space<hbm>>
      %dma_start3A_85 = tpu.memref_squeeze %dma_start3A_84 : memref<1x40x256xi32, #tpu.memory_space<hbm>> -> memref<40x256xi32, #tpu.memory_space<hbm>>
      %dma_start3A_86 = arith.constant 0 : i32
      %dma_start3A_87 = arith.constant 0 : i32
      %dma_start3A_88 = tpu.memref_slice %arg4[%arg1, %dma_start3A_86, %dma_start3A_87] : memref<16x40x256xi32, #tpu.memory_space<hbm>> -> memref<1x40x256xi32, #tpu.memory_space<hbm>>
      %dma_start3A_89 = tpu.memref_squeeze %dma_start3A_88 : memref<1x40x256xi32, #tpu.memory_space<hbm>> -> memref<40x256xi32, #tpu.memory_space<hbm>>
      tpu.enqueue_dma source(%dma_start3A_89 : memref<40x256xi32, #tpu.memory_space<hbm>>) target(%arg7 : memref<40x256xi32, #tpu.memory_space<vmem>>) target_semaphore(%run_scoped3A : memref<!tpu.dma_semaphore, #tpu.memory_space<semaphore_mem>>)
      %dma_wait3A_90 = arith.constant 0 : i32
      %dma_wait3A_91 = arith.constant 0 : i32
      %dma_wait3A_92 = tpu.memref_slice %arg4[%arg1, %dma_wait3A_90, %dma_wait3A_91] : memref<16x40x256xi32, #tpu.memory_space<hbm>> -> memref<1x40x256xi32, #tpu.memory_space<hbm>>
      %dma_wait3A_93 = tpu.memref_squeeze %dma_wait3A_92 : memref<1x40x256xi32, #tpu.memory_space<hbm>> -> memref<40x256xi32, #tpu.memory_space<hbm>>
      %dma_wait3A_94 = arith.constant 0 : i32
      %dma_wait3A_95 = arith.constant 0 : i32
      %dma_wait3A_96 = tpu.memref_slice %arg4[%arg1, %dma_wait3A_94, %dma_wait3A_95] : memref<16x40x256xi32, #tpu.memory_space<hbm>> -> memref<1x40x256xi32, #tpu.memory_space<hbm>>
      %dma_wait3A_97 = tpu.memref_squeeze %dma_wait3A_96 : memref<1x40x256xi32, #tpu.memory_space<hbm>> -> memref<40x256xi32, #tpu.memory_space<hbm>>
      tpu.wait_dma2 semaphore(%run_scoped3A : memref<!tpu.dma_semaphore, #tpu.memory_space<semaphore_mem>>) src(%dma_wait3A_97 : memref<40x256xi32, #tpu.memory_space<hbm>>) dst(%arg7 : memref<40x256xi32, #tpu.memory_space<vmem>>)
      tpu.yield
    }) : () -> ()
    %scan3A_15 = arith.constant 0 : i32
    %scan3A_16 = arith.constant 0 : i32
    %scan3A_17 = arith.constant 40 : i32
    %scan3A_18 = arith.addi %scan3A_16, %scan3A_17 : i32
    %scan3A_19 = arith.constant 1 : i32
    scf.for %scan3A_82 = %scan3A_16 to %scan3A_18 step %scan3A_19  : i32 {
      %get3A = arith.index_cast %scan3A_82 : i32 to index
      %get3A_83 = arith.constant 0 : index
      %get3A_84 = tpu.vector_load %arg6[%get3A, %get3A_83] {strides = array<i32>} : memref<40x256xi32, #tpu.memory_space<vmem>>, vector<1x16xi32>,
      %get3A_85 = vector.shape_cast %get3A_84 : vector<1x16xi32> to vector<16xi32>
      %mul3A_86 = arith.constant 2 : i32
      %mul3A_87 = vector.broadcast %mul3A_86 : i32 to vector<16xi32>
      %mul3A_88 = arith.muli %get3A_85, %mul3A_87 : vector<16xi32>
      %add3A_89 = vector.broadcast %arg0 : i32 to vector<16xi32>
      %add3A_90 = arith.addi %mul3A_88, %add3A_89 : vector<16xi32>
      %swap3A = arith.index_cast %scan3A_82 : i32 to index
      %swap3A_91 = arith.constant 0 : index
      %swap3A_92 = tpu.vector_load %arg6[%swap3A, %swap3A_91] {strides = array<i32>} : memref<40x256xi32, #tpu.memory_space<vmem>>, vector<1x16xi32>,
      %swap3A_93 = vector.shape_cast %swap3A_92 : vector<1x16xi32> to vector<16xi32>
      %swap3A_94 = vector.shape_cast %add3A_90 : vector<16xi32> to vector<1x16xi32>
      tpu.vector_store %arg6[%swap3A, %swap3A_91], %swap3A_94 {strides = array<i32>} : memref<40x256xi32, #tpu.memory_space<vmem>>, vector<1x16xi32>,
      %get3A_95 = arith.index_cast %scan3A_82 : i32 to index
      %get3A_96 = arith.constant 16 : index
      %get3A_97 = tpu.vector_load %arg6[%get3A_95, %get3A_96] {strides = array<i32>} : memref<40x256xi32, #tpu.memory_space<vmem>>, vector<1x16xi32>,
      %get3A_98 = vector.shape_cast %get3A_97 : vector<1x16xi32> to vector<16xi32>
      %mul3A_99 = arith.constant 2 : i32
      %mul3A_100 = vector.broadcast %mul3A_99 : i32 to vector<16xi32>
      %mul3A_101 = arith.muli %get3A_98, %mul3A_100 : vector<16xi32>
      %add3A_102 = vector.broadcast %arg0 : i32 to vector<16xi32>
      %add3A_103 = arith.addi %mul3A_101, %add3A_102 : vector<16xi32>
      %swap3A_104 = arith.index_cast %scan3A_82 : i32 to index
      %swap3A_105 = arith.constant 16 : index
      %swap3A_106 = tpu.vector_load %arg6[%swap3A_104, %swap3A_105] {strides = array<i32>} : memref<40x256xi32, #tpu.memory_space<vmem>>, vector<1x16xi32>,
      %swap3A_107 = vector.shape_cast %swap3A_106 : vector<1x16xi32> to vector<16xi32>
      %swap3A_108 = vector.shape_cast %add3A_103 : vector<16xi32> to vector<1x16xi32>
      tpu.vector_store %arg6[%swap3A_104, %swap3A_105], %swap3A_108 {strides = array<i32>} : memref<40x256xi32, #tpu.memory_space<vmem>>, vector<1x16xi32>,
      %get3A_109 = arith.index_cast %scan3A_82 : i32 to index
      %get3A_110 = arith.constant 32 : index
      %get3A_111 = tpu.vector_load %arg6[%get3A_109, %get3A_110] {strides = array<i32>} : memref<40x256xi32, #tpu.memory_space<vmem>>, vector<1x16xi32>,
      %get3A_112 = vector.shape_cast %get3A_111 : vector<1x16xi32> to vector<16xi32>
      %mul3A_113 = arith.constant 2 : i32
      %mul3A_114 = vector.broadcast %mul3A_113 : i32 to vector<16xi32>
      %mul3A_115 = arith.muli %get3A_112, %mul3A_114 : vector<16xi32>
      %add3A_116 = vector.broadcast %arg0 : i32 to vector<16xi32>
      %add3A_117 = arith.addi %mul3A_115, %add3A_116 : vector<16xi32>
      %swap3A_118 = arith.index_cast %scan3A_82 : i32 to index
      %swap3A_119 = arith.constant 32 : index
      %swap3A_120 = tpu.vector_load %arg6[%swap3A_118, %swap3A_119] {strides = array<i32>} : memref<40x256xi32, #tpu.memory_space<vmem>>, vector<1x16xi32>,
      %swap3A_121 = vector.shape_cast %swap3A_120 : vector<1x16xi32> to vector<16xi32>
      %swap3A_122 = vector.shape_cast %add3A_117 : vector<16xi32> to vector<1x16xi32>
      tpu.vector_store %arg6[%swap3A_118, %swap3A_119], %swap3A_122 {strides = array<i32>} : memref<40x256xi32, #tpu.memory_space<vmem>>, vector<1x16xi32>,
      %get3A_123 = arith.index_cast %scan3A_82 : i32 to index
      %get3A_124 = arith.constant 48 : index
      %get3A_125 = tpu.vector_load %arg6[%get3A_123, %get3A_124] {strides = array<i32>} : memref<40x256xi32, #tpu.memory_space<vmem>>, vector<1x16xi32>,
      %get3A_126 = vector.shape_cast %get3A_125 : vector<1x16xi32> to vector<16xi32>
      %mul3A_127 = arith.constant 2 : i32
      %mul3A_128 = vector.broadcast %mul3A_127 : i32 to vector<16xi32>
      %mul3A_129 = arith.muli %get3A_126, %mul3A_128 : vector<16xi32>
      %add3A_130 = vector.broadcast %arg0 : i32 to vector<16xi32>
      %add3A_131 = arith.addi %mul3A_129, %add3A_130 : vector<16xi32>
      %swap3A_132 = arith.index_cast %scan3A_82 : i32 to index
      %swap3A_133 = arith.constant 48 : index
      %swap3A_134 = tpu.vector_load %arg6[%swap3A_132, %swap3A_133] {strides = array<i32>} : memref<40x256xi32, #tpu.memory_space<vmem>>, vector<1x16xi32>,
      %swap3A_135 = vector.shape_cast %swap3A_134 : vector<1x16xi32> to vector<16xi32>
      %swap3A_136 = vector.shape_cast %add3A_131 : vector<16xi32> to vector<1x16xi32>
      tpu.vector_store %arg6[%swap3A_132, %swap3A_133], %swap3A_136 {strides = array<i32>} : memref<40x256xi32, #tpu.memory_space<vmem>>, vector<1x16xi32>,
      %get3A_137 = arith.index_cast %scan3A_82 : i32 to index
      %get3A_138 = arith.constant 64 : index
      %get3A_139 = tpu.vector_load %arg6[%get3A_137, %get3A_138] {strides = array<i32>} : memref<40x256xi32, #tpu.memory_space<vmem>>, vector<1x16xi32>,
      %get3A_140 = vector.shape_cast %get3A_139 : vector<1x16xi32> to vector<16xi32>
      %mul3A_141 = arith.constant 2 : i32
      %mul3A_142 = vector.broadcast %mul3A_141 : i32 to vector<16xi32>
      %mul3A_143 = arith.muli %get3A_140, %mul3A_142 : vector<16xi32>
      %add3A_144 = vector.broadcast %arg0 : i32 to vector<16xi32>
      %add3A_145 = arith.addi %mul3A_143, %add3A_144 : vector<16xi32>
      %swap3A_146 = arith.index_cast %scan3A_82 : i32 to index
      %swap3A_147 = arith.constant 64 : index
      %swap3A_148 = tpu.vector_load %arg6[%swap3A_146, %swap3A_147] {strides = array<i32>} : memref<40x256xi32, #tpu.memory_space<vmem>>, vector<1x16xi32>,
      %swap3A_149 = vector.shape_cast %swap3A_148 : vector<1x16xi32> to vector<16xi32>
      %swap3A_150 = vector.shape_cast %add3A_145 : vector<16xi32> to vector<1x16xi32>
      tpu.vector_store %arg6[%swap3A_146, %swap3A_147], %swap3A_150 {strides = array<i32>} : memref<40x256xi32, #tpu.memory_space<vmem>>, vector<1x16xi32>,
      %get3A_151 = arith.index_cast %scan3A_82 : i32 to index
      %get3A_152 = arith.constant 80 : index
      %get3A_153 = tpu.vector_load %arg6[%get3A_151, %get3A_152] {strides = array<i32>} : memref<40x256xi32, #tpu.memory_space<vmem>>, vector<1x16xi32>,
      %get3A_154 = vector.shape_cast %get3A_153 : vector<1x16xi32> to vector<16xi32>
      %mul3A_155 = arith.constant 2 : i32
      %mul3A_156 = vector.broadcast %mul3A_155 : i32 to vector<16xi32>
      %mul3A_157 = arith.muli %get3A_154, %mul3A_156 : vector<16xi32>
      %add3A_158 = vector.broadcast %arg0 : i32 to vector<16xi32>
      %add3A_159 = arith.addi %mul3A_157, %add3A_158 : vector<16xi32>
      %swap3A_160 = arith.index_cast %scan3A_82 : i32 to index
      %swap3A_161 = arith.constant 80 : index
      %swap3A_162 = tpu.vector_load %arg6[%swap3A_160, %swap3A_161] {strides = array<i32>} : memref<40x256xi32, #tpu.memory_space<vmem>>, vector<1x16xi32>,
      %swap3A_163 = vector.shape_cast %swap3A_162 : vector<1x16xi32> to vector<16xi32>
      %swap3A_164 = vector.shape_cast %add3A_159 : vector<16xi32> to vector<1x16xi32>
      tpu.vector_store %arg6[%swap3A_160, %swap3A_161], %swap3A_164 {strides = array<i32>} : memref<40x256xi32, #tpu.memory_space<vmem>>, vector<1x16xi32>,
      %get3A_165 = arith.index_cast %scan3A_82 : i32 to index
      %get3A_166 = arith.constant 96 : index
      %get3A_167 = tpu.vector_load %arg6[%get3A_165, %get3A_166] {strides = array<i32>} : memref<40x256xi32, #tpu.memory_space<vmem>>, vector<1x16xi32>,
      %get3A_168 = vector.shape_cast %get3A_167 : vector<1x16xi32> to vector<16xi32>
      %mul3A_169 = arith.constant 2 : i32
      %mul3A_170 = vector.broadcast %mul3A_169 : i32 to vector<16xi32>
      %mul3A_171 = arith.muli %get3A_168, %mul3A_170 : vector<16xi32>
      %add3A_172 = vector.broadcast %arg0 : i32 to vector<16xi32>
      %add3A_173 = arith.addi %mul3A_171, %add3A_172 : vector<16xi32>
      %swap3A_174 = arith.index_cast %scan3A_82 : i32 to index
      %swap3A_175 = arith.constant 96 : index
      %swap3A_176 = tpu.vector_load %arg6[%swap3A_174, %swap3A_175] {strides = array<i32>} : memref<40x256xi32, #tpu.memory_space<vmem>>, vector<1x16xi32>,
      %swap3A_177 = vector.shape_cast %swap3A_176 : vector<1x16xi32> to vector<16xi32>
      %swap3A_178 = vector.shape_cast %add3A_173 : vector<16xi32> to vector<1x16xi32>
      tpu.vector_store %arg6[%swap3A_174, %swap3A_175], %swap3A_178 {strides = array<i32>} : memref<40x256xi32, #tpu.memory_space<vmem>>, vector<1x16xi32>,
      %get3A_179 = arith.index_cast %scan3A_82 : i32 to index
      %get3A_180 = arith.constant 112 : index
      %get3A_181 = tpu.vector_load %arg6[%get3A_179, %get3A_180] {strides = array<i32>} : memref<40x256xi32, #tpu.memory_space<vmem>>, vector<1x16xi32>,
      %get3A_182 = vector.shape_cast %get3A_181 : vector<1x16xi32> to vector<16xi32>
      %mul3A_183 = arith.constant 2 : i32
      %mul3A_184 = vector.broadcast %mul3A_183 : i32 to vector<16xi32>
      %mul3A_185 = arith.muli %get3A_182, %mul3A_184 : vector<16xi32>
      %add3A_186 = vector.broadcast %arg0 : i32 to vector<16xi32>
      %add3A_187 = arith.addi %mul3A_185, %add3A_186 : vector<16xi32>
      %swap3A_188 = arith.index_cast %scan3A_82 : i32 to index
      %swap3A_189 = arith.constant 112 : index
      %swap3A_190 = tpu.vector_load %arg6[%swap3A_188, %swap3A_189] {strides = array<i32>} : memref<40x256xi32, #tpu.memory_space<vmem>>, vector<1x16xi32>,
      %swap3A_191 = vector.shape_cast %swap3A_190 : vector<1x16xi32> to vector<16xi32>
      %swap3A_192 = vector.shape_cast %add3A_187 : vector<16xi32> to vector<1x16xi32>
      tpu.vector_store %arg6[%swap3A_188, %swap3A_189], %swap3A_192 {strides = array<i32>} : memref<40x256xi32, #tpu.memory_space<vmem>>, vector<1x16xi32>,
      %get3A_193 = arith.index_cast %scan3A_82 : i32 to index
      %get3A_194 = arith.constant 128 : index
      %get3A_195 = tpu.vector_load %arg6[%get3A_193, %get3A_194] {strides = array<i32>} : memref<40x256xi32, #tpu.memory_space<vmem>>, vector<1x16xi32>,
      %get3A_196 = vector.shape_cast %get3A_195 : vector<1x16xi32> to vector<16xi32>
      %mul3A_197 = arith.constant 2 : i32
      %mul3A_198 = vector.broadcast %mul3A_197 : i32 to vector<16xi32>
      %mul3A_199 = arith.muli %get3A_196, %mul3A_198 : vector<16xi32>
      %add3A_200 = vector.broadcast %arg0 : i32 to vector<16xi32>
      %add3A_201 = arith.addi %mul3A_199, %add3A_200 : vector<16xi32>
      %swap3A_202 = arith.index_cast %scan3A_82 : i32 to index
      %swap3A_203 = arith.constant 128 : index
      %swap3A_204 = tpu.vector_load %arg6[%swap3A_202, %swap3A_203] {strides = array<i32>} : memref<40x256xi32, #tpu.memory_space<vmem>>, vector<1x16xi32>,
      %swap3A_205 = vector.shape_cast %swap3A_204 : vector<1x16xi32> to vector<16xi32>
      %swap3A_206 = vector.shape_cast %add3A_201 : vector<16xi32> to vector<1x16xi32>
      tpu.vector_store %arg6[%swap3A_202, %swap3A_203], %swap3A_206 {strides = array<i32>} : memref<40x256xi32, #tpu.memory_space<vmem>>, vector<1x16xi32>,
      %get3A_207 = arith.index_cast %scan3A_82 : i32 to index
      %get3A_208 = arith.constant 144 : index
      %get3A_209 = tpu.vector_load %arg6[%get3A_207, %get3A_208] {strides = array<i32>} : memref<40x256xi32, #tpu.memory_space<vmem>>, vector<1x16xi32>,
      %get3A_210 = vector.shape_cast %get3A_209 : vector<1x16xi32> to vector<16xi32>
      %mul3A_211 = arith.constant 2 : i32
      %mul3A_212 = vector.broadcast %mul3A_211 : i32 to vector<16xi32>
      %mul3A_213 = arith.muli %get3A_210, %mul3A_212 : vector<16xi32>
      %add3A_214 = vector.broadcast %arg0 : i32 to vector<16xi32>
      %add3A_215 = arith.addi %mul3A_213, %add3A_214 : vector<16xi32>
      %swap3A_216 = arith.index_cast %scan3A_82 : i32 to index
      %swap3A_217 = arith.constant 144 : index
      %swap3A_218 = tpu.vector_load %arg6[%swap3A_216, %swap3A_217] {strides = array<i32>} : memref<40x256xi32, #tpu.memory_space<vmem>>, vector<1x16xi32>,
      %swap3A_219 = vector.shape_cast %swap3A_218 : vector<1x16xi32> to vector<16xi32>
      %swap3A_220 = vector.shape_cast %add3A_215 : vector<16xi32> to vector<1x16xi32>
      tpu.vector_store %arg6[%swap3A_216, %swap3A_217], %swap3A_220 {strides = array<i32>} : memref<40x256xi32, #tpu.memory_space<vmem>>, vector<1x16xi32>,
      %get3A_221 = arith.index_cast %scan3A_82 : i32 to index
      %get3A_222 = arith.constant 160 : index
      %get3A_223 = tpu.vector_load %arg6[%get3A_221, %get3A_222] {strides = array<i32>} : memref<40x256xi32, #tpu.memory_space<vmem>>, vector<1x16xi32>,
      %get3A_224 = vector.shape_cast %get3A_223 : vector<1x16xi32> to vector<16xi32>
      %mul3A_225 = arith.constant 2 : i32
      %mul3A_226 = vector.broadcast %mul3A_225 : i32 to vector<16xi32>
      %mul3A_227 = arith.muli %get3A_224, %mul3A_226 : vector<16xi32>
      %add3A_228 = vector.broadcast %arg0 : i32 to vector<16xi32>
      %add3A_229 = arith.addi %mul3A_227, %add3A_228 : vector<16xi32>
      %swap3A_230 = arith.index_cast %scan3A_82 : i32 to index
      %swap3A_231 = arith.constant 160 : index
      %swap3A_232 = tpu.vector_load %arg6[%swap3A_230, %swap3A_231] {strides = array<i32>} : memref<40x256xi32, #tpu.memory_space<vmem>>, vector<1x16xi32>,
      %swap3A_233 = vector.shape_cast %swap3A_232 : vector<1x16xi32> to vector<16xi32>
      %swap3A_234 = vector.shape_cast %add3A_229 : vector<16xi32> to vector<1x16xi32>
      tpu.vector_store %arg6[%swap3A_230, %swap3A_231], %swap3A_234 {strides = array<i32>} : memref<40x256xi32, #tpu.memory_space<vmem>>, vector<1x16xi32>,
      %get3A_235 = arith.index_cast %scan3A_82 : i32 to index
      %get3A_236 = arith.constant 176 : index
      %get3A_237 = tpu.vector_load %arg6[%get3A_235, %get3A_236] {strides = array<i32>} : memref<40x256xi32, #tpu.memory_space<vmem>>, vector<1x16xi32>,
      %get3A_238 = vector.shape_cast %get3A_237 : vector<1x16xi32> to vector<16xi32>
      %mul3A_239 = arith.constant 2 : i32
      %mul3A_240 = vector.broadcast %mul3A_239 : i32 to vector<16xi32>
      %mul3A_241 = arith.muli %get3A_238, %mul3A_240 : vector<16xi32>
      %add3A_242 = vector.broadcast %arg0 : i32 to vector<16xi32>
      %add3A_243 = arith.addi %mul3A_241, %add3A_242 : vector<16xi32>
      %swap3A_244 = arith.index_cast %scan3A_82 : i32 to index
      %swap3A_245 = arith.constant 176 : index
      %swap3A_246 = tpu.vector_load %arg6[%swap3A_244, %swap3A_245] {strides = array<i32>} : memref<40x256xi32, #tpu.memory_space<vmem>>, vector<1x16xi32>,
      %swap3A_247 = vector.shape_cast %swap3A_246 : vector<1x16xi32> to vector<16xi32>
      %swap3A_248 = vector.shape_cast %add3A_243 : vector<16xi32> to vector<1x16xi32>
      tpu.vector_store %arg6[%swap3A_244, %swap3A_245], %swap3A_248 {strides = array<i32>} : memref<40x256xi32, #tpu.memory_space<vmem>>, vector<1x16xi32>,
      %get3A_249 = arith.index_cast %scan3A_82 : i32 to index
      %get3A_250 = arith.constant 192 : index
      %get3A_251 = tpu.vector_load %arg6[%get3A_249, %get3A_250] {strides = array<i32>} : memref<40x256xi32, #tpu.memory_space<vmem>>, vector<1x16xi32>,
      %get3A_252 = vector.shape_cast %get3A_251 : vector<1x16xi32> to vector<16xi32>
      %mul3A_253 = arith.constant 2 : i32
      %mul3A_254 = vector.broadcast %mul3A_253 : i32 to vector<16xi32>
      %mul3A_255 = arith.muli %get3A_252, %mul3A_254 : vector<16xi32>
      %add3A_256 = vector.broadcast %arg0 : i32 to vector<16xi32>
      %add3A_257 = arith.addi %mul3A_255, %add3A_256 : vector<16xi32>
      %swap3A_258 = arith.index_cast %scan3A_82 : i32 to index
      %swap3A_259 = arith.constant 192 : index
      %swap3A_260 = tpu.vector_load %arg6[%swap3A_258, %swap3A_259] {strides = array<i32>} : memref<40x256xi32, #tpu.memory_space<vmem>>, vector<1x16xi32>,
      %swap3A_261 = vector.shape_cast %swap3A_260 : vector<1x16xi32> to vector<16xi32>
      %swap3A_262 = vector.shape_cast %add3A_257 : vector<16xi32> to vector<1x16xi32>
      tpu.vector_store %arg6[%swap3A_258, %swap3A_259], %swap3A_262 {strides = array<i32>} : memref<40x256xi32, #tpu.memory_space<vmem>>, vector<1x16xi32>,
      %get3A_263 = arith.index_cast %scan3A_82 : i32 to index
      %get3A_264 = arith.constant 208 : index
      %get3A_265 = tpu.vector_load %arg6[%get3A_263, %get3A_264] {strides = array<i32>} : memref<40x256xi32, #tpu.memory_space<vmem>>, vector<1x16xi32>,
      %get3A_266 = vector.shape_cast %get3A_265 : vector<1x16xi32> to vector<16xi32>
      %mul3A_267 = arith.constant 2 : i32
      %mul3A_268 = vector.broadcast %mul3A_267 : i32 to vector<16xi32>
      %mul3A_269 = arith.muli %get3A_266, %mul3A_268 : vector<16xi32>
      %add3A_270 = vector.broadcast %arg0 : i32 to vector<16xi32>
      %add3A_271 = arith.addi %mul3A_269, %add3A_270 : vector<16xi32>
      %swap3A_272 = arith.index_cast %scan3A_82 : i32 to index
      %swap3A_273 = arith.constant 208 : index
      %swap3A_274 = tpu.vector_load %arg6[%swap3A_272, %swap3A_273] {strides = array<i32>} : memref<40x256xi32, #tpu.memory_space<vmem>>, vector<1x16xi32>,
      %swap3A_275 = vector.shape_cast %swap3A_274 : vector<1x16xi32> to vector<16xi32>
      %swap3A_276 = vector.shape_cast %add3A_271 : vector<16xi32> to vector<1x16xi32>
      tpu.vector_store %arg6[%swap3A_272, %swap3A_273], %swap3A_276 {strides = array<i32>} : memref<40x256xi32, #tpu.memory_space<vmem>>, vector<1x16xi32>,
      %get3A_277 = arith.index_cast %scan3A_82 : i32 to index
      %get3A_278 = arith.constant 224 : index
      %get3A_279 = tpu.vector_load %arg6[%get3A_277, %get3A_278] {strides = array<i32>} : memref<40x256xi32, #tpu.memory_space<vmem>>, vector<1x16xi32>,
      %get3A_280 = vector.shape_cast %get3A_279 : vector<1x16xi32> to vector<16xi32>
      %mul3A_281 = arith.constant 2 : i32
      %mul3A_282 = vector.broadcast %mul3A_281 : i32 to vector<16xi32>
      %mul3A_283 = arith.muli %get3A_280, %mul3A_282 : vector<16xi32>
      %add3A_284 = vector.broadcast %arg0 : i32 to vector<16xi32>
      %add3A_285 = arith.addi %mul3A_283, %add3A_284 : vector<16xi32>
      %swap3A_286 = arith.index_cast %scan3A_82 : i32 to index
      %swap3A_287 = arith.constant 224 : index
      %swap3A_288 = tpu.vector_load %arg6[%swap3A_286, %swap3A_287] {strides = array<i32>} : memref<40x256xi32, #tpu.memory_space<vmem>>, vector<1x16xi32>,
      %swap3A_289 = vector.shape_cast %swap3A_288 : vector<1x16xi32> to vector<16xi32>
      %swap3A_290 = vector.shape_cast %add3A_285 : vector<16xi32> to vector<1x16xi32>
      tpu.vector_store %arg6[%swap3A_286, %swap3A_287], %swap3A_290 {strides = array<i32>} : memref<40x256xi32, #tpu.memory_space<vmem>>, vector<1x16xi32>,
      %get3A_291 = arith.index_cast %scan3A_82 : i32 to index
      %get3A_292 = arith.constant 240 : index
      %get3A_293 = tpu.vector_load %arg6[%get3A_291, %get3A_292] {strides = array<i32>} : memref<40x256xi32, #tpu.memory_space<vmem>>, vector<1x16xi32>,
      %get3A_294 = vector.shape_cast %get3A_293 : vector<1x16xi32> to vector<16xi32>
      %mul3A_295 = arith.constant 2 : i32
      %mul3A_296 = vector.broadcast %mul3A_295 : i32 to vector<16xi32>
      %mul3A_297 = arith.muli %get3A_294, %mul3A_296 : vector<16xi32>
      %add3A_298 = vector.broadcast %arg0 : i32 to vector<16xi32>
      %add3A_299 = arith.addi %mul3A_297, %add3A_298 : vector<16xi32>
      %swap3A_300 = arith.index_cast %scan3A_82 : i32 to index
      %swap3A_301 = arith.constant 240 : index
      %swap3A_302 = tpu.vector_load %arg6[%swap3A_300, %swap3A_301] {strides = array<i32>} : memref<40x256xi32, #tpu.memory_space<vmem>>, vector<1x16xi32>,
      %swap3A_303 = vector.shape_cast %swap3A_302 : vector<1x16xi32> to vector<16xi32>
      %swap3A_304 = vector.shape_cast %add3A_299 : vector<16xi32> to vector<1x16xi32>
      tpu.vector_store %arg6[%swap3A_300, %swap3A_301], %swap3A_304 {strides = array<i32>} : memref<40x256xi32, #tpu.memory_space<vmem>>, vector<1x16xi32>,
    }
    %scan3A_20 = arith.constant 40 : i32
    %barrier3A = arith.constant 0 : index
    tpu.barrier barrier_id(%barrier3A)
    %dma_start3A = arith.constant 0 : i32
    %dma_start3A_21 = arith.constant 0 : i32
    %dma_start3A_22 = tpu.memref_slice %arg6[%dma_start3A, %dma_start3A_21] : memref<40x256xi32, #tpu.memory_space<vmem>> -> memref<1x256xi32, #tpu.memory_space<vmem>>
    %dma_start3A_23 = tpu.memref_squeeze %dma_start3A_22 : memref<1x256xi32, #tpu.memory_space<vmem>> -> memref<256xi32, #tpu.memory_space<vmem>>
    %dma_start3A_24 = arith.constant 0 : i32
    %dma_start3A_25 = arith.constant 0 : i32
    %dma_start3A_26 = tpu.memref_slice %arg2[%dma_start3A_24, %dma_start3A_25] : memref<20000x64xf32, #tpu.memory_space<hbm>> -> memref<20000x64xf32, #tpu.memory_space<hbm>>
    tpu.enqueue_indirect_dma source(%dma_start3A_26 : memref<20000x64xf32, #tpu.memory_space<hbm>>) target(%arg8 : memref<256x64xf32, #tpu.memory_space<vmem>>) offsets(%dma_start3A_23 : memref<256xi32, #tpu.memory_space<vmem>>) semaphore(%arg13 : memref<!tpu.dma_semaphore, #tpu.memory_space<semaphore_mem>>)
    %dma_start3A_27 = arith.constant 1 : i32
    %dma_start3A_28 = arith.constant 0 : i32
    %dma_start3A_29 = tpu.memref_slice %arg6[%dma_start3A_27, %dma_start3A_28] : memref<40x256xi32, #tpu.memory_space<vmem>> -> memref<1x256xi32, #tpu.memory_space<vmem>>
    %dma_start3A_30 = tpu.memref_squeeze %dma_start3A_29 : memref<1x256xi32, #tpu.memory_space<vmem>> -> memref<256xi32, #tpu.memory_space<vmem>>
    %dma_start3A_31 = arith.constant 0 : i32
    %dma_start3A_32 = arith.constant 0 : i32
    %dma_start3A_33 = tpu.memref_slice %arg2[%dma_start3A_31, %dma_start3A_32] : memref<20000x64xf32, #tpu.memory_space<hbm>> -> memref<20000x64xf32, #tpu.memory_space<hbm>>
    tpu.enqueue_indirect_dma source(%dma_start3A_33 : memref<20000x64xf32, #tpu.memory_space<hbm>>) target(%arg9 : memref<256x64xf32, #tpu.memory_space<vmem>>) offsets(%dma_start3A_30 : memref<256xi32, #tpu.memory_space<vmem>>) semaphore(%arg14 : memref<!tpu.dma_semaphore, #tpu.memory_space<semaphore_mem>>)
    %dma_start3A_34 = arith.constant 2 : i32
    %dma_start3A_35 = arith.constant 0 : i32
    %dma_start3A_36 = tpu.memref_slice %arg6[%dma_start3A_34, %dma_start3A_35] : memref<40x256xi32, #tpu.memory_space<vmem>> -> memref<1x256xi32, #tpu.memory_space<vmem>>
    %dma_start3A_37 = tpu.memref_squeeze %dma_start3A_36 : memref<1x256xi32, #tpu.memory_space<vmem>> -> memref<256xi32, #tpu.memory_space<vmem>>
    %dma_start3A_38 = arith.constant 0 : i32
    %dma_start3A_39 = arith.constant 0 : i32
    %dma_start3A_40 = tpu.memref_slice %arg2[%dma_start3A_38, %dma_start3A_39] : memref<20000x64xf32, #tpu.memory_space<hbm>> -> memref<20000x64xf32, #tpu.memory_space<hbm>>
    tpu.enqueue_indirect_dma source(%dma_start3A_40 : memref<20000x64xf32, #tpu.memory_space<hbm>>) target(%arg10 : memref<256x64xf32, #tpu.memory_space<vmem>>) offsets(%dma_start3A_37 : memref<256xi32, #tpu.memory_space<vmem>>) semaphore(%arg15 : memref<!tpu.dma_semaphore, #tpu.memory_space<semaphore_mem>>)
    %dma_start3A_41 = arith.constant 3 : i32
    %dma_start3A_42 = arith.constant 0 : i32
    %dma_start3A_43 = tpu.memref_slice %arg6[%dma_start3A_41, %dma_start3A_42] : memref<40x256xi32, #tpu.memory_space<vmem>> -> memref<1x256xi32, #tpu.memory_space<vmem>>
    %dma_start3A_44 = tpu.memref_squeeze %dma_start3A_43 : memref<1x256xi32, #tpu.memory_space<vmem>> -> memref<256xi32, #tpu.memory_space<vmem>>
    %dma_start3A_45 = arith.constant 0 : i32
    %dma_start3A_46 = arith.constant 0 : i32
    %dma_start3A_47 = tpu.memref_slice %arg2[%dma_start3A_45, %dma_start3A_46] : memref<20000x64xf32, #tpu.memory_space<hbm>> -> memref<20000x64xf32, #tpu.memory_space<hbm>>
    tpu.enqueue_indirect_dma source(%dma_start3A_47 : memref<20000x64xf32, #tpu.memory_space<hbm>>) target(%arg11 : memref<256x64xf32, #tpu.memory_space<vmem>>) offsets(%dma_start3A_44 : memref<256xi32, #tpu.memory_space<vmem>>) semaphore(%arg16 : memref<!tpu.dma_semaphore, #tpu.memory_space<semaphore_mem>>)
    %scan3A_48 = arith.constant 0 : i32
    %scan3A_49 = arith.constant 0 : i32
    %scan3A_50 = arith.constant 10 : i32
    %scan3A_51 = arith.addi %scan3A_49, %scan3A_50 : i32
    %scan3A_52 = arith.constant 1 : i32
    scf.for %scan3A_82 = %scan3A_49 to %scan3A_51 step %scan3A_52  : i32 {
      %mul3A_83 = arith.constant 4 : i32
      %mul3A_84 = arith.muli %scan3A_82, %mul3A_83 : i32
      %add3A_85 = arith.constant 0 : i32
      %add3A_86 = arith.addi %mul3A_84, %add3A_85 : i32
      %dma_wait3A_87 = arith.constant 0 : i32
      %dma_wait3A_88 = tpu.memref_slice %arg6[%add3A_86, %dma_wait3A_87] : memref<40x256xi32, #tpu.memory_space<vmem>> -> memref<1x256xi32, #tpu.memory_space<vmem>>
      %dma_wait3A_89 = tpu.memref_squeeze %dma_wait3A_88 : memref<1x256xi32, #tpu.memory_space<vmem>> -> memref<256xi32, #tpu.memory_space<vmem>>
      %dma_wait3A_90 = arith.constant 0 : i32
      %dma_wait3A_91 = arith.constant 0 : i32
      %dma_wait3A_92 = tpu.memref_slice %arg2[%dma_wait3A_90, %dma_wait3A_91] : memref<20000x64xf32, #tpu.memory_space<hbm>> -> memref<20000x64xf32, #tpu.memory_space<hbm>>
      tpu.wait_indirect_dma semaphore(%arg13 : memref<!tpu.dma_semaphore, #tpu.memory_space<semaphore_mem>>) src(%dma_wait3A_92 : memref<20000x64xf32, #tpu.memory_space<hbm>>) dst(%arg8 : memref<256x64xf32, #tpu.memory_space<vmem>>)
      %add3A_93 = arith.constant 0 : i32
      %add3A_94 = arith.addi %mul3A_84, %add3A_93 : i32
      %dma_start3A_95 = arith.constant 0 : i32
      %dma_start3A_96 = tpu.memref_slice %arg7[%add3A_94, %dma_start3A_95] : memref<40x256xi32, #tpu.memory_space<vmem>> -> memref<1x256xi32, #tpu.memory_space<vmem>>
      %dma_start3A_97 = tpu.memref_squeeze %dma_start3A_96 : memref<1x256xi32, #tpu.memory_space<vmem>> -> memref<256xi32, #tpu.memory_space<vmem>>
      %dma_start3A_98 = arith.constant 0 : i32
      %dma_start3A_99 = arith.constant 0 : i32
      %dma_start3A_100 = tpu.memref_slice %arg12[%dma_start3A_98, %dma_start3A_99] : memref<10240x64xf32, #tpu.memory_space<vmem_shared>> -> memref<10240x64xf32, #tpu.memory_space<vmem_shared>>
      tpu.enqueue_indirect_dma source(%arg8 : memref<256x64xf32, #tpu.memory_space<vmem>>) target(%dma_start3A_100 : memref<10240x64xf32, #tpu.memory_space<vmem_shared>>) offsets(%dma_start3A_97 : memref<256xi32, #tpu.memory_space<vmem>>) semaphore(%arg17 : memref<!tpu.dma_semaphore, #tpu.memory_space<semaphore_mem>>) {add = true}
      %add3A_101 = arith.constant 1 : i32
      %add3A_102 = arith.addi %mul3A_84, %add3A_101 : i32
      %dma_wait3A_103 = arith.constant 0 : i32
      %dma_wait3A_104 = tpu.memref_slice %arg6[%add3A_102, %dma_wait3A_103] : memref<40x256xi32, #tpu.memory_space<vmem>> -> memref<1x256xi32, #tpu.memory_space<vmem>>
      %dma_wait3A_105 = tpu.memref_squeeze %dma_wait3A_104 : memref<1x256xi32, #tpu.memory_space<vmem>> -> memref<256xi32, #tpu.memory_space<vmem>>
      %dma_wait3A_106 = arith.constant 0 : i32
      %dma_wait3A_107 = arith.constant 0 : i32
      %dma_wait3A_108 = tpu.memref_slice %arg2[%dma_wait3A_106, %dma_wait3A_107] : memref<20000x64xf32, #tpu.memory_space<hbm>> -> memref<20000x64xf32, #tpu.memory_space<hbm>>
      tpu.wait_indirect_dma semaphore(%arg14 : memref<!tpu.dma_semaphore, #tpu.memory_space<semaphore_mem>>) src(%dma_wait3A_108 : memref<20000x64xf32, #tpu.memory_space<hbm>>) dst(%arg9 : memref<256x64xf32, #tpu.memory_space<vmem>>)
      %add3A_109 = arith.constant 1 : i32
      %add3A_110 = arith.addi %mul3A_84, %add3A_109 : i32
      %dma_start3A_111 = arith.constant 0 : i32
      %dma_start3A_112 = tpu.memref_slice %arg7[%add3A_110, %dma_start3A_111] : memref<40x256xi32, #tpu.memory_space<vmem>> -> memref<1x256xi32, #tpu.memory_space<vmem>>
      %dma_start3A_113 = tpu.memref_squeeze %dma_start3A_112 : memref<1x256xi32, #tpu.memory_space<vmem>> -> memref<256xi32, #tpu.memory_space<vmem>>
      %dma_start3A_114 = arith.constant 0 : i32
      %dma_start3A_115 = arith.constant 0 : i32
      %dma_start3A_116 = tpu.memref_slice %arg12[%dma_start3A_114, %dma_start3A_115] : memref<10240x64xf32, #tpu.memory_space<vmem_shared>> -> memref<10240x64xf32, #tpu.memory_space<vmem_shared>>
      tpu.enqueue_indirect_dma source(%arg9 : memref<256x64xf32, #tpu.memory_space<vmem>>) target(%dma_start3A_116 : memref<10240x64xf32, #tpu.memory_space<vmem_shared>>) offsets(%dma_start3A_113 : memref<256xi32, #tpu.memory_space<vmem>>) semaphore(%arg18 : memref<!tpu.dma_semaphore, #tpu.memory_space<semaphore_mem>>) {add = true}
      %add3A_117 = arith.constant 2 : i32
      %add3A_118 = arith.addi %mul3A_84, %add3A_117 : i32
      %dma_wait3A_119 = arith.constant 0 : i32
      %dma_wait3A_120 = tpu.memref_slice %arg6[%add3A_118, %dma_wait3A_119] : memref<40x256xi32, #tpu.memory_space<vmem>> -> memref<1x256xi32, #tpu.memory_space<vmem>>
      %dma_wait3A_121 = tpu.memref_squeeze %dma_wait3A_120 : memref<1x256xi32, #tpu.memory_space<vmem>> -> memref<256xi32, #tpu.memory_space<vmem>>
      %dma_wait3A_122 = arith.constant 0 : i32
      %dma_wait3A_123 = arith.constant 0 : i32
      %dma_wait3A_124 = tpu.memref_slice %arg2[%dma_wait3A_122, %dma_wait3A_123] : memref<20000x64xf32, #tpu.memory_space<hbm>> -> memref<20000x64xf32, #tpu.memory_space<hbm>>
      tpu.wait_indirect_dma semaphore(%arg15 : memref<!tpu.dma_semaphore, #tpu.memory_space<semaphore_mem>>) src(%dma_wait3A_124 : memref<20000x64xf32, #tpu.memory_space<hbm>>) dst(%arg10 : memref<256x64xf32, #tpu.memory_space<vmem>>)
      %add3A_125 = arith.constant 2 : i32
      %add3A_126 = arith.addi %mul3A_84, %add3A_125 : i32
      %dma_start3A_127 = arith.constant 0 : i32
      %dma_start3A_128 = tpu.memref_slice %arg7[%add3A_126, %dma_start3A_127] : memref<40x256xi32, #tpu.memory_space<vmem>> -> memref<1x256xi32, #tpu.memory_space<vmem>>
      %dma_start3A_129 = tpu.memref_squeeze %dma_start3A_128 : memref<1x256xi32, #tpu.memory_space<vmem>> -> memref<256xi32, #tpu.memory_space<vmem>>
      %dma_start3A_130 = arith.constant 0 : i32
      %dma_start3A_131 = arith.constant 0 : i32
      %dma_start3A_132 = tpu.memref_slice %arg12[%dma_start3A_130, %dma_start3A_131] : memref<10240x64xf32, #tpu.memory_space<vmem_shared>> -> memref<10240x64xf32, #tpu.memory_space<vmem_shared>>
      tpu.enqueue_indirect_dma source(%arg10 : memref<256x64xf32, #tpu.memory_space<vmem>>) target(%dma_start3A_132 : memref<10240x64xf32, #tpu.memory_space<vmem_shared>>) offsets(%dma_start3A_129 : memref<256xi32, #tpu.memory_space<vmem>>) semaphore(%arg19 : memref<!tpu.dma_semaphore, #tpu.memory_space<semaphore_mem>>) {add = true}
      %add3A_133 = arith.constant 3 : i32
      %add3A_134 = arith.addi %mul3A_84, %add3A_133 : i32
      %dma_wait3A_135 = arith.constant 0 : i32
      %dma_wait3A_136 = tpu.memref_slice %arg6[%add3A_134, %dma_wait3A_135] : memref<40x256xi32, #tpu.memory_space<vmem>> -> memref<1x256xi32, #tpu.memory_space<vmem>>
      %dma_wait3A_137 = tpu.memref_squeeze %dma_wait3A_136 : memref<1x256xi32, #tpu.memory_space<vmem>> -> memref<256xi32, #tpu.memory_space<vmem>>
      %dma_wait3A_138 = arith.constant 0 : i32
      %dma_wait3A_139 = arith.constant 0 : i32
      %dma_wait3A_140 = tpu.memref_slice %arg2[%dma_wait3A_138, %dma_wait3A_139] : memref<20000x64xf32, #tpu.memory_space<hbm>> -> memref<20000x64xf32, #tpu.memory_space<hbm>>
      tpu.wait_indirect_dma semaphore(%arg16 : memref<!tpu.dma_semaphore, #tpu.memory_space<semaphore_mem>>) src(%dma_wait3A_140 : memref<20000x64xf32, #tpu.memory_space<hbm>>) dst(%arg11 : memref<256x64xf32, #tpu.memory_space<vmem>>)
      %add3A_141 = arith.constant 3 : i32
      %add3A_142 = arith.addi %mul3A_84, %add3A_141 : i32
      %dma_start3A_143 = arith.constant 0 : i32
      %dma_start3A_144 = tpu.memref_slice %arg7[%add3A_142, %dma_start3A_143] : memref<40x256xi32, #tpu.memory_space<vmem>> -> memref<1x256xi32, #tpu.memory_space<vmem>>
      %dma_start3A_145 = tpu.memref_squeeze %dma_start3A_144 : memref<1x256xi32, #tpu.memory_space<vmem>> -> memref<256xi32, #tpu.memory_space<vmem>>
      %dma_start3A_146 = arith.constant 0 : i32
      %dma_start3A_147 = arith.constant 0 : i32
      %dma_start3A_148 = tpu.memref_slice %arg12[%dma_start3A_146, %dma_start3A_147] : memref<10240x64xf32, #tpu.memory_space<vmem_shared>> -> memref<10240x64xf32, #tpu.memory_space<vmem_shared>>
      tpu.enqueue_indirect_dma source(%arg11 : memref<256x64xf32, #tpu.memory_space<vmem>>) target(%dma_start3A_148 : memref<10240x64xf32, #tpu.memory_space<vmem_shared>>) offsets(%dma_start3A_145 : memref<256xi32, #tpu.memory_space<vmem>>) semaphore(%arg20 : memref<!tpu.dma_semaphore, #tpu.memory_space<semaphore_mem>>) {add = true}
      %lt3A = arith.constant 9 : i32
      %lt3A_149 = arith.cmpi slt, %scan3A_82, %lt3A : i32
      %convert_element_type3A = arith.extui %lt3A_149 : i1 to i32
      %cond3A = arith.constant 0 : i32
      %cond3A_150 = arith.cmpi ne, %convert_element_type3A, %cond3A : i32
      scf.if %cond3A_150 {
        %add3A_151 = arith.constant 0 : i32
        %add3A_152 = arith.addi %mul3A_84, %add3A_151 : i32
        %dma_wait3A_153 = arith.constant 0 : i32
        %dma_wait3A_154 = tpu.memref_slice %arg7[%add3A_152, %dma_wait3A_153] : memref<40x256xi32, #tpu.memory_space<vmem>> -> memref<1x256xi32, #tpu.memory_space<vmem>>
        %dma_wait3A_155 = tpu.memref_squeeze %dma_wait3A_154 : memref<1x256xi32, #tpu.memory_space<vmem>> -> memref<256xi32, #tpu.memory_space<vmem>>
        %dma_wait3A_156 = arith.constant 0 : i32
        %dma_wait3A_157 = arith.constant 0 : i32
        %dma_wait3A_158 = tpu.memref_slice %arg12[%dma_wait3A_156, %dma_wait3A_157] : memref<10240x64xf32, #tpu.memory_space<vmem_shared>> -> memref<10240x64xf32, #tpu.memory_space<vmem_shared>>
        tpu.wait_indirect_dma semaphore(%arg17 : memref<!tpu.dma_semaphore, #tpu.memory_space<semaphore_mem>>) src(%arg8 : memref<256x64xf32, #tpu.memory_space<vmem>>) dst(%dma_wait3A_158 : memref<10240x64xf32, #tpu.memory_space<vmem_shared>>)
        %add3A_159 = arith.constant 4 : i32
        %add3A_160 = arith.addi %mul3A_84, %add3A_159 : i32
        %add3A_161 = arith.constant 0 : i32
        %add3A_162 = arith.addi %add3A_160, %add3A_161 : i32
        %dma_start3A_163 = arith.constant 0 : i32
        %dma_start3A_164 = tpu.memref_slice %arg6[%add3A_162, %dma_start3A_163] : memref<40x256xi32, #tpu.memory_space<vmem>> -> memref<1x256xi32, #tpu.memory_space<vmem>>
        %dma_start3A_165 = tpu.memref_squeeze %dma_start3A_164 : memref<1x256xi32, #tpu.memory_space<vmem>> -> memref<256xi32, #tpu.memory_space<vmem>>
        %dma_start3A_166 = arith.constant 0 : i32
        %dma_start3A_167 = arith.constant 0 : i32
        %dma_start3A_168 = tpu.memref_slice %arg2[%dma_start3A_166, %dma_start3A_167] : memref<20000x64xf32, #tpu.memory_space<hbm>> -> memref<20000x64xf32, #tpu.memory_space<hbm>>
        tpu.enqueue_indirect_dma source(%dma_start3A_168 : memref<20000x64xf32, #tpu.memory_space<hbm>>) target(%arg8 : memref<256x64xf32, #tpu.memory_space<vmem>>) offsets(%dma_start3A_165 : memref<256xi32, #tpu.memory_space<vmem>>) semaphore(%arg13 : memref<!tpu.dma_semaphore, #tpu.memory_space<semaphore_mem>>)
        %add3A_169 = arith.constant 1 : i32
        %add3A_170 = arith.addi %mul3A_84, %add3A_169 : i32
        %dma_wait3A_171 = arith.constant 0 : i32
        %dma_wait3A_172 = tpu.memref_slice %arg7[%add3A_170, %dma_wait3A_171] : memref<40x256xi32, #tpu.memory_space<vmem>> -> memref<1x256xi32, #tpu.memory_space<vmem>>
        %dma_wait3A_173 = tpu.memref_squeeze %dma_wait3A_172 : memref<1x256xi32, #tpu.memory_space<vmem>> -> memref<256xi32, #tpu.memory_space<vmem>>
        %dma_wait3A_174 = arith.constant 0 : i32
        %dma_wait3A_175 = arith.constant 0 : i32
        %dma_wait3A_176 = tpu.memref_slice %arg12[%dma_wait3A_174, %dma_wait3A_175] : memref<10240x64xf32, #tpu.memory_space<vmem_shared>> -> memref<10240x64xf32, #tpu.memory_space<vmem_shared>>
        tpu.wait_indirect_dma semaphore(%arg18 : memref<!tpu.dma_semaphore, #tpu.memory_space<semaphore_mem>>) src(%arg9 : memref<256x64xf32, #tpu.memory_space<vmem>>) dst(%dma_wait3A_176 : memref<10240x64xf32, #tpu.memory_space<vmem_shared>>)
        %add3A_177 = arith.constant 4 : i32
        %add3A_178 = arith.addi %mul3A_84, %add3A_177 : i32
        %add3A_179 = arith.constant 1 : i32
        %add3A_180 = arith.addi %add3A_178, %add3A_179 : i32
        %dma_start3A_181 = arith.constant 0 : i32
        %dma_start3A_182 = tpu.memref_slice %arg6[%add3A_180, %dma_start3A_181] : memref<40x256xi32, #tpu.memory_space<vmem>> -> memref<1x256xi32, #tpu.memory_space<vmem>>
        %dma_start3A_183 = tpu.memref_squeeze %dma_start3A_182 : memref<1x256xi32, #tpu.memory_space<vmem>> -> memref<256xi32, #tpu.memory_space<vmem>>
        %dma_start3A_184 = arith.constant 0 : i32
        %dma_start3A_185 = arith.constant 0 : i32
        %dma_start3A_186 = tpu.memref_slice %arg2[%dma_start3A_184, %dma_start3A_185] : memref<20000x64xf32, #tpu.memory_space<hbm>> -> memref<20000x64xf32, #tpu.memory_space<hbm>>
        tpu.enqueue_indirect_dma source(%dma_start3A_186 : memref<20000x64xf32, #tpu.memory_space<hbm>>) target(%arg9 : memref<256x64xf32, #tpu.memory_space<vmem>>) offsets(%dma_start3A_183 : memref<256xi32, #tpu.memory_space<vmem>>) semaphore(%arg14 : memref<!tpu.dma_semaphore, #tpu.memory_space<semaphore_mem>>)
        %add3A_187 = arith.constant 2 : i32
        %add3A_188 = arith.addi %mul3A_84, %add3A_187 : i32
        %dma_wait3A_189 = arith.constant 0 : i32
        %dma_wait3A_190 = tpu.memref_slice %arg7[%add3A_188, %dma_wait3A_189] : memref<40x256xi32, #tpu.memory_space<vmem>> -> memref<1x256xi32, #tpu.memory_space<vmem>>
        %dma_wait3A_191 = tpu.memref_squeeze %dma_wait3A_190 : memref<1x256xi32, #tpu.memory_space<vmem>> -> memref<256xi32, #tpu.memory_space<vmem>>
        %dma_wait3A_192 = arith.constant 0 : i32
        %dma_wait3A_193 = arith.constant 0 : i32
        %dma_wait3A_194 = tpu.memref_slice %arg12[%dma_wait3A_192, %dma_wait3A_193] : memref<10240x64xf32, #tpu.memory_space<vmem_shared>> -> memref<10240x64xf32, #tpu.memory_space<vmem_shared>>
        tpu.wait_indirect_dma semaphore(%arg19 : memref<!tpu.dma_semaphore, #tpu.memory_space<semaphore_mem>>) src(%arg10 : memref<256x64xf32, #tpu.memory_space<vmem>>) dst(%dma_wait3A_194 : memref<10240x64xf32, #tpu.memory_space<vmem_shared>>)
        %add3A_195 = arith.constant 4 : i32
        %add3A_196 = arith.addi %mul3A_84, %add3A_195 : i32
        %add3A_197 = arith.constant 2 : i32
        %add3A_198 = arith.addi %add3A_196, %add3A_197 : i32
        %dma_start3A_199 = arith.constant 0 : i32
        %dma_start3A_200 = tpu.memref_slice %arg6[%add3A_198, %dma_start3A_199] : memref<40x256xi32, #tpu.memory_space<vmem>> -> memref<1x256xi32, #tpu.memory_space<vmem>>
        %dma_start3A_201 = tpu.memref_squeeze %dma_start3A_200 : memref<1x256xi32, #tpu.memory_space<vmem>> -> memref<256xi32, #tpu.memory_space<vmem>>
        %dma_start3A_202 = arith.constant 0 : i32
        %dma_start3A_203 = arith.constant 0 : i32
        %dma_start3A_204 = tpu.memref_slice %arg2[%dma_start3A_202, %dma_start3A_203] : memref<20000x64xf32, #tpu.memory_space<hbm>> -> memref<20000x64xf32, #tpu.memory_space<hbm>>
        tpu.enqueue_indirect_dma source(%dma_start3A_204 : memref<20000x64xf32, #tpu.memory_space<hbm>>) target(%arg10 : memref<256x64xf32, #tpu.memory_space<vmem>>) offsets(%dma_start3A_201 : memref<256xi32, #tpu.memory_space<vmem>>) semaphore(%arg15 : memref<!tpu.dma_semaphore, #tpu.memory_space<semaphore_mem>>)
        %add3A_205 = arith.constant 3 : i32
        %add3A_206 = arith.addi %mul3A_84, %add3A_205 : i32
        %dma_wait3A_207 = arith.constant 0 : i32
        %dma_wait3A_208 = tpu.memref_slice %arg7[%add3A_206, %dma_wait3A_207] : memref<40x256xi32, #tpu.memory_space<vmem>> -> memref<1x256xi32, #tpu.memory_space<vmem>>
        %dma_wait3A_209 = tpu.memref_squeeze %dma_wait3A_208 : memref<1x256xi32, #tpu.memory_space<vmem>> -> memref<256xi32, #tpu.memory_space<vmem>>
        %dma_wait3A_210 = arith.constant 0 : i32
        %dma_wait3A_211 = arith.constant 0 : i32
        %dma_wait3A_212 = tpu.memref_slice %arg12[%dma_wait3A_210, %dma_wait3A_211] : memref<10240x64xf32, #tpu.memory_space<vmem_shared>> -> memref<10240x64xf32, #tpu.memory_space<vmem_shared>>
        tpu.wait_indirect_dma semaphore(%arg20 : memref<!tpu.dma_semaphore, #tpu.memory_space<semaphore_mem>>) src(%arg11 : memref<256x64xf32, #tpu.memory_space<vmem>>) dst(%dma_wait3A_212 : memref<10240x64xf32, #tpu.memory_space<vmem_shared>>)
        %add3A_213 = arith.constant 4 : i32
        %add3A_214 = arith.addi %mul3A_84, %add3A_213 : i32
        %add3A_215 = arith.constant 3 : i32
        %add3A_216 = arith.addi %add3A_214, %add3A_215 : i32
        %dma_start3A_217 = arith.constant 0 : i32
        %dma_start3A_218 = tpu.memref_slice %arg6[%add3A_216, %dma_start3A_217] : memref<40x256xi32, #tpu.memory_space<vmem>> -> memref<1x256xi32, #tpu.memory_space<vmem>>
        %dma_start3A_219 = tpu.memref_squeeze %dma_start3A_218 : memref<1x256xi32, #tpu.memory_space<vmem>> -> memref<256xi32, #tpu.memory_space<vmem>>
        %dma_start3A_220 = arith.constant 0 : i32
        %dma_start3A_221 = arith.constant 0 : i32
        %dma_start3A_222 = tpu.memref_slice %arg2[%dma_start3A_220, %dma_start3A_221] : memref<20000x64xf32, #tpu.memory_space<hbm>> -> memref<20000x64xf32, #tpu.memory_space<hbm>>
        tpu.enqueue_indirect_dma source(%dma_start3A_222 : memref<20000x64xf32, #tpu.memory_space<hbm>>) target(%arg11 : memref<256x64xf32, #tpu.memory_space<vmem>>) offsets(%dma_start3A_219 : memref<256xi32, #tpu.memory_space<vmem>>) semaphore(%arg16 : memref<!tpu.dma_semaphore, #tpu.memory_space<semaphore_mem>>)
      } else {
      }
    }
    %scan3A_53 = arith.constant 10 : i32
    %dma_wait3A = arith.constant 36 : i32
    %dma_wait3A_54 = arith.constant 0 : i32
    %dma_wait3A_55 = tpu.memref_slice %arg7[%dma_wait3A, %dma_wait3A_54] : memref<40x256xi32, #tpu.memory_space<vmem>> -> memref<1x256xi32, #tpu.memory_space<vmem>>
    %dma_wait3A_56 = tpu.memref_squeeze %dma_wait3A_55 : memref<1x256xi32, #tpu.memory_space<vmem>> -> memref<256xi32, #tpu.memory_space<vmem>>
    %dma_wait3A_57 = arith.constant 0 : i32
    %dma_wait3A_58 = arith.constant 0 : i32
    %dma_wait3A_59 = tpu.memref_slice %arg12[%dma_wait3A_57, %dma_wait3A_58] : memref<10240x64xf32, #tpu.memory_space<vmem_shared>> -> memref<10240x64xf32, #tpu.memory_space<vmem_shared>>
    tpu.wait_indirect_dma semaphore(%arg17 : memref<!tpu.dma_semaphore, #tpu.memory_space<semaphore_mem>>) src(%arg8 : memref<256x64xf32, #tpu.memory_space<vmem>>) dst(%dma_wait3A_59 : memref<10240x64xf32, #tpu.memory_space<vmem_shared>>)
    %dma_wait3A_60 = arith.constant 37 : i32
    %dma_wait3A_61 = arith.constant 0 : i32
    %dma_wait3A_62 = tpu.memref_slice %arg7[%dma_wait3A_60, %dma_wait3A_61] : memref<40x256xi32, #tpu.memory_space<vmem>> -> memref<1x256xi32, #tpu.memory_space<vmem>>
    %dma_wait3A_63 = tpu.memref_squeeze %dma_wait3A_62 : memref<1x256xi32, #tpu.memory_space<vmem>> -> memref<256xi32, #tpu.memory_space<vmem>>
    %dma_wait3A_64 = arith.constant 0 : i32
    %dma_wait3A_65 = arith.constant 0 : i32
    %dma_wait3A_66 = tpu.memref_slice %arg12[%dma_wait3A_64, %dma_wait3A_65] : memref<10240x64xf32, #tpu.memory_space<vmem_shared>> -> memref<10240x64xf32, #tpu.memory_space<vmem_shared>>
    tpu.wait_indirect_dma semaphore(%arg18 : memref<!tpu.dma_semaphore, #tpu.memory_space<semaphore_mem>>) src(%arg9 : memref<256x64xf32, #tpu.memory_space<vmem>>) dst(%dma_wait3A_66 : memref<10240x64xf32, #tpu.memory_space<vmem_shared>>)
    %dma_wait3A_67 = arith.constant 38 : i32
    %dma_wait3A_68 = arith.constant 0 : i32
    %dma_wait3A_69 = tpu.memref_slice %arg7[%dma_wait3A_67, %dma_wait3A_68] : memref<40x256xi32, #tpu.memory_space<vmem>> -> memref<1x256xi32, #tpu.memory_space<vmem>>
    %dma_wait3A_70 = tpu.memref_squeeze %dma_wait3A_69 : memref<1x256xi32, #tpu.memory_space<vmem>> -> memref<256xi32, #tpu.memory_space<vmem>>
    %dma_wait3A_71 = arith.constant 0 : i32
    %dma_wait3A_72 = arith.constant 0 : i32
    %dma_wait3A_73 = tpu.memref_slice %arg12[%dma_wait3A_71, %dma_wait3A_72] : memref<10240x64xf32, #tpu.memory_space<vmem_shared>> -> memref<10240x64xf32, #tpu.memory_space<vmem_shared>>
    tpu.wait_indirect_dma semaphore(%arg19 : memref<!tpu.dma_semaphore, #tpu.memory_space<semaphore_mem>>) src(%arg10 : memref<256x64xf32, #tpu.memory_space<vmem>>) dst(%dma_wait3A_73 : memref<10240x64xf32, #tpu.memory_space<vmem_shared>>)
    %dma_wait3A_74 = arith.constant 39 : i32
    %dma_wait3A_75 = arith.constant 0 : i32
    %dma_wait3A_76 = tpu.memref_slice %arg7[%dma_wait3A_74, %dma_wait3A_75] : memref<40x256xi32, #tpu.memory_space<vmem>> -> memref<1x256xi32, #tpu.memory_space<vmem>>
    %dma_wait3A_77 = tpu.memref_squeeze %dma_wait3A_76 : memref<1x256xi32, #tpu.memory_space<vmem>> -> memref<256xi32, #tpu.memory_space<vmem>>
    %dma_wait3A_78 = arith.constant 0 : i32
    %dma_wait3A_79 = arith.constant 0 : i32
    %dma_wait3A_80 = tpu.memref_slice %arg12[%dma_wait3A_78, %dma_wait3A_79] : memref<10240x64xf32, #tpu.memory_space<vmem_shared>> -> memref<10240x64xf32, #tpu.memory_space<vmem_shared>>
    tpu.wait_indirect_dma semaphore(%arg20 : memref<!tpu.dma_semaphore, #tpu.memory_space<semaphore_mem>>) src(%arg11 : memref<256x64xf32, #tpu.memory_space<vmem>>) dst(%dma_wait3A_80 : memref<10240x64xf32, #tpu.memory_space<vmem_shared>>)
    %barrier3A_81 = arith.constant 0 : index
    tpu.barrier barrier_id(%barrier3A_81)
    "tpu.region"() ({
      %run_scoped3A = tpu.sem_alloc : memref<!tpu.dma_semaphore, #tpu.memory_space<semaphore_mem>>
      %dma_start3A_82 = arith.constant 0 : i32
      %dma_start3A_83 = tpu.memref_slice %arg5[%arg0, %mul3A_5, %dma_start3A_82] : memref<2x10240x64xf32, #tpu.memory_space<hbm>> -> memref<1x640x64xf32, #tpu.memory_space<hbm>>
      %dma_start3A_84 = tpu.memref_squeeze %dma_start3A_83 : memref<1x640x64xf32, #tpu.memory_space<hbm>> -> memref<640x64xf32, #tpu.memory_space<hbm>>
      %dma_start3A_85 = arith.constant 0 : i32
      %dma_start3A_86 = tpu.memref_slice %arg12[%mul3A_5, %dma_start3A_85] : memref<10240x64xf32, #tpu.memory_space<vmem_shared>> -> memref<640x64xf32, #tpu.memory_space<vmem_shared>>
      tpu.enqueue_dma source(%dma_start3A_86 : memref<640x64xf32, #tpu.memory_space<vmem_shared>>) target(%dma_start3A_84 : memref<640x64xf32, #tpu.memory_space<hbm>>) target_semaphore(%run_scoped3A : memref<!tpu.dma_semaphore, #tpu.memory_space<semaphore_mem>>)
      %dma_wait3A_87 = arith.constant 0 : i32
      %dma_wait3A_88 = tpu.memref_slice %arg5[%arg0, %mul3A_5, %dma_wait3A_87] : memref<2x10240x64xf32, #tpu.memory_space<hbm>> -> memref<1x640x64xf32, #tpu.memory_space<hbm>>
      %dma_wait3A_89 = tpu.memref_squeeze %dma_wait3A_88 : memref<1x640x64xf32, #tpu.memory_space<hbm>> -> memref<640x64xf32, #tpu.memory_space<hbm>>
      %dma_wait3A_90 = arith.constant 0 : i32
      %dma_wait3A_91 = tpu.memref_slice %arg12[%mul3A_5, %dma_wait3A_90] : memref<10240x64xf32, #tpu.memory_space<vmem_shared>> -> memref<640x64xf32, #tpu.memory_space<vmem_shared>>
      tpu.wait_dma2 semaphore(%run_scoped3A : memref<!tpu.dma_semaphore, #tpu.memory_space<semaphore_mem>>) src(%dma_wait3A_91 : memref<640x64xf32, #tpu.memory_space<vmem_shared>>) dst(%dma_wait3A_89 : memref<640x64xf32, #tpu.memory_space<hbm>>)
      tpu.yield
    }) : () -> ()
    return
  }
}

#map = affine_map<(d0, d1) -> (0, 0)>
#map1 = affine_map<(d0, d1) -> (0, 0, 0)>
module attributes {stable_mosaic.version = 14 : i64} {
  func.func @_edge_agg_body(%arg0: i32, %arg1: i32, %arg2: memref<10240x32xf32, #tpu.memory_space<hbm>>, %arg3: memref<32x40x128xi32, #tpu.memory_space<hbm>>, %arg4: memref<32x40x128xi32, #tpu.memory_space<hbm>>, %arg5: memref<2x10240x32xf32, #tpu.memory_space<hbm>>, %arg6: memref<40x128xi32, #tpu.memory_space<vmem>>, %arg7: memref<40x128xi32, #tpu.memory_space<vmem>>, %arg8: memref<128x32xf32, #tpu.memory_space<vmem>>, %arg9: memref<128x32xf32, #tpu.memory_space<vmem>>, %arg10: memref<128x32xf32, #tpu.memory_space<vmem>>, %arg11: memref<128x32xf32, #tpu.memory_space<vmem>>, %arg12: memref<128x32xf32, #tpu.memory_space<vmem>>, %arg13: memref<128x32xf32, #tpu.memory_space<vmem>>, %arg14: memref<128x32xf32, #tpu.memory_space<vmem>>, %arg15: memref<128x32xf32, #tpu.memory_space<vmem>>, %arg16: memref<10240x32xf32, #tpu.memory_space<vmem_shared>>, %arg17: memref<!tpu.dma_semaphore, #tpu.memory_space<semaphore_mem>>, %arg18: memref<!tpu.dma_semaphore, #tpu.memory_space<semaphore_mem>>, %arg19: memref<!tpu.dma_semaphore, #tpu.memory_space<semaphore_mem>>, %arg20: memref<!tpu.dma_semaphore, #tpu.memory_space<semaphore_mem>>, %arg21: memref<!tpu.dma_semaphore, #tpu.memory_space<semaphore_mem>>, %arg22: memref<!tpu.dma_semaphore, #tpu.memory_space<semaphore_mem>>, %arg23: memref<!tpu.dma_semaphore, #tpu.memory_space<semaphore_mem>>, %arg24: memref<!tpu.dma_semaphore, #tpu.memory_space<semaphore_mem>>, %arg25: memref<!tpu.dma_semaphore, #tpu.memory_space<semaphore_mem>>, %arg26: memref<!tpu.dma_semaphore, #tpu.memory_space<semaphore_mem>>, %arg27: memref<!tpu.dma_semaphore, #tpu.memory_space<semaphore_mem>>, %arg28: memref<!tpu.dma_semaphore, #tpu.memory_space<semaphore_mem>>, %arg29: memref<!tpu.dma_semaphore, #tpu.memory_space<semaphore_mem>>, %arg30: memref<!tpu.dma_semaphore, #tpu.memory_space<semaphore_mem>>, %arg31: memref<!tpu.dma_semaphore, #tpu.memory_space<semaphore_mem>>, %arg32: memref<!tpu.dma_semaphore, #tpu.memory_space<semaphore_mem>>) attributes {dimension_semantics = [#tpu.dimension_semantics<core_parallel>, #tpu.dimension_semantics<subcore_parallel>], iteration_bounds = array<i64: 2, 16>, scalar_prefetch = 0 : i64, scratch_operands = 27 : i64, tpu.core_type = #tpu.core_type<sc_vector_subcore>, window_params = [{transform_indices = #map}, {transform_indices = #map1}, {transform_indices = #map1}, {transform_indices = #map1}]} {
    %mul3A = arith.constant 2 : i32
    %mul3A_0 = arith.muli %arg1, %mul3A : i32
    %add3A = arith.addi %mul3A_0, %arg0 : i32
    %scan3A = arith.constant 0 : i32
    %scan3A_1 = arith.constant 0 : i32
    %scan3A_2 = arith.constant 128 : i32
    %scan3A_3 = arith.addi %scan3A_1, %scan3A_2 : i32
    %scan3A_4 = arith.constant 1 : i32
    scf.for %scan3A_135 = %scan3A_1 to %scan3A_3 step %scan3A_4  : i32 {
      %broadcast_in_dim3A = arith.constant 0.000000e+00 : f32
      %broadcast_in_dim3A_136 = vector.broadcast %broadcast_in_dim3A : f32 to vector<16xf32>
      %swap3A = arith.index_cast %scan3A_135 : i32 to index
      %swap3A_137 = arith.constant 0 : index
      %swap3A_138 = tpu.vector_load %arg8[%swap3A, %swap3A_137] {strides = array<i32>} : memref<128x32xf32, #tpu.memory_space<vmem>>, vector<1x16xf32>,
      %swap3A_139 = vector.shape_cast %swap3A_138 : vector<1x16xf32> to vector<16xf32>
      %swap3A_140 = vector.shape_cast %broadcast_in_dim3A_136 : vector<16xf32> to vector<1x16xf32>
      tpu.vector_store %arg8[%swap3A, %swap3A_137], %swap3A_140 {strides = array<i32>} : memref<128x32xf32, #tpu.memory_space<vmem>>, vector<1x16xf32>,
      %broadcast_in_dim3A_141 = arith.constant 0.000000e+00 : f32
      %broadcast_in_dim3A_142 = vector.broadcast %broadcast_in_dim3A_141 : f32 to vector<16xf32>
      %swap3A_143 = arith.index_cast %scan3A_135 : i32 to index
      %swap3A_144 = arith.constant 16 : index
      %swap3A_145 = tpu.vector_load %arg8[%swap3A_143, %swap3A_144] {strides = array<i32>} : memref<128x32xf32, #tpu.memory_space<vmem>>, vector<1x16xf32>,
      %swap3A_146 = vector.shape_cast %swap3A_145 : vector<1x16xf32> to vector<16xf32>
      %swap3A_147 = vector.shape_cast %broadcast_in_dim3A_142 : vector<16xf32> to vector<1x16xf32>
      tpu.vector_store %arg8[%swap3A_143, %swap3A_144], %swap3A_147 {strides = array<i32>} : memref<128x32xf32, #tpu.memory_space<vmem>>, vector<1x16xf32>,
    }
    %scan3A_5 = arith.constant 128 : i32
    %mul3A_6 = arith.constant 640 : i32
    %mul3A_7 = arith.muli %arg1, %mul3A_6 : i32
    %add3A_8 = arith.constant 0 : i32
    %add3A_9 = arith.addi %mul3A_7, %add3A_8 : i32
    "tpu.region"() ({
      %run_scoped3A = tpu.sem_alloc : memref<!tpu.dma_semaphore, #tpu.memory_space<semaphore_mem>>
      %dma_start3A_135 = arith.constant 0 : i32
      %dma_start3A_136 = tpu.memref_slice %arg16[%add3A_9, %dma_start3A_135] : memref<10240x32xf32, #tpu.memory_space<vmem_shared>> -> memref<128x32xf32, #tpu.memory_space<vmem_shared>>
      %dma_start3A_137 = arith.constant 0 : i32
      %dma_start3A_138 = tpu.memref_slice %arg16[%add3A_9, %dma_start3A_137] : memref<10240x32xf32, #tpu.memory_space<vmem_shared>> -> memref<128x32xf32, #tpu.memory_space<vmem_shared>>
      tpu.enqueue_dma source(%arg8 : memref<128x32xf32, #tpu.memory_space<vmem>>) target(%dma_start3A_138 : memref<128x32xf32, #tpu.memory_space<vmem_shared>>) target_semaphore(%run_scoped3A : memref<!tpu.dma_semaphore, #tpu.memory_space<semaphore_mem>>)
      %dma_wait3A_139 = arith.constant 0 : i32
      %dma_wait3A_140 = tpu.memref_slice %arg16[%add3A_9, %dma_wait3A_139] : memref<10240x32xf32, #tpu.memory_space<vmem_shared>> -> memref<128x32xf32, #tpu.memory_space<vmem_shared>>
      %dma_wait3A_141 = arith.constant 0 : i32
      %dma_wait3A_142 = tpu.memref_slice %arg16[%add3A_9, %dma_wait3A_141] : memref<10240x32xf32, #tpu.memory_space<vmem_shared>> -> memref<128x32xf32, #tpu.memory_space<vmem_shared>>
      tpu.wait_dma2 semaphore(%run_scoped3A : memref<!tpu.dma_semaphore, #tpu.memory_space<semaphore_mem>>) src(%arg8 : memref<128x32xf32, #tpu.memory_space<vmem>>) dst(%dma_wait3A_142 : memref<128x32xf32, #tpu.memory_space<vmem_shared>>)
      tpu.yield
    }) : () -> ()
    %add3A_10 = arith.constant 128 : i32
    %add3A_11 = arith.addi %mul3A_7, %add3A_10 : i32
    "tpu.region"() ({
      %run_scoped3A = tpu.sem_alloc : memref<!tpu.dma_semaphore, #tpu.memory_space<semaphore_mem>>
      %dma_start3A_135 = arith.constant 0 : i32
      %dma_start3A_136 = tpu.memref_slice %arg16[%add3A_11, %dma_start3A_135] : memref<10240x32xf32, #tpu.memory_space<vmem_shared>> -> memref<128x32xf32, #tpu.memory_space<vmem_shared>>
      %dma_start3A_137 = arith.constant 0 : i32
      %dma_start3A_138 = tpu.memref_slice %arg16[%add3A_11, %dma_start3A_137] : memref<10240x32xf32, #tpu.memory_space<vmem_shared>> -> memref<128x32xf32, #tpu.memory_space<vmem_shared>>
      tpu.enqueue_dma source(%arg8 : memref<128x32xf32, #tpu.memory_space<vmem>>) target(%dma_start3A_138 : memref<128x32xf32, #tpu.memory_space<vmem_shared>>) target_semaphore(%run_scoped3A : memref<!tpu.dma_semaphore, #tpu.memory_space<semaphore_mem>>)
      %dma_wait3A_139 = arith.constant 0 : i32
      %dma_wait3A_140 = tpu.memref_slice %arg16[%add3A_11, %dma_wait3A_139] : memref<10240x32xf32, #tpu.memory_space<vmem_shared>> -> memref<128x32xf32, #tpu.memory_space<vmem_shared>>
      %dma_wait3A_141 = arith.constant 0 : i32
      %dma_wait3A_142 = tpu.memref_slice %arg16[%add3A_11, %dma_wait3A_141] : memref<10240x32xf32, #tpu.memory_space<vmem_shared>> -> memref<128x32xf32, #tpu.memory_space<vmem_shared>>
      tpu.wait_dma2 semaphore(%run_scoped3A : memref<!tpu.dma_semaphore, #tpu.memory_space<semaphore_mem>>) src(%arg8 : memref<128x32xf32, #tpu.memory_space<vmem>>) dst(%dma_wait3A_142 : memref<128x32xf32, #tpu.memory_space<vmem_shared>>)
      tpu.yield
    }) : () -> ()
    %add3A_12 = arith.constant 256 : i32
    %add3A_13 = arith.addi %mul3A_7, %add3A_12 : i32
    "tpu.region"() ({
      %run_scoped3A = tpu.sem_alloc : memref<!tpu.dma_semaphore, #tpu.memory_space<semaphore_mem>>
      %dma_start3A_135 = arith.constant 0 : i32
      %dma_start3A_136 = tpu.memref_slice %arg16[%add3A_13, %dma_start3A_135] : memref<10240x32xf32, #tpu.memory_space<vmem_shared>> -> memref<128x32xf32, #tpu.memory_space<vmem_shared>>
      %dma_start3A_137 = arith.constant 0 : i32
      %dma_start3A_138 = tpu.memref_slice %arg16[%add3A_13, %dma_start3A_137] : memref<10240x32xf32, #tpu.memory_space<vmem_shared>> -> memref<128x32xf32, #tpu.memory_space<vmem_shared>>
      tpu.enqueue_dma source(%arg8 : memref<128x32xf32, #tpu.memory_space<vmem>>) target(%dma_start3A_138 : memref<128x32xf32, #tpu.memory_space<vmem_shared>>) target_semaphore(%run_scoped3A : memref<!tpu.dma_semaphore, #tpu.memory_space<semaphore_mem>>)
      %dma_wait3A_139 = arith.constant 0 : i32
      %dma_wait3A_140 = tpu.memref_slice %arg16[%add3A_13, %dma_wait3A_139] : memref<10240x32xf32, #tpu.memory_space<vmem_shared>> -> memref<128x32xf32, #tpu.memory_space<vmem_shared>>
      %dma_wait3A_141 = arith.constant 0 : i32
      %dma_wait3A_142 = tpu.memref_slice %arg16[%add3A_13, %dma_wait3A_141] : memref<10240x32xf32, #tpu.memory_space<vmem_shared>> -> memref<128x32xf32, #tpu.memory_space<vmem_shared>>
      tpu.wait_dma2 semaphore(%run_scoped3A : memref<!tpu.dma_semaphore, #tpu.memory_space<semaphore_mem>>) src(%arg8 : memref<128x32xf32, #tpu.memory_space<vmem>>) dst(%dma_wait3A_142 : memref<128x32xf32, #tpu.memory_space<vmem_shared>>)
      tpu.yield
    }) : () -> ()
    %add3A_14 = arith.constant 384 : i32
    %add3A_15 = arith.addi %mul3A_7, %add3A_14 : i32
    "tpu.region"() ({
      %run_scoped3A = tpu.sem_alloc : memref<!tpu.dma_semaphore, #tpu.memory_space<semaphore_mem>>
      %dma_start3A_135 = arith.constant 0 : i32
      %dma_start3A_136 = tpu.memref_slice %arg16[%add3A_15, %dma_start3A_135] : memref<10240x32xf32, #tpu.memory_space<vmem_shared>> -> memref<128x32xf32, #tpu.memory_space<vmem_shared>>
      %dma_start3A_137 = arith.constant 0 : i32
      %dma_start3A_138 = tpu.memref_slice %arg16[%add3A_15, %dma_start3A_137] : memref<10240x32xf32, #tpu.memory_space<vmem_shared>> -> memref<128x32xf32, #tpu.memory_space<vmem_shared>>
      tpu.enqueue_dma source(%arg8 : memref<128x32xf32, #tpu.memory_space<vmem>>) target(%dma_start3A_138 : memref<128x32xf32, #tpu.memory_space<vmem_shared>>) target_semaphore(%run_scoped3A : memref<!tpu.dma_semaphore, #tpu.memory_space<semaphore_mem>>)
      %dma_wait3A_139 = arith.constant 0 : i32
      %dma_wait3A_140 = tpu.memref_slice %arg16[%add3A_15, %dma_wait3A_139] : memref<10240x32xf32, #tpu.memory_space<vmem_shared>> -> memref<128x32xf32, #tpu.memory_space<vmem_shared>>
      %dma_wait3A_141 = arith.constant 0 : i32
      %dma_wait3A_142 = tpu.memref_slice %arg16[%add3A_15, %dma_wait3A_141] : memref<10240x32xf32, #tpu.memory_space<vmem_shared>> -> memref<128x32xf32, #tpu.memory_space<vmem_shared>>
      tpu.wait_dma2 semaphore(%run_scoped3A : memref<!tpu.dma_semaphore, #tpu.memory_space<semaphore_mem>>) src(%arg8 : memref<128x32xf32, #tpu.memory_space<vmem>>) dst(%dma_wait3A_142 : memref<128x32xf32, #tpu.memory_space<vmem_shared>>)
      tpu.yield
    }) : () -> ()
    %add3A_16 = arith.constant 512 : i32
    %add3A_17 = arith.addi %mul3A_7, %add3A_16 : i32
    "tpu.region"() ({
      %run_scoped3A = tpu.sem_alloc : memref<!tpu.dma_semaphore, #tpu.memory_space<semaphore_mem>>
      %dma_start3A_135 = arith.constant 0 : i32
      %dma_start3A_136 = tpu.memref_slice %arg16[%add3A_17, %dma_start3A_135] : memref<10240x32xf32, #tpu.memory_space<vmem_shared>> -> memref<128x32xf32, #tpu.memory_space<vmem_shared>>
      %dma_start3A_137 = arith.constant 0 : i32
      %dma_start3A_138 = tpu.memref_slice %arg16[%add3A_17, %dma_start3A_137] : memref<10240x32xf32, #tpu.memory_space<vmem_shared>> -> memref<128x32xf32, #tpu.memory_space<vmem_shared>>
      tpu.enqueue_dma source(%arg8 : memref<128x32xf32, #tpu.memory_space<vmem>>) target(%dma_start3A_138 : memref<128x32xf32, #tpu.memory_space<vmem_shared>>) target_semaphore(%run_scoped3A : memref<!tpu.dma_semaphore, #tpu.memory_space<semaphore_mem>>)
      %dma_wait3A_139 = arith.constant 0 : i32
      %dma_wait3A_140 = tpu.memref_slice %arg16[%add3A_17, %dma_wait3A_139] : memref<10240x32xf32, #tpu.memory_space<vmem_shared>> -> memref<128x32xf32, #tpu.memory_space<vmem_shared>>
      %dma_wait3A_141 = arith.constant 0 : i32
      %dma_wait3A_142 = tpu.memref_slice %arg16[%add3A_17, %dma_wait3A_141] : memref<10240x32xf32, #tpu.memory_space<vmem_shared>> -> memref<128x32xf32, #tpu.memory_space<vmem_shared>>
      tpu.wait_dma2 semaphore(%run_scoped3A : memref<!tpu.dma_semaphore, #tpu.memory_space<semaphore_mem>>) src(%arg8 : memref<128x32xf32, #tpu.memory_space<vmem>>) dst(%dma_wait3A_142 : memref<128x32xf32, #tpu.memory_space<vmem_shared>>)
      tpu.yield
    }) : () -> ()
    "tpu.region"() ({
      %run_scoped3A = tpu.sem_alloc : memref<!tpu.dma_semaphore, #tpu.memory_space<semaphore_mem>>
      %dma_start3A_135 = arith.constant 0 : i32
      %dma_start3A_136 = arith.constant 0 : i32
      %dma_start3A_137 = tpu.memref_slice %arg3[%add3A, %dma_start3A_135, %dma_start3A_136] : memref<32x40x128xi32, #tpu.memory_space<hbm>> -> memref<1x40x128xi32, #tpu.memory_space<hbm>>
      %dma_start3A_138 = tpu.memref_squeeze %dma_start3A_137 : memref<1x40x128xi32, #tpu.memory_space<hbm>> -> memref<40x128xi32, #tpu.memory_space<hbm>>
      %dma_start3A_139 = arith.constant 0 : i32
      %dma_start3A_140 = arith.constant 0 : i32
      %dma_start3A_141 = tpu.memref_slice %arg3[%add3A, %dma_start3A_139, %dma_start3A_140] : memref<32x40x128xi32, #tpu.memory_space<hbm>> -> memref<1x40x128xi32, #tpu.memory_space<hbm>>
      %dma_start3A_142 = tpu.memref_squeeze %dma_start3A_141 : memref<1x40x128xi32, #tpu.memory_space<hbm>> -> memref<40x128xi32, #tpu.memory_space<hbm>>
      tpu.enqueue_dma source(%dma_start3A_142 : memref<40x128xi32, #tpu.memory_space<hbm>>) target(%arg6 : memref<40x128xi32, #tpu.memory_space<vmem>>) target_semaphore(%run_scoped3A : memref<!tpu.dma_semaphore, #tpu.memory_space<semaphore_mem>>)
      %dma_wait3A_143 = arith.constant 0 : i32
      %dma_wait3A_144 = arith.constant 0 : i32
      %dma_wait3A_145 = tpu.memref_slice %arg3[%add3A, %dma_wait3A_143, %dma_wait3A_144] : memref<32x40x128xi32, #tpu.memory_space<hbm>> -> memref<1x40x128xi32, #tpu.memory_space<hbm>>
      %dma_wait3A_146 = tpu.memref_squeeze %dma_wait3A_145 : memref<1x40x128xi32, #tpu.memory_space<hbm>> -> memref<40x128xi32, #tpu.memory_space<hbm>>
      %dma_wait3A_147 = arith.constant 0 : i32
      %dma_wait3A_148 = arith.constant 0 : i32
      %dma_wait3A_149 = tpu.memref_slice %arg3[%add3A, %dma_wait3A_147, %dma_wait3A_148] : memref<32x40x128xi32, #tpu.memory_space<hbm>> -> memref<1x40x128xi32, #tpu.memory_space<hbm>>
      %dma_wait3A_150 = tpu.memref_squeeze %dma_wait3A_149 : memref<1x40x128xi32, #tpu.memory_space<hbm>> -> memref<40x128xi32, #tpu.memory_space<hbm>>
      tpu.wait_dma2 semaphore(%run_scoped3A : memref<!tpu.dma_semaphore, #tpu.memory_space<semaphore_mem>>) src(%dma_wait3A_150 : memref<40x128xi32, #tpu.memory_space<hbm>>) dst(%arg6 : memref<40x128xi32, #tpu.memory_space<vmem>>)
      tpu.yield
    }) : () -> ()
    "tpu.region"() ({
      %run_scoped3A = tpu.sem_alloc : memref<!tpu.dma_semaphore, #tpu.memory_space<semaphore_mem>>
      %dma_start3A_135 = arith.constant 0 : i32
      %dma_start3A_136 = arith.constant 0 : i32
      %dma_start3A_137 = tpu.memref_slice %arg4[%add3A, %dma_start3A_135, %dma_start3A_136] : memref<32x40x128xi32, #tpu.memory_space<hbm>> -> memref<1x40x128xi32, #tpu.memory_space<hbm>>
      %dma_start3A_138 = tpu.memref_squeeze %dma_start3A_137 : memref<1x40x128xi32, #tpu.memory_space<hbm>> -> memref<40x128xi32, #tpu.memory_space<hbm>>
      %dma_start3A_139 = arith.constant 0 : i32
      %dma_start3A_140 = arith.constant 0 : i32
      %dma_start3A_141 = tpu.memref_slice %arg4[%add3A, %dma_start3A_139, %dma_start3A_140] : memref<32x40x128xi32, #tpu.memory_space<hbm>> -> memref<1x40x128xi32, #tpu.memory_space<hbm>>
      %dma_start3A_142 = tpu.memref_squeeze %dma_start3A_141 : memref<1x40x128xi32, #tpu.memory_space<hbm>> -> memref<40x128xi32, #tpu.memory_space<hbm>>
      tpu.enqueue_dma source(%dma_start3A_142 : memref<40x128xi32, #tpu.memory_space<hbm>>) target(%arg7 : memref<40x128xi32, #tpu.memory_space<vmem>>) target_semaphore(%run_scoped3A : memref<!tpu.dma_semaphore, #tpu.memory_space<semaphore_mem>>)
      %dma_wait3A_143 = arith.constant 0 : i32
      %dma_wait3A_144 = arith.constant 0 : i32
      %dma_wait3A_145 = tpu.memref_slice %arg4[%add3A, %dma_wait3A_143, %dma_wait3A_144] : memref<32x40x128xi32, #tpu.memory_space<hbm>> -> memref<1x40x128xi32, #tpu.memory_space<hbm>>
      %dma_wait3A_146 = tpu.memref_squeeze %dma_wait3A_145 : memref<1x40x128xi32, #tpu.memory_space<hbm>> -> memref<40x128xi32, #tpu.memory_space<hbm>>
      %dma_wait3A_147 = arith.constant 0 : i32
      %dma_wait3A_148 = arith.constant 0 : i32
      %dma_wait3A_149 = tpu.memref_slice %arg4[%add3A, %dma_wait3A_147, %dma_wait3A_148] : memref<32x40x128xi32, #tpu.memory_space<hbm>> -> memref<1x40x128xi32, #tpu.memory_space<hbm>>
      %dma_wait3A_150 = tpu.memref_squeeze %dma_wait3A_149 : memref<1x40x128xi32, #tpu.memory_space<hbm>> -> memref<40x128xi32, #tpu.memory_space<hbm>>
      tpu.wait_dma2 semaphore(%run_scoped3A : memref<!tpu.dma_semaphore, #tpu.memory_space<semaphore_mem>>) src(%dma_wait3A_150 : memref<40x128xi32, #tpu.memory_space<hbm>>) dst(%arg7 : memref<40x128xi32, #tpu.memory_space<vmem>>)
      tpu.yield
    }) : () -> ()
    %barrier3A = arith.constant 0 : index
    tpu.barrier barrier_id(%barrier3A)
    %dma_start3A = arith.constant 0 : i32
    %dma_start3A_18 = arith.constant 0 : i32
    %dma_start3A_19 = tpu.memref_slice %arg6[%dma_start3A, %dma_start3A_18] : memref<40x128xi32, #tpu.memory_space<vmem>> -> memref<1x128xi32, #tpu.memory_space<vmem>>
    %dma_start3A_20 = tpu.memref_squeeze %dma_start3A_19 : memref<1x128xi32, #tpu.memory_space<vmem>> -> memref<128xi32, #tpu.memory_space<vmem>>
    %dma_start3A_21 = arith.constant 0 : i32
    %dma_start3A_22 = arith.constant 0 : i32
    %dma_start3A_23 = tpu.memref_slice %arg2[%dma_start3A_21, %dma_start3A_22] : memref<10240x32xf32, #tpu.memory_space<hbm>> -> memref<10240x32xf32, #tpu.memory_space<hbm>>
    tpu.enqueue_indirect_dma source(%dma_start3A_23 : memref<10240x32xf32, #tpu.memory_space<hbm>>) target(%arg8 : memref<128x32xf32, #tpu.memory_space<vmem>>) offsets(%dma_start3A_20 : memref<128xi32, #tpu.memory_space<vmem>>) semaphore(%arg17 : memref<!tpu.dma_semaphore, #tpu.memory_space<semaphore_mem>>)
    %dma_start3A_24 = arith.constant 1 : i32
    %dma_start3A_25 = arith.constant 0 : i32
    %dma_start3A_26 = tpu.memref_slice %arg6[%dma_start3A_24, %dma_start3A_25] : memref<40x128xi32, #tpu.memory_space<vmem>> -> memref<1x128xi32, #tpu.memory_space<vmem>>
    %dma_start3A_27 = tpu.memref_squeeze %dma_start3A_26 : memref<1x128xi32, #tpu.memory_space<vmem>> -> memref<128xi32, #tpu.memory_space<vmem>>
    %dma_start3A_28 = arith.constant 0 : i32
    %dma_start3A_29 = arith.constant 0 : i32
    %dma_start3A_30 = tpu.memref_slice %arg2[%dma_start3A_28, %dma_start3A_29] : memref<10240x32xf32, #tpu.memory_space<hbm>> -> memref<10240x32xf32, #tpu.memory_space<hbm>>
    tpu.enqueue_indirect_dma source(%dma_start3A_30 : memref<10240x32xf32, #tpu.memory_space<hbm>>) target(%arg9 : memref<128x32xf32, #tpu.memory_space<vmem>>) offsets(%dma_start3A_27 : memref<128xi32, #tpu.memory_space<vmem>>) semaphore(%arg18 : memref<!tpu.dma_semaphore, #tpu.memory_space<semaphore_mem>>)
    %dma_start3A_31 = arith.constant 2 : i32
    %dma_start3A_32 = arith.constant 0 : i32
    %dma_start3A_33 = tpu.memref_slice %arg6[%dma_start3A_31, %dma_start3A_32] : memref<40x128xi32, #tpu.memory_space<vmem>> -> memref<1x128xi32, #tpu.memory_space<vmem>>
    %dma_start3A_34 = tpu.memref_squeeze %dma_start3A_33 : memref<1x128xi32, #tpu.memory_space<vmem>> -> memref<128xi32, #tpu.memory_space<vmem>>
    %dma_start3A_35 = arith.constant 0 : i32
    %dma_start3A_36 = arith.constant 0 : i32
    %dma_start3A_37 = tpu.memref_slice %arg2[%dma_start3A_35, %dma_start3A_36] : memref<10240x32xf32, #tpu.memory_space<hbm>> -> memref<10240x32xf32, #tpu.memory_space<hbm>>
    tpu.enqueue_indirect_dma source(%dma_start3A_37 : memref<10240x32xf32, #tpu.memory_space<hbm>>) target(%arg10 : memref<128x32xf32, #tpu.memory_space<vmem>>) offsets(%dma_start3A_34 : memref<128xi32, #tpu.memory_space<vmem>>) semaphore(%arg19 : memref<!tpu.dma_semaphore, #tpu.memory_space<semaphore_mem>>)
    %dma_start3A_38 = arith.constant 3 : i32
    %dma_start3A_39 = arith.constant 0 : i32
    %dma_start3A_40 = tpu.memref_slice %arg6[%dma_start3A_38, %dma_start3A_39] : memref<40x128xi32, #tpu.memory_space<vmem>> -> memref<1x128xi32, #tpu.memory_space<vmem>>
    %dma_start3A_41 = tpu.memref_squeeze %dma_start3A_40 : memref<1x128xi32, #tpu.memory_space<vmem>> -> memref<128xi32, #tpu.memory_space<vmem>>
    %dma_start3A_42 = arith.constant 0 : i32
    %dma_start3A_43 = arith.constant 0 : i32
    %dma_start3A_44 = tpu.memref_slice %arg2[%dma_start3A_42, %dma_start3A_43] : memref<10240x32xf32, #tpu.memory_space<hbm>> -> memref<10240x32xf32, #tpu.memory_space<hbm>>
    tpu.enqueue_indirect_dma source(%dma_start3A_44 : memref<10240x32xf32, #tpu.memory_space<hbm>>) target(%arg11 : memref<128x32xf32, #tpu.memory_space<vmem>>) offsets(%dma_start3A_41 : memref<128xi32, #tpu.memory_space<vmem>>) semaphore(%arg20 : memref<!tpu.dma_semaphore, #tpu.memory_space<semaphore_mem>>)
    %dma_start3A_45 = arith.constant 4 : i32
    %dma_start3A_46 = arith.constant 0 : i32
    %dma_start3A_47 = tpu.memref_slice %arg6[%dma_start3A_45, %dma_start3A_46] : memref<40x128xi32, #tpu.memory_space<vmem>> -> memref<1x128xi32, #tpu.memory_space<vmem>>
    %dma_start3A_48 = tpu.memref_squeeze %dma_start3A_47 : memref<1x128xi32, #tpu.memory_space<vmem>> -> memref<128xi32, #tpu.memory_space<vmem>>
    %dma_start3A_49 = arith.constant 0 : i32
    %dma_start3A_50 = arith.constant 0 : i32
    %dma_start3A_51 = tpu.memref_slice %arg2[%dma_start3A_49, %dma_start3A_50] : memref<10240x32xf32, #tpu.memory_space<hbm>> -> memref<10240x32xf32, #tpu.memory_space<hbm>>
    tpu.enqueue_indirect_dma source(%dma_start3A_51 : memref<10240x32xf32, #tpu.memory_space<hbm>>) target(%arg12 : memref<128x32xf32, #tpu.memory_space<vmem>>) offsets(%dma_start3A_48 : memref<128xi32, #tpu.memory_space<vmem>>) semaphore(%arg21 : memref<!tpu.dma_semaphore, #tpu.memory_space<semaphore_mem>>)
    %dma_start3A_52 = arith.constant 5 : i32
    %dma_start3A_53 = arith.constant 0 : i32
    %dma_start3A_54 = tpu.memref_slice %arg6[%dma_start3A_52, %dma_start3A_53] : memref<40x128xi32, #tpu.memory_space<vmem>> -> memref<1x128xi32, #tpu.memory_space<vmem>>
    %dma_start3A_55 = tpu.memref_squeeze %dma_start3A_54 : memref<1x128xi32, #tpu.memory_space<vmem>> -> memref<128xi32, #tpu.memory_space<vmem>>
    %dma_start3A_56 = arith.constant 0 : i32
    %dma_start3A_57 = arith.constant 0 : i32
    %dma_start3A_58 = tpu.memref_slice %arg2[%dma_start3A_56, %dma_start3A_57] : memref<10240x32xf32, #tpu.memory_space<hbm>> -> memref<10240x32xf32, #tpu.memory_space<hbm>>
    tpu.enqueue_indirect_dma source(%dma_start3A_58 : memref<10240x32xf32, #tpu.memory_space<hbm>>) target(%arg13 : memref<128x32xf32, #tpu.memory_space<vmem>>) offsets(%dma_start3A_55 : memref<128xi32, #tpu.memory_space<vmem>>) semaphore(%arg22 : memref<!tpu.dma_semaphore, #tpu.memory_space<semaphore_mem>>)
    %dma_start3A_59 = arith.constant 6 : i32
    %dma_start3A_60 = arith.constant 0 : i32
    %dma_start3A_61 = tpu.memref_slice %arg6[%dma_start3A_59, %dma_start3A_60] : memref<40x128xi32, #tpu.memory_space<vmem>> -> memref<1x128xi32, #tpu.memory_space<vmem>>
    %dma_start3A_62 = tpu.memref_squeeze %dma_start3A_61 : memref<1x128xi32, #tpu.memory_space<vmem>> -> memref<128xi32, #tpu.memory_space<vmem>>
    %dma_start3A_63 = arith.constant 0 : i32
    %dma_start3A_64 = arith.constant 0 : i32
    %dma_start3A_65 = tpu.memref_slice %arg2[%dma_start3A_63, %dma_start3A_64] : memref<10240x32xf32, #tpu.memory_space<hbm>> -> memref<10240x32xf32, #tpu.memory_space<hbm>>
    tpu.enqueue_indirect_dma source(%dma_start3A_65 : memref<10240x32xf32, #tpu.memory_space<hbm>>) target(%arg14 : memref<128x32xf32, #tpu.memory_space<vmem>>) offsets(%dma_start3A_62 : memref<128xi32, #tpu.memory_space<vmem>>) semaphore(%arg23 : memref<!tpu.dma_semaphore, #tpu.memory_space<semaphore_mem>>)
    %dma_start3A_66 = arith.constant 7 : i32
    %dma_start3A_67 = arith.constant 0 : i32
    %dma_start3A_68 = tpu.memref_slice %arg6[%dma_start3A_66, %dma_start3A_67] : memref<40x128xi32, #tpu.memory_space<vmem>> -> memref<1x128xi32, #tpu.memory_space<vmem>>
    %dma_start3A_69 = tpu.memref_squeeze %dma_start3A_68 : memref<1x128xi32, #tpu.memory_space<vmem>> -> memref<128xi32, #tpu.memory_space<vmem>>
    %dma_start3A_70 = arith.constant 0 : i32
    %dma_start3A_71 = arith.constant 0 : i32
    %dma_start3A_72 = tpu.memref_slice %arg2[%dma_start3A_70, %dma_start3A_71] : memref<10240x32xf32, #tpu.memory_space<hbm>> -> memref<10240x32xf32, #tpu.memory_space<hbm>>
    tpu.enqueue_indirect_dma source(%dma_start3A_72 : memref<10240x32xf32, #tpu.memory_space<hbm>>) target(%arg15 : memref<128x32xf32, #tpu.memory_space<vmem>>) offsets(%dma_start3A_69 : memref<128xi32, #tpu.memory_space<vmem>>) semaphore(%arg24 : memref<!tpu.dma_semaphore, #tpu.memory_space<semaphore_mem>>)
    %scan3A_73 = arith.constant 0 : i32
    %scan3A_74 = arith.constant 0 : i32
    %scan3A_75 = arith.constant 5 : i32
    %scan3A_76 = arith.addi %scan3A_74, %scan3A_75 : i32
    %scan3A_77 = arith.constant 1 : i32
    scf.for %scan3A_135 = %scan3A_74 to %scan3A_76 step %scan3A_77  : i32 {
      %mul3A_136 = arith.constant 8 : i32
      %mul3A_137 = arith.muli %scan3A_135, %mul3A_136 : i32
      %add3A_138 = arith.constant 0 : i32
      %add3A_139 = arith.addi %mul3A_137, %add3A_138 : i32
      %dma_wait3A_140 = arith.constant 0 : i32
      %dma_wait3A_141 = tpu.memref_slice %arg6[%add3A_139, %dma_wait3A_140] : memref<40x128xi32, #tpu.memory_space<vmem>> -> memref<1x128xi32, #tpu.memory_space<vmem>>
      %dma_wait3A_142 = tpu.memref_squeeze %dma_wait3A_141 : memref<1x128xi32, #tpu.memory_space<vmem>> -> memref<128xi32, #tpu.memory_space<vmem>>
      %dma_wait3A_143 = arith.constant 0 : i32
      %dma_wait3A_144 = arith.constant 0 : i32
      %dma_wait3A_145 = tpu.memref_slice %arg2[%dma_wait3A_143, %dma_wait3A_144] : memref<10240x32xf32, #tpu.memory_space<hbm>> -> memref<10240x32xf32, #tpu.memory_space<hbm>>
      tpu.wait_indirect_dma semaphore(%arg17 : memref<!tpu.dma_semaphore, #tpu.memory_space<semaphore_mem>>) src(%dma_wait3A_145 : memref<10240x32xf32, #tpu.memory_space<hbm>>) dst(%arg8 : memref<128x32xf32, #tpu.memory_space<vmem>>)
      %add3A_146 = arith.constant 0 : i32
      %add3A_147 = arith.addi %mul3A_137, %add3A_146 : i32
      %dma_start3A_148 = arith.constant 0 : i32
      %dma_start3A_149 = tpu.memref_slice %arg7[%add3A_147, %dma_start3A_148] : memref<40x128xi32, #tpu.memory_space<vmem>> -> memref<1x128xi32, #tpu.memory_space<vmem>>
      %dma_start3A_150 = tpu.memref_squeeze %dma_start3A_149 : memref<1x128xi32, #tpu.memory_space<vmem>> -> memref<128xi32, #tpu.memory_space<vmem>>
      %dma_start3A_151 = arith.constant 0 : i32
      %dma_start3A_152 = arith.constant 0 : i32
      %dma_start3A_153 = tpu.memref_slice %arg16[%dma_start3A_151, %dma_start3A_152] : memref<10240x32xf32, #tpu.memory_space<vmem_shared>> -> memref<10240x32xf32, #tpu.memory_space<vmem_shared>>
      tpu.enqueue_indirect_dma source(%arg8 : memref<128x32xf32, #tpu.memory_space<vmem>>) target(%dma_start3A_153 : memref<10240x32xf32, #tpu.memory_space<vmem_shared>>) offsets(%dma_start3A_150 : memref<128xi32, #tpu.memory_space<vmem>>) semaphore(%arg25 : memref<!tpu.dma_semaphore, #tpu.memory_space<semaphore_mem>>) {add = true}
      %add3A_154 = arith.constant 1 : i32
      %add3A_155 = arith.addi %mul3A_137, %add3A_154 : i32
      %dma_wait3A_156 = arith.constant 0 : i32
      %dma_wait3A_157 = tpu.memref_slice %arg6[%add3A_155, %dma_wait3A_156] : memref<40x128xi32, #tpu.memory_space<vmem>> -> memref<1x128xi32, #tpu.memory_space<vmem>>
      %dma_wait3A_158 = tpu.memref_squeeze %dma_wait3A_157 : memref<1x128xi32, #tpu.memory_space<vmem>> -> memref<128xi32, #tpu.memory_space<vmem>>
      %dma_wait3A_159 = arith.constant 0 : i32
      %dma_wait3A_160 = arith.constant 0 : i32
      %dma_wait3A_161 = tpu.memref_slice %arg2[%dma_wait3A_159, %dma_wait3A_160] : memref<10240x32xf32, #tpu.memory_space<hbm>> -> memref<10240x32xf32, #tpu.memory_space<hbm>>
      tpu.wait_indirect_dma semaphore(%arg18 : memref<!tpu.dma_semaphore, #tpu.memory_space<semaphore_mem>>) src(%dma_wait3A_161 : memref<10240x32xf32, #tpu.memory_space<hbm>>) dst(%arg9 : memref<128x32xf32, #tpu.memory_space<vmem>>)
      %add3A_162 = arith.constant 1 : i32
      %add3A_163 = arith.addi %mul3A_137, %add3A_162 : i32
      %dma_start3A_164 = arith.constant 0 : i32
      %dma_start3A_165 = tpu.memref_slice %arg7[%add3A_163, %dma_start3A_164] : memref<40x128xi32, #tpu.memory_space<vmem>> -> memref<1x128xi32, #tpu.memory_space<vmem>>
      %dma_start3A_166 = tpu.memref_squeeze %dma_start3A_165 : memref<1x128xi32, #tpu.memory_space<vmem>> -> memref<128xi32, #tpu.memory_space<vmem>>
      %dma_start3A_167 = arith.constant 0 : i32
      %dma_start3A_168 = arith.constant 0 : i32
      %dma_start3A_169 = tpu.memref_slice %arg16[%dma_start3A_167, %dma_start3A_168] : memref<10240x32xf32, #tpu.memory_space<vmem_shared>> -> memref<10240x32xf32, #tpu.memory_space<vmem_shared>>
      tpu.enqueue_indirect_dma source(%arg9 : memref<128x32xf32, #tpu.memory_space<vmem>>) target(%dma_start3A_169 : memref<10240x32xf32, #tpu.memory_space<vmem_shared>>) offsets(%dma_start3A_166 : memref<128xi32, #tpu.memory_space<vmem>>) semaphore(%arg26 : memref<!tpu.dma_semaphore, #tpu.memory_space<semaphore_mem>>) {add = true}
      %add3A_170 = arith.constant 2 : i32
      %add3A_171 = arith.addi %mul3A_137, %add3A_170 : i32
      %dma_wait3A_172 = arith.constant 0 : i32
      %dma_wait3A_173 = tpu.memref_slice %arg6[%add3A_171, %dma_wait3A_172] : memref<40x128xi32, #tpu.memory_space<vmem>> -> memref<1x128xi32, #tpu.memory_space<vmem>>
      %dma_wait3A_174 = tpu.memref_squeeze %dma_wait3A_173 : memref<1x128xi32, #tpu.memory_space<vmem>> -> memref<128xi32, #tpu.memory_space<vmem>>
      %dma_wait3A_175 = arith.constant 0 : i32
      %dma_wait3A_176 = arith.constant 0 : i32
      %dma_wait3A_177 = tpu.memref_slice %arg2[%dma_wait3A_175, %dma_wait3A_176] : memref<10240x32xf32, #tpu.memory_space<hbm>> -> memref<10240x32xf32, #tpu.memory_space<hbm>>
      tpu.wait_indirect_dma semaphore(%arg19 : memref<!tpu.dma_semaphore, #tpu.memory_space<semaphore_mem>>) src(%dma_wait3A_177 : memref<10240x32xf32, #tpu.memory_space<hbm>>) dst(%arg10 : memref<128x32xf32, #tpu.memory_space<vmem>>)
      %add3A_178 = arith.constant 2 : i32
      %add3A_179 = arith.addi %mul3A_137, %add3A_178 : i32
      %dma_start3A_180 = arith.constant 0 : i32
      %dma_start3A_181 = tpu.memref_slice %arg7[%add3A_179, %dma_start3A_180] : memref<40x128xi32, #tpu.memory_space<vmem>> -> memref<1x128xi32, #tpu.memory_space<vmem>>
      %dma_start3A_182 = tpu.memref_squeeze %dma_start3A_181 : memref<1x128xi32, #tpu.memory_space<vmem>> -> memref<128xi32, #tpu.memory_space<vmem>>
      %dma_start3A_183 = arith.constant 0 : i32
      %dma_start3A_184 = arith.constant 0 : i32
      %dma_start3A_185 = tpu.memref_slice %arg16[%dma_start3A_183, %dma_start3A_184] : memref<10240x32xf32, #tpu.memory_space<vmem_shared>> -> memref<10240x32xf32, #tpu.memory_space<vmem_shared>>
      tpu.enqueue_indirect_dma source(%arg10 : memref<128x32xf32, #tpu.memory_space<vmem>>) target(%dma_start3A_185 : memref<10240x32xf32, #tpu.memory_space<vmem_shared>>) offsets(%dma_start3A_182 : memref<128xi32, #tpu.memory_space<vmem>>) semaphore(%arg27 : memref<!tpu.dma_semaphore, #tpu.memory_space<semaphore_mem>>) {add = true}
      %add3A_186 = arith.constant 3 : i32
      %add3A_187 = arith.addi %mul3A_137, %add3A_186 : i32
      %dma_wait3A_188 = arith.constant 0 : i32
      %dma_wait3A_189 = tpu.memref_slice %arg6[%add3A_187, %dma_wait3A_188] : memref<40x128xi32, #tpu.memory_space<vmem>> -> memref<1x128xi32, #tpu.memory_space<vmem>>
      %dma_wait3A_190 = tpu.memref_squeeze %dma_wait3A_189 : memref<1x128xi32, #tpu.memory_space<vmem>> -> memref<128xi32, #tpu.memory_space<vmem>>
      %dma_wait3A_191 = arith.constant 0 : i32
      %dma_wait3A_192 = arith.constant 0 : i32
      %dma_wait3A_193 = tpu.memref_slice %arg2[%dma_wait3A_191, %dma_wait3A_192] : memref<10240x32xf32, #tpu.memory_space<hbm>> -> memref<10240x32xf32, #tpu.memory_space<hbm>>
      tpu.wait_indirect_dma semaphore(%arg20 : memref<!tpu.dma_semaphore, #tpu.memory_space<semaphore_mem>>) src(%dma_wait3A_193 : memref<10240x32xf32, #tpu.memory_space<hbm>>) dst(%arg11 : memref<128x32xf32, #tpu.memory_space<vmem>>)
      %add3A_194 = arith.constant 3 : i32
      %add3A_195 = arith.addi %mul3A_137, %add3A_194 : i32
      %dma_start3A_196 = arith.constant 0 : i32
      %dma_start3A_197 = tpu.memref_slice %arg7[%add3A_195, %dma_start3A_196] : memref<40x128xi32, #tpu.memory_space<vmem>> -> memref<1x128xi32, #tpu.memory_space<vmem>>
      %dma_start3A_198 = tpu.memref_squeeze %dma_start3A_197 : memref<1x128xi32, #tpu.memory_space<vmem>> -> memref<128xi32, #tpu.memory_space<vmem>>
      %dma_start3A_199 = arith.constant 0 : i32
      %dma_start3A_200 = arith.constant 0 : i32
      %dma_start3A_201 = tpu.memref_slice %arg16[%dma_start3A_199, %dma_start3A_200] : memref<10240x32xf32, #tpu.memory_space<vmem_shared>> -> memref<10240x32xf32, #tpu.memory_space<vmem_shared>>
      tpu.enqueue_indirect_dma source(%arg11 : memref<128x32xf32, #tpu.memory_space<vmem>>) target(%dma_start3A_201 : memref<10240x32xf32, #tpu.memory_space<vmem_shared>>) offsets(%dma_start3A_198 : memref<128xi32, #tpu.memory_space<vmem>>) semaphore(%arg28 : memref<!tpu.dma_semaphore, #tpu.memory_space<semaphore_mem>>) {add = true}
      %add3A_202 = arith.constant 4 : i32
      %add3A_203 = arith.addi %mul3A_137, %add3A_202 : i32
      %dma_wait3A_204 = arith.constant 0 : i32
      %dma_wait3A_205 = tpu.memref_slice %arg6[%add3A_203, %dma_wait3A_204] : memref<40x128xi32, #tpu.memory_space<vmem>> -> memref<1x128xi32, #tpu.memory_space<vmem>>
      %dma_wait3A_206 = tpu.memref_squeeze %dma_wait3A_205 : memref<1x128xi32, #tpu.memory_space<vmem>> -> memref<128xi32, #tpu.memory_space<vmem>>
      %dma_wait3A_207 = arith.constant 0 : i32
      %dma_wait3A_208 = arith.constant 0 : i32
      %dma_wait3A_209 = tpu.memref_slice %arg2[%dma_wait3A_207, %dma_wait3A_208] : memref<10240x32xf32, #tpu.memory_space<hbm>> -> memref<10240x32xf32, #tpu.memory_space<hbm>>
      tpu.wait_indirect_dma semaphore(%arg21 : memref<!tpu.dma_semaphore, #tpu.memory_space<semaphore_mem>>) src(%dma_wait3A_209 : memref<10240x32xf32, #tpu.memory_space<hbm>>) dst(%arg12 : memref<128x32xf32, #tpu.memory_space<vmem>>)
      %add3A_210 = arith.constant 4 : i32
      %add3A_211 = arith.addi %mul3A_137, %add3A_210 : i32
      %dma_start3A_212 = arith.constant 0 : i32
      %dma_start3A_213 = tpu.memref_slice %arg7[%add3A_211, %dma_start3A_212] : memref<40x128xi32, #tpu.memory_space<vmem>> -> memref<1x128xi32, #tpu.memory_space<vmem>>
      %dma_start3A_214 = tpu.memref_squeeze %dma_start3A_213 : memref<1x128xi32, #tpu.memory_space<vmem>> -> memref<128xi32, #tpu.memory_space<vmem>>
      %dma_start3A_215 = arith.constant 0 : i32
      %dma_start3A_216 = arith.constant 0 : i32
      %dma_start3A_217 = tpu.memref_slice %arg16[%dma_start3A_215, %dma_start3A_216] : memref<10240x32xf32, #tpu.memory_space<vmem_shared>> -> memref<10240x32xf32, #tpu.memory_space<vmem_shared>>
      tpu.enqueue_indirect_dma source(%arg12 : memref<128x32xf32, #tpu.memory_space<vmem>>) target(%dma_start3A_217 : memref<10240x32xf32, #tpu.memory_space<vmem_shared>>) offsets(%dma_start3A_214 : memref<128xi32, #tpu.memory_space<vmem>>) semaphore(%arg29 : memref<!tpu.dma_semaphore, #tpu.memory_space<semaphore_mem>>) {add = true}
      %add3A_218 = arith.constant 5 : i32
      %add3A_219 = arith.addi %mul3A_137, %add3A_218 : i32
      %dma_wait3A_220 = arith.constant 0 : i32
      %dma_wait3A_221 = tpu.memref_slice %arg6[%add3A_219, %dma_wait3A_220] : memref<40x128xi32, #tpu.memory_space<vmem>> -> memref<1x128xi32, #tpu.memory_space<vmem>>
      %dma_wait3A_222 = tpu.memref_squeeze %dma_wait3A_221 : memref<1x128xi32, #tpu.memory_space<vmem>> -> memref<128xi32, #tpu.memory_space<vmem>>
      %dma_wait3A_223 = arith.constant 0 : i32
      %dma_wait3A_224 = arith.constant 0 : i32
      %dma_wait3A_225 = tpu.memref_slice %arg2[%dma_wait3A_223, %dma_wait3A_224] : memref<10240x32xf32, #tpu.memory_space<hbm>> -> memref<10240x32xf32, #tpu.memory_space<hbm>>
      tpu.wait_indirect_dma semaphore(%arg22 : memref<!tpu.dma_semaphore, #tpu.memory_space<semaphore_mem>>) src(%dma_wait3A_225 : memref<10240x32xf32, #tpu.memory_space<hbm>>) dst(%arg13 : memref<128x32xf32, #tpu.memory_space<vmem>>)
      %add3A_226 = arith.constant 5 : i32
      %add3A_227 = arith.addi %mul3A_137, %add3A_226 : i32
      %dma_start3A_228 = arith.constant 0 : i32
      %dma_start3A_229 = tpu.memref_slice %arg7[%add3A_227, %dma_start3A_228] : memref<40x128xi32, #tpu.memory_space<vmem>> -> memref<1x128xi32, #tpu.memory_space<vmem>>
      %dma_start3A_230 = tpu.memref_squeeze %dma_start3A_229 : memref<1x128xi32, #tpu.memory_space<vmem>> -> memref<128xi32, #tpu.memory_space<vmem>>
      %dma_start3A_231 = arith.constant 0 : i32
      %dma_start3A_232 = arith.constant 0 : i32
      %dma_start3A_233 = tpu.memref_slice %arg16[%dma_start3A_231, %dma_start3A_232] : memref<10240x32xf32, #tpu.memory_space<vmem_shared>> -> memref<10240x32xf32, #tpu.memory_space<vmem_shared>>
      tpu.enqueue_indirect_dma source(%arg13 : memref<128x32xf32, #tpu.memory_space<vmem>>) target(%dma_start3A_233 : memref<10240x32xf32, #tpu.memory_space<vmem_shared>>) offsets(%dma_start3A_230 : memref<128xi32, #tpu.memory_space<vmem>>) semaphore(%arg30 : memref<!tpu.dma_semaphore, #tpu.memory_space<semaphore_mem>>) {add = true}
      %add3A_234 = arith.constant 6 : i32
      %add3A_235 = arith.addi %mul3A_137, %add3A_234 : i32
      %dma_wait3A_236 = arith.constant 0 : i32
      %dma_wait3A_237 = tpu.memref_slice %arg6[%add3A_235, %dma_wait3A_236] : memref<40x128xi32, #tpu.memory_space<vmem>> -> memref<1x128xi32, #tpu.memory_space<vmem>>
      %dma_wait3A_238 = tpu.memref_squeeze %dma_wait3A_237 : memref<1x128xi32, #tpu.memory_space<vmem>> -> memref<128xi32, #tpu.memory_space<vmem>>
      %dma_wait3A_239 = arith.constant 0 : i32
      %dma_wait3A_240 = arith.constant 0 : i32
      %dma_wait3A_241 = tpu.memref_slice %arg2[%dma_wait3A_239, %dma_wait3A_240] : memref<10240x32xf32, #tpu.memory_space<hbm>> -> memref<10240x32xf32, #tpu.memory_space<hbm>>
      tpu.wait_indirect_dma semaphore(%arg23 : memref<!tpu.dma_semaphore, #tpu.memory_space<semaphore_mem>>) src(%dma_wait3A_241 : memref<10240x32xf32, #tpu.memory_space<hbm>>) dst(%arg14 : memref<128x32xf32, #tpu.memory_space<vmem>>)
      %add3A_242 = arith.constant 6 : i32
      %add3A_243 = arith.addi %mul3A_137, %add3A_242 : i32
      %dma_start3A_244 = arith.constant 0 : i32
      %dma_start3A_245 = tpu.memref_slice %arg7[%add3A_243, %dma_start3A_244] : memref<40x128xi32, #tpu.memory_space<vmem>> -> memref<1x128xi32, #tpu.memory_space<vmem>>
      %dma_start3A_246 = tpu.memref_squeeze %dma_start3A_245 : memref<1x128xi32, #tpu.memory_space<vmem>> -> memref<128xi32, #tpu.memory_space<vmem>>
      %dma_start3A_247 = arith.constant 0 : i32
      %dma_start3A_248 = arith.constant 0 : i32
      %dma_start3A_249 = tpu.memref_slice %arg16[%dma_start3A_247, %dma_start3A_248] : memref<10240x32xf32, #tpu.memory_space<vmem_shared>> -> memref<10240x32xf32, #tpu.memory_space<vmem_shared>>
      tpu.enqueue_indirect_dma source(%arg14 : memref<128x32xf32, #tpu.memory_space<vmem>>) target(%dma_start3A_249 : memref<10240x32xf32, #tpu.memory_space<vmem_shared>>) offsets(%dma_start3A_246 : memref<128xi32, #tpu.memory_space<vmem>>) semaphore(%arg31 : memref<!tpu.dma_semaphore, #tpu.memory_space<semaphore_mem>>) {add = true}
      %add3A_250 = arith.constant 7 : i32
      %add3A_251 = arith.addi %mul3A_137, %add3A_250 : i32
      %dma_wait3A_252 = arith.constant 0 : i32
      %dma_wait3A_253 = tpu.memref_slice %arg6[%add3A_251, %dma_wait3A_252] : memref<40x128xi32, #tpu.memory_space<vmem>> -> memref<1x128xi32, #tpu.memory_space<vmem>>
      %dma_wait3A_254 = tpu.memref_squeeze %dma_wait3A_253 : memref<1x128xi32, #tpu.memory_space<vmem>> -> memref<128xi32, #tpu.memory_space<vmem>>
      %dma_wait3A_255 = arith.constant 0 : i32
      %dma_wait3A_256 = arith.constant 0 : i32
      %dma_wait3A_257 = tpu.memref_slice %arg2[%dma_wait3A_255, %dma_wait3A_256] : memref<10240x32xf32, #tpu.memory_space<hbm>> -> memref<10240x32xf32, #tpu.memory_space<hbm>>
      tpu.wait_indirect_dma semaphore(%arg24 : memref<!tpu.dma_semaphore, #tpu.memory_space<semaphore_mem>>) src(%dma_wait3A_257 : memref<10240x32xf32, #tpu.memory_space<hbm>>) dst(%arg15 : memref<128x32xf32, #tpu.memory_space<vmem>>)
      %add3A_258 = arith.constant 7 : i32
      %add3A_259 = arith.addi %mul3A_137, %add3A_258 : i32
      %dma_start3A_260 = arith.constant 0 : i32
      %dma_start3A_261 = tpu.memref_slice %arg7[%add3A_259, %dma_start3A_260] : memref<40x128xi32, #tpu.memory_space<vmem>> -> memref<1x128xi32, #tpu.memory_space<vmem>>
      %dma_start3A_262 = tpu.memref_squeeze %dma_start3A_261 : memref<1x128xi32, #tpu.memory_space<vmem>> -> memref<128xi32, #tpu.memory_space<vmem>>
      %dma_start3A_263 = arith.constant 0 : i32
      %dma_start3A_264 = arith.constant 0 : i32
      %dma_start3A_265 = tpu.memref_slice %arg16[%dma_start3A_263, %dma_start3A_264] : memref<10240x32xf32, #tpu.memory_space<vmem_shared>> -> memref<10240x32xf32, #tpu.memory_space<vmem_shared>>
      tpu.enqueue_indirect_dma source(%arg15 : memref<128x32xf32, #tpu.memory_space<vmem>>) target(%dma_start3A_265 : memref<10240x32xf32, #tpu.memory_space<vmem_shared>>) offsets(%dma_start3A_262 : memref<128xi32, #tpu.memory_space<vmem>>) semaphore(%arg32 : memref<!tpu.dma_semaphore, #tpu.memory_space<semaphore_mem>>) {add = true}
      %lt3A = arith.constant 4 : i32
      %lt3A_266 = arith.cmpi slt, %scan3A_135, %lt3A : i32
      %convert_element_type3A = arith.extui %lt3A_266 : i1 to i32
      %cond3A = arith.constant 0 : i32
      %cond3A_267 = arith.cmpi ne, %convert_element_type3A, %cond3A : i32
      scf.if %cond3A_267 {
        %add3A_268 = arith.constant 0 : i32
        %add3A_269 = arith.addi %mul3A_137, %add3A_268 : i32
        %dma_wait3A_270 = arith.constant 0 : i32
        %dma_wait3A_271 = tpu.memref_slice %arg7[%add3A_269, %dma_wait3A_270] : memref<40x128xi32, #tpu.memory_space<vmem>> -> memref<1x128xi32, #tpu.memory_space<vmem>>
        %dma_wait3A_272 = tpu.memref_squeeze %dma_wait3A_271 : memref<1x128xi32, #tpu.memory_space<vmem>> -> memref<128xi32, #tpu.memory_space<vmem>>
        %dma_wait3A_273 = arith.constant 0 : i32
        %dma_wait3A_274 = arith.constant 0 : i32
        %dma_wait3A_275 = tpu.memref_slice %arg16[%dma_wait3A_273, %dma_wait3A_274] : memref<10240x32xf32, #tpu.memory_space<vmem_shared>> -> memref<10240x32xf32, #tpu.memory_space<vmem_shared>>
        tpu.wait_indirect_dma semaphore(%arg25 : memref<!tpu.dma_semaphore, #tpu.memory_space<semaphore_mem>>) src(%arg8 : memref<128x32xf32, #tpu.memory_space<vmem>>) dst(%dma_wait3A_275 : memref<10240x32xf32, #tpu.memory_space<vmem_shared>>)
        %add3A_276 = arith.constant 8 : i32
        %add3A_277 = arith.addi %mul3A_137, %add3A_276 : i32
        %add3A_278 = arith.constant 0 : i32
        %add3A_279 = arith.addi %add3A_277, %add3A_278 : i32
        %dma_start3A_280 = arith.constant 0 : i32
        %dma_start3A_281 = tpu.memref_slice %arg6[%add3A_279, %dma_start3A_280] : memref<40x128xi32, #tpu.memory_space<vmem>> -> memref<1x128xi32, #tpu.memory_space<vmem>>
        %dma_start3A_282 = tpu.memref_squeeze %dma_start3A_281 : memref<1x128xi32, #tpu.memory_space<vmem>> -> memref<128xi32, #tpu.memory_space<vmem>>
        %dma_start3A_283 = arith.constant 0 : i32
        %dma_start3A_284 = arith.constant 0 : i32
        %dma_start3A_285 = tpu.memref_slice %arg2[%dma_start3A_283, %dma_start3A_284] : memref<10240x32xf32, #tpu.memory_space<hbm>> -> memref<10240x32xf32, #tpu.memory_space<hbm>>
        tpu.enqueue_indirect_dma source(%dma_start3A_285 : memref<10240x32xf32, #tpu.memory_space<hbm>>) target(%arg8 : memref<128x32xf32, #tpu.memory_space<vmem>>) offsets(%dma_start3A_282 : memref<128xi32, #tpu.memory_space<vmem>>) semaphore(%arg17 : memref<!tpu.dma_semaphore, #tpu.memory_space<semaphore_mem>>)
        %add3A_286 = arith.constant 1 : i32
        %add3A_287 = arith.addi %mul3A_137, %add3A_286 : i32
        %dma_wait3A_288 = arith.constant 0 : i32
        %dma_wait3A_289 = tpu.memref_slice %arg7[%add3A_287, %dma_wait3A_288] : memref<40x128xi32, #tpu.memory_space<vmem>> -> memref<1x128xi32, #tpu.memory_space<vmem>>
        %dma_wait3A_290 = tpu.memref_squeeze %dma_wait3A_289 : memref<1x128xi32, #tpu.memory_space<vmem>> -> memref<128xi32, #tpu.memory_space<vmem>>
        %dma_wait3A_291 = arith.constant 0 : i32
        %dma_wait3A_292 = arith.constant 0 : i32
        %dma_wait3A_293 = tpu.memref_slice %arg16[%dma_wait3A_291, %dma_wait3A_292] : memref<10240x32xf32, #tpu.memory_space<vmem_shared>> -> memref<10240x32xf32, #tpu.memory_space<vmem_shared>>
        tpu.wait_indirect_dma semaphore(%arg26 : memref<!tpu.dma_semaphore, #tpu.memory_space<semaphore_mem>>) src(%arg9 : memref<128x32xf32, #tpu.memory_space<vmem>>) dst(%dma_wait3A_293 : memref<10240x32xf32, #tpu.memory_space<vmem_shared>>)
        %add3A_294 = arith.constant 8 : i32
        %add3A_295 = arith.addi %mul3A_137, %add3A_294 : i32
        %add3A_296 = arith.constant 1 : i32
        %add3A_297 = arith.addi %add3A_295, %add3A_296 : i32
        %dma_start3A_298 = arith.constant 0 : i32
        %dma_start3A_299 = tpu.memref_slice %arg6[%add3A_297, %dma_start3A_298] : memref<40x128xi32, #tpu.memory_space<vmem>> -> memref<1x128xi32, #tpu.memory_space<vmem>>
        %dma_start3A_300 = tpu.memref_squeeze %dma_start3A_299 : memref<1x128xi32, #tpu.memory_space<vmem>> -> memref<128xi32, #tpu.memory_space<vmem>>
        %dma_start3A_301 = arith.constant 0 : i32
        %dma_start3A_302 = arith.constant 0 : i32
        %dma_start3A_303 = tpu.memref_slice %arg2[%dma_start3A_301, %dma_start3A_302] : memref<10240x32xf32, #tpu.memory_space<hbm>> -> memref<10240x32xf32, #tpu.memory_space<hbm>>
        tpu.enqueue_indirect_dma source(%dma_start3A_303 : memref<10240x32xf32, #tpu.memory_space<hbm>>) target(%arg9 : memref<128x32xf32, #tpu.memory_space<vmem>>) offsets(%dma_start3A_300 : memref<128xi32, #tpu.memory_space<vmem>>) semaphore(%arg18 : memref<!tpu.dma_semaphore, #tpu.memory_space<semaphore_mem>>)
        %add3A_304 = arith.constant 2 : i32
        %add3A_305 = arith.addi %mul3A_137, %add3A_304 : i32
        %dma_wait3A_306 = arith.constant 0 : i32
        %dma_wait3A_307 = tpu.memref_slice %arg7[%add3A_305, %dma_wait3A_306] : memref<40x128xi32, #tpu.memory_space<vmem>> -> memref<1x128xi32, #tpu.memory_space<vmem>>
        %dma_wait3A_308 = tpu.memref_squeeze %dma_wait3A_307 : memref<1x128xi32, #tpu.memory_space<vmem>> -> memref<128xi32, #tpu.memory_space<vmem>>
        %dma_wait3A_309 = arith.constant 0 : i32
        %dma_wait3A_310 = arith.constant 0 : i32
        %dma_wait3A_311 = tpu.memref_slice %arg16[%dma_wait3A_309, %dma_wait3A_310] : memref<10240x32xf32, #tpu.memory_space<vmem_shared>> -> memref<10240x32xf32, #tpu.memory_space<vmem_shared>>
        tpu.wait_indirect_dma semaphore(%arg27 : memref<!tpu.dma_semaphore, #tpu.memory_space<semaphore_mem>>) src(%arg10 : memref<128x32xf32, #tpu.memory_space<vmem>>) dst(%dma_wait3A_311 : memref<10240x32xf32, #tpu.memory_space<vmem_shared>>)
        %add3A_312 = arith.constant 8 : i32
        %add3A_313 = arith.addi %mul3A_137, %add3A_312 : i32
        %add3A_314 = arith.constant 2 : i32
        %add3A_315 = arith.addi %add3A_313, %add3A_314 : i32
        %dma_start3A_316 = arith.constant 0 : i32
        %dma_start3A_317 = tpu.memref_slice %arg6[%add3A_315, %dma_start3A_316] : memref<40x128xi32, #tpu.memory_space<vmem>> -> memref<1x128xi32, #tpu.memory_space<vmem>>
        %dma_start3A_318 = tpu.memref_squeeze %dma_start3A_317 : memref<1x128xi32, #tpu.memory_space<vmem>> -> memref<128xi32, #tpu.memory_space<vmem>>
        %dma_start3A_319 = arith.constant 0 : i32
        %dma_start3A_320 = arith.constant 0 : i32
        %dma_start3A_321 = tpu.memref_slice %arg2[%dma_start3A_319, %dma_start3A_320] : memref<10240x32xf32, #tpu.memory_space<hbm>> -> memref<10240x32xf32, #tpu.memory_space<hbm>>
        tpu.enqueue_indirect_dma source(%dma_start3A_321 : memref<10240x32xf32, #tpu.memory_space<hbm>>) target(%arg10 : memref<128x32xf32, #tpu.memory_space<vmem>>) offsets(%dma_start3A_318 : memref<128xi32, #tpu.memory_space<vmem>>) semaphore(%arg19 : memref<!tpu.dma_semaphore, #tpu.memory_space<semaphore_mem>>)
        %add3A_322 = arith.constant 3 : i32
        %add3A_323 = arith.addi %mul3A_137, %add3A_322 : i32
        %dma_wait3A_324 = arith.constant 0 : i32
        %dma_wait3A_325 = tpu.memref_slice %arg7[%add3A_323, %dma_wait3A_324] : memref<40x128xi32, #tpu.memory_space<vmem>> -> memref<1x128xi32, #tpu.memory_space<vmem>>
        %dma_wait3A_326 = tpu.memref_squeeze %dma_wait3A_325 : memref<1x128xi32, #tpu.memory_space<vmem>> -> memref<128xi32, #tpu.memory_space<vmem>>
        %dma_wait3A_327 = arith.constant 0 : i32
        %dma_wait3A_328 = arith.constant 0 : i32
        %dma_wait3A_329 = tpu.memref_slice %arg16[%dma_wait3A_327, %dma_wait3A_328] : memref<10240x32xf32, #tpu.memory_space<vmem_shared>> -> memref<10240x32xf32, #tpu.memory_space<vmem_shared>>
        tpu.wait_indirect_dma semaphore(%arg28 : memref<!tpu.dma_semaphore, #tpu.memory_space<semaphore_mem>>) src(%arg11 : memref<128x32xf32, #tpu.memory_space<vmem>>) dst(%dma_wait3A_329 : memref<10240x32xf32, #tpu.memory_space<vmem_shared>>)
        %add3A_330 = arith.constant 8 : i32
        %add3A_331 = arith.addi %mul3A_137, %add3A_330 : i32
        %add3A_332 = arith.constant 3 : i32
        %add3A_333 = arith.addi %add3A_331, %add3A_332 : i32
        %dma_start3A_334 = arith.constant 0 : i32
        %dma_start3A_335 = tpu.memref_slice %arg6[%add3A_333, %dma_start3A_334] : memref<40x128xi32, #tpu.memory_space<vmem>> -> memref<1x128xi32, #tpu.memory_space<vmem>>
        %dma_start3A_336 = tpu.memref_squeeze %dma_start3A_335 : memref<1x128xi32, #tpu.memory_space<vmem>> -> memref<128xi32, #tpu.memory_space<vmem>>
        %dma_start3A_337 = arith.constant 0 : i32
        %dma_start3A_338 = arith.constant 0 : i32
        %dma_start3A_339 = tpu.memref_slice %arg2[%dma_start3A_337, %dma_start3A_338] : memref<10240x32xf32, #tpu.memory_space<hbm>> -> memref<10240x32xf32, #tpu.memory_space<hbm>>
        tpu.enqueue_indirect_dma source(%dma_start3A_339 : memref<10240x32xf32, #tpu.memory_space<hbm>>) target(%arg11 : memref<128x32xf32, #tpu.memory_space<vmem>>) offsets(%dma_start3A_336 : memref<128xi32, #tpu.memory_space<vmem>>) semaphore(%arg20 : memref<!tpu.dma_semaphore, #tpu.memory_space<semaphore_mem>>)
        %add3A_340 = arith.constant 4 : i32
        %add3A_341 = arith.addi %mul3A_137, %add3A_340 : i32
        %dma_wait3A_342 = arith.constant 0 : i32
        %dma_wait3A_343 = tpu.memref_slice %arg7[%add3A_341, %dma_wait3A_342] : memref<40x128xi32, #tpu.memory_space<vmem>> -> memref<1x128xi32, #tpu.memory_space<vmem>>
        %dma_wait3A_344 = tpu.memref_squeeze %dma_wait3A_343 : memref<1x128xi32, #tpu.memory_space<vmem>> -> memref<128xi32, #tpu.memory_space<vmem>>
        %dma_wait3A_345 = arith.constant 0 : i32
        %dma_wait3A_346 = arith.constant 0 : i32
        %dma_wait3A_347 = tpu.memref_slice %arg16[%dma_wait3A_345, %dma_wait3A_346] : memref<10240x32xf32, #tpu.memory_space<vmem_shared>> -> memref<10240x32xf32, #tpu.memory_space<vmem_shared>>
        tpu.wait_indirect_dma semaphore(%arg29 : memref<!tpu.dma_semaphore, #tpu.memory_space<semaphore_mem>>) src(%arg12 : memref<128x32xf32, #tpu.memory_space<vmem>>) dst(%dma_wait3A_347 : memref<10240x32xf32, #tpu.memory_space<vmem_shared>>)
        %add3A_348 = arith.constant 8 : i32
        %add3A_349 = arith.addi %mul3A_137, %add3A_348 : i32
        %add3A_350 = arith.constant 4 : i32
        %add3A_351 = arith.addi %add3A_349, %add3A_350 : i32
        %dma_start3A_352 = arith.constant 0 : i32
        %dma_start3A_353 = tpu.memref_slice %arg6[%add3A_351, %dma_start3A_352] : memref<40x128xi32, #tpu.memory_space<vmem>> -> memref<1x128xi32, #tpu.memory_space<vmem>>
        %dma_start3A_354 = tpu.memref_squeeze %dma_start3A_353 : memref<1x128xi32, #tpu.memory_space<vmem>> -> memref<128xi32, #tpu.memory_space<vmem>>
        %dma_start3A_355 = arith.constant 0 : i32
        %dma_start3A_356 = arith.constant 0 : i32
        %dma_start3A_357 = tpu.memref_slice %arg2[%dma_start3A_355, %dma_start3A_356] : memref<10240x32xf32, #tpu.memory_space<hbm>> -> memref<10240x32xf32, #tpu.memory_space<hbm>>
        tpu.enqueue_indirect_dma source(%dma_start3A_357 : memref<10240x32xf32, #tpu.memory_space<hbm>>) target(%arg12 : memref<128x32xf32, #tpu.memory_space<vmem>>) offsets(%dma_start3A_354 : memref<128xi32, #tpu.memory_space<vmem>>) semaphore(%arg21 : memref<!tpu.dma_semaphore, #tpu.memory_space<semaphore_mem>>)
        %add3A_358 = arith.constant 5 : i32
        %add3A_359 = arith.addi %mul3A_137, %add3A_358 : i32
        %dma_wait3A_360 = arith.constant 0 : i32
        %dma_wait3A_361 = tpu.memref_slice %arg7[%add3A_359, %dma_wait3A_360] : memref<40x128xi32, #tpu.memory_space<vmem>> -> memref<1x128xi32, #tpu.memory_space<vmem>>
        %dma_wait3A_362 = tpu.memref_squeeze %dma_wait3A_361 : memref<1x128xi32, #tpu.memory_space<vmem>> -> memref<128xi32, #tpu.memory_space<vmem>>
        %dma_wait3A_363 = arith.constant 0 : i32
        %dma_wait3A_364 = arith.constant 0 : i32
        %dma_wait3A_365 = tpu.memref_slice %arg16[%dma_wait3A_363, %dma_wait3A_364] : memref<10240x32xf32, #tpu.memory_space<vmem_shared>> -> memref<10240x32xf32, #tpu.memory_space<vmem_shared>>
        tpu.wait_indirect_dma semaphore(%arg30 : memref<!tpu.dma_semaphore, #tpu.memory_space<semaphore_mem>>) src(%arg13 : memref<128x32xf32, #tpu.memory_space<vmem>>) dst(%dma_wait3A_365 : memref<10240x32xf32, #tpu.memory_space<vmem_shared>>)
        %add3A_366 = arith.constant 8 : i32
        %add3A_367 = arith.addi %mul3A_137, %add3A_366 : i32
        %add3A_368 = arith.constant 5 : i32
        %add3A_369 = arith.addi %add3A_367, %add3A_368 : i32
        %dma_start3A_370 = arith.constant 0 : i32
        %dma_start3A_371 = tpu.memref_slice %arg6[%add3A_369, %dma_start3A_370] : memref<40x128xi32, #tpu.memory_space<vmem>> -> memref<1x128xi32, #tpu.memory_space<vmem>>
        %dma_start3A_372 = tpu.memref_squeeze %dma_start3A_371 : memref<1x128xi32, #tpu.memory_space<vmem>> -> memref<128xi32, #tpu.memory_space<vmem>>
        %dma_start3A_373 = arith.constant 0 : i32
        %dma_start3A_374 = arith.constant 0 : i32
        %dma_start3A_375 = tpu.memref_slice %arg2[%dma_start3A_373, %dma_start3A_374] : memref<10240x32xf32, #tpu.memory_space<hbm>> -> memref<10240x32xf32, #tpu.memory_space<hbm>>
        tpu.enqueue_indirect_dma source(%dma_start3A_375 : memref<10240x32xf32, #tpu.memory_space<hbm>>) target(%arg13 : memref<128x32xf32, #tpu.memory_space<vmem>>) offsets(%dma_start3A_372 : memref<128xi32, #tpu.memory_space<vmem>>) semaphore(%arg22 : memref<!tpu.dma_semaphore, #tpu.memory_space<semaphore_mem>>)
        %add3A_376 = arith.constant 6 : i32
        %add3A_377 = arith.addi %mul3A_137, %add3A_376 : i32
        %dma_wait3A_378 = arith.constant 0 : i32
        %dma_wait3A_379 = tpu.memref_slice %arg7[%add3A_377, %dma_wait3A_378] : memref<40x128xi32, #tpu.memory_space<vmem>> -> memref<1x128xi32, #tpu.memory_space<vmem>>
        %dma_wait3A_380 = tpu.memref_squeeze %dma_wait3A_379 : memref<1x128xi32, #tpu.memory_space<vmem>> -> memref<128xi32, #tpu.memory_space<vmem>>
        %dma_wait3A_381 = arith.constant 0 : i32
        %dma_wait3A_382 = arith.constant 0 : i32
        %dma_wait3A_383 = tpu.memref_slice %arg16[%dma_wait3A_381, %dma_wait3A_382] : memref<10240x32xf32, #tpu.memory_space<vmem_shared>> -> memref<10240x32xf32, #tpu.memory_space<vmem_shared>>
        tpu.wait_indirect_dma semaphore(%arg31 : memref<!tpu.dma_semaphore, #tpu.memory_space<semaphore_mem>>) src(%arg14 : memref<128x32xf32, #tpu.memory_space<vmem>>) dst(%dma_wait3A_383 : memref<10240x32xf32, #tpu.memory_space<vmem_shared>>)
        %add3A_384 = arith.constant 8 : i32
        %add3A_385 = arith.addi %mul3A_137, %add3A_384 : i32
        %add3A_386 = arith.constant 6 : i32
        %add3A_387 = arith.addi %add3A_385, %add3A_386 : i32
        %dma_start3A_388 = arith.constant 0 : i32
        %dma_start3A_389 = tpu.memref_slice %arg6[%add3A_387, %dma_start3A_388] : memref<40x128xi32, #tpu.memory_space<vmem>> -> memref<1x128xi32, #tpu.memory_space<vmem>>
        %dma_start3A_390 = tpu.memref_squeeze %dma_start3A_389 : memref<1x128xi32, #tpu.memory_space<vmem>> -> memref<128xi32, #tpu.memory_space<vmem>>
        %dma_start3A_391 = arith.constant 0 : i32
        %dma_start3A_392 = arith.constant 0 : i32
        %dma_start3A_393 = tpu.memref_slice %arg2[%dma_start3A_391, %dma_start3A_392] : memref<10240x32xf32, #tpu.memory_space<hbm>> -> memref<10240x32xf32, #tpu.memory_space<hbm>>
        tpu.enqueue_indirect_dma source(%dma_start3A_393 : memref<10240x32xf32, #tpu.memory_space<hbm>>) target(%arg14 : memref<128x32xf32, #tpu.memory_space<vmem>>) offsets(%dma_start3A_390 : memref<128xi32, #tpu.memory_space<vmem>>) semaphore(%arg23 : memref<!tpu.dma_semaphore, #tpu.memory_space<semaphore_mem>>)
        %add3A_394 = arith.constant 7 : i32
        %add3A_395 = arith.addi %mul3A_137, %add3A_394 : i32
        %dma_wait3A_396 = arith.constant 0 : i32
        %dma_wait3A_397 = tpu.memref_slice %arg7[%add3A_395, %dma_wait3A_396] : memref<40x128xi32, #tpu.memory_space<vmem>> -> memref<1x128xi32, #tpu.memory_space<vmem>>
        %dma_wait3A_398 = tpu.memref_squeeze %dma_wait3A_397 : memref<1x128xi32, #tpu.memory_space<vmem>> -> memref<128xi32, #tpu.memory_space<vmem>>
        %dma_wait3A_399 = arith.constant 0 : i32
        %dma_wait3A_400 = arith.constant 0 : i32
        %dma_wait3A_401 = tpu.memref_slice %arg16[%dma_wait3A_399, %dma_wait3A_400] : memref<10240x32xf32, #tpu.memory_space<vmem_shared>> -> memref<10240x32xf32, #tpu.memory_space<vmem_shared>>
        tpu.wait_indirect_dma semaphore(%arg32 : memref<!tpu.dma_semaphore, #tpu.memory_space<semaphore_mem>>) src(%arg15 : memref<128x32xf32, #tpu.memory_space<vmem>>) dst(%dma_wait3A_401 : memref<10240x32xf32, #tpu.memory_space<vmem_shared>>)
        %add3A_402 = arith.constant 8 : i32
        %add3A_403 = arith.addi %mul3A_137, %add3A_402 : i32
        %add3A_404 = arith.constant 7 : i32
        %add3A_405 = arith.addi %add3A_403, %add3A_404 : i32
        %dma_start3A_406 = arith.constant 0 : i32
        %dma_start3A_407 = tpu.memref_slice %arg6[%add3A_405, %dma_start3A_406] : memref<40x128xi32, #tpu.memory_space<vmem>> -> memref<1x128xi32, #tpu.memory_space<vmem>>
        %dma_start3A_408 = tpu.memref_squeeze %dma_start3A_407 : memref<1x128xi32, #tpu.memory_space<vmem>> -> memref<128xi32, #tpu.memory_space<vmem>>
        %dma_start3A_409 = arith.constant 0 : i32
        %dma_start3A_410 = arith.constant 0 : i32
        %dma_start3A_411 = tpu.memref_slice %arg2[%dma_start3A_409, %dma_start3A_410] : memref<10240x32xf32, #tpu.memory_space<hbm>> -> memref<10240x32xf32, #tpu.memory_space<hbm>>
        tpu.enqueue_indirect_dma source(%dma_start3A_411 : memref<10240x32xf32, #tpu.memory_space<hbm>>) target(%arg15 : memref<128x32xf32, #tpu.memory_space<vmem>>) offsets(%dma_start3A_408 : memref<128xi32, #tpu.memory_space<vmem>>) semaphore(%arg24 : memref<!tpu.dma_semaphore, #tpu.memory_space<semaphore_mem>>)
      } else {
      }
    }
    %scan3A_78 = arith.constant 5 : i32
    %dma_wait3A = arith.constant 32 : i32
    %dma_wait3A_79 = arith.constant 0 : i32
    %dma_wait3A_80 = tpu.memref_slice %arg7[%dma_wait3A, %dma_wait3A_79] : memref<40x128xi32, #tpu.memory_space<vmem>> -> memref<1x128xi32, #tpu.memory_space<vmem>>
    %dma_wait3A_81 = tpu.memref_squeeze %dma_wait3A_80 : memref<1x128xi32, #tpu.memory_space<vmem>> -> memref<128xi32, #tpu.memory_space<vmem>>
    %dma_wait3A_82 = arith.constant 0 : i32
    %dma_wait3A_83 = arith.constant 0 : i32
    %dma_wait3A_84 = tpu.memref_slice %arg16[%dma_wait3A_82, %dma_wait3A_83] : memref<10240x32xf32, #tpu.memory_space<vmem_shared>> -> memref<10240x32xf32, #tpu.memory_space<vmem_shared>>
    tpu.wait_indirect_dma semaphore(%arg25 : memref<!tpu.dma_semaphore, #tpu.memory_space<semaphore_mem>>) src(%arg8 : memref<128x32xf32, #tpu.memory_space<vmem>>) dst(%dma_wait3A_84 : memref<10240x32xf32, #tpu.memory_space<vmem_shared>>)
    %dma_wait3A_85 = arith.constant 33 : i32
    %dma_wait3A_86 = arith.constant 0 : i32
    %dma_wait3A_87 = tpu.memref_slice %arg7[%dma_wait3A_85, %dma_wait3A_86] : memref<40x128xi32, #tpu.memory_space<vmem>> -> memref<1x128xi32, #tpu.memory_space<vmem>>
    %dma_wait3A_88 = tpu.memref_squeeze %dma_wait3A_87 : memref<1x128xi32, #tpu.memory_space<vmem>> -> memref<128xi32, #tpu.memory_space<vmem>>
    %dma_wait3A_89 = arith.constant 0 : i32
    %dma_wait3A_90 = arith.constant 0 : i32
    %dma_wait3A_91 = tpu.memref_slice %arg16[%dma_wait3A_89, %dma_wait3A_90] : memref<10240x32xf32, #tpu.memory_space<vmem_shared>> -> memref<10240x32xf32, #tpu.memory_space<vmem_shared>>
    tpu.wait_indirect_dma semaphore(%arg26 : memref<!tpu.dma_semaphore, #tpu.memory_space<semaphore_mem>>) src(%arg9 : memref<128x32xf32, #tpu.memory_space<vmem>>) dst(%dma_wait3A_91 : memref<10240x32xf32, #tpu.memory_space<vmem_shared>>)
    %dma_wait3A_92 = arith.constant 34 : i32
    %dma_wait3A_93 = arith.constant 0 : i32
    %dma_wait3A_94 = tpu.memref_slice %arg7[%dma_wait3A_92, %dma_wait3A_93] : memref<40x128xi32, #tpu.memory_space<vmem>> -> memref<1x128xi32, #tpu.memory_space<vmem>>
    %dma_wait3A_95 = tpu.memref_squeeze %dma_wait3A_94 : memref<1x128xi32, #tpu.memory_space<vmem>> -> memref<128xi32, #tpu.memory_space<vmem>>
    %dma_wait3A_96 = arith.constant 0 : i32
    %dma_wait3A_97 = arith.constant 0 : i32
    %dma_wait3A_98 = tpu.memref_slice %arg16[%dma_wait3A_96, %dma_wait3A_97] : memref<10240x32xf32, #tpu.memory_space<vmem_shared>> -> memref<10240x32xf32, #tpu.memory_space<vmem_shared>>
    tpu.wait_indirect_dma semaphore(%arg27 : memref<!tpu.dma_semaphore, #tpu.memory_space<semaphore_mem>>) src(%arg10 : memref<128x32xf32, #tpu.memory_space<vmem>>) dst(%dma_wait3A_98 : memref<10240x32xf32, #tpu.memory_space<vmem_shared>>)
    %dma_wait3A_99 = arith.constant 35 : i32
    %dma_wait3A_100 = arith.constant 0 : i32
    %dma_wait3A_101 = tpu.memref_slice %arg7[%dma_wait3A_99, %dma_wait3A_100] : memref<40x128xi32, #tpu.memory_space<vmem>> -> memref<1x128xi32, #tpu.memory_space<vmem>>
    %dma_wait3A_102 = tpu.memref_squeeze %dma_wait3A_101 : memref<1x128xi32, #tpu.memory_space<vmem>> -> memref<128xi32, #tpu.memory_space<vmem>>
    %dma_wait3A_103 = arith.constant 0 : i32
    %dma_wait3A_104 = arith.constant 0 : i32
    %dma_wait3A_105 = tpu.memref_slice %arg16[%dma_wait3A_103, %dma_wait3A_104] : memref<10240x32xf32, #tpu.memory_space<vmem_shared>> -> memref<10240x32xf32, #tpu.memory_space<vmem_shared>>
    tpu.wait_indirect_dma semaphore(%arg28 : memref<!tpu.dma_semaphore, #tpu.memory_space<semaphore_mem>>) src(%arg11 : memref<128x32xf32, #tpu.memory_space<vmem>>) dst(%dma_wait3A_105 : memref<10240x32xf32, #tpu.memory_space<vmem_shared>>)
    %dma_wait3A_106 = arith.constant 36 : i32
    %dma_wait3A_107 = arith.constant 0 : i32
    %dma_wait3A_108 = tpu.memref_slice %arg7[%dma_wait3A_106, %dma_wait3A_107] : memref<40x128xi32, #tpu.memory_space<vmem>> -> memref<1x128xi32, #tpu.memory_space<vmem>>
    %dma_wait3A_109 = tpu.memref_squeeze %dma_wait3A_108 : memref<1x128xi32, #tpu.memory_space<vmem>> -> memref<128xi32, #tpu.memory_space<vmem>>
    %dma_wait3A_110 = arith.constant 0 : i32
    %dma_wait3A_111 = arith.constant 0 : i32
    %dma_wait3A_112 = tpu.memref_slice %arg16[%dma_wait3A_110, %dma_wait3A_111] : memref<10240x32xf32, #tpu.memory_space<vmem_shared>> -> memref<10240x32xf32, #tpu.memory_space<vmem_shared>>
    tpu.wait_indirect_dma semaphore(%arg29 : memref<!tpu.dma_semaphore, #tpu.memory_space<semaphore_mem>>) src(%arg12 : memref<128x32xf32, #tpu.memory_space<vmem>>) dst(%dma_wait3A_112 : memref<10240x32xf32, #tpu.memory_space<vmem_shared>>)
    %dma_wait3A_113 = arith.constant 37 : i32
    %dma_wait3A_114 = arith.constant 0 : i32
    %dma_wait3A_115 = tpu.memref_slice %arg7[%dma_wait3A_113, %dma_wait3A_114] : memref<40x128xi32, #tpu.memory_space<vmem>> -> memref<1x128xi32, #tpu.memory_space<vmem>>
    %dma_wait3A_116 = tpu.memref_squeeze %dma_wait3A_115 : memref<1x128xi32, #tpu.memory_space<vmem>> -> memref<128xi32, #tpu.memory_space<vmem>>
    %dma_wait3A_117 = arith.constant 0 : i32
    %dma_wait3A_118 = arith.constant 0 : i32
    %dma_wait3A_119 = tpu.memref_slice %arg16[%dma_wait3A_117, %dma_wait3A_118] : memref<10240x32xf32, #tpu.memory_space<vmem_shared>> -> memref<10240x32xf32, #tpu.memory_space<vmem_shared>>
    tpu.wait_indirect_dma semaphore(%arg30 : memref<!tpu.dma_semaphore, #tpu.memory_space<semaphore_mem>>) src(%arg13 : memref<128x32xf32, #tpu.memory_space<vmem>>) dst(%dma_wait3A_119 : memref<10240x32xf32, #tpu.memory_space<vmem_shared>>)
    %dma_wait3A_120 = arith.constant 38 : i32
    %dma_wait3A_121 = arith.constant 0 : i32
    %dma_wait3A_122 = tpu.memref_slice %arg7[%dma_wait3A_120, %dma_wait3A_121] : memref<40x128xi32, #tpu.memory_space<vmem>> -> memref<1x128xi32, #tpu.memory_space<vmem>>
    %dma_wait3A_123 = tpu.memref_squeeze %dma_wait3A_122 : memref<1x128xi32, #tpu.memory_space<vmem>> -> memref<128xi32, #tpu.memory_space<vmem>>
    %dma_wait3A_124 = arith.constant 0 : i32
    %dma_wait3A_125 = arith.constant 0 : i32
    %dma_wait3A_126 = tpu.memref_slice %arg16[%dma_wait3A_124, %dma_wait3A_125] : memref<10240x32xf32, #tpu.memory_space<vmem_shared>> -> memref<10240x32xf32, #tpu.memory_space<vmem_shared>>
    tpu.wait_indirect_dma semaphore(%arg31 : memref<!tpu.dma_semaphore, #tpu.memory_space<semaphore_mem>>) src(%arg14 : memref<128x32xf32, #tpu.memory_space<vmem>>) dst(%dma_wait3A_126 : memref<10240x32xf32, #tpu.memory_space<vmem_shared>>)
    %dma_wait3A_127 = arith.constant 39 : i32
    %dma_wait3A_128 = arith.constant 0 : i32
    %dma_wait3A_129 = tpu.memref_slice %arg7[%dma_wait3A_127, %dma_wait3A_128] : memref<40x128xi32, #tpu.memory_space<vmem>> -> memref<1x128xi32, #tpu.memory_space<vmem>>
    %dma_wait3A_130 = tpu.memref_squeeze %dma_wait3A_129 : memref<1x128xi32, #tpu.memory_space<vmem>> -> memref<128xi32, #tpu.memory_space<vmem>>
    %dma_wait3A_131 = arith.constant 0 : i32
    %dma_wait3A_132 = arith.constant 0 : i32
    %dma_wait3A_133 = tpu.memref_slice %arg16[%dma_wait3A_131, %dma_wait3A_132] : memref<10240x32xf32, #tpu.memory_space<vmem_shared>> -> memref<10240x32xf32, #tpu.memory_space<vmem_shared>>
    tpu.wait_indirect_dma semaphore(%arg32 : memref<!tpu.dma_semaphore, #tpu.memory_space<semaphore_mem>>) src(%arg15 : memref<128x32xf32, #tpu.memory_space<vmem>>) dst(%dma_wait3A_133 : memref<10240x32xf32, #tpu.memory_space<vmem_shared>>)
    %barrier3A_134 = arith.constant 0 : index
    tpu.barrier barrier_id(%barrier3A_134)
    "tpu.region"() ({
      %run_scoped3A = tpu.sem_alloc : memref<!tpu.dma_semaphore, #tpu.memory_space<semaphore_mem>>
      %dma_start3A_135 = arith.constant 0 : i32
      %dma_start3A_136 = tpu.memref_slice %arg5[%arg0, %mul3A_7, %dma_start3A_135] : memref<2x10240x32xf32, #tpu.memory_space<hbm>> -> memref<1x640x32xf32, #tpu.memory_space<hbm>>
      %dma_start3A_137 = tpu.memref_squeeze %dma_start3A_136 : memref<1x640x32xf32, #tpu.memory_space<hbm>> -> memref<640x32xf32, #tpu.memory_space<hbm>>
      %dma_start3A_138 = arith.constant 0 : i32
      %dma_start3A_139 = tpu.memref_slice %arg16[%mul3A_7, %dma_start3A_138] : memref<10240x32xf32, #tpu.memory_space<vmem_shared>> -> memref<640x32xf32, #tpu.memory_space<vmem_shared>>
      tpu.enqueue_dma source(%dma_start3A_139 : memref<640x32xf32, #tpu.memory_space<vmem_shared>>) target(%dma_start3A_137 : memref<640x32xf32, #tpu.memory_space<hbm>>) target_semaphore(%run_scoped3A : memref<!tpu.dma_semaphore, #tpu.memory_space<semaphore_mem>>)
      %dma_wait3A_140 = arith.constant 0 : i32
      %dma_wait3A_141 = tpu.memref_slice %arg5[%arg0, %mul3A_7, %dma_wait3A_140] : memref<2x10240x32xf32, #tpu.memory_space<hbm>> -> memref<1x640x32xf32, #tpu.memory_space<hbm>>
      %dma_wait3A_142 = tpu.memref_squeeze %dma_wait3A_141 : memref<1x640x32xf32, #tpu.memory_space<hbm>> -> memref<640x32xf32, #tpu.memory_space<hbm>>
      %dma_wait3A_143 = arith.constant 0 : i32
      %dma_wait3A_144 = tpu.memref_slice %arg16[%mul3A_7, %dma_wait3A_143] : memref<10240x32xf32, #tpu.memory_space<vmem_shared>> -> memref<640x32xf32, #tpu.memory_space<vmem_shared>>
      tpu.wait_dma2 semaphore(%run_scoped3A : memref<!tpu.dma_semaphore, #tpu.memory_space<semaphore_mem>>) src(%dma_wait3A_144 : memref<640x32xf32, #tpu.memory_space<vmem_shared>>) dst(%dma_wait3A_142 : memref<640x32xf32, #tpu.memory_space<hbm>>)
      tpu.yield
    }) : () -> ()
    return
  }
}

module attributes {stable_mosaic.version = 14 : i64} {
  func.func @_mid1_body(%arg0: i32, %arg1: memref<2x1024x128xf32, #tpu.memory_space<vmem>>, %arg2: memref<128x64xf32, #tpu.memory_space<vmem>>, %arg3: memref<128x64xf32, #tpu.memory_space<vmem>>, %arg4: memref<1x64xf32, #tpu.memory_space<vmem>>, %arg5: memref<1024x64xf32, #tpu.memory_space<vmem>>) attributes {dimension_semantics = [#tpu.dimension_semantics<arbitrary>], iteration_bounds = array<i64: 5>, scalar_prefetch = 0 : i64, scratch_operands = 0 : i64, tpu.core_type = #tpu.core_type<tc>, window_params = [{transform_indices = @transform_0, window_bounds = array<i64: 2, 1024, 128>}, {pipeline_mode = #tpu.pipeline_mode<synchronous>, transform_indices = @transform_1, window_bounds = array<i64: 128, 64>}, {pipeline_mode = #tpu.pipeline_mode<synchronous>, transform_indices = @transform_2, window_bounds = array<i64: 128, 64>}, {pipeline_mode = #tpu.pipeline_mode<synchronous>, transform_indices = @transform_3, window_bounds = array<i64: 1, 64>}, {transform_indices = @transform_4, window_bounds = array<i64: 1024, 64>}]} {
    %get3A = arith.constant 0 : index
    %get3A_0 = arith.constant 0 : index
    %get3A_1 = arith.constant 0 : index
    %get3A_2 = vector.load %arg1[%get3A, %get3A_0, %get3A_1] : memref<2x1024x128xf32, #tpu.memory_space<vmem>>, vector<1x1024x128xf32>
    %get3A_3 = vector.shape_cast %get3A_2 : vector<1x1024x128xf32> to vector<1024x128xf32>
    %convert_element_type3A = arith.truncf %get3A_3 : vector<1024x128xf32> to vector<1024x128xbf16>
    %get3A_4 = arith.constant 0 : index
    %get3A_5 = arith.constant 0 : index
    %get3A_6 = vector.load %arg2[%get3A_4, %get3A_5] : memref<128x64xf32, #tpu.memory_space<vmem>>, vector<128x64xf32>
    %convert_element_type3A_7 = arith.truncf %get3A_6 : vector<128x64xf32> to vector<128x64xbf16>
    %dot_general3A = arith.constant dense<0.000000e+00> : vector<1024x64xf32>
    %dot_general3A_8 = tpu.matmul %convert_element_type3A, %convert_element_type3A_7, %dot_general3A {dimension_numbers = #tpu.dot_dimension_numbers<[1], [0], [0], [1], [0, 0, 1, 1], [], []>, transpose_lhs_hint = false} : vector<1024x128xbf16>, vector<128x64xbf16>, vector<1024x64xf32> -> vector<1024x64xf32>
    %get3A_9 = arith.constant 1 : index
    %get3A_10 = arith.constant 0 : index
    %get3A_11 = arith.constant 0 : index
    %get3A_12 = vector.load %arg1[%get3A_9, %get3A_10, %get3A_11] : memref<2x1024x128xf32, #tpu.memory_space<vmem>>, vector<1x1024x128xf32>
    %get3A_13 = vector.shape_cast %get3A_12 : vector<1x1024x128xf32> to vector<1024x128xf32>
    %convert_element_type3A_14 = arith.truncf %get3A_13 : vector<1024x128xf32> to vector<1024x128xbf16>
    %get3A_15 = arith.constant 0 : index
    %get3A_16 = arith.constant 0 : index
    %get3A_17 = vector.load %arg3[%get3A_15, %get3A_16] : memref<128x64xf32, #tpu.memory_space<vmem>>, vector<128x64xf32>
    %convert_element_type3A_18 = arith.truncf %get3A_17 : vector<128x64xf32> to vector<128x64xbf16>
    %dot_general3A_19 = arith.constant dense<0.000000e+00> : vector<1024x64xf32>
    %dot_general3A_20 = tpu.matmul %convert_element_type3A_14, %convert_element_type3A_18, %dot_general3A_19 {dimension_numbers = #tpu.dot_dimension_numbers<[1], [0], [0], [1], [0, 0, 1, 1], [], []>, transpose_lhs_hint = false} : vector<1024x128xbf16>, vector<128x64xbf16>, vector<1024x64xf32> -> vector<1024x64xf32>
    %add3A = arith.addf %dot_general3A_8, %dot_general3A_20 : vector<1024x64xf32>
    %get3A_21 = arith.constant 0 : index
    %get3A_22 = arith.constant 0 : index
    %get3A_23 = vector.load %arg4[%get3A_21, %get3A_22] : memref<1x64xf32, #tpu.memory_space<vmem>>, vector<1x64xf32>
    %add3A_24 = vector.broadcast %get3A_23 : vector<1x64xf32> to vector<1024x64xf32>
    %add3A_25 = arith.addf %add3A, %add3A_24 : vector<1024x64xf32>
    %tanh3A = math.tanh %add3A_25 : vector<1024x64xf32>
    %swap3A = arith.constant 0 : index
    %swap3A_26 = arith.constant 0 : index
    %swap3A_27 = vector.load %arg5[%swap3A, %swap3A_26] : memref<1024x64xf32, #tpu.memory_space<vmem>>, vector<1024x64xf32>
    tpu.vector_store %arg5[%swap3A, %swap3A_26], %tanh3A {strides = array<i32>} : memref<1024x64xf32, #tpu.memory_space<vmem>>, vector<1024x64xf32>,
    return
  }
  func.func @transform_0(%arg0: i32) -> (i32, i32, i32) {
    %c0_i32 = arith.constant 0 : i32
    %c0_i32_0 = arith.constant 0 : i32
    %c0_i32_1 = arith.constant 0 : i32
    return %c0_i32, %arg0, %c0_i32_0 : i32, i32, i32
  }
  func.func @transform_1(%arg0: i32) -> (i32, i32) {
    %c0_i32 = arith.constant 0 : i32
    %c0_i32_0 = arith.constant 0 : i32
    %c0_i32_1 = arith.constant 0 : i32
    return %c0_i32, %c0_i32_0 : i32, i32
  }
  func.func @transform_2(%arg0: i32) -> (i32, i32) {
    %c0_i32 = arith.constant 0 : i32
    %c0_i32_0 = arith.constant 0 : i32
    %c0_i32_1 = arith.constant 0 : i32
    return %c0_i32, %c0_i32_0 : i32, i32
  }
  func.func @transform_3(%arg0: i32) -> (i32, i32) {
    %c0_i32 = arith.constant 0 : i32
    %c0_i32_0 = arith.constant 0 : i32
    %c0_i32_1 = arith.constant 0 : i32
    return %c0_i32, %c0_i32_0 : i32, i32
  }
  func.func @transform_4(%arg0: i32) -> (i32, i32) {
    %c0_i32 = arith.constant 0 : i32
    %c0_i32_0 = arith.constant 0 : i32
    return %arg0, %c0_i32 : i32, i32
  }
}

module attributes {stable_mosaic.version = 14 : i64} {
  func.func @_mid_body(%arg0: i32, %arg1: memref<2x512x128xf32, #tpu.memory_space<vmem>>, %arg2: memref<128x128xf32, #tpu.memory_space<vmem>>, %arg3: memref<1x128xf32, #tpu.memory_space<vmem>>, %arg4: memref<512x128xf32, #tpu.memory_space<vmem>>) attributes {dimension_semantics = [#tpu.dimension_semantics<arbitrary>], iteration_bounds = array<i64: 5>, scalar_prefetch = 0 : i64, scratch_operands = 0 : i64, tpu.core_type = #tpu.core_type<tc>, window_params = [{transform_indices = @transform_0, window_bounds = array<i64: 2, 512, 128>}, {pipeline_mode = #tpu.pipeline_mode<synchronous>, transform_indices = @transform_1, window_bounds = array<i64: 128, 128>}, {pipeline_mode = #tpu.pipeline_mode<synchronous>, transform_indices = @transform_2, window_bounds = array<i64: 1, 128>}, {transform_indices = @transform_3, window_bounds = array<i64: 512, 128>}]} {
    %get3A = arith.constant 0 : index
    %get3A_0 = arith.constant 0 : index
    %get3A_1 = arith.constant 0 : index
    %get3A_2 = vector.load %arg1[%get3A, %get3A_0, %get3A_1] : memref<2x512x128xf32, #tpu.memory_space<vmem>>, vector<1x512x128xf32>
    %get3A_3 = vector.shape_cast %get3A_2 : vector<1x512x128xf32> to vector<512x128xf32>
    %get3A_4 = arith.constant 1 : index
    %get3A_5 = arith.constant 0 : index
    %get3A_6 = arith.constant 0 : index
    %get3A_7 = vector.load %arg1[%get3A_4, %get3A_5, %get3A_6] : memref<2x512x128xf32, #tpu.memory_space<vmem>>, vector<1x512x128xf32>
    %get3A_8 = vector.shape_cast %get3A_7 : vector<1x512x128xf32> to vector<512x128xf32>
    %add3A = arith.addf %get3A_3, %get3A_8 : vector<512x128xf32>
    %convert_element_type3A = arith.truncf %add3A : vector<512x128xf32> to vector<512x128xbf16>
    %get3A_9 = arith.constant 0 : index
    %get3A_10 = arith.constant 0 : index
    %get3A_11 = vector.load %arg2[%get3A_9, %get3A_10] : memref<128x128xf32, #tpu.memory_space<vmem>>, vector<128x128xf32>
    %convert_element_type3A_12 = arith.truncf %get3A_11 : vector<128x128xf32> to vector<128x128xbf16>
    %dot_general3A = arith.constant dense<0.000000e+00> : vector<512x128xf32>
    %dot_general3A_13 = tpu.matmul %convert_element_type3A, %convert_element_type3A_12, %dot_general3A {dimension_numbers = #tpu.dot_dimension_numbers<[1], [0], [0], [1], [0, 0, 1, 1], [], []>, transpose_lhs_hint = false} : vector<512x128xbf16>, vector<128x128xbf16>, vector<512x128xf32> -> vector<512x128xf32>
    %get3A_14 = arith.constant 0 : index
    %get3A_15 = arith.constant 0 : index
    %get3A_16 = vector.load %arg3[%get3A_14, %get3A_15] : memref<1x128xf32, #tpu.memory_space<vmem>>, vector<1x128xf32>
    %add3A_17 = vector.broadcast %get3A_16 : vector<1x128xf32> to vector<512x128xf32>
    %add3A_18 = arith.addf %dot_general3A_13, %add3A_17 : vector<512x128xf32>
    %tanh3A = math.tanh %add3A_18 : vector<512x128xf32>
    %swap3A = arith.constant 0 : index
    %swap3A_19 = arith.constant 0 : index
    %swap3A_20 = vector.load %arg4[%swap3A, %swap3A_19] : memref<512x128xf32, #tpu.memory_space<vmem>>, vector<512x128xf32>
    tpu.vector_store %arg4[%swap3A, %swap3A_19], %tanh3A {strides = array<i32>} : memref<512x128xf32, #tpu.memory_space<vmem>>, vector<512x128xf32>,
    return
  }
  func.func @transform_0(%arg0: i32) -> (i32, i32, i32) {
    %c0_i32 = arith.constant 0 : i32
    %c0_i32_0 = arith.constant 0 : i32
    %c0_i32_1 = arith.constant 0 : i32
    return %c0_i32, %arg0, %c0_i32_0 : i32, i32, i32
  }
  func.func @transform_1(%arg0: i32) -> (i32, i32) {
    %c0_i32 = arith.constant 0 : i32
    %c0_i32_0 = arith.constant 0 : i32
    %c0_i32_1 = arith.constant 0 : i32
    return %c0_i32, %c0_i32_0 : i32, i32
  }
  func.func @transform_2(%arg0: i32) -> (i32, i32) {
    %c0_i32 = arith.constant 0 : i32
    %c0_i32_0 = arith.constant 0 : i32
    %c0_i32_1 = arith.constant 0 : i32
    return %c0_i32, %c0_i32_0 : i32, i32
  }
  func.func @transform_3(%arg0: i32) -> (i32, i32) {
    %c0_i32 = arith.constant 0 : i32
    %c0_i32_0 = arith.constant 0 : i32
    return %arg0, %c0_i32 : i32, i32
  }
}

module attributes {stable_mosaic.version = 14 : i64} {
  func.func @_head_body(%arg0: i32, %arg1: memref<1x6400xf32, #tpu.memory_space<vmem>>, %arg2: memref<256x6400xf32, #tpu.memory_space<vmem>>, %arg3: memref<256xf32, #tpu.memory_space<vmem>>, %arg4: memref<256x256xf32, #tpu.memory_space<vmem>>, %arg5: memref<256xf32, #tpu.memory_space<vmem>>, %arg6: memref<2000x256xf32, #tpu.memory_space<vmem>>, %arg7: memref<2000xf32, #tpu.memory_space<vmem>>, %arg8: memref<2000xf32, #tpu.memory_space<vmem>>, %arg9: memref<256x128xf32, #tpu.memory_space<vmem>>) attributes {dimension_semantics = [#tpu.dimension_semantics<arbitrary>], iteration_bounds = array<i64: 50>, scalar_prefetch = 0 : i64, scratch_operands = 1 : i64, tpu.core_type = #tpu.core_type<tc>, window_params = [{transform_indices = @transform_0, window_bounds = array<i64: 1, 6400>}, {transform_indices = @transform_1, window_bounds = array<i64: 256, 6400>}, {pipeline_mode = #tpu.pipeline_mode<synchronous>, transform_indices = @transform_2, window_bounds = array<i64: 256>}, {pipeline_mode = #tpu.pipeline_mode<synchronous>, transform_indices = @transform_3, window_bounds = array<i64: 256, 256>}, {pipeline_mode = #tpu.pipeline_mode<synchronous>, transform_indices = @transform_4, window_bounds = array<i64: 256>}, {pipeline_mode = #tpu.pipeline_mode<synchronous>, transform_indices = @transform_5, window_bounds = array<i64: 2000, 256>}, {pipeline_mode = #tpu.pipeline_mode<synchronous>, transform_indices = @transform_6, window_bounds = array<i64: 2000>}, {pipeline_mode = #tpu.pipeline_mode<synchronous>, transform_indices = @transform_7, window_bounds = array<i64: 2000>}]} {
    %eq3A = arith.constant 0 : i32
    %eq3A_0 = arith.cmpi eq, %arg0, %eq3A : i32
    %convert_element_type3A = arith.extui %eq3A_0 : i1 to i32
    %cond3A = arith.constant 0 : i32
    %cond3A_1 = arith.cmpi ne, %convert_element_type3A, %cond3A : i32
    scf.if %cond3A_1 {
      %broadcast_in_dim3A = arith.constant 0.000000e+00 : f32
      %broadcast_in_dim3A_118 = vector.broadcast %broadcast_in_dim3A : f32 to vector<256x128xf32>
      %swap3A_119 = arith.constant 0 : index
      %swap3A_120 = arith.constant 0 : index
      %swap3A_121 = vector.load %arg9[%swap3A_119, %swap3A_120] : memref<256x128xf32, #tpu.memory_space<vmem>>, vector<256x128xf32>
      tpu.vector_store %arg9[%swap3A_119, %swap3A_120], %broadcast_in_dim3A_118 {strides = array<i32>} : memref<256x128xf32, #tpu.memory_space<vmem>>, vector<256x128xf32>,
    } else {
    }
    %get3A = arith.constant 0 : index
    %get3A_2 = arith.constant 0 : index
    %get3A_3 = vector.load %arg2[%get3A, %get3A_2] : memref<256x6400xf32, #tpu.memory_space<vmem>>, vector<256x6400xf32>
    %get3A_4 = arith.constant 0 : index
    %get3A_5 = arith.constant 0 : index
    %get3A_6 = vector.load %arg1[%get3A_4, %get3A_5] : memref<1x6400xf32, #tpu.memory_space<vmem>>, vector<1x6400xf32>
    %convert_element_type3A_7 = arith.truncf %get3A_6 : vector<1x6400xf32> to vector<1x6400xbf16>
    %convert_element_type3A_8 = arith.extf %convert_element_type3A_7 : vector<1x6400xbf16> to vector<1x6400xf32>
    %mul3A = vector.broadcast %convert_element_type3A_8 : vector<1x6400xf32> to vector<256x6400xf32>
    %mul3A_9 = arith.mulf %get3A_3, %mul3A : vector<256x6400xf32>
    %slice3A = vector.extract_strided_slice %mul3A_9 {offsets = [0, 0], sizes = [256, 128], strides = [1, 1]} : vector<256x6400xf32> to vector<256x128xf32>
    %slice3A_10 = vector.extract_strided_slice %mul3A_9 {offsets = [0, 128], sizes = [256, 128], strides = [1, 1]} : vector<256x6400xf32> to vector<256x128xf32>
    %add3A = arith.addf %slice3A, %slice3A_10 : vector<256x128xf32>
    %slice3A_11 = vector.extract_strided_slice %mul3A_9 {offsets = [0, 256], sizes = [256, 128], strides = [1, 1]} : vector<256x6400xf32> to vector<256x128xf32>
    %add3A_12 = arith.addf %add3A, %slice3A_11 : vector<256x128xf32>
    %slice3A_13 = vector.extract_strided_slice %mul3A_9 {offsets = [0, 384], sizes = [256, 128], strides = [1, 1]} : vector<256x6400xf32> to vector<256x128xf32>
    %add3A_14 = arith.addf %add3A_12, %slice3A_13 : vector<256x128xf32>
    %slice3A_15 = vector.extract_strided_slice %mul3A_9 {offsets = [0, 512], sizes = [256, 128], strides = [1, 1]} : vector<256x6400xf32> to vector<256x128xf32>
    %add3A_16 = arith.addf %add3A_14, %slice3A_15 : vector<256x128xf32>
    %slice3A_17 = vector.extract_strided_slice %mul3A_9 {offsets = [0, 640], sizes = [256, 128], strides = [1, 1]} : vector<256x6400xf32> to vector<256x128xf32>
    %add3A_18 = arith.addf %add3A_16, %slice3A_17 : vector<256x128xf32>
    %slice3A_19 = vector.extract_strided_slice %mul3A_9 {offsets = [0, 768], sizes = [256, 128], strides = [1, 1]} : vector<256x6400xf32> to vector<256x128xf32>
    %add3A_20 = arith.addf %add3A_18, %slice3A_19 : vector<256x128xf32>
    %slice3A_21 = vector.extract_strided_slice %mul3A_9 {offsets = [0, 896], sizes = [256, 128], strides = [1, 1]} : vector<256x6400xf32> to vector<256x128xf32>
    %add3A_22 = arith.addf %add3A_20, %slice3A_21 : vector<256x128xf32>
    %slice3A_23 = vector.extract_strided_slice %mul3A_9 {offsets = [0, 1024], sizes = [256, 128], strides = [1, 1]} : vector<256x6400xf32> to vector<256x128xf32>
    %add3A_24 = arith.addf %add3A_22, %slice3A_23 : vector<256x128xf32>
    %slice3A_25 = vector.extract_strided_slice %mul3A_9 {offsets = [0, 1152], sizes = [256, 128], strides = [1, 1]} : vector<256x6400xf32> to vector<256x128xf32>
    %add3A_26 = arith.addf %add3A_24, %slice3A_25 : vector<256x128xf32>
    %slice3A_27 = vector.extract_strided_slice %mul3A_9 {offsets = [0, 1280], sizes = [256, 128], strides = [1, 1]} : vector<256x6400xf32> to vector<256x128xf32>
    %add3A_28 = arith.addf %add3A_26, %slice3A_27 : vector<256x128xf32>
    %slice3A_29 = vector.extract_strided_slice %mul3A_9 {offsets = [0, 1408], sizes = [256, 128], strides = [1, 1]} : vector<256x6400xf32> to vector<256x128xf32>
    %add3A_30 = arith.addf %add3A_28, %slice3A_29 : vector<256x128xf32>
    %slice3A_31 = vector.extract_strided_slice %mul3A_9 {offsets = [0, 1536], sizes = [256, 128], strides = [1, 1]} : vector<256x6400xf32> to vector<256x128xf32>
    %add3A_32 = arith.addf %add3A_30, %slice3A_31 : vector<256x128xf32>
    %slice3A_33 = vector.extract_strided_slice %mul3A_9 {offsets = [0, 1664], sizes = [256, 128], strides = [1, 1]} : vector<256x6400xf32> to vector<256x128xf32>
    %add3A_34 = arith.addf %add3A_32, %slice3A_33 : vector<256x128xf32>
    %slice3A_35 = vector.extract_strided_slice %mul3A_9 {offsets = [0, 1792], sizes = [256, 128], strides = [1, 1]} : vector<256x6400xf32> to vector<256x128xf32>
    %add3A_36 = arith.addf %add3A_34, %slice3A_35 : vector<256x128xf32>
    %slice3A_37 = vector.extract_strided_slice %mul3A_9 {offsets = [0, 1920], sizes = [256, 128], strides = [1, 1]} : vector<256x6400xf32> to vector<256x128xf32>
    %add3A_38 = arith.addf %add3A_36, %slice3A_37 : vector<256x128xf32>
    %slice3A_39 = vector.extract_strided_slice %mul3A_9 {offsets = [0, 2048], sizes = [256, 128], strides = [1, 1]} : vector<256x6400xf32> to vector<256x128xf32>
    %add3A_40 = arith.addf %add3A_38, %slice3A_39 : vector<256x128xf32>
    %slice3A_41 = vector.extract_strided_slice %mul3A_9 {offsets = [0, 2176], sizes = [256, 128], strides = [1, 1]} : vector<256x6400xf32> to vector<256x128xf32>
    %add3A_42 = arith.addf %add3A_40, %slice3A_41 : vector<256x128xf32>
    %slice3A_43 = vector.extract_strided_slice %mul3A_9 {offsets = [0, 2304], sizes = [256, 128], strides = [1, 1]} : vector<256x6400xf32> to vector<256x128xf32>
    %add3A_44 = arith.addf %add3A_42, %slice3A_43 : vector<256x128xf32>
    %slice3A_45 = vector.extract_strided_slice %mul3A_9 {offsets = [0, 2432], sizes = [256, 128], strides = [1, 1]} : vector<256x6400xf32> to vector<256x128xf32>
    %add3A_46 = arith.addf %add3A_44, %slice3A_45 : vector<256x128xf32>
    %slice3A_47 = vector.extract_strided_slice %mul3A_9 {offsets = [0, 2560], sizes = [256, 128], strides = [1, 1]} : vector<256x6400xf32> to vector<256x128xf32>
    %add3A_48 = arith.addf %add3A_46, %slice3A_47 : vector<256x128xf32>
    %slice3A_49 = vector.extract_strided_slice %mul3A_9 {offsets = [0, 2688], sizes = [256, 128], strides = [1, 1]} : vector<256x6400xf32> to vector<256x128xf32>
    %add3A_50 = arith.addf %add3A_48, %slice3A_49 : vector<256x128xf32>
    %slice3A_51 = vector.extract_strided_slice %mul3A_9 {offsets = [0, 2816], sizes = [256, 128], strides = [1, 1]} : vector<256x6400xf32> to vector<256x128xf32>
    %add3A_52 = arith.addf %add3A_50, %slice3A_51 : vector<256x128xf32>
    %slice3A_53 = vector.extract_strided_slice %mul3A_9 {offsets = [0, 2944], sizes = [256, 128], strides = [1, 1]} : vector<256x6400xf32> to vector<256x128xf32>
    %add3A_54 = arith.addf %add3A_52, %slice3A_53 : vector<256x128xf32>
    %slice3A_55 = vector.extract_strided_slice %mul3A_9 {offsets = [0, 3072], sizes = [256, 128], strides = [1, 1]} : vector<256x6400xf32> to vector<256x128xf32>
    %add3A_56 = arith.addf %add3A_54, %slice3A_55 : vector<256x128xf32>
    %slice3A_57 = vector.extract_strided_slice %mul3A_9 {offsets = [0, 3200], sizes = [256, 128], strides = [1, 1]} : vector<256x6400xf32> to vector<256x128xf32>
    %add3A_58 = arith.addf %add3A_56, %slice3A_57 : vector<256x128xf32>
    %slice3A_59 = vector.extract_strided_slice %mul3A_9 {offsets = [0, 3328], sizes = [256, 128], strides = [1, 1]} : vector<256x6400xf32> to vector<256x128xf32>
    %add3A_60 = arith.addf %add3A_58, %slice3A_59 : vector<256x128xf32>
    %slice3A_61 = vector.extract_strided_slice %mul3A_9 {offsets = [0, 3456], sizes = [256, 128], strides = [1, 1]} : vector<256x6400xf32> to vector<256x128xf32>
    %add3A_62 = arith.addf %add3A_60, %slice3A_61 : vector<256x128xf32>
    %slice3A_63 = vector.extract_strided_slice %mul3A_9 {offsets = [0, 3584], sizes = [256, 128], strides = [1, 1]} : vector<256x6400xf32> to vector<256x128xf32>
    %add3A_64 = arith.addf %add3A_62, %slice3A_63 : vector<256x128xf32>
    %slice3A_65 = vector.extract_strided_slice %mul3A_9 {offsets = [0, 3712], sizes = [256, 128], strides = [1, 1]} : vector<256x6400xf32> to vector<256x128xf32>
    %add3A_66 = arith.addf %add3A_64, %slice3A_65 : vector<256x128xf32>
    %slice3A_67 = vector.extract_strided_slice %mul3A_9 {offsets = [0, 3840], sizes = [256, 128], strides = [1, 1]} : vector<256x6400xf32> to vector<256x128xf32>
    %add3A_68 = arith.addf %add3A_66, %slice3A_67 : vector<256x128xf32>
    %slice3A_69 = vector.extract_strided_slice %mul3A_9 {offsets = [0, 3968], sizes = [256, 128], strides = [1, 1]} : vector<256x6400xf32> to vector<256x128xf32>
    %add3A_70 = arith.addf %add3A_68, %slice3A_69 : vector<256x128xf32>
    %slice3A_71 = vector.extract_strided_slice %mul3A_9 {offsets = [0, 4096], sizes = [256, 128], strides = [1, 1]} : vector<256x6400xf32> to vector<256x128xf32>
    %add3A_72 = arith.addf %add3A_70, %slice3A_71 : vector<256x128xf32>
    %slice3A_73 = vector.extract_strided_slice %mul3A_9 {offsets = [0, 4224], sizes = [256, 128], strides = [1, 1]} : vector<256x6400xf32> to vector<256x128xf32>
    %add3A_74 = arith.addf %add3A_72, %slice3A_73 : vector<256x128xf32>
    %slice3A_75 = vector.extract_strided_slice %mul3A_9 {offsets = [0, 4352], sizes = [256, 128], strides = [1, 1]} : vector<256x6400xf32> to vector<256x128xf32>
    %add3A_76 = arith.addf %add3A_74, %slice3A_75 : vector<256x128xf32>
    %slice3A_77 = vector.extract_strided_slice %mul3A_9 {offsets = [0, 4480], sizes = [256, 128], strides = [1, 1]} : vector<256x6400xf32> to vector<256x128xf32>
    %add3A_78 = arith.addf %add3A_76, %slice3A_77 : vector<256x128xf32>
    %slice3A_79 = vector.extract_strided_slice %mul3A_9 {offsets = [0, 4608], sizes = [256, 128], strides = [1, 1]} : vector<256x6400xf32> to vector<256x128xf32>
    %add3A_80 = arith.addf %add3A_78, %slice3A_79 : vector<256x128xf32>
    %slice3A_81 = vector.extract_strided_slice %mul3A_9 {offsets = [0, 4736], sizes = [256, 128], strides = [1, 1]} : vector<256x6400xf32> to vector<256x128xf32>
    %add3A_82 = arith.addf %add3A_80, %slice3A_81 : vector<256x128xf32>
    %slice3A_83 = vector.extract_strided_slice %mul3A_9 {offsets = [0, 4864], sizes = [256, 128], strides = [1, 1]} : vector<256x6400xf32> to vector<256x128xf32>
    %add3A_84 = arith.addf %add3A_82, %slice3A_83 : vector<256x128xf32>
    %slice3A_85 = vector.extract_strided_slice %mul3A_9 {offsets = [0, 4992], sizes = [256, 128], strides = [1, 1]} : vector<256x6400xf32> to vector<256x128xf32>
    %add3A_86 = arith.addf %add3A_84, %slice3A_85 : vector<256x128xf32>
    %slice3A_87 = vector.extract_strided_slice %mul3A_9 {offsets = [0, 5120], sizes = [256, 128], strides = [1, 1]} : vector<256x6400xf32> to vector<256x128xf32>
    %add3A_88 = arith.addf %add3A_86, %slice3A_87 : vector<256x128xf32>
    %slice3A_89 = vector.extract_strided_slice %mul3A_9 {offsets = [0, 5248], sizes = [256, 128], strides = [1, 1]} : vector<256x6400xf32> to vector<256x128xf32>
    %add3A_90 = arith.addf %add3A_88, %slice3A_89 : vector<256x128xf32>
    %slice3A_91 = vector.extract_strided_slice %mul3A_9 {offsets = [0, 5376], sizes = [256, 128], strides = [1, 1]} : vector<256x6400xf32> to vector<256x128xf32>
    %add3A_92 = arith.addf %add3A_90, %slice3A_91 : vector<256x128xf32>
    %slice3A_93 = vector.extract_strided_slice %mul3A_9 {offsets = [0, 5504], sizes = [256, 128], strides = [1, 1]} : vector<256x6400xf32> to vector<256x128xf32>
    %add3A_94 = arith.addf %add3A_92, %slice3A_93 : vector<256x128xf32>
    %slice3A_95 = vector.extract_strided_slice %mul3A_9 {offsets = [0, 5632], sizes = [256, 128], strides = [1, 1]} : vector<256x6400xf32> to vector<256x128xf32>
    %add3A_96 = arith.addf %add3A_94, %slice3A_95 : vector<256x128xf32>
    %slice3A_97 = vector.extract_strided_slice %mul3A_9 {offsets = [0, 5760], sizes = [256, 128], strides = [1, 1]} : vector<256x6400xf32> to vector<256x128xf32>
    %add3A_98 = arith.addf %add3A_96, %slice3A_97 : vector<256x128xf32>
    %slice3A_99 = vector.extract_strided_slice %mul3A_9 {offsets = [0, 5888], sizes = [256, 128], strides = [1, 1]} : vector<256x6400xf32> to vector<256x128xf32>
    %add3A_100 = arith.addf %add3A_98, %slice3A_99 : vector<256x128xf32>
    %slice3A_101 = vector.extract_strided_slice %mul3A_9 {offsets = [0, 6016], sizes = [256, 128], strides = [1, 1]} : vector<256x6400xf32> to vector<256x128xf32>
    %add3A_102 = arith.addf %add3A_100, %slice3A_101 : vector<256x128xf32>
    %slice3A_103 = vector.extract_strided_slice %mul3A_9 {offsets = [0, 6144], sizes = [256, 128], strides = [1, 1]} : vector<256x6400xf32> to vector<256x128xf32>
    %add3A_104 = arith.addf %add3A_102, %slice3A_103 : vector<256x128xf32>
    %slice3A_105 = vector.extract_strided_slice %mul3A_9 {offsets = [0, 6272], sizes = [256, 128], strides = [1, 1]} : vector<256x6400xf32> to vector<256x128xf32>
    %add3A_106 = arith.addf %add3A_104, %slice3A_105 : vector<256x128xf32>
    %get3A_107 = arith.constant 0 : index
    %get3A_108 = arith.constant 0 : index
    %get3A_109 = vector.load %arg9[%get3A_107, %get3A_108] : memref<256x128xf32, #tpu.memory_space<vmem>>, vector<256x128xf32>
    %add3A_110 = arith.addf %get3A_109, %add3A_106 : vector<256x128xf32>
    %swap3A = arith.constant 0 : index
    %swap3A_111 = arith.constant 0 : index
    %swap3A_112 = vector.load %arg9[%swap3A, %swap3A_111] : memref<256x128xf32, #tpu.memory_space<vmem>>, vector<256x128xf32>
    tpu.vector_store %arg9[%swap3A, %swap3A_111], %add3A_110 {strides = array<i32>} : memref<256x128xf32, #tpu.memory_space<vmem>>, vector<256x128xf32>,
    %eq3A_113 = arith.constant 49 : i32
    %eq3A_114 = arith.cmpi eq, %arg0, %eq3A_113 : i32
    %convert_element_type3A_115 = arith.extui %eq3A_114 : i1 to i32
    %cond3A_116 = arith.constant 0 : i32
    %cond3A_117 = arith.cmpi ne, %convert_element_type3A_115, %cond3A_116 : i32
    scf.if %cond3A_117 {
      %get3A_118 = arith.constant 0 : index
      %get3A_119 = arith.constant 0 : index
      %get3A_120 = vector.load %arg9[%get3A_118, %get3A_119] : memref<256x128xf32, #tpu.memory_space<vmem>>, vector<256x128xf32>
      %reduce_sum3A = arith.constant dense<0.000000e+00> : vector<256xf32>
      %reduce_sum3A_121 = vector.multi_reduction <add>, %get3A_120, %reduce_sum3A [1] : vector<256x128xf32> to vector<256xf32>
      %get3A_122 = arith.constant 0 : index
      %get3A_123 = vector.load %arg3[%get3A_122] : memref<256xf32, #tpu.memory_space<vmem>>, vector<256xf32>
      %add3A_124 = arith.addf %reduce_sum3A_121, %get3A_123 : vector<256xf32>
      %max3A = arith.constant 0.000000e+00 : f32
      %max3A_125 = vector.broadcast %max3A : f32 to vector<256xf32>
      %max3A_126 = arith.maximumf %add3A_124, %max3A_125 : vector<256xf32>
      %get3A_127 = arith.constant 0 : index
      %get3A_128 = arith.constant 0 : index
      %get3A_129 = vector.load %arg4[%get3A_127, %get3A_128] : memref<256x256xf32, #tpu.memory_space<vmem>>, vector<256x256xf32>
      %convert_element_type3A_130 = arith.truncf %get3A_129 : vector<256x256xf32> to vector<256x256xbf16>
      %convert_element_type3A_131 = arith.extf %convert_element_type3A_130 : vector<256x256xbf16> to vector<256x256xf32>
      %convert_element_type3A_132 = arith.truncf %max3A_126 : vector<256xf32> to vector<256xbf16>
      %convert_element_type3A_133 = arith.extf %convert_element_type3A_132 : vector<256xbf16> to vector<256xf32>
      %broadcast_in_dim3A = vector.shape_cast %convert_element_type3A_133 : vector<256xf32> to vector<1x256xf32>
      %mul3A_134 = vector.broadcast %broadcast_in_dim3A : vector<1x256xf32> to vector<256x256xf32>
      %mul3A_135 = arith.mulf %convert_element_type3A_131, %mul3A_134 : vector<256x256xf32>
      %reduce_sum3A_136 = arith.constant dense<0.000000e+00> : vector<256xf32>
      %reduce_sum3A_137 = vector.multi_reduction <add>, %mul3A_135, %reduce_sum3A_136 [1] : vector<256x256xf32> to vector<256xf32>
      %get3A_138 = arith.constant 0 : index
      %get3A_139 = vector.load %arg5[%get3A_138] : memref<256xf32, #tpu.memory_space<vmem>>, vector<256xf32>
      %add3A_140 = arith.addf %reduce_sum3A_137, %get3A_139 : vector<256xf32>
      %max3A_141 = arith.constant 0.000000e+00 : f32
      %max3A_142 = vector.broadcast %max3A_141 : f32 to vector<256xf32>
      %max3A_143 = arith.maximumf %add3A_140, %max3A_142 : vector<256xf32>
      %get3A_144 = arith.constant 0 : index
      %get3A_145 = arith.constant 0 : index
      %get3A_146 = vector.load %arg6[%get3A_144, %get3A_145] : memref<2000x256xf32, #tpu.memory_space<vmem>>, vector<2000x256xf32>
      %convert_element_type3A_147 = arith.truncf %get3A_146 : vector<2000x256xf32> to vector<2000x256xbf16>
      %convert_element_type3A_148 = arith.extf %convert_element_type3A_147 : vector<2000x256xbf16> to vector<2000x256xf32>
      %convert_element_type3A_149 = arith.truncf %max3A_143 : vector<256xf32> to vector<256xbf16>
      %convert_element_type3A_150 = arith.extf %convert_element_type3A_149 : vector<256xbf16> to vector<256xf32>
      %broadcast_in_dim3A_151 = vector.shape_cast %convert_element_type3A_150 : vector<256xf32> to vector<1x256xf32>
      %mul3A_152 = vector.broadcast %broadcast_in_dim3A_151 : vector<1x256xf32> to vector<2000x256xf32>
      %mul3A_153 = arith.mulf %convert_element_type3A_148, %mul3A_152 : vector<2000x256xf32>
      %reduce_sum3A_154 = arith.constant dense<0.000000e+00> : vector<2000xf32>
      %reduce_sum3A_155 = vector.multi_reduction <add>, %mul3A_153, %reduce_sum3A_154 [1] : vector<2000x256xf32> to vector<2000xf32>
      %get3A_156 = arith.constant 0 : index
      %get3A_157 = vector.load %arg7[%get3A_156] : memref<2000xf32, #tpu.memory_space<vmem>>, vector<2000xf32>
      %add3A_158 = arith.addf %reduce_sum3A_155, %get3A_157 : vector<2000xf32>
      %swap3A_159 = arith.constant 0 : index
      %swap3A_160 = vector.load %arg8[%swap3A_159] : memref<2000xf32, #tpu.memory_space<vmem>>, vector<2000xf32>
      tpu.vector_store %arg8[%swap3A_159], %add3A_158 {strides = array<i32>} : memref<2000xf32, #tpu.memory_space<vmem>>, vector<2000xf32>,
    } else {
    }
    return
  }
  func.func @transform_0(%arg0: i32) -> (i32, i32) {
    %c0_i32 = arith.constant 0 : i32
    %c0_i32_0 = arith.constant 0 : i32
    return %c0_i32, %arg0 : i32, i32
  }
  func.func @transform_1(%arg0: i32) -> (i32, i32) {
    %c0_i32 = arith.constant 0 : i32
    %c0_i32_0 = arith.constant 0 : i32
    return %c0_i32, %arg0 : i32, i32
  }
  func.func @transform_2(%arg0: i32) -> i32 {
    %c0_i32 = arith.constant 0 : i32
    %c0_i32_0 = arith.constant 0 : i32
    return %c0_i32 : i32
  }
  func.func @transform_3(%arg0: i32) -> (i32, i32) {
    %c0_i32 = arith.constant 0 : i32
    %c0_i32_0 = arith.constant 0 : i32
    %c0_i32_1 = arith.constant 0 : i32
    return %c0_i32, %c0_i32_0 : i32, i32
  }
  func.func @transform_4(%arg0: i32) -> i32 {
    %c0_i32 = arith.constant 0 : i32
    %c0_i32_0 = arith.constant 0 : i32
    return %c0_i32 : i32
  }
  func.func @transform_5(%arg0: i32) -> (i32, i32) {
    %c0_i32 = arith.constant 0 : i32
    %c0_i32_0 = arith.constant 0 : i32
    %c0_i32_1 = arith.constant 0 : i32
    return %c0_i32, %c0_i32_0 : i32, i32
  }
  func.func @transform_6(%arg0: i32) -> i32 {
    %c0_i32 = arith.constant 0 : i32
    %c0_i32_0 = arith.constant 0 : i32
    return %c0_i32 : i32
  }
  func.func @transform_7(%arg0: i32) -> i32 {
    %c0_i32 = arith.constant 0 : i32
    %c0_i32_0 = arith.constant 0 : i32
    return %c0_i32 : i32
  }
}

</mosaic_0001>

<sc_bundles>
// kernel: kernel.12.cloned.1.call-start
scs
__scs_entry_jumppad:
0x0: {  	(pc) =	sbr.rel $0x88, $3  }
0x1: {  	(tag) =	ssettag $0x0;
	lr =	simm.s32 $0x1  }
0x2: {  	[smem:$0x3F92] =	sst lr;
	_ =	strace $0xD0000000  }
0x3: {  	_ = 	snop  }
0x4: {  	_ = 	snop  }
0x5: {  	_ = 	snop  }
0x6: {  	_ = 	snop  }
0x7: {  	_ = 	snop  }
__scs_overlays_trampoline_lowered:
0x8: {  	[smem:$0x3FA1] =	sst s0  }
0x9: {  	[smem:$0x3FA2] =	sst s1  }
0xa: {  	[smem:$0x3FA3] =	sst s2  }
0xb: {  	[smem:$0x3FA4] =	sst s3  }
0xc: {  	[smem:$0x3FA5] =	sst s4  }
0xd: {  	[smem:$0x3FA6] =	sst s5  }
0xe: {  	[smem:$0x3FA7] =	sst s6  }
0xf: {  	[smem:$0x3FA8] =	sst s7  }
0x10: {  	[smem:$0x3FA9] =	sst s8  }
0x11: {  	[smem:$0x3FAA] =	sst s9;
	s0 =	simm.s32 @!p0 $0x0  }
0x12: {  	s1 =	sld [smem:$0x3F90];
	s0 =	simm.s32 @p0 $0x1  }
0x13: {  	[smem:$0x3FAB] =	sst s0;
	s0 =	simm.s32 @!p1 $0x0  }
0x14: {  	s2 =	sld [smem:$0x3F8F];
	s0 =	simm.s32 @p1 $0x1  }
0x15: {  	[smem:$0x3FAC] =	sst s0;
	s0 =	simm.s32 @!p2 $0x0  }
0x16: {  	s3 =	sld [smem:$0x3FDB];
	s0 =	simm.s32 @p2 $0x1  }
0x17: {  	s4 =	simm.s32 $0x1BF5;
	[smem:$0x3FAE] =	sst s0  }
0x18: {  	s0 =	sld [smem:$0x3F91];
	_ =	swait.ge [sflag:s4], $0x0  }
0x19: {  	s7 =	sld [smem:$0x3F92]  }
0x1a: {  	s8 =	sadd.s32 $0xFFFFE003, lr  }
0x1b: {  	s9 =	sadd.s32 $0xFFFFFEF7, lr;
	s5 =	simm.s32 $0xFFFFFFFF;
	p2 =	slt.u32 s8, $0xFFFFF086  }
0x1c: {  	p1 =	slt.u32 s9, $0xF7A;
	s5 =	simm.s32 @!p2 $0x0  }
0x1d: {  	s5 =	simm.s32 @p1 $0x1;
	p0 =	seq.s32 s7, s2  }
0x1e: {  	s7 =	smul.u32 @!p0 $0xF7A, s2;
	p2 =	seq.s32 @!p0 s5, $0x0  }
0x1f: {  	s9 =	smul.u32 $0xF7A, s1;
	s8 =	simm.s32 @!p0 $0x1BF5;
	p2 =	por !p2, p0  }
0x20: {  	[sflag:s8] =	ssyncset.s32 @!p0 $0xFFFFF086;
	s6 =	sadd.s32 @!p0 s3, s7;
	s7 =	simm.s32 @!p0 $0x108  }
0x21: {  	s3 =	sadd.s32 s3, s9;
	s6 =	sadd.s32 @!p0 $0x88, s6;
	s7 =	simm.s32 @p2 $0x1082  }
0x22: {  	[simem:s7], [sflag:s8] =	dma.local @!p0 [hbm:s6], $0xF7A  }
0x23: {  	s9 =	sor.u32 $0xD0000000, s2;
	s6 =	simm.s32 $0x108;
	_ =	swait.ge @!p0 [sflag:s8], $0x0  }
0x24: {  	s3 =	sadd.s32 $0x88, s3;
	s6 =	simm.s32 @!p1 $0x1082;
	[sflag:s4] =	ssyncset.s32 $0xFFFFF086  }
0x25: {  	[simem:s6], [sflag:s4] =	dma.local [hbm:s3], $0xF7A  }
0x26: {  	[smem:$0x3F92] =	sst s1;
	(tag) =	ssettag s2;
	_ =	strace s9  }
0x27: {  	s1 =	sld [smem:$0x3FA2]  }
0x28: {  	s2 =	sld [smem:$0x3FA3]  }
0x29: {  	s4 =	sld [smem:$0x3FA5]  }
0x2a: {  	p0 =	seq.s32 s5, $0x0;
	s5 =	sld [smem:$0x3FA6]  }
0x2b: {  	s6 =	sld [smem:$0x3FA7]  }
0x2c: {  	s7 =	sld [smem:$0x3FA8]  }
0x2d: {  	s3 =	simm.s32 $0x108;
	s8 =	sld [smem:$0x3FA9]  }
0x2e: {  	s3 =	simm.s32 @!p0 $0x1082;
	s9 =	sld [smem:$0x3FAA]  }
0x2f: {  	lr =	sadd.s32 s0, s3;
	s0 =	sld [smem:$0x3FA1]  }
0x30: {  	s3 =	sld [smem:$0x3FA4]  }
0x31: {  	[smem:$0x3FAD] =	sst s10  }
0x32: {  	s10 =	sld [smem:$0x3FAB];
	_ =	sdelay $0x3  }
0x33: {  	p0 =	seq.s32 s10, $0x1;
	s10 =	sld [smem:$0x3FAD];
	_ =	sdelay $0x3  }
0x34: {  	[smem:$0x3FAD] =	sst s10  }
0x35: {  	s10 =	sld [smem:$0x3FAC];
	_ =	sdelay $0x3  }
0x36: {  	p1 =	seq.s32 s10, $0x1;
	s10 =	sld [smem:$0x3FAD];
	_ =	sdelay $0x3  }
0x37: {  	[smem:$0x3FAD] =	sst s10  }
0x38: {  	s10 =	sld [smem:$0x3FAE]  }
0x39: {  	_ = 	snop;
	(pc) =	sbr.ind lr, $3  }
0x3a: {  	_ = 	snop  }
0x3b: {  	_ = 	snop  }
0x3c: {  	p2 =	seq.s32 s10, $0x1;
	s10 =	sld [smem:$0x3FAD]  }
0x3d: {  	_ =	shalt  }
0x3e: {  	_ =	shalt  }
0x3f: {  	_ =	shalt  }
0x40: {  	_ =	shalt  }
0x41: {  	_ =	shalt  }
0x42: {  	_ =	shalt  }
0x43: {  	_ =	shalt  }
0x44: {  	_ =	shalt  }
0x45: {  	_ =	shalt  }
0x46: {  	_ =	shalt  }
0x47: {  	_ =	shalt  }
0x48: {  	_ =	shalt  }
0x49: {  	_ =	shalt  }
0x4a: {  	_ =	shalt  }
0x4b: {  	_ =	shalt  }
0x4c: {  	_ =	shalt  }
0x4d: {  	_ =	shalt  }
0x4e: {  	_ =	shalt  }
0x4f: {  	_ =	shalt  }
0x50: {  	_ =	shalt  }
0x51: {  	_ =	shalt  }
0x52: {  	_ =	shalt  }
0x53: {  	_ =	shalt  }
0x54: {  	_ =	shalt  }
0x55: {  	_ =	shalt  }
0x56: {  	_ =	shalt  }
0x57: {  	_ =	shalt  }
0x58: {  	_ =	shalt  }
0x59: {  	_ =	shalt  }
0x5a: {  	_ =	shalt  }
0x5b: {  	_ =	shalt  }
0x5c: {  	_ =	shalt  }
0x5d: {  	_ =	shalt  }
0x5e: {  	_ =	shalt  }
0x5f: {  	_ =	shalt  }
0x60: {  	_ =	shalt  }
0x61: {  	_ =	shalt  }
0x62: {  	_ =	shalt  }
0x63: {  	_ =	shalt  }
0x64: {  	_ =	shalt  }
0x65: {  	_ =	shalt  }
0x66: {  	_ =	shalt  }
0x67: {  	_ =	shalt  }
0x68: {  	_ =	shalt  }
0x69: {  	_ =	shalt  }
0x6a: {  	_ =	shalt  }
0x6b: {  	_ =	shalt  }
0x6c: {  	_ =	shalt  }
0x6d: {  	_ =	shalt  }
0x6e: {  	_ =	shalt  }
0x6f: {  	_ =	shalt  }
0x70: {  	_ =	shalt  }
0x71: {  	_ =	shalt  }
0x72: {  	_ =	shalt  }
0x73: {  	_ =	shalt  }
0x74: {  	_ =	shalt  }
0x75: {  	_ =	shalt  }
0x76: {  	_ =	shalt  }
0x77: {  	_ =	shalt  }
0x78: {  	_ =	shalt  }
0x79: {  	_ =	shalt  }
0x7a: {  	_ =	shalt  }
0x7b: {  	_ =	shalt  }
0x7c: {  	_ =	shalt  }
0x7d: {  	_ =	shalt  }
0x7e: {  	_ =	shalt  }
0x7f: {  	_ =	shalt  }
0x80: {  	_ =	shalt  }
0x81: {  	_ =	shalt  }
0x82: {  	_ =	shalt  }
0x83: {  	_ =	shalt  }
0x84: {  	_ =	shalt  }
0x85: {  	_ =	shalt  }
0x86: {  	_ =	shalt  }
0x87: {  	_ =	shalt  }
.Lfunc_end0:
.L_simem_size_0:
called_computation.1_lowered:
.L_overlay_start_0:
0x88: {  	s2 =	sld [smem:$0x3FD9]  }
0x89: {  	s3 =	sld [smem:$0x3FFE];
	_ =	sdelay $0x1  }
0x8a: {  	s1 =	srdreg.scid  }
0x8b: {  	s0 =	sand.u32 $0x1, s1  }
0x8c: {  	s16 =	sshll.u32 s0, $0xA;
	s2 =	sadd.s32 s3, s2  }
0x8d: {  	s2 =	sadd.s32 s2, s16  }
0x8e: {  	[smem:$0x3FB9] =	sst s2  }
0x8f: {  	_ = 	snop  }
0x90: {  	(tm) =	ssettm $0x1  }
0x91: {  	s17 =	sld [smem:$0x3FFB];
	_ =	sdelay $0x3  }
0x92: {  	_ =	strace s17  }
0x93: {  	s2 =	sld [smem:$0x3FFC];
	_ =	sdelay $0x3  }
0x94: {  	_ =	strace s2  }
0x95: {  	s2 =	sld [smem:$0x3FFD];
	_ =	sdelay $0x3  }
0x96: {  	_ =	strace s2  }
0x97: {  	_ =	strace $0x8FFFFFFF  }
0x98: {  	s18 =	sld [smem:$0x3FDB];
	_ =	sdelay $0x1  }
0x99: {  	s19 =	simm.s32 $_scs_section_size  }
0x9a: {  	s4 =	simm.s32 $_size__tile_overlayer_lowered;
	s5 =	simm.s32 $_tile_overlayer_lowered  }
0x9b: {  	s22 =	simm.s32 $0x1BFF;
	s21 =	sshll.u32 s5, $0x1;
	s2 =	sadd.s32 s19, s18  }
0x9c: {  	s6 =	simm.s32 $0x0;
	s20 =	sshll.u32 s4, $0x1;
	s4 =	sadd.s32 s21, s2  }
0x9d: {  	[timem:s6], [sflag:s22] =	dma.local [hbm:s4], s20  }
0x9e: {  	_ =	swait.ge [sflag:s22], s20  }
0x9f: {  	s3 =	ssub.s32 $0x0, s20;
	[sflag:s22] =	ssyncset.done $0x0  }
0xa0: {  	[sflag:s22] =	ssyncadd.s32 s3;
	_ =	sdelay $0x1  }
0xa1: {  	s23 =	simm.s32 $0x1B8B  }
0xa2: {  	_ =	swait.ge [sflag:s23], $0x1  }
0xa3: {  	[sflag:s23] =	ssyncset.done $0x0  }
0xa4: {  	s25 =	simm.s32 $0x1B8E;
	s24 =	sld [smem:$0x3FFE];
	[sflag:s23] =	ssyncadd.s32 $0xFFFFFFFF  }
0xa5: {  	s26 =	simm.s32 $execute0_lowered;
	[smem:$0x3FD2] =	sst s25  }
0xa6: {  	s4 =	sshll.u32 s26, $0x1;
	_ =	strace $0x80000049;
	[dreg:$0x1] =	wrdreg $0xFFFFFFFF  }
0xa7: {  	s28 =	simm.s32 $_size_execute0_lowered;
	s2 =	sadd.s32 s2, s4;
	[dreg:$0x0] =	wrdreg $0x0  }
0xa8: {  	s4 =	sshll.u32 s28, $0x1;
	[dreg:$0x2] =	wrdreg s2  }
0xa9: {  	[dreg:$0x3] =	wrdreg s4  }
0xaa: {  	[dreg:$0x4] =	wrdreg $0xC0  }
0xab: {  	_ =	task [dreg:s6], $0x5FFFF  }
0xac: {  	[dreg:$0x1] =	wrdreg $0xFFFFFFFF  }
0xad: {  	[dreg:$0x0] =	wrdreg $0x60  }
0xae: {  	[dreg:$0x2] =	wrdreg s24  }
0xaf: {  	[dreg:$0x3] =	wrdreg $0xA8000  }
0xb0: {  	[dreg:$0x4] =	wrdreg $0x9  }
0xb1: {  	_ =	task.clear_ibuf [dreg:s6], $0x5FFFF;
	_ =	strace $0x90000049  }
0xb2: {  	s29 =	simm.s32 $0x9;
	_ =	strace $0x8000004B  }
0xb3: {  	_ =	swait.ge [sflag:s29], $0x1  }
0xb4: {  	[sflag:s29] =	ssyncadd.s32 $0xFFFFFFFF  }
0xb5: {  	_ =	strace $0x9000004B  }
0xb6: {  	_ =	sfence  }
0xb7: {  	s30 =	sld [smem:$0x0];
	_ =	sdelay $0x2  }
0xb8: {  	s31 =	sshll.u32 s1, $0xD;
	s1 =	sshrl.u32 s1, $0x2  }
0xb9: {  	s3 =	sand.u32 $0x4000, s31;
	s1 =	sadd.s32 s1, s30  }
0xba: {  	s0 =	sor.u32 s3, s0;
	s1 =	sshll.u32 s1, $0x11  }
0xbb: {  	s0 =	sor.u32 s1, s0  }
0xbc: {  	s0 =	sadd.s32 $0x8F2B, s0  }
0xbd: {  	[sflag:s0] =	ssyncadd.remote.s32 $0x1  }
0xbe: {  	_ =	sfence.sel $0xFFFF  }
0xbf: {  	[dreg:$0x0] =	wrdreg $0xFFFFFFFF;
	(pc) =	sbr.abs _section_cstart, $3  }
0xc0: {  	[dreg:$0x1] =	wrdreg $0xFFFFFFFF  }
0xc1: {  	_ =	task.clear_ibuf [dreg:s6], $0x2FFFF;
	_ =	strace $0x9FFFFFFF  }
0xc2: {  	(tm) =	ssettm $0x7FFFFFFF  }
0xc3: {  	_ =	shalt  }
tec
execute0_lowered:
.L_overlay_start_1:
0x0: {  	(tag) =	ssettag $0x1  }
0x1: {  	s0 =	srdreg.scid;
	s5 =	rddreg [dreg:$0x0]  }
0x2: {  	s3 =	stileid.u32;
	s2 =	rddreg [dreg:$0x1];
	s13 =	simm.s32 $0x0  }
0x3: {  	s14 =	simm.s32 $0x2800;
	s15 =	simm.s32 $0x11;
	s17 =	simm.s32 $0x80  }
0x4: {  	s18 =	simm.s32 $0x3800;
	s29 =	simm.s32 $0x8800;
	s31 =	simm.s32 $0x9800  }
0x5: {  	s16 =	simm.s32 $0x2;
	s28 =	simm.s32 $0x7;
	s30 =	simm.s32 $0x9  }
0x6: {  	s9 =	simm.s32 $0xD;
	s10 =	simm.s32 $0xE;
	s11 =	simm.s32 $0xF  }
0x7: {  	s12 =	simm.s32 $0x10;
	s0 =	sand.u32 $0x1, s0;
	s6 =	smul.u32 $0x5000, s3  }
0x8: {  	s1 =	sshll.u32 s3, $0x1;
	[smem:$0x7FF] =	sst s13;
	s8 =	smul.u32 $0x14000, s3  }
0x9: {  	s4 =	sadd.s32 $0xD000, s5;
	s1 =	sor.u32 s0, s1;
	s7 =	smul.u32 $0x50000, s0  }
0xa: {  	_ =	strace $0x8000004A;
	s0 =	ssub.s32 $0x2, s0;
	s1 =	smul.u32 $0x280, s1  }
0xb: {  	s8 =	sshrl.u32 s8, $0x2;
	s19 =	sshrl.u32 s0, $0x1;
	s20 =	sadd.s32 s6, s2  }
0xc: {  	s7 =	sadd.s32 s6, s7;
	s8 =	sadd.s32 s8, s2;
	s0 =	ssub.s32 s0, s19  }
0xd: {  	[dreg:$0x4] =	wrdreg s20;
	s20 =	simm.s32 $0x4800;
	s19 =	simm.s32 $0x3  }
0xe: {  	s6 =	simm.s32 $0xA;
	s1 =	sadd.s32 s1, s5;
	s21 =	sadd.s32 $0x1000, s8  }
0xf: {  	s7 =	sshrl.u32 s7, $0x3;
	s22 =	sadd.s32 $0x2000, s8;
	[dreg:$0x5] =	wrdreg s21  }
0x10: {  	s23 =	sadd.s32 $0x3000, s8;
	s24 =	sadd.s32 $0x4000, s8;
	[dreg:$0x6] =	wrdreg s22  }
0x11: {  	s0 =	smax.u32 s0, $0x1;
	s8 =	simm.s32 $0xC;
	[dreg:$0x7] =	wrdreg s23  }
0x12: {  	s5 =	sadd.s32 s7, s5;
	[dreg:$0x8] =	wrdreg s24;
	s25 =	sadd.s32 $0x3000, s1  }
0x13: {  	s1 =	sadd.s32 $0x8000, s1;
	[dreg:$0xc] =	wrdreg s0;
	s22 =	simm.s32 $0x5800  }
0x14: {  	s24 =	simm.s32 $0x6800;
	s21 =	simm.s32 $0x4;
	s23 =	simm.s32 $0x5  }
0x15: {  	s0 =	simm.s32 $0x8;
	s7 =	simm.s32 $0xB;
	[dreg:$0x9] =	wrdreg s25  }
0x16: {  	[dreg:$0xa] =	wrdreg s1;
	s26 =	sadd.s32 $0x17000, s5;
	s1 =	simm.s32 $0x1  }
0x17: {  	v0 =	vimm.f32 $0.0e+00;
	s25 =	simm.s32 $0x6;
	[dreg:$0xb] =	wrdreg s26;
	s26 =	simm.s32 $0x7800  }
.LBB2_1:
0x18: {  	[dreg:$0x3] =	wrdreg s13;
	s5 =	simm.s32 $0x80;
	s13 =	simm.s32 $0x0  }
.LBB2_2:
0x19: {  	p0 =	sne.s32 s5, $0x3F80;
	[tilespmem:s13+$0x2800] =	vst v0;
	s3 =	smov.u32 s5;
	s5 =	sadd.s32 $0x80, s5  }
.Ltmp0:
0x1a: {  	[tilespmem:s13+$0x2810] =	vst v0;
	(pc) =	sbr.rel @p0 .LBB2_2-.Ltmp0, $2  }
0x1b: {  	_ =	sdelay $0x2  }
0x1c: {  	s13 =	sshra.s32 s3, $0x2  }
0x1d: {  	[tilespmem:s13+$0x2800] =	vst v0  }
0x1e: {  	[tilespmem:s13+$0x2810] =	vst v0;
	s3 =	rddreg [dreg:$0x4]  }
0x1f: {  	[spmem:s3] =	stream.linear.scatter [tilespmem:s14], [sflag:$0x11], $0x1000, $0x38;
	[tilespmem:$0xF800] =	vst v63  }
0x20: {  	_ =	swait.ge [sflag:s15], $0x1000  }
0x21: {  	[sflag:s15] =	ssyncset.done $0x0  }
0x22: {  	s13 =	rddreg [dreg:$0x5];
	[sflag:s15] =	ssyncadd.s32 $0xFFFFF000  }
0x23: {  	[spmem:s13] =	stream.linear.scatter [tilespmem:s14], [sflag:$0x11], $0x1000, $0x38;
	[tilespmem:$0xF800] =	vst v63  }
0x24: {  	_ =	swait.ge [sflag:s15], $0x1000  }
0x25: {  	[sflag:s15] =	ssyncset.done $0x0  }
0x26: {  	s5 =	rddreg [dreg:$0x6];
	[sflag:s15] =	ssyncadd.s32 $0xFFFFF000  }
0x27: {  	[spmem:s5] =	stream.linear.scatter [tilespmem:s14], [sflag:$0x11], $0x1000, $0x38;
	[tilespmem:$0xF800] =	vst v63  }
0x28: {  	_ =	swait.ge [sflag:s15], $0x1000  }
0x29: {  	[sflag:s15] =	ssyncset.done $0x0  }
0x2a: {  	s13 =	rddreg [dreg:$0x7];
	[sflag:s15] =	ssyncadd.s32 $0xFFFFF000  }
0x2b: {  	[spmem:s13] =	stream.linear.scatter [tilespmem:s14], [sflag:$0x11], $0x1000, $0x38;
	[tilespmem:$0xF800] =	vst v63  }
0x2c: {  	_ =	swait.ge [sflag:s15], $0x1000  }
0x2d: {  	[sflag:s15] =	ssyncset.done $0x0  }
0x2e: {  	s5 =	rddreg [dreg:$0x8];
	[sflag:s15] =	ssyncadd.s32 $0xFFFFF000  }
0x2f: {  	[spmem:s5] =	stream.linear.scatter [tilespmem:s14], [sflag:$0x11], $0x1000, $0x38;
	[tilespmem:$0xF800] =	vst v63  }
0x30: {  	_ =	swait.ge [sflag:s15], $0x1000  }
0x31: {  	[sflag:s15] =	ssyncset.done $0x0  }
0x32: {  	s3 =	simm.s32 $0x0;
	s5 =	rddreg [dreg:$0x9];
	[sflag:s15] =	ssyncadd.s32 $0xFFFFF000  }
0x33: {  	[tilespmem:s3], [sflag:$0x11] =	stream.linear.gather [hbm4b:s5+s3], $0x1400, $0x38;
	[tilespmem:$0xF800] =	vst v63  }
0x34: {  	_ =	swait.ge [sflag:s15], $0x1400  }
0x35: {  	[sflag:s15] =	ssyncset.done $0x0  }
0x36: {  	s13 =	simm.s32 $0x1400;
	s5 =	rddreg [dreg:$0xa];
	[sflag:s15] =	ssyncadd.s32 $0xFFFFEC00  }
0x37: {  	[tilespmem:s13], [sflag:$0x11] =	stream.linear.gather [hbm4b:s5+s3], $0x1400, $0x38;
	[tilespmem:$0xF800] =	vst v63  }
0x38: {  	_ =	swait.ge [sflag:s15], $0x1400  }
0x39: {  	[sflag:s15] =	ssyncset.done $0x0  }
0x3a: {  	[sflag:s15] =	ssyncadd.s32 $0xFFFFEC00  }
0x3b: {  	[bflag:$0x0] =	sbarrier.arrive $0xFFFF  }
0x3c: {  	[tilespmem:s14], [sflag:$0x1] =	stream.indirect.gather [hbm4b:s4+s17], $0x20, s3, s17, $0xb8;
	[tilespmem:$0xF800] =	vst v63  }
0x3d: {  	_ = 	snop  }
0x3e: {  	[tilespmem:s18], [sflag:$0x2] =	stream.indirect.gather [hbm4b:s4+s17], $0x20, s17, s17, $0xb8;
	[tilespmem:$0xF800] =	vst v63  }
0x3f: {  	s13 =	simm.s32 $0x100  }
0x40: {  	[tilespmem:s20], [sflag:$0x3] =	stream.indirect.gather [hbm4b:s4+s17], $0x20, s13, s17, $0xb8;
	[tilespmem:$0xF800] =	vst v63  }
0x41: {  	s5 =	simm.s32 $0x180  }
0x42: {  	[tilespmem:s22], [sflag:$0x4] =	stream.indirect.gather [hbm4b:s4+s17], $0x20, s5, s17, $0xb8;
	[tilespmem:$0xF800] =	vst v63  }
0x43: {  	s13 =	simm.s32 $0x200  }
0x44: {  	[tilespmem:s24], [sflag:$0x5] =	stream.indirect.gather [hbm4b:s4+s17], $0x20, s13, s17, $0xb8;
	[tilespmem:$0xF800] =	vst v63  }
0x45: {  	s5 =	simm.s32 $0x280  }
0x46: {  	[tilespmem:s26], [sflag:$0x6] =	stream.indirect.gather [hbm4b:s4+s17], $0x20, s5, s17, $0xb8;
	[tilespmem:$0xF800] =	vst v63  }
0x47: {  	s13 =	simm.s32 $0x300  }
0x48: {  	[tilespmem:s29], [sflag:$0x7] =	stream.indirect.gather [hbm4b:s4+s17], $0x20, s13, s17, $0xb8;
	[tilespmem:$0xF800] =	vst v63  }
0x49: {  	s5 =	simm.s32 $0x380  }
0x4a: {  	[tilespmem:s31], [sflag:$0x8] =	stream.indirect.gather [hbm4b:s4+s17], $0x20, s5, s17, $0xb8;
	[tilespmem:$0xF800] =	vst v63  }
0x4b: {  	_ =	swait.ge [sflag:s1], $0x1000  }
0x4c: {  	[sflag:s1] =	ssyncset.done $0x0  }
0x4d: {  	s13 =	simm.s32 $0x1400;
	[sflag:s1] =	ssyncadd.s32 $0xFFFFF000  }
0x4e: {  	[spmem:s2] =	stream.indirect.scatter.add.f32 [tilespmem:s14], [sflag:$0x9], $0x20, s13, s17, $0xb8;
	[tilespmem:$0xF800] =	vst v63  }
0x4f: {  	_ =	swait.ge [sflag:s16], $0x1000  }
0x50: {  	[sflag:s16] =	ssyncset.done $0x0  }
0x51: {  	s5 =	simm.s32 $0x1480;
	[sflag:s16] =	ssyncadd.s32 $0xFFFFF000  }
0x52: {  	[spmem:s2] =	stream.indirect.scatter.add.f32 [tilespmem:s18], [sflag:$0xA], $0x20, s5, s17, $0xb8;
	[tilespmem:$0xF800] =	vst v63  }
0x53: {  	_ =	swait.ge [sflag:s19], $0x1000  }
0x54: {  	[sflag:s19] =	ssyncset.done $0x0  }
0x55: {  	s13 =	simm.s32 $0x1500;
	[sflag:s19] =	ssyncadd.s32 $0xFFFFF000  }
0x56: {  	[spmem:s2] =	stream.indirect.scatter.add.f32 [tilespmem:s20], [sflag:$0xB], $0x20, s13, s17, $0xb8;
	[tilespmem:$0xF800] =	vst v63  }
0x57: {  	_ =	swait.ge [sflag:s21], $0x1000  }
0x58: {  	[sflag:s21] =	ssyncset.done $0x0  }
0x59: {  	s5 =	simm.s32 $0x1580;
	[sflag:s21] =	ssyncadd.s32 $0xFFFFF000  }
0x5a: {  	[spmem:s2] =	stream.indirect.scatter.add.f32 [tilespmem:s22], [sflag:$0xC], $0x20, s5, s17, $0xb8;
	[tilespmem:$0xF800] =	vst v63  }
0x5b: {  	_ =	swait.ge [sflag:s23], $0x1000  }
0x5c: {  	[sflag:s23] =	ssyncset.done $0x0  }
0x5d: {  	s13 =	simm.s32 $0x1600;
	[sflag:s23] =	ssyncadd.s32 $0xFFFFF000  }
0x5e: {  	[spmem:s2] =	stream.indirect.scatter.add.f32 [tilespmem:s24], [sflag:$0xD], $0x20, s13, s17, $0xb8;
	[tilespmem:$0xF800] =	vst v63  }
0x5f: {  	_ =	swait.ge [sflag:s25], $0x1000  }
0x60: {  	[sflag:s25] =	ssyncset.done $0x0  }
0x61: {  	s5 =	simm.s32 $0x1680;
	[sflag:s25] =	ssyncadd.s32 $0xFFFFF000  }
0x62: {  	[spmem:s2] =	stream.indirect.scatter.add.f32 [tilespmem:s26], [sflag:$0xE], $0x20, s5, s17, $0xb8;
	[tilespmem:$0xF800] =	vst v63  }
0x63: {  	_ =	swait.ge [sflag:s28], $0x1000  }
0x64: {  	[sflag:s28] =	ssyncset.done $0x0  }
0x65: {  	s13 =	simm.s32 $0x1700;
	[sflag:s28] =	ssyncadd.s32 $0xFFFFF000  }
0x66: {  	[spmem:s2] =	stream.indirect.scatter.add.f32 [tilespmem:s29], [sflag:$0xF], $0x20, s13, s17, $0xb8;
	[tilespmem:$0xF800] =	vst v63  }
0x67: {  	_ =	swait.ge [sflag:s0], $0x1000  }
0x68: {  	[sflag:s0] =	ssyncset.done $0x0  }
0x69: {  	s5 =	simm.s32 $0x1780;
	[sflag:s0] =	ssyncadd.s32 $0xFFFFF000  }
0x6a: {  	[spmem:s2] =	stream.indirect.scatter.add.f32 [tilespmem:s31], [sflag:$0x10], $0x20, s5, s17, $0xb8;
	[tilespmem:$0xF800] =	vst v63  }
0x6b: {  	_ =	swait.ge [sflag:s30], $0x1000  }
0x6c: {  	[sflag:s30] =	ssyncset.done $0x0  }
0x6d: {  	s13 =	simm.s32 $0x400;
	[sflag:s30] =	ssyncadd.s32 $0xFFFFF000  }
0x6e: {  	[tilespmem:s14], [sflag:$0x1] =	stream.indirect.gather [hbm4b:s4+s17], $0x20, s13, s17, $0xb8;
	[tilespmem:$0xF800] =	vst v63  }
0x6f: {  	_ =	swait.ge [sflag:s6], $0x1000  }
0x70: {  	[sflag:s6] =	ssyncset.done $0x0  }
0x71: {  	s5 =	simm.s32 $0x480;
	[sflag:s6] =	ssyncadd.s32 $0xFFFFF000  }
0x72: {  	[tilespmem:s18], [sflag:$0x2] =	stream.indirect.gather [hbm4b:s4+s17], $0x20, s5, s17, $0xb8;
	[tilespmem:$0xF800] =	vst v63  }
0x73: {  	_ =	swait.ge [sflag:s7], $0x1000  }
0x74: {  	[sflag:s7] =	ssyncset.done $0x0  }
0x75: {  	s13 =	simm.s32 $0x500;
	[sflag:s7] =	ssyncadd.s32 $0xFFFFF000  }
0x76: {  	[tilespmem:s20], [sflag:$0x3] =	stream.indirect.gather [hbm4b:s4+s17], $0x20, s13, s17, $0xb8;
	[tilespmem:$0xF800] =	vst v63  }
0x77: {  	_ =	swait.ge [sflag:s8], $0x1000  }
0x78: {  	[sflag:s8] =	ssyncset.done $0x0  }
0x79: {  	s5 =	simm.s32 $0x580;
	[sflag:s8] =	ssyncadd.s32 $0xFFFFF000  }
0x7a: {  	[tilespmem:s22], [sflag:$0x4] =	stream.indirect.gather [hbm4b:s4+s17], $0x20, s5, s17, $0xb8;
	[tilespmem:$0xF800] =	vst v63  }
0x7b: {  	_ =	swait.ge [sflag:s9], $0x1000  }
0x7c: {  	[sflag:s9] =	ssyncset.done $0x0  }
0x7d: {  	s13 =	simm.s32 $0x600;
	[sflag:s9] =	ssyncadd.s32 $0xFFFFF000  }
0x7e: {  	[tilespmem:s24], [sflag:$0x5] =	stream.indirect.gather [hbm4b:s4+s17], $0x20, s13, s17, $0xb8;
	[tilespmem:$0xF800] =	vst v63  }
0x7f: {  	_ =	swait.ge [sflag:s10], $0x1000  }
0x80: {  	[sflag:s10] =	ssyncset.done $0x0  }
0x81: {  	s5 =	simm.s32 $0x680;
	[sflag:s10] =	ssyncadd.s32 $0xFFFFF000  }
0x82: {  	[tilespmem:s26], [sflag:$0x6] =	stream.indirect.gather [hbm4b:s4+s17], $0x20, s5, s17, $0xb8;
	[tilespmem:$0xF800] =	vst v63  }
0x83: {  	_ =	swait.ge [sflag:s11], $0x1000  }
0x84: {  	[sflag:s11] =	ssyncset.done $0x0  }
0x85: {  	s13 =	simm.s32 $0x700;
	[sflag:s11] =	ssyncadd.s32 $0xFFFFF000  }
0x86: {  	[tilespmem:s29], [sflag:$0x7] =	stream.indirect.gather [hbm4b:s4+s17], $0x20, s13, s17, $0xb8;
	[tilespmem:$0xF800] =	vst v63  }
0x87: {  	_ =	swait.ge [sflag:s12], $0x1000  }
0x88: {  	[sflag:s12] =	ssyncset.done $0x0  }
0x89: {  	s5 =	simm.s32 $0x780;
	s13 =	simm.s32 $0x1000;
	[sflag:s12] =	ssyncadd.s32 $0xFFFFF000  }
.LBB2_4:
0x8a: {  	[tilespmem:s31], [sflag:$0x8] =	stream.indirect.gather [hbm4b:s4+s17], $0x20, s5, s17, $0xb8;
	[tilespmem:$0xF800] =	vst v63  }
0x8b: {  	s3 =	smov.u32 s13  }
0x8c: {  	p0 =	sne.s32 s13, $0x3000;
	s13 =	sadd.s32 $0x1000, s13;
	_ =	swait.ge [sflag:s1], $0x1000  }
0x8d: {  	s5 =	sshra.s32 s3, $0x2;
	[sflag:s1] =	ssyncset.done $0x0  }
0x8e: {  	s3 =	sadd.s32 $0x1400, s5;
	[sflag:s1] =	ssyncadd.s32 $0xFFFFF000  }
0x8f: {  	[spmem:s2] =	stream.indirect.scatter.add.f32 [tilespmem:s14], [sflag:$0x9], $0x20, s3, s17, $0xb8;
	[tilespmem:$0xF800] =	vst v63  }
0x90: {  	_ =	swait.ge [sflag:s16], $0x1000  }
0x91: {  	[sflag:s16] =	ssyncset.done $0x0  }
0x92: {  	s3 =	sadd.s32 $0x1480, s5;
	[sflag:s16] =	ssyncadd.s32 $0xFFFFF000  }
0x93: {  	[spmem:s2] =	stream.indirect.scatter.add.f32 [tilespmem:s18], [sflag:$0xA], $0x20, s3, s17, $0xb8;
	[tilespmem:$0xF800] =	vst v63  }
0x94: {  	_ =	swait.ge [sflag:s19], $0x1000  }
0x95: {  	[sflag:s19] =	ssyncset.done $0x0  }
0x96: {  	s3 =	sadd.s32 $0x1500, s5;
	[sflag:s19] =	ssyncadd.s32 $0xFFFFF000  }
0x97: {  	[spmem:s2] =	stream.indirect.scatter.add.f32 [tilespmem:s20], [sflag:$0xB], $0x20, s3, s17, $0xb8;
	[tilespmem:$0xF800] =	vst v63  }
0x98: {  	_ =	swait.ge [sflag:s21], $0x1000  }
0x99: {  	[sflag:s21] =	ssyncset.done $0x0  }
0x9a: {  	s3 =	sadd.s32 $0x1580, s5;
	[sflag:s21] =	ssyncadd.s32 $0xFFFFF000  }
0x9b: {  	[spmem:s2] =	stream.indirect.scatter.add.f32 [tilespmem:s22], [sflag:$0xC], $0x20, s3, s17, $0xb8;
	[tilespmem:$0xF800] =	vst v63  }
0x9c: {  	_ =	swait.ge [sflag:s23], $0x1000  }
0x9d: {  	[sflag:s23] =	ssyncset.done $0x0  }
0x9e: {  	s3 =	sadd.s32 $0x1600, s5;
	[sflag:s23] =	ssyncadd.s32 $0xFFFFF000  }
0x9f: {  	[spmem:s2] =	stream.indirect.scatter.add.f32 [tilespmem:s24], [sflag:$0xD], $0x20, s3, s17, $0xb8;
	[tilespmem:$0xF800] =	vst v63  }
0xa0: {  	_ =	swait.ge [sflag:s25], $0x1000  }
0xa1: {  	[sflag:s25] =	ssyncset.done $0x0  }
0xa2: {  	s3 =	sadd.s32 $0x1680, s5;
	[sflag:s25] =	ssyncadd.s32 $0xFFFFF000  }
0xa3: {  	[spmem:s2] =	stream.indirect.scatter.add.f32 [tilespmem:s26], [sflag:$0xE], $0x20, s3, s17, $0xb8;
	[tilespmem:$0xF800] =	vst v63  }
0xa4: {  	_ =	swait.ge [sflag:s28], $0x1000  }
0xa5: {  	[sflag:s28] =	ssyncset.done $0x0  }
0xa6: {  	s3 =	sadd.s32 $0x1700, s5;
	[sflag:s28] =	ssyncadd.s32 $0xFFFFF000  }
0xa7: {  	[spmem:s2] =	stream.indirect.scatter.add.f32 [tilespmem:s29], [sflag:$0xF], $0x20, s3, s17, $0xb8;
	[tilespmem:$0xF800] =	vst v63  }
0xa8: {  	_ =	swait.ge [sflag:s0], $0x1000  }
0xa9: {  	[sflag:s0] =	ssyncset.done $0x0  }
0xaa: {  	s3 =	sadd.s32 $0x1780, s5;
	[sflag:s0] =	ssyncadd.s32 $0xFFFFF000  }
0xab: {  	[spmem:s2] =	stream.indirect.scatter.add.f32 [tilespmem:s31], [sflag:$0x10], $0x20, s3, s17, $0xb8;
	[tilespmem:$0xF800] =	vst v63  }
0xac: {  	_ =	swait.ge [sflag:s30], $0x1000  }
0xad: {  	[sflag:s30] =	ssyncset.done $0x0  }
0xae: {  	s3 =	sadd.s32 $0x400, s5;
	[sflag:s30] =	ssyncadd.s32 $0xFFFFF000  }
0xaf: {  	[tilespmem:s14], [sflag:$0x1] =	stream.indirect.gather [hbm4b:s4+s17], $0x20, s3, s17, $0xb8;
	[tilespmem:$0xF800] =	vst v63  }
0xb0: {  	_ =	swait.ge [sflag:s6], $0x1000  }
0xb1: {  	[sflag:s6] =	ssyncset.done $0x0  }
0xb2: {  	s3 =	sadd.s32 $0x480, s5;
	[sflag:s6] =	ssyncadd.s32 $0xFFFFF000  }
0xb3: {  	[tilespmem:s18], [sflag:$0x2] =	stream.indirect.gather [hbm4b:s4+s17], $0x20, s3, s17, $0xb8;
	[tilespmem:$0xF800] =	vst v63  }
0xb4: {  	_ =	swait.ge [sflag:s7], $0x1000  }
0xb5: {  	[sflag:s7] =	ssyncset.done $0x0  }
0xb6: {  	s3 =	sadd.s32 $0x500, s5;
	[sflag:s7] =	ssyncadd.s32 $0xFFFFF000  }
0xb7: {  	[tilespmem:s20], [sflag:$0x3] =	stream.indirect.gather [hbm4b:s4+s17], $0x20, s3, s17, $0xb8;
	[tilespmem:$0xF800] =	vst v63  }
0xb8: {  	_ =	swait.ge [sflag:s8], $0x1000  }
0xb9: {  	[sflag:s8] =	ssyncset.done $0x0  }
0xba: {  	s3 =	sadd.s32 $0x580, s5;
	[sflag:s8] =	ssyncadd.s32 $0xFFFFF000  }
0xbb: {  	[tilespmem:s22], [sflag:$0x4] =	stream.indirect.gather [hbm4b:s4+s17], $0x20, s3, s17, $0xb8;
	[tilespmem:$0xF800] =	vst v63  }
0xbc: {  	_ =	swait.ge [sflag:s9], $0x1000  }
0xbd: {  	[sflag:s9] =	ssyncset.done $0x0  }
0xbe: {  	s3 =	sadd.s32 $0x600, s5;
	[sflag:s9] =	ssyncadd.s32 $0xFFFFF000  }
0xbf: {  	[tilespmem:s24], [sflag:$0x5] =	stream.indirect.gather [hbm4b:s4+s17], $0x20, s3, s17, $0xb8;
	[tilespmem:$0xF800] =	vst v63  }
0xc0: {  	_ =	swait.ge [sflag:s10], $0x1000  }
0xc1: {  	[sflag:s10] =	ssyncset.done $0x0  }
0xc2: {  	s3 =	sadd.s32 $0x680, s5;
	[sflag:s10] =	ssyncadd.s32 $0xFFFFF000  }
0xc3: {  	[tilespmem:s26], [sflag:$0x6] =	stream.indirect.gather [hbm4b:s4+s17], $0x20, s3, s17, $0xb8;
	[tilespmem:$0xF800] =	vst v63  }
0xc4: {  	_ =	swait.ge [sflag:s11], $0x1000  }
0xc5: {  	[sflag:s11] =	ssyncset.done $0x0  }
.Ltmp1:
0xc6: {  	s3 =	sadd.s32 $0x700, s5;
	[sflag:s11] =	ssyncadd.s32 $0xFFFFF000;
	(pc) =	sbr.rel @p0 .LBB2_4-.Ltmp1, $4  }
0xc7: {  	[tilespmem:s29], [sflag:$0x7] =	stream.indirect.gather [hbm4b:s4+s17], $0x20, s3, s17, $0xb8;
	[tilespmem:$0xF800] =	vst v63  }
0xc8: {  	_ =	swait.ge [sflag:s12], $0x1000  }
0xc9: {  	[sflag:s12] =	ssyncset.done $0x0  }
0xca: {  	s5 =	sadd.s32 $0x780, s5;
	[sflag:s12] =	ssyncadd.s32 $0xFFFFF000  }
0xcb: {  	[tilespmem:s31], [sflag:$0x8] =	stream.indirect.gather [hbm4b:s4+s17], $0x20, s5, s17, $0xb8;
	[tilespmem:$0xF800] =	vst v63  }
0xcc: {  	_ =	swait.ge [sflag:s1], $0x1000  }
0xcd: {  	[sflag:s1] =	ssyncset.done $0x0  }
0xce: {  	s3 =	simm.s32 $0x2400;
	[sflag:s1] =	ssyncadd.s32 $0xFFFFF000  }
0xcf: {  	[spmem:s2] =	stream.indirect.scatter.add.f32 [tilespmem:s14], [sflag:$0x9], $0x20, s3, s17, $0xb8;
	[tilespmem:$0xF800] =	vst v63  }
0xd0: {  	_ =	swait.ge [sflag:s16], $0x1000  }
0xd1: {  	[sflag:s16] =	ssyncset.done $0x0  }
0xd2: {  	s13 =	simm.s32 $0x2480;
	[sflag:s16] =	ssyncadd.s32 $0xFFFFF000  }
0xd3: {  	[spmem:s2] =	stream.indirect.scatter.add.f32 [tilespmem:s18], [sflag:$0xA], $0x20, s13, s17, $0xb8;
	[tilespmem:$0xF800] =	vst v63  }
0xd4: {  	_ =	swait.ge [sflag:s19], $0x1000  }
0xd5: {  	[sflag:s19] =	ssyncset.done $0x0  }
0xd6: {  	s5 =	simm.s32 $0x2500;
	[sflag:s19] =	ssyncadd.s32 $0xFFFFF000  }
0xd7: {  	[spmem:s2] =	stream.indirect.scatter.add.f32 [tilespmem:s20], [sflag:$0xB], $0x20, s5, s17, $0xb8;
	[tilespmem:$0xF800] =	vst v63  }
0xd8: {  	_ =	swait.ge [sflag:s21], $0x1000  }
0xd9: {  	[sflag:s21] =	ssyncset.done $0x0  }
0xda: {  	s13 =	simm.s32 $0x2580;
	[sflag:s21] =	ssyncadd.s32 $0xFFFFF000  }
0xdb: {  	[spmem:s2] =	stream.indirect.scatter.add.f32 [tilespmem:s22], [sflag:$0xC], $0x20, s13, s17, $0xb8;
	[tilespmem:$0xF800] =	vst v63  }
0xdc: {  	_ =	swait.ge [sflag:s23], $0x1000  }
0xdd: {  	[sflag:s23] =	ssyncset.done $0x0  }
0xde: {  	s5 =	simm.s32 $0x2600;
	[sflag:s23] =	ssyncadd.s32 $0xFFFFF000  }
0xdf: {  	[spmem:s2] =	stream.indirect.scatter.add.f32 [tilespmem:s24], [sflag:$0xD], $0x20, s5, s17, $0xb8;
	[tilespmem:$0xF800] =	vst v63  }
0xe0: {  	_ =	swait.ge [sflag:s25], $0x1000  }
0xe1: {  	[sflag:s25] =	ssyncset.done $0x0  }
0xe2: {  	s13 =	simm.s32 $0x2680;
	[sflag:s25] =	ssyncadd.s32 $0xFFFFF000  }
0xe3: {  	[spmem:s2] =	stream.indirect.scatter.add.f32 [tilespmem:s26], [sflag:$0xE], $0x20, s13, s17, $0xb8;
	[tilespmem:$0xF800] =	vst v63  }
0xe4: {  	_ =	swait.ge [sflag:s28], $0x1000  }
0xe5: {  	[sflag:s28] =	ssyncset.done $0x0  }
0xe6: {  	s5 =	simm.s32 $0x2700;
	[sflag:s28] =	ssyncadd.s32 $0xFFFFF000  }
0xe7: {  	[spmem:s2] =	stream.indirect.scatter.add.f32 [tilespmem:s29], [sflag:$0xF], $0x20, s5, s17, $0xb8;
	[tilespmem:$0xF800] =	vst v63  }
0xe8: {  	_ =	swait.ge [sflag:s0], $0x1000  }
0xe9: {  	[sflag:s0] =	ssyncset.done $0x0  }
0xea: {  	s13 =	simm.s32 $0x2780;
	[sflag:s0] =	ssyncadd.s32 $0xFFFFF000  }
0xeb: {  	[spmem:s2] =	stream.indirect.scatter.add.f32 [tilespmem:s31], [sflag:$0x10], $0x20, s13, s17, $0xb8;
	[tilespmem:$0xF800] =	vst v63  }
0xec: {  	_ =	swait.ge [sflag:s30], $0x1000  }
0xed: {  	[sflag:s30] =	ssyncset.done $0x0  }
0xee: {  	[sflag:s30] =	ssyncadd.s32 $0xFFFFF000  }
0xef: {  	_ =	swait.ge [sflag:s6], $0x1000  }
0xf0: {  	[sflag:s6] =	ssyncset.done $0x0  }
0xf1: {  	[sflag:s6] =	ssyncadd.s32 $0xFFFFF000  }
0xf2: {  	_ =	swait.ge [sflag:s7], $0x1000  }
0xf3: {  	[sflag:s7] =	ssyncset.done $0x0  }
0xf4: {  	[sflag:s7] =	ssyncadd.s32 $0xFFFFF000  }
0xf5: {  	_ =	swait.ge [sflag:s8], $0x1000  }
0xf6: {  	[sflag:s8] =	ssyncset.done $0x0  }
0xf7: {  	[sflag:s8] =	ssyncadd.s32 $0xFFFFF000  }
0xf8: {  	_ =	swait.ge [sflag:s9], $0x1000  }
0xf9: {  	[sflag:s9] =	ssyncset.done $0x0  }
0xfa: {  	[sflag:s9] =	ssyncadd.s32 $0xFFFFF000  }
0xfb: {  	_ =	swait.ge [sflag:s10], $0x1000  }
0xfc: {  	[sflag:s10] =	ssyncset.done $0x0  }
0xfd: {  	[sflag:s10] =	ssyncadd.s32 $0xFFFFF000  }
0xfe: {  	_ =	swait.ge [sflag:s11], $0x1000  }
0xff: {  	[sflag:s11] =	ssyncset.done $0x0  }
0x100: {  	[sflag:s11] =	ssyncadd.s32 $0xFFFFF000  }
0x101: {  	_ =	swait.ge [sflag:s12], $0x1000  }
0x102: {  	[sflag:s12] =	ssyncset.done $0x0  }
0x103: {  	[sflag:s12] =	ssyncadd.s32 $0xFFFFF000  }
0x104: {  	s5 =	stileid.u32;
	[bflag:$0x0] =	sbarrier.arrive $0xFFFF  }
0x105: {  	s3 =	sshll.u32 s5, $0x6;
	s13 =	rddreg [dreg:$0x4]  }
0x106: {  	s3 =	sor.u32 $0x1C11, s3;
	s5 =	sshrl.u32 s13, $0x3;
	s13 =	rddreg [dreg:$0xb]  }
0x107: {  	[hbm:s13], [sflag:s3] =	dma.local [spmem:s5], $0xA00  }
0x108: {  	_ =	swait.ge [sflag:s15], $0xA00  }
0x109: {  	s3 =	rddreg [dreg:$0x3]  }
0x10a: {  	s5 =	rddreg [dreg:$0xc];
	s13 =	sadd.s32 $0x1, s3  }
0x10b: {  	p0 =	sne.s32 s13, s5  }
.Ltmp2:
0x10c: {  	_ = 	snop;
	(pc) =	sbr.rel @p0 .LBB2_1-.Ltmp2, $3  }
0x10d: {  	_ =	sdelay $0x1  }
0x10e: {  	[sflag:s15] =	ssyncset.done $0x0  }
0x10f: {  	[sflag:s15] =	ssyncadd.s32 $0xFFFFF600  }
0x110: {  	_ =	sfence.sel $0x180000  }
0x111: {  	[bflag:$0x0] =	sbarrier.arrive $0xFFFF  }
0x112: {  	_ =	strace $0x9000004A  }
0x113: {  	s0 =	stileid.u32;
	[bflag:$0x2] =	sbarrier.arrive $0xFFFF  }
0x114: {  	p0 =	sne.s32 s0, $0x0;
	s0 =	rddreg [dreg:$0x2]  }
0x115: {  	s0 =	sadd.s32 @!p0 $0x100000, s0  }
0x116: {  	[sflag:s0] =	ssyncadd.tile.s32 @!p0 $0x1;
	_ =	shalt  }
.Lfunc_end2:
_tile_overlayer_lowered:
.L_overlay_start_2:
0x117: {  	(tag) =	ssettag $0x2  }
0x118: {  	s0 =	rddreg [dreg:$0x0];
	s2 =	stileid.u32  }
0x119: {  	s1 =	rddreg [dreg:$0x1];
	p0 =	sne.s32 s2, $0x0  }
0x11a: {  	s3 =	rddreg [dreg:$0x2];
	[bflag:$0x3] =	sbarrier.arrive $0xFFFF;
	s2 =	simm.s32 @!p0 $0x1C11  }
0x11b: {  	[timem:s3], [sflag:s2] =	dma.local @!p0 [hbm:s0], s1  }
0x11c: {  	s0 =	simm.s32 @!p0 $0x11  }
0x11d: {  	_ =	swait.ge @!p0 [sflag:s0], s1  }
0x11e: {  	s1 =	ssub.s32 @!p0 $0x0, s1;
	[sflag:s0] =	ssyncset.done @!p0 $0x0  }
0x11f: {  	[sflag:s0] =	ssyncadd.s32 @!p0 s1  }
0x120: {  	[bflag:$0x3] =	sbarrier.arrive $0xFFFF  }
0x121: {  	_ =	shalt  }

// kernel: kernel.15.cloned.1.call-start
scs
__scs_entry_jumppad:
0x0: {  	(pc) =	sbr.rel $0x88, $3  }
0x1: {  	(tag) =	ssettag $0x0;
	lr =	simm.s32 $0x1  }
0x2: {  	[smem:$0x3F92] =	sst lr;
	_ =	strace $0xD0000000  }
0x3: {  	_ = 	snop  }
0x4: {  	_ = 	snop  }
0x5: {  	_ = 	snop  }
0x6: {  	_ = 	snop  }
0x7: {  	_ = 	snop  }
__scs_overlays_trampoline_lowered:
0x8: {  	[smem:$0x3FA1] =	sst s0  }
0x9: {  	[smem:$0x3FA2] =	sst s1  }
0xa: {  	[smem:$0x3FA3] =	sst s2  }
0xb: {  	[smem:$0x3FA4] =	sst s3  }
0xc: {  	[smem:$0x3FA5] =	sst s4  }
0xd: {  	[smem:$0x3FA6] =	sst s5  }
0xe: {  	[smem:$0x3FA7] =	sst s6  }
0xf: {  	[smem:$0x3FA8] =	sst s7  }
0x10: {  	[smem:$0x3FA9] =	sst s8  }
0x11: {  	[smem:$0x3FAA] =	sst s9;
	s0 =	simm.s32 @!p0 $0x0  }
0x12: {  	s1 =	sld [smem:$0x3F90];
	s0 =	simm.s32 @p0 $0x1  }
0x13: {  	[smem:$0x3FAB] =	sst s0;
	s0 =	simm.s32 @!p1 $0x0  }
0x14: {  	s2 =	sld [smem:$0x3F8F];
	s0 =	simm.s32 @p1 $0x1  }
0x15: {  	[smem:$0x3FAC] =	sst s0;
	s0 =	simm.s32 @!p2 $0x0  }
0x16: {  	s3 =	sld [smem:$0x3FDB];
	s0 =	simm.s32 @p2 $0x1  }
0x17: {  	s4 =	simm.s32 $0x1BF5;
	[smem:$0x3FAE] =	sst s0  }
0x18: {  	s0 =	sld [smem:$0x3F91];
	_ =	swait.ge [sflag:s4], $0x0  }
0x19: {  	s7 =	sld [smem:$0x3F92]  }
0x1a: {  	s8 =	sadd.s32 $0xFFFFE003, lr  }
0x1b: {  	s9 =	sadd.s32 $0xFFFFFEF7, lr;
	s5 =	simm.s32 $0xFFFFFFFF;
	p2 =	slt.u32 s8, $0xFFFFF086  }
0x1c: {  	p1 =	slt.u32 s9, $0xF7A;
	s5 =	simm.s32 @!p2 $0x0  }
0x1d: {  	s5 =	simm.s32 @p1 $0x1;
	p0 =	seq.s32 s7, s2  }
0x1e: {  	s7 =	smul.u32 @!p0 $0xF7A, s2;
	p2 =	seq.s32 @!p0 s5, $0x0  }
0x1f: {  	s9 =	smul.u32 $0xF7A, s1;
	s8 =	simm.s32 @!p0 $0x1BF5;
	p2 =	por !p2, p0  }
0x20: {  	[sflag:s8] =	ssyncset.s32 @!p0 $0xFFFFF086;
	s6 =	sadd.s32 @!p0 s3, s7;
	s7 =	simm.s32 @!p0 $0x108  }
0x21: {  	s3 =	sadd.s32 s3, s9;
	s6 =	sadd.s32 @!p0 $0x88, s6;
	s7 =	simm.s32 @p2 $0x1082  }
0x22: {  	[simem:s7], [sflag:s8] =	dma.local @!p0 [hbm:s6], $0xF7A  }
0x23: {  	s9 =	sor.u32 $0xD0000000, s2;
	s6 =	simm.s32 $0x108;
	_ =	swait.ge @!p0 [sflag:s8], $0x0  }
0x24: {  	s3 =	sadd.s32 $0x88, s3;
	s6 =	simm.s32 @!p1 $0x1082;
	[sflag:s4] =	ssyncset.s32 $0xFFFFF086  }
0x25: {  	[simem:s6], [sflag:s4] =	dma.local [hbm:s3], $0xF7A  }
0x26: {  	[smem:$0x3F92] =	sst s1;
	(tag) =	ssettag s2;
	_ =	strace s9  }
0x27: {  	s1 =	sld [smem:$0x3FA2]  }
0x28: {  	s2 =	sld [smem:$0x3FA3]  }
0x29: {  	s4 =	sld [smem:$0x3FA5]  }
0x2a: {  	p0 =	seq.s32 s5, $0x0;
	s5 =	sld [smem:$0x3FA6]  }
0x2b: {  	s6 =	sld [smem:$0x3FA7]  }
0x2c: {  	s7 =	sld [smem:$0x3FA8]  }
0x2d: {  	s3 =	simm.s32 $0x108;
	s8 =	sld [smem:$0x3FA9]  }
0x2e: {  	s3 =	simm.s32 @!p0 $0x1082;
	s9 =	sld [smem:$0x3FAA]  }
0x2f: {  	lr =	sadd.s32 s0, s3;
	s0 =	sld [smem:$0x3FA1]  }
0x30: {  	s3 =	sld [smem:$0x3FA4]  }
0x31: {  	[smem:$0x3FAD] =	sst s10  }
0x32: {  	s10 =	sld [smem:$0x3FAB];
	_ =	sdelay $0x3  }
0x33: {  	p0 =	seq.s32 s10, $0x1;
	s10 =	sld [smem:$0x3FAD];
	_ =	sdelay $0x3  }
0x34: {  	[smem:$0x3FAD] =	sst s10  }
0x35: {  	s10 =	sld [smem:$0x3FAC];
	_ =	sdelay $0x3  }
0x36: {  	p1 =	seq.s32 s10, $0x1;
	s10 =	sld [smem:$0x3FAD];
	_ =	sdelay $0x3  }
0x37: {  	[smem:$0x3FAD] =	sst s10  }
0x38: {  	s10 =	sld [smem:$0x3FAE]  }
0x39: {  	_ = 	snop;
	(pc) =	sbr.ind lr, $3  }
0x3a: {  	_ = 	snop  }
0x3b: {  	_ = 	snop  }
0x3c: {  	p2 =	seq.s32 s10, $0x1;
	s10 =	sld [smem:$0x3FAD]  }
0x3d: {  	_ =	shalt  }
0x3e: {  	_ =	shalt  }
0x3f: {  	_ =	shalt  }
0x40: {  	_ =	shalt  }
0x41: {  	_ =	shalt  }
0x42: {  	_ =	shalt  }
0x43: {  	_ =	shalt  }
0x44: {  	_ =	shalt  }
0x45: {  	_ =	shalt  }
0x46: {  	_ =	shalt  }
0x47: {  	_ =	shalt  }
0x48: {  	_ =	shalt  }
0x49: {  	_ =	shalt  }
0x4a: {  	_ =	shalt  }
0x4b: {  	_ =	shalt  }
0x4c: {  	_ =	shalt  }
0x4d: {  	_ =	shalt  }
0x4e: {  	_ =	shalt  }
0x4f: {  	_ =	shalt  }
0x50: {  	_ =	shalt  }
0x51: {  	_ =	shalt  }
0x52: {  	_ =	shalt  }
0x53: {  	_ =	shalt  }
0x54: {  	_ =	shalt  }
0x55: {  	_ =	shalt  }
0x56: {  	_ =	shalt  }
0x57: {  	_ =	shalt  }
0x58: {  	_ =	shalt  }
0x59: {  	_ =	shalt  }
0x5a: {  	_ =	shalt  }
0x5b: {  	_ =	shalt  }
0x5c: {  	_ =	shalt  }
0x5d: {  	_ =	shalt  }
0x5e: {  	_ =	shalt  }
0x5f: {  	_ =	shalt  }
0x60: {  	_ =	shalt  }
0x61: {  	_ =	shalt  }
0x62: {  	_ =	shalt  }
0x63: {  	_ =	shalt  }
0x64: {  	_ =	shalt  }
0x65: {  	_ =	shalt  }
0x66: {  	_ =	shalt  }
0x67: {  	_ =	shalt  }
0x68: {  	_ =	shalt  }
0x69: {  	_ =	shalt  }
0x6a: {  	_ =	shalt  }
0x6b: {  	_ =	shalt  }
0x6c: {  	_ =	shalt  }
0x6d: {  	_ =	shalt  }
0x6e: {  	_ =	shalt  }
0x6f: {  	_ =	shalt  }
0x70: {  	_ =	shalt  }
0x71: {  	_ =	shalt  }
0x72: {  	_ =	shalt  }
0x73: {  	_ =	shalt  }
0x74: {  	_ =	shalt  }
0x75: {  	_ =	shalt  }
0x76: {  	_ =	shalt  }
0x77: {  	_ =	shalt  }
0x78: {  	_ =	shalt  }
0x79: {  	_ =	shalt  }
0x7a: {  	_ =	shalt  }
0x7b: {  	_ =	shalt  }
0x7c: {  	_ =	shalt  }
0x7d: {  	_ =	shalt  }
0x7e: {  	_ =	shalt  }
0x7f: {  	_ =	shalt  }
0x80: {  	_ =	shalt  }
0x81: {  	_ =	shalt  }
0x82: {  	_ =	shalt  }
0x83: {  	_ =	shalt  }
0x84: {  	_ =	shalt  }
0x85: {  	_ =	shalt  }
0x86: {  	_ =	shalt  }
0x87: {  	_ =	shalt  }
.Lfunc_end0:
.L_simem_size_0:
called_computation.2_lowered:
.L_overlay_start_0:
0x88: {  	s2 =	sld [smem:$0x3FD9]  }
0x89: {  	s3 =	sld [smem:$0x3FFE];
	_ =	sdelay $0x1  }
0x8a: {  	s1 =	srdreg.scid  }
0x8b: {  	s0 =	sand.u32 $0x1, s1  }
0x8c: {  	s16 =	sshll.u32 s0, $0xA;
	s2 =	sadd.s32 s3, s2  }
0x8d: {  	s2 =	sadd.s32 s2, s16  }
0x8e: {  	[smem:$0x3FB9] =	sst s2  }
0x8f: {  	_ = 	snop  }
0x90: {  	(tm) =	ssettm $0x1  }
0x91: {  	s17 =	sld [smem:$0x3FFB];
	_ =	sdelay $0x3  }
0x92: {  	_ =	strace s17  }
0x93: {  	s2 =	sld [smem:$0x3FFC];
	_ =	sdelay $0x3  }
0x94: {  	_ =	strace s2  }
0x95: {  	s2 =	sld [smem:$0x3FFD];
	_ =	sdelay $0x3  }
0x96: {  	_ =	strace s2  }
0x97: {  	_ =	strace $0x8FFFFFFF  }
0x98: {  	s18 =	sld [smem:$0x3FDB];
	_ =	sdelay $0x1  }
0x99: {  	s19 =	simm.s32 $_scs_section_size  }
0x9a: {  	s4 =	simm.s32 $_size__tile_overlayer_lowered;
	s5 =	simm.s32 $_tile_overlayer_lowered  }
0x9b: {  	s22 =	simm.s32 $0x1BFF;
	s21 =	sshll.u32 s5, $0x1;
	s2 =	sadd.s32 s19, s18  }
0x9c: {  	s6 =	simm.s32 $0x0;
	s20 =	sshll.u32 s4, $0x1;
	s4 =	sadd.s32 s21, s2  }
0x9d: {  	[timem:s6], [sflag:s22] =	dma.local [hbm:s4], s20  }
0x9e: {  	_ =	swait.ge [sflag:s22], s20  }
0x9f: {  	s3 =	ssub.s32 $0x0, s20;
	[sflag:s22] =	ssyncset.done $0x0  }
0xa0: {  	[sflag:s22] =	ssyncadd.s32 s3;
	_ =	sdelay $0x1  }
0xa1: {  	s23 =	simm.s32 $0x1B8B  }
0xa2: {  	_ =	swait.ge [sflag:s23], $0x1  }
0xa3: {  	[sflag:s23] =	ssyncset.done $0x0  }
0xa4: {  	s25 =	simm.s32 $0x1B8E;
	s24 =	sld [smem:$0x3FFE];
	[sflag:s23] =	ssyncadd.s32 $0xFFFFFFFF  }
0xa5: {  	s26 =	simm.s32 $execute0_lowered;
	[smem:$0x3FD2] =	sst s25  }
0xa6: {  	s4 =	sshll.u32 s26, $0x1;
	_ =	strace $0x8000004C;
	[dreg:$0x1] =	wrdreg $0xFFFFFFFF  }
0xa7: {  	s28 =	simm.s32 $_size_execute0_lowered;
	s2 =	sadd.s32 s2, s4;
	[dreg:$0x0] =	wrdreg $0x0  }
0xa8: {  	s4 =	sshll.u32 s28, $0x1;
	[dreg:$0x2] =	wrdreg s2  }
0xa9: {  	[dreg:$0x3] =	wrdreg s4  }
0xaa: {  	[dreg:$0x4] =	wrdreg $0xC0  }
0xab: {  	_ =	task [dreg:s6], $0x5FFFF  }
0xac: {  	[dreg:$0x1] =	wrdreg $0xFFFFFFFF  }
0xad: {  	[dreg:$0x0] =	wrdreg $0x60  }
0xae: {  	[dreg:$0x2] =	wrdreg s24  }
0xaf: {  	[dreg:$0x3] =	wrdreg $0xA8000  }
0xb0: {  	[dreg:$0x4] =	wrdreg $0x9  }
0xb1: {  	_ =	task.clear_ibuf [dreg:s6], $0x5FFFF;
	_ =	strace $0x9000004C  }
0xb2: {  	s29 =	simm.s32 $0x9;
	_ =	strace $0x8000004E  }
0xb3: {  	_ =	swait.ge [sflag:s29], $0x1  }
0xb4: {  	[sflag:s29] =	ssyncadd.s32 $0xFFFFFFFF  }
0xb5: {  	_ =	strace $0x9000004E  }
0xb6: {  	_ =	sfence  }
0xb7: {  	s30 =	sld [smem:$0x0];
	_ =	sdelay $0x2  }
0xb8: {  	s31 =	sshll.u32 s1, $0xD;
	s1 =	sshrl.u32 s1, $0x2  }
0xb9: {  	s3 =	sand.u32 $0x4000, s31;
	s1 =	sadd.s32 s1, s30  }
0xba: {  	s0 =	sor.u32 s3, s0;
	s1 =	sshll.u32 s1, $0x11  }
0xbb: {  	s0 =	sor.u32 s1, s0  }
0xbc: {  	s0 =	sadd.s32 $0x8F2B, s0  }
0xbd: {  	[sflag:s0] =	ssyncadd.remote.s32 $0x1  }
0xbe: {  	_ =	sfence.sel $0xFFFF  }
0xbf: {  	[dreg:$0x0] =	wrdreg $0xFFFFFFFF;
	(pc) =	sbr.abs _section_cstart, $3  }
0xc0: {  	[dreg:$0x1] =	wrdreg $0xFFFFFFFF  }
0xc1: {  	_ =	task.clear_ibuf [dreg:s6], $0x2FFFF;
	_ =	strace $0x9FFFFFFF  }
0xc2: {  	(tm) =	ssettm $0x7FFFFFFF  }
0xc3: {  	_ =	shalt  }
tec
execute0_lowered:
.L_overlay_start_1:
0x0: {  	(tag) =	ssettag $0x1  }
0x1: {  	s0 =	srdreg.scid;
	s5 =	rddreg [dreg:$0x0]  }
0x2: {  	s3 =	stileid.u32;
	s2 =	rddreg [dreg:$0x1];
	s13 =	simm.s32 $0x0  }
0x3: {  	s14 =	simm.s32 $0x2800;
	s15 =	simm.s32 $0x11;
	s17 =	simm.s32 $0x80  }
0x4: {  	s18 =	simm.s32 $0x3800;
	s29 =	simm.s32 $0x8800;
	s31 =	simm.s32 $0x9800  }
0x5: {  	s16 =	simm.s32 $0x2;
	s28 =	simm.s32 $0x7;
	s30 =	simm.s32 $0x9  }
0x6: {  	s9 =	simm.s32 $0xD;
	s10 =	simm.s32 $0xE;
	s11 =	simm.s32 $0xF  }
0x7: {  	s12 =	simm.s32 $0x10;
	s0 =	sand.u32 $0x1, s0;
	s6 =	smul.u32 $0x5000, s3  }
0x8: {  	s1 =	sshll.u32 s3, $0x1;
	[smem:$0x7FF] =	sst s13;
	s8 =	smul.u32 $0x14000, s3  }
0x9: {  	s4 =	sadd.s32 $0xD000, s5;
	s1 =	sor.u32 s0, s1;
	s7 =	smul.u32 $0x50000, s0  }
0xa: {  	_ =	strace $0x8000004D;
	s0 =	ssub.s32 $0x2, s0;
	s1 =	smul.u32 $0x280, s1  }
0xb: {  	s8 =	sshrl.u32 s8, $0x2;
	s19 =	sshrl.u32 s0, $0x1;
	s20 =	sadd.s32 s6, s2  }
0xc: {  	s7 =	sadd.s32 s6, s7;
	s8 =	sadd.s32 s8, s2;
	s0 =	ssub.s32 s0, s19  }
0xd: {  	[dreg:$0x4] =	wrdreg s20;
	s20 =	simm.s32 $0x4800;
	s19 =	simm.s32 $0x3  }
0xe: {  	s6 =	simm.s32 $0xA;
	s1 =	sadd.s32 s1, s5;
	s21 =	sadd.s32 $0x1000, s8  }
0xf: {  	s7 =	sshrl.u32 s7, $0x3;
	s22 =	sadd.s32 $0x2000, s8;
	[dreg:$0x5] =	wrdreg s21  }
0x10: {  	s23 =	sadd.s32 $0x3000, s8;
	s24 =	sadd.s32 $0x4000, s8;
	[dreg:$0x6] =	wrdreg s22  }
0x11: {  	s0 =	smax.u32 s0, $0x1;
	s8 =	simm.s32 $0xC;
	[dreg:$0x7] =	wrdreg s23  }
0x12: {  	s5 =	sadd.s32 s7, s5;
	[dreg:$0x8] =	wrdreg s24;
	s25 =	sadd.s32 $0x3000, s1  }
0x13: {  	s1 =	sadd.s32 $0x8000, s1;
	[dreg:$0xc] =	wrdreg s0;
	s22 =	simm.s32 $0x5800  }
0x14: {  	s24 =	simm.s32 $0x6800;
	s21 =	simm.s32 $0x4;
	s23 =	simm.s32 $0x5  }
0x15: {  	s0 =	simm.s32 $0x8;
	s7 =	simm.s32 $0xB;
	[dreg:$0x9] =	wrdreg s25  }
0x16: {  	[dreg:$0xa] =	wrdreg s1;
	s26 =	sadd.s32 $0x17000, s5;
	s1 =	simm.s32 $0x1  }
0x17: {  	v0 =	vimm.f32 $0.0e+00;
	s25 =	simm.s32 $0x6;
	[dreg:$0xb] =	wrdreg s26;
	s26 =	simm.s32 $0x7800  }
.LBB2_1:
0x18: {  	[dreg:$0x3] =	wrdreg s13;
	s5 =	simm.s32 $0x80;
	s13 =	simm.s32 $0x0  }
.LBB2_2:
0x19: {  	p0 =	sne.s32 s5, $0x3F80;
	[tilespmem:s13+$0x2800] =	vst v0;
	s3 =	smov.u32 s5;
	s5 =	sadd.s32 $0x80, s5  }
.Ltmp0:
0x1a: {  	[tilespmem:s13+$0x2810] =	vst v0;
	(pc) =	sbr.rel @p0 .LBB2_2-.Ltmp0, $2  }
0x1b: {  	_ =	sdelay $0x2  }
0x1c: {  	s13 =	sshra.s32 s3, $0x2  }
0x1d: {  	[tilespmem:s13+$0x2800] =	vst v0  }
0x1e: {  	[tilespmem:s13+$0x2810] =	vst v0;
	s3 =	rddreg [dreg:$0x4]  }
0x1f: {  	[spmem:s3] =	stream.linear.scatter [tilespmem:s14], [sflag:$0x11], $0x1000, $0x38;
	[tilespmem:$0xF800] =	vst v63  }
0x20: {  	_ =	swait.ge [sflag:s15], $0x1000  }
0x21: {  	[sflag:s15] =	ssyncset.done $0x0  }
0x22: {  	s13 =	rddreg [dreg:$0x5];
	[sflag:s15] =	ssyncadd.s32 $0xFFFFF000  }
0x23: {  	[spmem:s13] =	stream.linear.scatter [tilespmem:s14], [sflag:$0x11], $0x1000, $0x38;
	[tilespmem:$0xF800] =	vst v63  }
0x24: {  	_ =	swait.ge [sflag:s15], $0x1000  }
0x25: {  	[sflag:s15] =	ssyncset.done $0x0  }
0x26: {  	s5 =	rddreg [dreg:$0x6];
	[sflag:s15] =	ssyncadd.s32 $0xFFFFF000  }
0x27: {  	[spmem:s5] =	stream.linear.scatter [tilespmem:s14], [sflag:$0x11], $0x1000, $0x38;
	[tilespmem:$0xF800] =	vst v63  }
0x28: {  	_ =	swait.ge [sflag:s15], $0x1000  }
0x29: {  	[sflag:s15] =	ssyncset.done $0x0  }
0x2a: {  	s13 =	rddreg [dreg:$0x7];
	[sflag:s15] =	ssyncadd.s32 $0xFFFFF000  }
0x2b: {  	[spmem:s13] =	stream.linear.scatter [tilespmem:s14], [sflag:$0x11], $0x1000, $0x38;
	[tilespmem:$0xF800] =	vst v63  }
0x2c: {  	_ =	swait.ge [sflag:s15], $0x1000  }
0x2d: {  	[sflag:s15] =	ssyncset.done $0x0  }
0x2e: {  	s5 =	rddreg [dreg:$0x8];
	[sflag:s15] =	ssyncadd.s32 $0xFFFFF000  }
0x2f: {  	[spmem:s5] =	stream.linear.scatter [tilespmem:s14], [sflag:$0x11], $0x1000, $0x38;
	[tilespmem:$0xF800] =	vst v63  }
0x30: {  	_ =	swait.ge [sflag:s15], $0x1000  }
0x31: {  	[sflag:s15] =	ssyncset.done $0x0  }
0x32: {  	s3 =	simm.s32 $0x0;
	s5 =	rddreg [dreg:$0x9];
	[sflag:s15] =	ssyncadd.s32 $0xFFFFF000  }
0x33: {  	[tilespmem:s3], [sflag:$0x11] =	stream.linear.gather [hbm4b:s5+s3], $0x1400, $0x38;
	[tilespmem:$0xF800] =	vst v63  }
0x34: {  	_ =	swait.ge [sflag:s15], $0x1400  }
0x35: {  	[sflag:s15] =	ssyncset.done $0x0  }
0x36: {  	s13 =	simm.s32 $0x1400;
	s5 =	rddreg [dreg:$0xa];
	[sflag:s15] =	ssyncadd.s32 $0xFFFFEC00  }
0x37: {  	[tilespmem:s13], [sflag:$0x11] =	stream.linear.gather [hbm4b:s5+s3], $0x1400, $0x38;
	[tilespmem:$0xF800] =	vst v63  }
0x38: {  	_ =	swait.ge [sflag:s15], $0x1400  }
0x39: {  	[sflag:s15] =	ssyncset.done $0x0  }
0x3a: {  	[sflag:s15] =	ssyncadd.s32 $0xFFFFEC00  }
0x3b: {  	[bflag:$0x0] =	sbarrier.arrive $0xFFFF  }
0x3c: {  	[tilespmem:s14], [sflag:$0x1] =	stream.indirect.gather [hbm4b:s4+s17], $0x20, s3, s17, $0xb8;
	[tilespmem:$0xF800] =	vst v63  }
0x3d: {  	_ = 	snop  }
0x3e: {  	[tilespmem:s18], [sflag:$0x2] =	stream.indirect.gather [hbm4b:s4+s17], $0x20, s17, s17, $0xb8;
	[tilespmem:$0xF800] =	vst v63  }
0x3f: {  	s13 =	simm.s32 $0x100  }
0x40: {  	[tilespmem:s20], [sflag:$0x3] =	stream.indirect.gather [hbm4b:s4+s17], $0x20, s13, s17, $0xb8;
	[tilespmem:$0xF800] =	vst v63  }
0x41: {  	s5 =	simm.s32 $0x180  }
0x42: {  	[tilespmem:s22], [sflag:$0x4] =	stream.indirect.gather [hbm4b:s4+s17], $0x20, s5, s17, $0xb8;
	[tilespmem:$0xF800] =	vst v63  }
0x43: {  	s13 =	simm.s32 $0x200  }
0x44: {  	[tilespmem:s24], [sflag:$0x5] =	stream.indirect.gather [hbm4b:s4+s17], $0x20, s13, s17, $0xb8;
	[tilespmem:$0xF800] =	vst v63  }
0x45: {  	s5 =	simm.s32 $0x280  }
0x46: {  	[tilespmem:s26], [sflag:$0x6] =	stream.indirect.gather [hbm4b:s4+s17], $0x20, s5, s17, $0xb8;
	[tilespmem:$0xF800] =	vst v63  }
0x47: {  	s13 =	simm.s32 $0x300  }
0x48: {  	[tilespmem:s29], [sflag:$0x7] =	stream.indirect.gather [hbm4b:s4+s17], $0x20, s13, s17, $0xb8;
	[tilespmem:$0xF800] =	vst v63  }
0x49: {  	s5 =	simm.s32 $0x380  }
0x4a: {  	[tilespmem:s31], [sflag:$0x8] =	stream.indirect.gather [hbm4b:s4+s17], $0x20, s5, s17, $0xb8;
	[tilespmem:$0xF800] =	vst v63  }
0x4b: {  	_ =	swait.ge [sflag:s1], $0x1000  }
0x4c: {  	[sflag:s1] =	ssyncset.done $0x0  }
0x4d: {  	s13 =	simm.s32 $0x1400;
	[sflag:s1] =	ssyncadd.s32 $0xFFFFF000  }
0x4e: {  	[spmem:s2] =	stream.indirect.scatter.add.f32 [tilespmem:s14], [sflag:$0x9], $0x20, s13, s17, $0xb8;
	[tilespmem:$0xF800] =	vst v63  }
0x4f: {  	_ =	swait.ge [sflag:s16], $0x1000  }
0x50: {  	[sflag:s16] =	ssyncset.done $0x0  }
0x51: {  	s5 =	simm.s32 $0x1480;
	[sflag:s16] =	ssyncadd.s32 $0xFFFFF000  }
0x52: {  	[spmem:s2] =	stream.indirect.scatter.add.f32 [tilespmem:s18], [sflag:$0xA], $0x20, s5, s17, $0xb8;
	[tilespmem:$0xF800] =	vst v63  }
0x53: {  	_ =	swait.ge [sflag:s19], $0x1000  }
0x54: {  	[sflag:s19] =	ssyncset.done $0x0  }
0x55: {  	s13 =	simm.s32 $0x1500;
	[sflag:s19] =	ssyncadd.s32 $0xFFFFF000  }
0x56: {  	[spmem:s2] =	stream.indirect.scatter.add.f32 [tilespmem:s20], [sflag:$0xB], $0x20, s13, s17, $0xb8;
	[tilespmem:$0xF800] =	vst v63  }
0x57: {  	_ =	swait.ge [sflag:s21], $0x1000  }
0x58: {  	[sflag:s21] =	ssyncset.done $0x0  }
0x59: {  	s5 =	simm.s32 $0x1580;
	[sflag:s21] =	ssyncadd.s32 $0xFFFFF000  }
0x5a: {  	[spmem:s2] =	stream.indirect.scatter.add.f32 [tilespmem:s22], [sflag:$0xC], $0x20, s5, s17, $0xb8;
	[tilespmem:$0xF800] =	vst v63  }
0x5b: {  	_ =	swait.ge [sflag:s23], $0x1000  }
0x5c: {  	[sflag:s23] =	ssyncset.done $0x0  }
0x5d: {  	s13 =	simm.s32 $0x1600;
	[sflag:s23] =	ssyncadd.s32 $0xFFFFF000  }
0x5e: {  	[spmem:s2] =	stream.indirect.scatter.add.f32 [tilespmem:s24], [sflag:$0xD], $0x20, s13, s17, $0xb8;
	[tilespmem:$0xF800] =	vst v63  }
0x5f: {  	_ =	swait.ge [sflag:s25], $0x1000  }
0x60: {  	[sflag:s25] =	ssyncset.done $0x0  }
0x61: {  	s5 =	simm.s32 $0x1680;
	[sflag:s25] =	ssyncadd.s32 $0xFFFFF000  }
0x62: {  	[spmem:s2] =	stream.indirect.scatter.add.f32 [tilespmem:s26], [sflag:$0xE], $0x20, s5, s17, $0xb8;
	[tilespmem:$0xF800] =	vst v63  }
0x63: {  	_ =	swait.ge [sflag:s28], $0x1000  }
0x64: {  	[sflag:s28] =	ssyncset.done $0x0  }
0x65: {  	s13 =	simm.s32 $0x1700;
	[sflag:s28] =	ssyncadd.s32 $0xFFFFF000  }
0x66: {  	[spmem:s2] =	stream.indirect.scatter.add.f32 [tilespmem:s29], [sflag:$0xF], $0x20, s13, s17, $0xb8;
	[tilespmem:$0xF800] =	vst v63  }
0x67: {  	_ =	swait.ge [sflag:s0], $0x1000  }
0x68: {  	[sflag:s0] =	ssyncset.done $0x0  }
0x69: {  	s5 =	simm.s32 $0x1780;
	[sflag:s0] =	ssyncadd.s32 $0xFFFFF000  }
0x6a: {  	[spmem:s2] =	stream.indirect.scatter.add.f32 [tilespmem:s31], [sflag:$0x10], $0x20, s5, s17, $0xb8;
	[tilespmem:$0xF800] =	vst v63  }
0x6b: {  	_ =	swait.ge [sflag:s30], $0x1000  }
0x6c: {  	[sflag:s30] =	ssyncset.done $0x0  }
0x6d: {  	s13 =	simm.s32 $0x400;
	[sflag:s30] =	ssyncadd.s32 $0xFFFFF000  }
0x6e: {  	[tilespmem:s14], [sflag:$0x1] =	stream.indirect.gather [hbm4b:s4+s17], $0x20, s13, s17, $0xb8;
	[tilespmem:$0xF800] =	vst v63  }
0x6f: {  	_ =	swait.ge [sflag:s6], $0x1000  }
0x70: {  	[sflag:s6] =	ssyncset.done $0x0  }
0x71: {  	s5 =	simm.s32 $0x480;
	[sflag:s6] =	ssyncadd.s32 $0xFFFFF000  }
0x72: {  	[tilespmem:s18], [sflag:$0x2] =	stream.indirect.gather [hbm4b:s4+s17], $0x20, s5, s17, $0xb8;
	[tilespmem:$0xF800] =	vst v63  }
0x73: {  	_ =	swait.ge [sflag:s7], $0x1000  }
0x74: {  	[sflag:s7] =	ssyncset.done $0x0  }
0x75: {  	s13 =	simm.s32 $0x500;
	[sflag:s7] =	ssyncadd.s32 $0xFFFFF000  }
0x76: {  	[tilespmem:s20], [sflag:$0x3] =	stream.indirect.gather [hbm4b:s4+s17], $0x20, s13, s17, $0xb8;
	[tilespmem:$0xF800] =	vst v63  }
0x77: {  	_ =	swait.ge [sflag:s8], $0x1000  }
0x78: {  	[sflag:s8] =	ssyncset.done $0x0  }
0x79: {  	s5 =	simm.s32 $0x580;
	[sflag:s8] =	ssyncadd.s32 $0xFFFFF000  }
0x7a: {  	[tilespmem:s22], [sflag:$0x4] =	stream.indirect.gather [hbm4b:s4+s17], $0x20, s5, s17, $0xb8;
	[tilespmem:$0xF800] =	vst v63  }
0x7b: {  	_ =	swait.ge [sflag:s9], $0x1000  }
0x7c: {  	[sflag:s9] =	ssyncset.done $0x0  }
0x7d: {  	s13 =	simm.s32 $0x600;
	[sflag:s9] =	ssyncadd.s32 $0xFFFFF000  }
0x7e: {  	[tilespmem:s24], [sflag:$0x5] =	stream.indirect.gather [hbm4b:s4+s17], $0x20, s13, s17, $0xb8;
	[tilespmem:$0xF800] =	vst v63  }
0x7f: {  	_ =	swait.ge [sflag:s10], $0x1000  }
0x80: {  	[sflag:s10] =	ssyncset.done $0x0  }
0x81: {  	s5 =	simm.s32 $0x680;
	[sflag:s10] =	ssyncadd.s32 $0xFFFFF000  }
0x82: {  	[tilespmem:s26], [sflag:$0x6] =	stream.indirect.gather [hbm4b:s4+s17], $0x20, s5, s17, $0xb8;
	[tilespmem:$0xF800] =	vst v63  }
0x83: {  	_ =	swait.ge [sflag:s11], $0x1000  }
0x84: {  	[sflag:s11] =	ssyncset.done $0x0  }
0x85: {  	s13 =	simm.s32 $0x700;
	[sflag:s11] =	ssyncadd.s32 $0xFFFFF000  }
0x86: {  	[tilespmem:s29], [sflag:$0x7] =	stream.indirect.gather [hbm4b:s4+s17], $0x20, s13, s17, $0xb8;
	[tilespmem:$0xF800] =	vst v63  }
0x87: {  	_ =	swait.ge [sflag:s12], $0x1000  }
0x88: {  	[sflag:s12] =	ssyncset.done $0x0  }
0x89: {  	s5 =	simm.s32 $0x780;
	s13 =	simm.s32 $0x1000;
	[sflag:s12] =	ssyncadd.s32 $0xFFFFF000  }
.LBB2_4:
0x8a: {  	[tilespmem:s31], [sflag:$0x8] =	stream.indirect.gather [hbm4b:s4+s17], $0x20, s5, s17, $0xb8;
	[tilespmem:$0xF800] =	vst v63  }
0x8b: {  	s3 =	smov.u32 s13  }
0x8c: {  	p0 =	sne.s32 s13, $0x3000;
	s13 =	sadd.s32 $0x1000, s13;
	_ =	swait.ge [sflag:s1], $0x1000  }
0x8d: {  	s5 =	sshra.s32 s3, $0x2;
	[sflag:s1] =	ssyncset.done $0x0  }
0x8e: {  	s3 =	sadd.s32 $0x1400, s5;
	[sflag:s1] =	ssyncadd.s32 $0xFFFFF000  }
0x8f: {  	[spmem:s2] =	stream.indirect.scatter.add.f32 [tilespmem:s14], [sflag:$0x9], $0x20, s3, s17, $0xb8;
	[tilespmem:$0xF800] =	vst v63  }
0x90: {  	_ =	swait.ge [sflag:s16], $0x1000  }
0x91: {  	[sflag:s16] =	ssyncset.done $0x0  }
0x92: {  	s3 =	sadd.s32 $0x1480, s5;
	[sflag:s16] =	ssyncadd.s32 $0xFFFFF000  }
0x93: {  	[spmem:s2] =	stream.indirect.scatter.add.f32 [tilespmem:s18], [sflag:$0xA], $0x20, s3, s17, $0xb8;
	[tilespmem:$0xF800] =	vst v63  }
0x94: {  	_ =	swait.ge [sflag:s19], $0x1000  }
0x95: {  	[sflag:s19] =	ssyncset.done $0x0  }
0x96: {  	s3 =	sadd.s32 $0x1500, s5;
	[sflag:s19] =	ssyncadd.s32 $0xFFFFF000  }
0x97: {  	[spmem:s2] =	stream.indirect.scatter.add.f32 [tilespmem:s20], [sflag:$0xB], $0x20, s3, s17, $0xb8;
	[tilespmem:$0xF800] =	vst v63  }
0x98: {  	_ =	swait.ge [sflag:s21], $0x1000  }
0x99: {  	[sflag:s21] =	ssyncset.done $0x0  }
0x9a: {  	s3 =	sadd.s32 $0x1580, s5;
	[sflag:s21] =	ssyncadd.s32 $0xFFFFF000  }
0x9b: {  	[spmem:s2] =	stream.indirect.scatter.add.f32 [tilespmem:s22], [sflag:$0xC], $0x20, s3, s17, $0xb8;
	[tilespmem:$0xF800] =	vst v63  }
0x9c: {  	_ =	swait.ge [sflag:s23], $0x1000  }
0x9d: {  	[sflag:s23] =	ssyncset.done $0x0  }
0x9e: {  	s3 =	sadd.s32 $0x1600, s5;
	[sflag:s23] =	ssyncadd.s32 $0xFFFFF000  }
0x9f: {  	[spmem:s2] =	stream.indirect.scatter.add.f32 [tilespmem:s24], [sflag:$0xD], $0x20, s3, s17, $0xb8;
	[tilespmem:$0xF800] =	vst v63  }
0xa0: {  	_ =	swait.ge [sflag:s25], $0x1000  }
0xa1: {  	[sflag:s25] =	ssyncset.done $0x0  }
0xa2: {  	s3 =	sadd.s32 $0x1680, s5;
	[sflag:s25] =	ssyncadd.s32 $0xFFFFF000  }
0xa3: {  	[spmem:s2] =	stream.indirect.scatter.add.f32 [tilespmem:s26], [sflag:$0xE], $0x20, s3, s17, $0xb8;
	[tilespmem:$0xF800] =	vst v63  }
0xa4: {  	_ =	swait.ge [sflag:s28], $0x1000  }
0xa5: {  	[sflag:s28] =	ssyncset.done $0x0  }
0xa6: {  	s3 =	sadd.s32 $0x1700, s5;
	[sflag:s28] =	ssyncadd.s32 $0xFFFFF000  }
0xa7: {  	[spmem:s2] =	stream.indirect.scatter.add.f32 [tilespmem:s29], [sflag:$0xF], $0x20, s3, s17, $0xb8;
	[tilespmem:$0xF800] =	vst v63  }
0xa8: {  	_ =	swait.ge [sflag:s0], $0x1000  }
0xa9: {  	[sflag:s0] =	ssyncset.done $0x0  }
0xaa: {  	s3 =	sadd.s32 $0x1780, s5;
	[sflag:s0] =	ssyncadd.s32 $0xFFFFF000  }
0xab: {  	[spmem:s2] =	stream.indirect.scatter.add.f32 [tilespmem:s31], [sflag:$0x10], $0x20, s3, s17, $0xb8;
	[tilespmem:$0xF800] =	vst v63  }
0xac: {  	_ =	swait.ge [sflag:s30], $0x1000  }
0xad: {  	[sflag:s30] =	ssyncset.done $0x0  }
0xae: {  	s3 =	sadd.s32 $0x400, s5;
	[sflag:s30] =	ssyncadd.s32 $0xFFFFF000  }
0xaf: {  	[tilespmem:s14], [sflag:$0x1] =	stream.indirect.gather [hbm4b:s4+s17], $0x20, s3, s17, $0xb8;
	[tilespmem:$0xF800] =	vst v63  }
0xb0: {  	_ =	swait.ge [sflag:s6], $0x1000  }
0xb1: {  	[sflag:s6] =	ssyncset.done $0x0  }
0xb2: {  	s3 =	sadd.s32 $0x480, s5;
	[sflag:s6] =	ssyncadd.s32 $0xFFFFF000  }
0xb3: {  	[tilespmem:s18], [sflag:$0x2] =	stream.indirect.gather [hbm4b:s4+s17], $0x20, s3, s17, $0xb8;
	[tilespmem:$0xF800] =	vst v63  }
0xb4: {  	_ =	swait.ge [sflag:s7], $0x1000  }
0xb5: {  	[sflag:s7] =	ssyncset.done $0x0  }
0xb6: {  	s3 =	sadd.s32 $0x500, s5;
	[sflag:s7] =	ssyncadd.s32 $0xFFFFF000  }
0xb7: {  	[tilespmem:s20], [sflag:$0x3] =	stream.indirect.gather [hbm4b:s4+s17], $0x20, s3, s17, $0xb8;
	[tilespmem:$0xF800] =	vst v63  }
0xb8: {  	_ =	swait.ge [sflag:s8], $0x1000  }
0xb9: {  	[sflag:s8] =	ssyncset.done $0x0  }
0xba: {  	s3 =	sadd.s32 $0x580, s5;
	[sflag:s8] =	ssyncadd.s32 $0xFFFFF000  }
0xbb: {  	[tilespmem:s22], [sflag:$0x4] =	stream.indirect.gather [hbm4b:s4+s17], $0x20, s3, s17, $0xb8;
	[tilespmem:$0xF800] =	vst v63  }
0xbc: {  	_ =	swait.ge [sflag:s9], $0x1000  }
0xbd: {  	[sflag:s9] =	ssyncset.done $0x0  }
0xbe: {  	s3 =	sadd.s32 $0x600, s5;
	[sflag:s9] =	ssyncadd.s32 $0xFFFFF000  }
0xbf: {  	[tilespmem:s24], [sflag:$0x5] =	stream.indirect.gather [hbm4b:s4+s17], $0x20, s3, s17, $0xb8;
	[tilespmem:$0xF800] =	vst v63  }
0xc0: {  	_ =	swait.ge [sflag:s10], $0x1000  }
0xc1: {  	[sflag:s10] =	ssyncset.done $0x0  }
0xc2: {  	s3 =	sadd.s32 $0x680, s5;
	[sflag:s10] =	ssyncadd.s32 $0xFFFFF000  }
0xc3: {  	[tilespmem:s26], [sflag:$0x6] =	stream.indirect.gather [hbm4b:s4+s17], $0x20, s3, s17, $0xb8;
	[tilespmem:$0xF800] =	vst v63  }
0xc4: {  	_ =	swait.ge [sflag:s11], $0x1000  }
0xc5: {  	[sflag:s11] =	ssyncset.done $0x0  }
.Ltmp1:
0xc6: {  	s3 =	sadd.s32 $0x700, s5;
	[sflag:s11] =	ssyncadd.s32 $0xFFFFF000;
	(pc) =	sbr.rel @p0 .LBB2_4-.Ltmp1, $4  }
0xc7: {  	[tilespmem:s29], [sflag:$0x7] =	stream.indirect.gather [hbm4b:s4+s17], $0x20, s3, s17, $0xb8;
	[tilespmem:$0xF800] =	vst v63  }
0xc8: {  	_ =	swait.ge [sflag:s12], $0x1000  }
0xc9: {  	[sflag:s12] =	ssyncset.done $0x0  }
0xca: {  	s5 =	sadd.s32 $0x780, s5;
	[sflag:s12] =	ssyncadd.s32 $0xFFFFF000  }
0xcb: {  	[tilespmem:s31], [sflag:$0x8] =	stream.indirect.gather [hbm4b:s4+s17], $0x20, s5, s17, $0xb8;
	[tilespmem:$0xF800] =	vst v63  }
0xcc: {  	_ =	swait.ge [sflag:s1], $0x1000  }
0xcd: {  	[sflag:s1] =	ssyncset.done $0x0  }
0xce: {  	s3 =	simm.s32 $0x2400;
	[sflag:s1] =	ssyncadd.s32 $0xFFFFF000  }
0xcf: {  	[spmem:s2] =	stream.indirect.scatter.add.f32 [tilespmem:s14], [sflag:$0x9], $0x20, s3, s17, $0xb8;
	[tilespmem:$0xF800] =	vst v63  }
0xd0: {  	_ =	swait.ge [sflag:s16], $0x1000  }
0xd1: {  	[sflag:s16] =	ssyncset.done $0x0  }
0xd2: {  	s13 =	simm.s32 $0x2480;
	[sflag:s16] =	ssyncadd.s32 $0xFFFFF000  }
0xd3: {  	[spmem:s2] =	stream.indirect.scatter.add.f32 [tilespmem:s18], [sflag:$0xA], $0x20, s13, s17, $0xb8;
	[tilespmem:$0xF800] =	vst v63  }
0xd4: {  	_ =	swait.ge [sflag:s19], $0x1000  }
0xd5: {  	[sflag:s19] =	ssyncset.done $0x0  }
0xd6: {  	s5 =	simm.s32 $0x2500;
	[sflag:s19] =	ssyncadd.s32 $0xFFFFF000  }
0xd7: {  	[spmem:s2] =	stream.indirect.scatter.add.f32 [tilespmem:s20], [sflag:$0xB], $0x20, s5, s17, $0xb8;
	[tilespmem:$0xF800] =	vst v63  }
0xd8: {  	_ =	swait.ge [sflag:s21], $0x1000  }
0xd9: {  	[sflag:s21] =	ssyncset.done $0x0  }
0xda: {  	s13 =	simm.s32 $0x2580;
	[sflag:s21] =	ssyncadd.s32 $0xFFFFF000  }
0xdb: {  	[spmem:s2] =	stream.indirect.scatter.add.f32 [tilespmem:s22], [sflag:$0xC], $0x20, s13, s17, $0xb8;
	[tilespmem:$0xF800] =	vst v63  }
0xdc: {  	_ =	swait.ge [sflag:s23], $0x1000  }
0xdd: {  	[sflag:s23] =	ssyncset.done $0x0  }
0xde: {  	s5 =	simm.s32 $0x2600;
	[sflag:s23] =	ssyncadd.s32 $0xFFFFF000  }
0xdf: {  	[spmem:s2] =	stream.indirect.scatter.add.f32 [tilespmem:s24], [sflag:$0xD], $0x20, s5, s17, $0xb8;
	[tilespmem:$0xF800] =	vst v63  }
0xe0: {  	_ =	swait.ge [sflag:s25], $0x1000  }
0xe1: {  	[sflag:s25] =	ssyncset.done $0x0  }
0xe2: {  	s13 =	simm.s32 $0x2680;
	[sflag:s25] =	ssyncadd.s32 $0xFFFFF000  }
0xe3: {  	[spmem:s2] =	stream.indirect.scatter.add.f32 [tilespmem:s26], [sflag:$0xE], $0x20, s13, s17, $0xb8;
	[tilespmem:$0xF800] =	vst v63  }
0xe4: {  	_ =	swait.ge [sflag:s28], $0x1000  }
0xe5: {  	[sflag:s28] =	ssyncset.done $0x0  }
0xe6: {  	s5 =	simm.s32 $0x2700;
	[sflag:s28] =	ssyncadd.s32 $0xFFFFF000  }
0xe7: {  	[spmem:s2] =	stream.indirect.scatter.add.f32 [tilespmem:s29], [sflag:$0xF], $0x20, s5, s17, $0xb8;
	[tilespmem:$0xF800] =	vst v63  }
0xe8: {  	_ =	swait.ge [sflag:s0], $0x1000  }
0xe9: {  	[sflag:s0] =	ssyncset.done $0x0  }
0xea: {  	s13 =	simm.s32 $0x2780;
	[sflag:s0] =	ssyncadd.s32 $0xFFFFF000  }
0xeb: {  	[spmem:s2] =	stream.indirect.scatter.add.f32 [tilespmem:s31], [sflag:$0x10], $0x20, s13, s17, $0xb8;
	[tilespmem:$0xF800] =	vst v63  }
0xec: {  	_ =	swait.ge [sflag:s30], $0x1000  }
0xed: {  	[sflag:s30] =	ssyncset.done $0x0  }
0xee: {  	[sflag:s30] =	ssyncadd.s32 $0xFFFFF000  }
0xef: {  	_ =	swait.ge [sflag:s6], $0x1000  }
0xf0: {  	[sflag:s6] =	ssyncset.done $0x0  }
0xf1: {  	[sflag:s6] =	ssyncadd.s32 $0xFFFFF000  }
0xf2: {  	_ =	swait.ge [sflag:s7], $0x1000  }
0xf3: {  	[sflag:s7] =	ssyncset.done $0x0  }
0xf4: {  	[sflag:s7] =	ssyncadd.s32 $0xFFFFF000  }
0xf5: {  	_ =	swait.ge [sflag:s8], $0x1000  }
0xf6: {  	[sflag:s8] =	ssyncset.done $0x0  }
0xf7: {  	[sflag:s8] =	ssyncadd.s32 $0xFFFFF000  }
0xf8: {  	_ =	swait.ge [sflag:s9], $0x1000  }
0xf9: {  	[sflag:s9] =	ssyncset.done $0x0  }
0xfa: {  	[sflag:s9] =	ssyncadd.s32 $0xFFFFF000  }
0xfb: {  	_ =	swait.ge [sflag:s10], $0x1000  }
0xfc: {  	[sflag:s10] =	ssyncset.done $0x0  }
0xfd: {  	[sflag:s10] =	ssyncadd.s32 $0xFFFFF000  }
0xfe: {  	_ =	swait.ge [sflag:s11], $0x1000  }
0xff: {  	[sflag:s11] =	ssyncset.done $0x0  }
0x100: {  	[sflag:s11] =	ssyncadd.s32 $0xFFFFF000  }
0x101: {  	_ =	swait.ge [sflag:s12], $0x1000  }
0x102: {  	[sflag:s12] =	ssyncset.done $0x0  }
0x103: {  	[sflag:s12] =	ssyncadd.s32 $0xFFFFF000  }
0x104: {  	s5 =	stileid.u32;
	[bflag:$0x0] =	sbarrier.arrive $0xFFFF  }
0x105: {  	s3 =	sshll.u32 s5, $0x6;
	s13 =	rddreg [dreg:$0x4]  }
0x106: {  	s3 =	sor.u32 $0x1C11, s3;
	s5 =	sshrl.u32 s13, $0x3;
	s13 =	rddreg [dreg:$0xb]  }
0x107: {  	[hbm:s13], [sflag:s3] =	dma.local [spmem:s5], $0xA00  }
0x108: {  	_ =	swait.ge [sflag:s15], $0xA00  }
0x109: {  	s3 =	rddreg [dreg:$0x3]  }
0x10a: {  	s5 =	rddreg [dreg:$0xc];
	s13 =	sadd.s32 $0x1, s3  }
0x10b: {  	p0 =	sne.s32 s13, s5  }
.Ltmp2:
0x10c: {  	_ = 	snop;
	(pc) =	sbr.rel @p0 .LBB2_1-.Ltmp2, $3  }
0x10d: {  	_ =	sdelay $0x1  }
0x10e: {  	[sflag:s15] =	ssyncset.done $0x0  }
0x10f: {  	[sflag:s15] =	ssyncadd.s32 $0xFFFFF600  }
0x110: {  	_ =	sfence.sel $0x180000  }
0x111: {  	[bflag:$0x0] =	sbarrier.arrive $0xFFFF  }
0x112: {  	_ =	strace $0x9000004D  }
0x113: {  	s0 =	stileid.u32;
	[bflag:$0x2] =	sbarrier.arrive $0xFFFF  }
0x114: {  	p0 =	sne.s32 s0, $0x0;
	s0 =	rddreg [dreg:$0x2]  }
0x115: {  	s0 =	sadd.s32 @!p0 $0x100000, s0  }
0x116: {  	[sflag:s0] =	ssyncadd.tile.s32 @!p0 $0x1;
	_ =	shalt  }
.Lfunc_end2:
_tile_overlayer_lowered:
.L_overlay_start_2:
0x117: {  	(tag) =	ssettag $0x2  }
0x118: {  	s0 =	rddreg [dreg:$0x0];
	s2 =	stileid.u32  }
0x119: {  	s1 =	rddreg [dreg:$0x1];
	p0 =	sne.s32 s2, $0x0  }
0x11a: {  	s3 =	rddreg [dreg:$0x2];
	[bflag:$0x3] =	sbarrier.arrive $0xFFFF;
	s2 =	simm.s32 @!p0 $0x1C11  }
0x11b: {  	[timem:s3], [sflag:s2] =	dma.local @!p0 [hbm:s0], s1  }
0x11c: {  	s0 =	simm.s32 @!p0 $0x11  }
0x11d: {  	_ =	swait.ge @!p0 [sflag:s0], s1  }
0x11e: {  	s1 =	ssub.s32 @!p0 $0x0, s1;
	[sflag:s0] =	ssyncset.done @!p0 $0x0  }
0x11f: {  	[sflag:s0] =	ssyncadd.s32 @!p0 s1  }
0x120: {  	[bflag:$0x3] =	sbarrier.arrive $0xFFFF  }
0x121: {  	_ =	shalt  }

// kernel: kernel.9.cloned.1.call-start
scs
__scs_entry_jumppad:
0x0: {  	(pc) =	sbr.rel $0x88, $3  }
0x1: {  	(tag) =	ssettag $0x0;
	lr =	simm.s32 $0x1  }
0x2: {  	[smem:$0x3F92] =	sst lr;
	_ =	strace $0xD0000000  }
0x3: {  	_ = 	snop  }
0x4: {  	_ = 	snop  }
0x5: {  	_ = 	snop  }
0x6: {  	_ = 	snop  }
0x7: {  	_ = 	snop  }
__scs_overlays_trampoline_lowered:
0x8: {  	[smem:$0x3FA1] =	sst s0  }
0x9: {  	[smem:$0x3FA2] =	sst s1  }
0xa: {  	[smem:$0x3FA3] =	sst s2  }
0xb: {  	[smem:$0x3FA4] =	sst s3  }
0xc: {  	[smem:$0x3FA5] =	sst s4  }
0xd: {  	[smem:$0x3FA6] =	sst s5  }
0xe: {  	[smem:$0x3FA7] =	sst s6  }
0xf: {  	[smem:$0x3FA8] =	sst s7  }
0x10: {  	[smem:$0x3FA9] =	sst s8  }
0x11: {  	[smem:$0x3FAA] =	sst s9;
	s0 =	simm.s32 @!p0 $0x0  }
0x12: {  	s1 =	sld [smem:$0x3F90];
	s0 =	simm.s32 @p0 $0x1  }
0x13: {  	[smem:$0x3FAB] =	sst s0;
	s0 =	simm.s32 @!p1 $0x0  }
0x14: {  	s2 =	sld [smem:$0x3F8F];
	s0 =	simm.s32 @p1 $0x1  }
0x15: {  	[smem:$0x3FAC] =	sst s0;
	s0 =	simm.s32 @!p2 $0x0  }
0x16: {  	s3 =	sld [smem:$0x3FDB];
	s0 =	simm.s32 @p2 $0x1  }
0x17: {  	s4 =	simm.s32 $0x1BF5;
	[smem:$0x3FAE] =	sst s0  }
0x18: {  	s0 =	sld [smem:$0x3F91];
	_ =	swait.ge [sflag:s4], $0x0  }
0x19: {  	s7 =	sld [smem:$0x3F92]  }
0x1a: {  	s8 =	sadd.s32 $0xFFFFE003, lr  }
0x1b: {  	s9 =	sadd.s32 $0xFFFFFEF7, lr;
	s5 =	simm.s32 $0xFFFFFFFF;
	p2 =	slt.u32 s8, $0xFFFFF086  }
0x1c: {  	p1 =	slt.u32 s9, $0xF7A;
	s5 =	simm.s32 @!p2 $0x0  }
0x1d: {  	s5 =	simm.s32 @p1 $0x1;
	p0 =	seq.s32 s7, s2  }
0x1e: {  	s7 =	smul.u32 @!p0 $0xF7A, s2;
	p2 =	seq.s32 @!p0 s5, $0x0  }
0x1f: {  	s9 =	smul.u32 $0xF7A, s1;
	s8 =	simm.s32 @!p0 $0x1BF5;
	p2 =	por !p2, p0  }
0x20: {  	[sflag:s8] =	ssyncset.s32 @!p0 $0xFFFFF086;
	s6 =	sadd.s32 @!p0 s3, s7;
	s7 =	simm.s32 @!p0 $0x108  }
0x21: {  	s3 =	sadd.s32 s3, s9;
	s6 =	sadd.s32 @!p0 $0x88, s6;
	s7 =	simm.s32 @p2 $0x1082  }
0x22: {  	[simem:s7], [sflag:s8] =	dma.local @!p0 [hbm:s6], $0xF7A  }
0x23: {  	s9 =	sor.u32 $0xD0000000, s2;
	s6 =	simm.s32 $0x108;
	_ =	swait.ge @!p0 [sflag:s8], $0x0  }
0x24: {  	s3 =	sadd.s32 $0x88, s3;
	s6 =	simm.s32 @!p1 $0x1082;
	[sflag:s4] =	ssyncset.s32 $0xFFFFF086  }
0x25: {  	[simem:s6], [sflag:s4] =	dma.local [hbm:s3], $0xF7A  }
0x26: {  	[smem:$0x3F92] =	sst s1;
	(tag) =	ssettag s2;
	_ =	strace s9  }
0x27: {  	s1 =	sld [smem:$0x3FA2]  }
0x28: {  	s2 =	sld [smem:$0x3FA3]  }
0x29: {  	s4 =	sld [smem:$0x3FA5]  }
0x2a: {  	p0 =	seq.s32 s5, $0x0;
	s5 =	sld [smem:$0x3FA6]  }
0x2b: {  	s6 =	sld [smem:$0x3FA7]  }
0x2c: {  	s7 =	sld [smem:$0x3FA8]  }
0x2d: {  	s3 =	simm.s32 $0x108;
	s8 =	sld [smem:$0x3FA9]  }
0x2e: {  	s3 =	simm.s32 @!p0 $0x1082;
	s9 =	sld [smem:$0x3FAA]  }
0x2f: {  	lr =	sadd.s32 s0, s3;
	s0 =	sld [smem:$0x3FA1]  }
0x30: {  	s3 =	sld [smem:$0x3FA4]  }
0x31: {  	[smem:$0x3FAD] =	sst s10  }
0x32: {  	s10 =	sld [smem:$0x3FAB];
	_ =	sdelay $0x3  }
0x33: {  	p0 =	seq.s32 s10, $0x1;
	s10 =	sld [smem:$0x3FAD];
	_ =	sdelay $0x3  }
0x34: {  	[smem:$0x3FAD] =	sst s10  }
0x35: {  	s10 =	sld [smem:$0x3FAC];
	_ =	sdelay $0x3  }
0x36: {  	p1 =	seq.s32 s10, $0x1;
	s10 =	sld [smem:$0x3FAD];
	_ =	sdelay $0x3  }
0x37: {  	[smem:$0x3FAD] =	sst s10  }
0x38: {  	s10 =	sld [smem:$0x3FAE]  }
0x39: {  	_ = 	snop;
	(pc) =	sbr.ind lr, $3  }
0x3a: {  	_ = 	snop  }
0x3b: {  	_ = 	snop  }
0x3c: {  	p2 =	seq.s32 s10, $0x1;
	s10 =	sld [smem:$0x3FAD]  }
0x3d: {  	_ =	shalt  }
0x3e: {  	_ =	shalt  }
0x3f: {  	_ =	shalt  }
0x40: {  	_ =	shalt  }
0x41: {  	_ =	shalt  }
0x42: {  	_ =	shalt  }
0x43: {  	_ =	shalt  }
0x44: {  	_ =	shalt  }
0x45: {  	_ =	shalt  }
0x46: {  	_ =	shalt  }
0x47: {  	_ =	shalt  }
0x48: {  	_ =	shalt  }
0x49: {  	_ =	shalt  }
0x4a: {  	_ =	shalt  }
0x4b: {  	_ =	shalt  }
0x4c: {  	_ =	shalt  }
0x4d: {  	_ =	shalt  }
0x4e: {  	_ =	shalt  }
0x4f: {  	_ =	shalt  }
0x50: {  	_ =	shalt  }
0x51: {  	_ =	shalt  }
0x52: {  	_ =	shalt  }
0x53: {  	_ =	shalt  }
0x54: {  	_ =	shalt  }
0x55: {  	_ =	shalt  }
0x56: {  	_ =	shalt  }
0x57: {  	_ =	shalt  }
0x58: {  	_ =	shalt  }
0x59: {  	_ =	shalt  }
0x5a: {  	_ =	shalt  }
0x5b: {  	_ =	shalt  }
0x5c: {  	_ =	shalt  }
0x5d: {  	_ =	shalt  }
0x5e: {  	_ =	shalt  }
0x5f: {  	_ =	shalt  }
0x60: {  	_ =	shalt  }
0x61: {  	_ =	shalt  }
0x62: {  	_ =	shalt  }
0x63: {  	_ =	shalt  }
0x64: {  	_ =	shalt  }
0x65: {  	_ =	shalt  }
0x66: {  	_ =	shalt  }
0x67: {  	_ =	shalt  }
0x68: {  	_ =	shalt  }
0x69: {  	_ =	shalt  }
0x6a: {  	_ =	shalt  }
0x6b: {  	_ =	shalt  }
0x6c: {  	_ =	shalt  }
0x6d: {  	_ =	shalt  }
0x6e: {  	_ =	shalt  }
0x6f: {  	_ =	shalt  }
0x70: {  	_ =	shalt  }
0x71: {  	_ =	shalt  }
0x72: {  	_ =	shalt  }
0x73: {  	_ =	shalt  }
0x74: {  	_ =	shalt  }
0x75: {  	_ =	shalt  }
0x76: {  	_ =	shalt  }
0x77: {  	_ =	shalt  }
0x78: {  	_ =	shalt  }
0x79: {  	_ =	shalt  }
0x7a: {  	_ =	shalt  }
0x7b: {  	_ =	shalt  }
0x7c: {  	_ =	shalt  }
0x7d: {  	_ =	shalt  }
0x7e: {  	_ =	shalt  }
0x7f: {  	_ =	shalt  }
0x80: {  	_ =	shalt  }
0x81: {  	_ =	shalt  }
0x82: {  	_ =	shalt  }
0x83: {  	_ =	shalt  }
0x84: {  	_ =	shalt  }
0x85: {  	_ =	shalt  }
0x86: {  	_ =	shalt  }
0x87: {  	_ =	shalt  }
.Lfunc_end0:
.L_simem_size_0:
called_computation_lowered:
.L_overlay_start_0:
0x88: {  	s2 =	sld [smem:$0x3FD9]  }
0x89: {  	s3 =	sld [smem:$0x3FFE];
	_ =	sdelay $0x1  }
0x8a: {  	s1 =	srdreg.scid  }
0x8b: {  	s0 =	sand.u32 $0x1, s1  }
0x8c: {  	s17 =	sshll.u32 s0, $0xA;
	s2 =	sadd.s32 s3, s2  }
0x8d: {  	s2 =	sadd.s32 s2, s17  }
0x8e: {  	[smem:$0x3FB9] =	sst s2  }
0x8f: {  	_ = 	snop  }
0x90: {  	s2 =	sld [smem:$0x3FC9];
	(tm) =	ssettm $0x1  }
0x91: {  	s18 =	sld [smem:$0x3FFB];
	_ =	sdelay $0x3  }
0x92: {  	_ =	strace s18  }
0x93: {  	s3 =	sld [smem:$0x3FFC];
	_ =	sdelay $0x3  }
0x94: {  	_ =	strace s3  }
0x95: {  	s3 =	sld [smem:$0x3FFD];
	_ =	sdelay $0x3  }
0x96: {  	_ =	strace s3  }
0x97: {  	_ =	strace $0x8FFFFFFF  }
0x98: {  	s19 =	sld [smem:$0x3FDB];
	_ =	sdelay $0x1  }
0x99: {  	s4 =	simm.s32 $_scs_section_size  }
0x9a: {  	s5 =	simm.s32 $_size__tile_overlayer_lowered;
	s6 =	simm.s32 $_tile_overlayer_lowered  }
0x9b: {  	s22 =	simm.s32 $0x1BFF;
	s21 =	sshll.u32 s6, $0x1;
	s3 =	sadd.s32 s4, s19  }
0x9c: {  	s7 =	simm.s32 $0x0;
	s20 =	sshll.u32 s5, $0x1;
	s5 =	sadd.s32 s21, s3  }
0x9d: {  	[timem:s7], [sflag:s22] =	dma.local [hbm:s5], s20  }
0x9e: {  	_ =	swait.ge [sflag:s22], s20  }
0x9f: {  	s4 =	ssub.s32 $0x0, s20;
	[sflag:s22] =	ssyncset.done $0x0  }
0xa0: {  	[sflag:s22] =	ssyncadd.s32 s4;
	_ =	sdelay $0x1  }
0xa1: {  	s23 =	simm.s32 $0x1B8B  }
0xa2: {  	_ =	swait.ge [sflag:s23], $0x1  }
0xa3: {  	[sflag:s23] =	ssyncset.done $0x0  }
0xa4: {  	s25 =	simm.s32 $0x1B8E;
	s24 =	sld [smem:$0x3FFE];
	[sflag:s23] =	ssyncadd.s32 $0xFFFFFFFF  }
0xa5: {  	s26 =	simm.s32 $execute0_lowered;
	[smem:$0x3FD2] =	sst s25  }
0xa6: {  	s5 =	sshll.u32 s26, $0x1;
	_ =	strace $0x80000046;
	[dreg:$0x1] =	wrdreg $0xFFFFFFFF  }
0xa7: {  	s28 =	simm.s32 $_size_execute0_lowered;
	s3 =	sadd.s32 s3, s5;
	[dreg:$0x0] =	wrdreg $0x0  }
0xa8: {  	s5 =	sshll.u32 s28, $0x1;
	[dreg:$0x2] =	wrdreg s3  }
0xa9: {  	[dreg:$0x3] =	wrdreg s5  }
0xaa: {  	[dreg:$0x4] =	wrdreg $0xC0  }
0xab: {  	_ =	task [dreg:s7], $0x5FFFF  }
0xac: {  	[dreg:$0x1] =	wrdreg $0xFFFFFFFF  }
0xad: {  	[dreg:$0x0] =	wrdreg $0x60  }
0xae: {  	[dreg:$0x2] =	wrdreg s2  }
0xaf: {  	[dreg:$0x3] =	wrdreg s24  }
0xb0: {  	[dreg:$0x4] =	wrdreg $0x150000  }
0xb1: {  	[dreg:$0x5] =	wrdreg $0x9  }
0xb2: {  	_ =	task.clear_ibuf [dreg:s7], $0x6FFFF;
	_ =	strace $0x90000046  }
0xb3: {  	s29 =	simm.s32 $0x9;
	_ =	strace $0x80000048  }
0xb4: {  	_ =	swait.ge [sflag:s29], $0x1  }
0xb5: {  	[sflag:s29] =	ssyncadd.s32 $0xFFFFFFFF  }
0xb6: {  	_ =	strace $0x90000048  }
0xb7: {  	_ =	sfence  }
0xb8: {  	s30 =	sld [smem:$0x0];
	_ =	sdelay $0x2  }
0xb9: {  	s31 =	sshll.u32 s1, $0xD;
	s1 =	sshrl.u32 s1, $0x2  }
0xba: {  	s3 =	sand.u32 $0x4000, s31;
	s1 =	sadd.s32 s1, s30  }
0xbb: {  	s0 =	sor.u32 s3, s0;
	s1 =	sshll.u32 s1, $0x11  }
0xbc: {  	s0 =	sor.u32 s1, s0  }
0xbd: {  	s0 =	sadd.s32 $0x8F2B, s0  }
0xbe: {  	[sflag:s0] =	ssyncadd.remote.s32 $0x1  }
0xbf: {  	_ =	sfence.sel $0xFFFF  }
0xc0: {  	[dreg:$0x0] =	wrdreg $0xFFFFFFFF;
	(pc) =	sbr.abs _section_cstart, $3  }
0xc1: {  	[dreg:$0x1] =	wrdreg $0xFFFFFFFF  }
0xc2: {  	_ =	task.clear_ibuf [dreg:s7], $0x2FFFF;
	_ =	strace $0x9FFFFFFF  }
0xc3: {  	(tm) =	ssettm $0x7FFFFFFF  }
tec
execute0_lowered:
.L_overlay_start_1:
0x0: {  	(tag) =	ssettag $0x1  }
0x1: {  	s2 =	rddreg [dreg:$0x0]  }
0x2: {  	s0 =	rddreg [dreg:$0x1]  }
0x3: {  	s3 =	rddreg [dreg:$0x2]  }
0x4: {  	s7 =	stileid.u32;
	s5 =	srdreg.scid  }
0x5: {  	s4 =	simm.s32 $0x0;
	s14 =	simm.s32 $0x5000;
	s15 =	simm.s32 $0x9  }
0x6: {  	s17 =	simm.s32 $0x100;
	s18 =	simm.s32 $0x9000;
	s20 =	simm.s32 $0xD000  }
0x7: {  	s22 =	simm.s32 $0x11000;
	s23 =	simm.s32 $0x1;
	s24 =	simm.s32 $0x2  }
0x8: {  	s28 =	simm.s32 $0x5;
	s29 =	simm.s32 $0x6;
	s1 =	smul.u32 $0x500, s7  }
0x9: {  	s30 =	simm.s32 $0x7;
	s31 =	simm.s32 $0x8;
	s25 =	smul.u32 $0xA000, s7  }
0xa: {  	s19 =	simm.s32 $0x4E00;
	s16 =	sand.u32 $0x1, s5;
	s7 =	smul.u32 $0x28000, s7  }
0xb: {  	s21 =	simm.s32 $0x4F00;
	[smem:$0x7FF] =	sst s4;
	s6 =	smul.u32 $0xA0000, s16  }
0xc: {  	_ =	strace $0x80000047;
	s8 =	ssub.s32 $0x2, s16;
	s1 =	sadd.s32 s1, s0  }
0xd: {  	s9 =	sshrl.u32 s8, $0x1;
	s7 =	sshrl.u32 s7, $0x2;
	s5 =	sadd.s32 s25, s3  }
0xe: {  	s6 =	sadd.s32 s25, s6;
	s13 =	ssub.s32 s8, s9;
	s26 =	sadd.s32 s7, s3  }
0xf: {  	s10 =	sadd.s32 $0x3000, s1;
	s11 =	sadd.s32 $0x8000, s1;
	s25 =	simm.s32 $0x3  }
0x10: {  	s6 =	sshrl.u32 s6, $0x3;
	s7 =	sadd.s32 $0x4000, s26;
	s8 =	sadd.s32 $0x6000, s26  }
0x11: {  	s9 =	sadd.s32 $0x8000, s26;
	s13 =	smax.u32 s13, $0x1;
	s0 =	sadd.s32 s6, s0  }
0x12: {  	v1 =	vimm.f32 $0.0e+00;
	v0 =	vmov s16;
	s6 =	sadd.s32 $0x2000, s26;
	s26 =	simm.s32 $0x4;
	s12 =	sadd.s32 $0xD000, s0  }
.LBB2_1:
0x13: {  	s1 =	simm.s32 $0x100;
	s0 =	simm.s32 $0x0  }
.LBB2_2:
0x14: {  	p0 =	sne.s32 s1, $0x7F00;
	[tilespmem:s0+$0x5030] =	vst v1;
	s16 =	smov.u32 s1;
	s1 =	sadd.s32 $0x100, s1  }
.Ltmp0:
0x15: {  	[tilespmem:s0+$0x5020] =	vst v1;
	(pc) =	sbr.rel @p0 .LBB2_2-.Ltmp0, $3  }
0x16: {  	[tilespmem:s0+$0x5000] =	vst v1  }
0x17: {  	[tilespmem:s0+$0x5010] =	vst v1;
	_ =	sdelay $0x1  }
0x18: {  	s0 =	sshra.s32 s16, $0x2  }
0x19: {  	[tilespmem:s0+$0x5030] =	vst v1  }
0x1a: {  	[tilespmem:s0+$0x5020] =	vst v1  }
0x1b: {  	[tilespmem:s0+$0x5000] =	vst v1  }
0x1c: {  	[tilespmem:s0+$0x5010] =	vst v1  }
0x1d: {  	[spmem:s5] =	stream.linear.scatter [tilespmem:s14], [sflag:$0x9], $0x2000, $0x38;
	[tilespmem:$0x1F000] =	vst v63  }
0x1e: {  	_ =	swait.ge [sflag:s15], $0x2000  }
0x1f: {  	[sflag:s15] =	ssyncset.done $0x0  }
0x20: {  	[sflag:s15] =	ssyncadd.s32 $0xFFFFE000  }
0x21: {  	[spmem:s6] =	stream.linear.scatter [tilespmem:s14], [sflag:$0x9], $0x2000, $0x38;
	[tilespmem:$0x1F000] =	vst v63  }
0x22: {  	_ =	swait.ge [sflag:s15], $0x2000  }
0x23: {  	[sflag:s15] =	ssyncset.done $0x0  }
0x24: {  	[sflag:s15] =	ssyncadd.s32 $0xFFFFE000  }
0x25: {  	[spmem:s7] =	stream.linear.scatter [tilespmem:s14], [sflag:$0x9], $0x2000, $0x38;
	[tilespmem:$0x1F000] =	vst v63  }
0x26: {  	_ =	swait.ge [sflag:s15], $0x2000  }
0x27: {  	[sflag:s15] =	ssyncset.done $0x0  }
0x28: {  	[sflag:s15] =	ssyncadd.s32 $0xFFFFE000  }
0x29: {  	[spmem:s8] =	stream.linear.scatter [tilespmem:s14], [sflag:$0x9], $0x2000, $0x38;
	[tilespmem:$0x1F000] =	vst v63  }
0x2a: {  	_ =	swait.ge [sflag:s15], $0x2000  }
0x2b: {  	[sflag:s15] =	ssyncset.done $0x0  }
0x2c: {  	[sflag:s15] =	ssyncadd.s32 $0xFFFFE000  }
0x2d: {  	[spmem:s9] =	stream.linear.scatter [tilespmem:s14], [sflag:$0x9], $0x2000, $0x38;
	[tilespmem:$0x1F000] =	vst v63  }
0x2e: {  	_ =	swait.ge [sflag:s15], $0x2000  }
0x2f: {  	[sflag:s15] =	ssyncset.done $0x0  }
0x30: {  	s16 =	simm.s32 $0x0;
	[sflag:s15] =	ssyncadd.s32 $0xFFFFE000  }
0x31: {  	[tilespmem:s16], [sflag:$0x9] =	stream.linear.gather [hbm4b:s10+s16], $0x2800, $0x38;
	[tilespmem:$0x1F000] =	vst v63  }
0x32: {  	_ =	swait.ge [sflag:s15], $0x2800  }
0x33: {  	[sflag:s15] =	ssyncset.done $0x0  }
0x34: {  	s1 =	simm.s32 $0x2800;
	[sflag:s15] =	ssyncadd.s32 $0xFFFFD800  }
0x35: {  	[tilespmem:s1], [sflag:$0x9] =	stream.linear.gather [hbm4b:s11+s16], $0x2800, $0x38;
	[tilespmem:$0x1F000] =	vst v63  }
0x36: {  	_ =	swait.ge [sflag:s15], $0x2800  }
0x37: {  	[sflag:s15] =	ssyncset.done $0x0  }
0x38: {  	s0 =	simm.s32 $0x0;
	[sflag:s15] =	ssyncadd.s32 $0xFFFFD800  }
0x39: {  	v2 =	vld [tilespmem:s0+$0x0]  }
0x3a: {  	v3 =	vld [tilespmem:s0+$0x10]  }
0x3b: {  	v4 =	vld [tilespmem:s0+$0x20]  }
0x3c: {  	v5 =	vld [tilespmem:s0+$0x30]  }
0x3d: {  	v6 =	vld [tilespmem:s0+$0x40]  }
0x3e: {  	v7 =	vld [tilespmem:s0+$0x50];
	v2 =	vshll.u32 v2, $0x1  }
0x3f: {  	v8 =	vld [tilespmem:s0+$0x60];
	v3 =	vshll.u32 v3, $0x1;
	v2 =	vor.u32 v0, v2  }
0x40: {  	v9 =	vld [tilespmem:s0+$0x70];
	[tilespmem:s0+$0x0] =	vst v2;
	v2 =	vor.u32 v0, v3;
	v3 =	vshll.u32 v4, $0x1  }
0x41: {  	v10 =	vld [tilespmem:s0+$0x80];
	[tilespmem:s0+$0x10] =	vst v2;
	v2 =	vor.u32 v0, v3;
	v3 =	vshll.u32 v5, $0x1  }
0x42: {  	v11 =	vld [tilespmem:s0+$0x90];
	[tilespmem:s0+$0x20] =	vst v2;
	v2 =	vor.u32 v0, v3;
	v3 =	vshll.u32 v6, $0x1  }
0x43: {  	v4 =	vshll.u32 v7, $0x1;
	[tilespmem:s0+$0x30] =	vst v2;
	v2 =	vor.u32 v0, v3;
	v3 =	vld [tilespmem:s0+$0xA0]  }
0x44: {  	v4 =	vor.u32 v0, v4;
	v5 =	vshll.u32 v8, $0x1;
	[tilespmem:s0+$0x40] =	vst v2;
	v2 =	vld [tilespmem:s0+$0xB0]  }
0x45: {  	[tilespmem:s0+$0x50] =	vst v4;
	v5 =	vor.u32 v0, v5;
	v4 =	vld [tilespmem:s0+$0xC0];
	v6 =	vshll.u32 v9, $0x1  }
0x46: {  	v7 =	vshll.u32 v10, $0x1;
	[tilespmem:s0+$0x60] =	vst v5;
	v6 =	vor.u32 v0, v6;
	v5 =	vld [tilespmem:s0+$0xD0]  }
0x47: {  	s1 =	simm.s32 $0x400;
	v7 =	vor.u32 v0, v7;
	v8 =	vshll.u32 v11, $0x1;
	[tilespmem:s0+$0x70] =	vst v6;
	v6 =	vld [tilespmem:s0+$0xE0]  }
.LBB2_4:
0x48: {  	s16 =	sshra.s32 s1, $0x2;
	p0 =	sne.s32 s1, $0x9C00;
	[tilespmem:s0+$0x80] =	vst v7;
	v7 =	vor.u32 v0, v8;
	v3 =	vshll.u32 v3, $0x1;
	v8 =	vld [tilespmem:s0+$0xF0]  }
0x49: {  	v9 =	vld [tilespmem:s16+$0x0];
	[tilespmem:s0+$0x90] =	vst v7;
	v3 =	vor.u32 v0, v3;
	v2 =	vshll.u32 v2, $0x1  }
0x4a: {  	v7 =	vld [tilespmem:s16+$0x10];
	[tilespmem:s0+$0xA0] =	vst v3;
	v2 =	vor.u32 v0, v2;
	v3 =	vshll.u32 v4, $0x1  }
0x4b: {  	v4 =	vld [tilespmem:s16+$0x20];
	[tilespmem:s0+$0xB0] =	vst v2;
	v2 =	vor.u32 v0, v3;
	v3 =	vshll.u32 v5, $0x1  }
0x4c: {  	v5 =	vld [tilespmem:s16+$0x30];
	[tilespmem:s0+$0xC0] =	vst v2;
	v2 =	vor.u32 v0, v3;
	v3 =	vshll.u32 v6, $0x1  }
0x4d: {  	v6 =	vld [tilespmem:s16+$0x40];
	[tilespmem:s0+$0xD0] =	vst v2;
	v2 =	vor.u32 v0, v3;
	v3 =	vshll.u32 v8, $0x1  }
0x4e: {  	v8 =	vshll.u32 v9, $0x1;
	v9 =	vld [tilespmem:s16+$0x50];
	[tilespmem:s0+$0xE0] =	vst v2;
	v2 =	vor.u32 v0, v3  }
0x4f: {  	v3 =	vor.u32 v0, v8;
	v7 =	vshll.u32 v7, $0x1;
	v8 =	vld [tilespmem:s16+$0x60];
	[tilespmem:s0+$0xF0] =	vst v2;
	s0 =	smov.u32 s16  }
0x50: {  	[tilespmem:s0+$0x0] =	vst v3;
	v2 =	vor.u32 v0, v7;
	v3 =	vshll.u32 v4, $0x1;
	v4 =	vld [tilespmem:s0+$0x70]  }
0x51: {  	[tilespmem:s0+$0x10] =	vst v2;
	v2 =	vor.u32 v0, v3;
	v3 =	vshll.u32 v5, $0x1;
	v5 =	vld [tilespmem:s0+$0x80]  }
0x52: {  	[tilespmem:s0+$0x20] =	vst v2;
	v2 =	vor.u32 v0, v3;
	v3 =	vshll.u32 v6, $0x1;
	v6 =	vld [tilespmem:s0+$0x90]  }
.Ltmp1:
0x53: {  	[tilespmem:s0+$0x30] =	vst v2;
	v2 =	vor.u32 v0, v3;
	v7 =	vshll.u32 v9, $0x1;
	v3 =	vld [tilespmem:s0+$0xA0];
	(pc) =	sbr.rel @p0 .LBB2_4-.Ltmp1, $4  }
0x54: {  	[tilespmem:s0+$0x40] =	vst v2;
	v7 =	vor.u32 v0, v7;
	v8 =	vshll.u32 v8, $0x1;
	v2 =	vld [tilespmem:s0+$0xB0]  }
0x55: {  	[tilespmem:s0+$0x50] =	vst v7;
	v7 =	vor.u32 v0, v8;
	v8 =	vshll.u32 v4, $0x1;
	v4 =	vld [tilespmem:s0+$0xC0]  }
0x56: {  	[tilespmem:s0+$0x60] =	vst v7;
	v7 =	vor.u32 v0, v8;
	v8 =	vshll.u32 v5, $0x1;
	v5 =	vld [tilespmem:s0+$0xD0]  }
0x57: {  	s1 =	sadd.s32 $0x400, s1;
	[tilespmem:s0+$0x70] =	vst v7;
	v7 =	vor.u32 v0, v8;
	v8 =	vshll.u32 v6, $0x1;
	v6 =	vld [tilespmem:s0+$0xE0]  }
0x58: {  	[tilespmem:s0+$0x80] =	vst v7;
	v62 =	vor.u32 v0, v8;
	v3 =	vshll.u32 v3, $0x1;
	v63 =	vld [tilespmem:s0+$0xF0]  }
0x59: {  	[tilespmem:s0+$0x90] =	vst v62;
	v3 =	vor.u32 v0, v3;
	v2 =	vshll.u32 v2, $0x1  }
0x5a: {  	[tilespmem:s0+$0xA0] =	vst v3;
	v2 =	vor.u32 v0, v2;
	v3 =	vshll.u32 v4, $0x1  }
0x5b: {  	[tilespmem:s0+$0xB0] =	vst v2;
	v2 =	vor.u32 v0, v3;
	v3 =	vshll.u32 v5, $0x1  }
0x5c: {  	[tilespmem:s0+$0xC0] =	vst v2;
	v2 =	vor.u32 v0, v3;
	v3 =	vshll.u32 v6, $0x1  }
0x5d: {  	[tilespmem:s0+$0xD0] =	vst v2;
	v2 =	vor.u32 v0, v3;
	v3 =	vshll.u32 v63, $0x1  }
0x5e: {  	[tilespmem:s0+$0xE0] =	vst v2;
	v2 =	vor.u32 v0, v3  }
0x5f: {  	[tilespmem:s0+$0xF0] =	vst v2  }
0x60: {  	s1 =	simm.s32 $0x0;
	[bflag:$0x0] =	sbarrier.arrive $0xFFFF  }
0x61: {  	[tilespmem:s14], [sflag:$0x1] =	stream.indirect.gather [hbm4b:s2+s17], $0x40, s1, s17, $0xb8;
	[tilespmem:$0x1F000] =	vst v63  }
0x62: {  	_ = 	snop  }
0x63: {  	[tilespmem:s18], [sflag:$0x2] =	stream.indirect.gather [hbm4b:s2+s17], $0x40, s17, s17, $0xb8;
	[tilespmem:$0x1F000] =	vst v63  }
0x64: {  	s16 =	simm.s32 $0x200  }
0x65: {  	[tilespmem:s20], [sflag:$0x3] =	stream.indirect.gather [hbm4b:s2+s17], $0x40, s16, s17, $0xb8;
	[tilespmem:$0x1F000] =	vst v63  }
0x66: {  	s1 =	simm.s32 $0x300  }
0x67: {  	[tilespmem:s22], [sflag:$0x4] =	stream.indirect.gather [hbm4b:s2+s17], $0x40, s1, s17, $0xb8;
	[tilespmem:$0x1F000] =	vst v63  }
0x68: {  	_ =	swait.ge [sflag:s23], $0x4000  }
0x69: {  	[sflag:s23] =	ssyncset.done $0x0  }
0x6a: {  	s16 =	simm.s32 $0x2800;
	[sflag:s23] =	ssyncadd.s32 $0xFFFFC000  }
0x6b: {  	[spmem:s3] =	stream.indirect.scatter.add.f32 [tilespmem:s14], [sflag:$0x5], $0x40, s16, s17, $0xb8;
	[tilespmem:$0x1F000] =	vst v63  }
0x6c: {  	_ =	swait.ge [sflag:s24], $0x4000  }
0x6d: {  	[sflag:s24] =	ssyncset.done $0x0  }
0x6e: {  	s1 =	simm.s32 $0x2900;
	[sflag:s24] =	ssyncadd.s32 $0xFFFFC000  }
0x6f: {  	[spmem:s3] =	stream.indirect.scatter.add.f32 [tilespmem:s18], [sflag:$0x6], $0x40, s1, s17, $0xb8;
	[tilespmem:$0x1F000] =	vst v63  }
0x70: {  	_ =	swait.ge [sflag:s25], $0x4000  }
0x71: {  	[sflag:s25] =	ssyncset.done $0x0  }
0x72: {  	s16 =	simm.s32 $0x2A00;
	[sflag:s25] =	ssyncadd.s32 $0xFFFFC000  }
0x73: {  	[spmem:s3] =	stream.indirect.scatter.add.f32 [tilespmem:s20], [sflag:$0x7], $0x40, s16, s17, $0xb8;
	[tilespmem:$0x1F000] =	vst v63  }
0x74: {  	_ =	swait.ge [sflag:s26], $0x4000  }
0x75: {  	[sflag:s26] =	ssyncset.done $0x0  }
0x76: {  	s1 =	simm.s32 $0x2B00;
	[sflag:s26] =	ssyncadd.s32 $0xFFFFC000  }
0x77: {  	[spmem:s3] =	stream.indirect.scatter.add.f32 [tilespmem:s22], [sflag:$0x8], $0x40, s1, s17, $0xb8;
	[tilespmem:$0x1F000] =	vst v63  }
0x78: {  	_ =	swait.ge [sflag:s28], $0x4000  }
0x79: {  	[sflag:s28] =	ssyncset.done $0x0  }
0x7a: {  	s16 =	simm.s32 $0x400;
	[sflag:s28] =	ssyncadd.s32 $0xFFFFC000  }
0x7b: {  	[tilespmem:s14], [sflag:$0x1] =	stream.indirect.gather [hbm4b:s2+s17], $0x40, s16, s17, $0xb8;
	[tilespmem:$0x1F000] =	vst v63  }
0x7c: {  	_ =	swait.ge [sflag:s29], $0x4000  }
0x7d: {  	[sflag:s29] =	ssyncset.done $0x0  }
0x7e: {  	s1 =	simm.s32 $0x500;
	[sflag:s29] =	ssyncadd.s32 $0xFFFFC000  }
0x7f: {  	[tilespmem:s18], [sflag:$0x2] =	stream.indirect.gather [hbm4b:s2+s17], $0x40, s1, s17, $0xb8;
	[tilespmem:$0x1F000] =	vst v63  }
0x80: {  	_ =	swait.ge [sflag:s30], $0x4000  }
0x81: {  	[sflag:s30] =	ssyncset.done $0x0  }
0x82: {  	s16 =	simm.s32 $0x600;
	[sflag:s30] =	ssyncadd.s32 $0xFFFFC000  }
0x83: {  	[tilespmem:s20], [sflag:$0x3] =	stream.indirect.gather [hbm4b:s2+s17], $0x40, s16, s17, $0xb8;
	[tilespmem:$0x1F000] =	vst v63  }
0x84: {  	_ =	swait.ge [sflag:s31], $0x4000  }
0x85: {  	[sflag:s31] =	ssyncset.done $0x0  }
0x86: {  	s0 =	simm.s32 $0x1000;
	s1 =	simm.s32 $0x700;
	[sflag:s31] =	ssyncadd.s32 $0xFFFFC000  }
.LBB2_6:
0x87: {  	[tilespmem:s22], [sflag:$0x4] =	stream.indirect.gather [hbm4b:s2+s17], $0x40, s1, s17, $0xb8;
	[tilespmem:$0x1F000] =	vst v63  }
0x88: {  	s1 =	smov.u32 s0  }
0x89: {  	p0 =	sne.s32 s0, $0x8000;
	s0 =	sadd.s32 $0x1000, s0;
	_ =	swait.ge [sflag:s23], $0x4000  }
0x8a: {  	s1 =	sshra.s32 s1, $0x2;
	[sflag:s23] =	ssyncset.done $0x0  }
0x8b: {  	s16 =	sadd.s32 $0x2800, s1;
	[sflag:s23] =	ssyncadd.s32 $0xFFFFC000  }
0x8c: {  	[spmem:s3] =	stream.indirect.scatter.add.f32 [tilespmem:s14], [sflag:$0x5], $0x40, s16, s17, $0xb8;
	[tilespmem:$0x1F000] =	vst v63  }
0x8d: {  	_ =	swait.ge [sflag:s24], $0x4000  }
0x8e: {  	[sflag:s24] =	ssyncset.done $0x0  }
0x8f: {  	s16 =	sadd.s32 $0x2900, s1;
	[sflag:s24] =	ssyncadd.s32 $0xFFFFC000  }
0x90: {  	[spmem:s3] =	stream.indirect.scatter.add.f32 [tilespmem:s18], [sflag:$0x6], $0x40, s16, s17, $0xb8;
	[tilespmem:$0x1F000] =	vst v63  }
0x91: {  	_ =	swait.ge [sflag:s25], $0x4000  }
0x92: {  	[sflag:s25] =	ssyncset.done $0x0  }
0x93: {  	s16 =	sadd.s32 $0x2A00, s1;
	[sflag:s25] =	ssyncadd.s32 $0xFFFFC000  }
0x94: {  	[spmem:s3] =	stream.indirect.scatter.add.f32 [tilespmem:s20], [sflag:$0x7], $0x40, s16, s17, $0xb8;
	[tilespmem:$0x1F000] =	vst v63  }
0x95: {  	_ =	swait.ge [sflag:s26], $0x4000  }
0x96: {  	[sflag:s26] =	ssyncset.done $0x0  }
0x97: {  	s16 =	sadd.s32 $0x2B00, s1;
	[sflag:s26] =	ssyncadd.s32 $0xFFFFC000  }
0x98: {  	[spmem:s3] =	stream.indirect.scatter.add.f32 [tilespmem:s22], [sflag:$0x8], $0x40, s16, s17, $0xb8;
	[tilespmem:$0x1F000] =	vst v63  }
0x99: {  	_ =	swait.ge [sflag:s28], $0x4000  }
0x9a: {  	[sflag:s28] =	ssyncset.done $0x0  }
0x9b: {  	s16 =	sadd.s32 $0x400, s1;
	[sflag:s28] =	ssyncadd.s32 $0xFFFFC000  }
0x9c: {  	[tilespmem:s14], [sflag:$0x1] =	stream.indirect.gather [hbm4b:s2+s17], $0x40, s16, s17, $0xb8;
	[tilespmem:$0x1F000] =	vst v63  }
0x9d: {  	_ =	swait.ge [sflag:s29], $0x4000  }
0x9e: {  	[sflag:s29] =	ssyncset.done $0x0  }
0x9f: {  	s16 =	sadd.s32 $0x500, s1;
	[sflag:s29] =	ssyncadd.s32 $0xFFFFC000  }
0xa0: {  	[tilespmem:s18], [sflag:$0x2] =	stream.indirect.gather [hbm4b:s2+s17], $0x40, s16, s17, $0xb8;
	[tilespmem:$0x1F000] =	vst v63  }
0xa1: {  	_ =	swait.ge [sflag:s30], $0x4000  }
0xa2: {  	[sflag:s30] =	ssyncset.done $0x0  }
.Ltmp2:
0xa3: {  	s16 =	sadd.s32 $0x600, s1;
	[sflag:s30] =	ssyncadd.s32 $0xFFFFC000;
	(pc) =	sbr.rel @p0 .LBB2_6-.Ltmp2, $4  }
0xa4: {  	[tilespmem:s20], [sflag:$0x3] =	stream.indirect.gather [hbm4b:s2+s17], $0x40, s16, s17, $0xb8;
	[tilespmem:$0x1F000] =	vst v63  }
0xa5: {  	_ =	swait.ge [sflag:s31], $0x4000  }
0xa6: {  	[sflag:s31] =	ssyncset.done $0x0  }
0xa7: {  	s1 =	sadd.s32 $0x700, s1;
	[sflag:s31] =	ssyncadd.s32 $0xFFFFC000  }
0xa8: {  	[tilespmem:s22], [sflag:$0x4] =	stream.indirect.gather [hbm4b:s2+s17], $0x40, s1, s17, $0xb8;
	[tilespmem:$0x1F000] =	vst v63  }
0xa9: {  	_ =	swait.ge [sflag:s23], $0x4000  }
0xaa: {  	[sflag:s23] =	ssyncset.done $0x0  }
0xab: {  	s0 =	simm.s32 $0x4C00;
	[sflag:s23] =	ssyncadd.s32 $0xFFFFC000  }
0xac: {  	[spmem:s3] =	stream.indirect.scatter.add.f32 [tilespmem:s14], [sflag:$0x5], $0x40, s0, s17, $0xb8;
	[tilespmem:$0x1F000] =	vst v63  }
0xad: {  	_ =	swait.ge [sflag:s24], $0x4000  }
0xae: {  	[sflag:s24] =	ssyncset.done $0x0  }
0xaf: {  	s16 =	simm.s32 $0x4D00;
	[sflag:s24] =	ssyncadd.s32 $0xFFFFC000  }
0xb0: {  	[spmem:s3] =	stream.indirect.scatter.add.f32 [tilespmem:s18], [sflag:$0x6], $0x40, s16, s17, $0xb8;
	[tilespmem:$0x1F000] =	vst v63  }
0xb1: {  	_ =	swait.ge [sflag:s25], $0x4000  }
0xb2: {  	[sflag:s25] =	ssyncset.done $0x0  }
0xb3: {  	[sflag:s25] =	ssyncadd.s32 $0xFFFFC000  }
0xb4: {  	[spmem:s3] =	stream.indirect.scatter.add.f32 [tilespmem:s20], [sflag:$0x7], $0x40, s19, s17, $0xb8;
	[tilespmem:$0x1F000] =	vst v63  }
0xb5: {  	_ =	swait.ge [sflag:s26], $0x4000  }
0xb6: {  	[sflag:s26] =	ssyncset.done $0x0  }
0xb7: {  	[sflag:s26] =	ssyncadd.s32 $0xFFFFC000  }
0xb8: {  	[spmem:s3] =	stream.indirect.scatter.add.f32 [tilespmem:s22], [sflag:$0x8], $0x40, s21, s17, $0xb8;
	[tilespmem:$0x1F000] =	vst v63  }
0xb9: {  	_ =	swait.ge [sflag:s28], $0x4000  }
0xba: {  	[sflag:s28] =	ssyncset.done $0x0  }
0xbb: {  	[sflag:s28] =	ssyncadd.s32 $0xFFFFC000  }
0xbc: {  	_ =	swait.ge [sflag:s29], $0x4000  }
0xbd: {  	[sflag:s29] =	ssyncset.done $0x0  }
0xbe: {  	[sflag:s29] =	ssyncadd.s32 $0xFFFFC000  }
0xbf: {  	_ =	swait.ge [sflag:s30], $0x4000  }
0xc0: {  	[sflag:s30] =	ssyncset.done $0x0  }
0xc1: {  	[sflag:s30] =	ssyncadd.s32 $0xFFFFC000  }
0xc2: {  	s1 =	stileid.u32;
	_ =	swait.ge [sflag:s31], $0x4000  }
0xc3: {  	s4 =	sadd.s32 $0x1, s4;
	s0 =	sshll.u32 s1, $0x6;
	[sflag:s31] =	ssyncset.done $0x0  }
0xc4: {  	p0 =	sne.s32 s4, s13;
	s0 =	sor.u32 $0x1C09, s0;
	[sflag:s31] =	ssyncadd.s32 $0xFFFFC000  }
.Ltmp3:
0xc5: {  	s16 =	sshrl.u32 s5, $0x3;
	[bflag:$0x0] =	sbarrier.arrive $0xFFFF;
	(pc) =	sbr.rel @p0 .LBB2_1-.Ltmp3, $4  }
0xc6: {  	[hbm:s12], [sflag:s0] =	dma.local [spmem:s16], $0x1400  }
0xc7: {  	_ =	swait.ge [sflag:s15], $0x1400  }
0xc8: {  	[sflag:s15] =	ssyncset.done $0x0  }
0xc9: {  	[sflag:s15] =	ssyncadd.s32 $0xFFFFEC00  }
0xca: {  	_ =	sfence.sel $0x180000  }
0xcb: {  	[bflag:$0x0] =	sbarrier.arrive $0xFFFF  }
0xcc: {  	_ =	strace $0x90000047  }
0xcd: {  	s0 =	stileid.u32;
	[bflag:$0x2] =	sbarrier.arrive $0xFFFF  }
0xce: {  	p0 =	sne.s32 s0, $0x0;
	s0 =	rddreg [dreg:$0x3]  }
0xcf: {  	s0 =	sadd.s32 @!p0 $0x100000, s0  }
0xd0: {  	[sflag:s0] =	ssyncadd.tile.s32 @!p0 $0x1;
	_ =	shalt  }
.Lfunc_end2:
_tile_overlayer_lowered:
.L_overlay_start_2:
0xd1: {  	(tag) =	ssettag $0x2  }
0xd2: {  	s0 =	rddreg [dreg:$0x0];
	s2 =	stileid.u32  }
0xd3: {  	s1 =	rddreg [dreg:$0x1];
	p0 =	sne.s32 s2, $0x0  }
0xd4: {  	s3 =	rddreg [dreg:$0x2];
	[bflag:$0x3] =	sbarrier.arrive $0xFFFF;
	s2 =	simm.s32 @!p0 $0x1C09  }
0xd5: {  	[timem:s3], [sflag:s2] =	dma.local @!p0 [hbm:s0], s1  }
0xd6: {  	s0 =	simm.s32 @!p0 $0x9  }
0xd7: {  	_ =	swait.ge @!p0 [sflag:s0], s1  }
0xd8: {  	s1 =	ssub.s32 @!p0 $0x0, s1;
	[sflag:s0] =	ssyncset.done @!p0 $0x0  }
0xd9: {  	[sflag:s0] =	ssyncadd.s32 @!p0 s1  }
0xda: {  	[bflag:$0x3] =	sbarrier.arrive $0xFFFF  }
0xdb: {  	_ =	shalt  }

</sc_bundles>
